<compile_context>
chip_gen: v7x
topology: tpu7x:2x2x1
jax: 0.10.2.dev20260603
libtpu: 0.0.44.dev20260713+nightly
codegen_flags: <defaults>
</compile_context>

<pallas_src>
import functools

import jax
import jax.numpy as jnp
from jax import lax
from jax.experimental import pallas as pl
from jax.experimental.pallas import tpu as pltpu
from jax.experimental.pallas import tpu_sc as plsc

N = 50000
E = 800000
ED = 2 * E
NG = 64

NPAD = 50048
TILES = 16
ROWS_PER_TILE = NPAD // TILES
ZCOPIES = ROWS_PER_TILE // 128
ZTAIL = ROWS_PER_TILE - ZCOPIES * 128
CHUNK = 128
EPT = ED // TILES
NCH = -(-EPT // CHUNK)
DEG_NCH = NCH // 2
GCH = 34
NGROUPS = NCH // GCH
PAIRS = GCH // 2
E_PAD = NCH * CHUNK + 7 * EPT
E_PAD4 = E_PAD // 4
EPT4 = EPT // 4

RB = 2000
NBLK = N // RB
EB = 4000
NEBLK = E // EB

_F32 = jnp.float32



def _node_mlp_body(nf, nW1, nb1, nW2, nb2, mW1x, x_out, xh0_out, xh1_out):
    a = jnp.maximum(jnp.dot(nf[...], nW1[...], preferred_element_type=_F32)
                    + nb1[...], 0.0)
    x = jnp.maximum(jnp.dot(a, nW2[...], preferred_element_type=_F32)
                    + nb2[...], 0.0)
    xh = jnp.dot(x, mW1x[...], preferred_element_type=_F32)
    x_out[...] = x
    xh0_out[...] = xh[:, :32]
    xh1_out[...] = xh[:, 32:]


def _node_mlp(nf, nW1, nb1, nW2, nb2, mW1x):
    full = lambda s: pl.BlockSpec(s, lambda i: (0, 0))
    row = lambda c: pl.BlockSpec((RB, c), lambda i: (i, 0))
    return pl.pallas_call(
        _node_mlp_body,
        grid=(NBLK,),
        in_specs=[row(128), full((128, 128)), full((1, 128)),
                  full((128, 64)), full((1, 64)), full((64, 64))],
        out_specs=[row(64), row(32), row(32)],
        out_shape=[jax.ShapeDtypeStruct((N, 64), _F32),
                   jax.ShapeDtypeStruct((N, 32), _F32),
                   jax.ShapeDtypeStruct((N, 32), _F32)],
    )(nf, nW1, nb1, nW2, nb2, mW1x)


def _edge_mlp_body(ef4, eW1, eb1, eW2, eb2, m10, m1b0, m11, m1b1,
                   m20, m2b0, m21, m2b1, o10, o11, o20, o21):
    a = jnp.maximum(jnp.dot(ef4[...], eW1[...], preferred_element_type=_F32)
                    + eb1[...], 0.0)
    ea = jnp.maximum(jnp.dot(a, eW2[...], preferred_element_type=_F32)
                     + eb2[...], 0.0)
    o10[...] = jnp.dot(ea, m10[...], preferred_element_type=_F32) + m1b0[...]
    o11[...] = jnp.dot(ea, m11[...], preferred_element_type=_F32) + m1b1[...]
    o20[...] = jnp.dot(ea, m20[...], preferred_element_type=_F32) + m2b0[...]
    o21[...] = jnp.dot(ea, m21[...], preferred_element_type=_F32) + m2b1[...]


def _edge_mlp(ef4, eW1, eb1, eW2, eb2, m10, m1b0, m11, m1b1,
              m20, m2b0, m21, m2b1):
    full = lambda s: pl.BlockSpec(s, lambda i: (0, 0))
    row = lambda c: pl.BlockSpec((EB // 4, c), lambda i: (i, 0))
    return pl.pallas_call(
        _edge_mlp_body,
        grid=(NEBLK,),
        in_specs=[row(64), full((64, 128)), full((1, 128)),
                  full((128, 64)), full((1, 64)),
                  full((64, 128)), full((1, 128)),
                  full((64, 128)), full((1, 128)),
                  full((64, 128)), full((1, 128)),
                  full((64, 128)), full((1, 128))],
        out_specs=[row(128), row(128), row(128), row(128)],
        out_shape=[jax.ShapeDtypeStruct((E_PAD4, 128), _F32)] * 4,
    )(ef4, eW1, eb1, eW2, eb2, m10, m1b0, m11, m1b1, m20, m2b0, m21, m2b1)


def _make_update_body(with_xh):
    def body(a0, a1, d0, d1, x, mW2, mb2, uWa, uWx, ub, *rest):
        if with_xh:
            (nW1x, xn_out, xh0_out, xh1_out) = rest
        else:
            (xn_out,) = rest
        s = jnp.concatenate([a0[...], a1[...]], axis=1)
        deg = d0[:, :1] + d1[:, :1]
        aggr = jnp.dot(s, mW2[...], preferred_element_type=_F32) + deg * mb2[...]
        xn = jnp.maximum(jnp.dot(aggr, uWa[...], preferred_element_type=_F32)
                         + jnp.dot(x[...], uWx[...], preferred_element_type=_F32)
                         + ub[...], 0.0)
        xn_out[...] = xn
        if with_xh:
            xh = jnp.dot(xn, nW1x[...], preferred_element_type=_F32)
            xh0_out[...] = xh[:, :32]
            xh1_out[...] = xh[:, 32:]
    return body


def _update(a0, a1, d0, d1, x, mW2, mb2, uWa, uWx, ub, nW1x=None):
    with_xh = nW1x is not None
    full = lambda s: pl.BlockSpec(s, lambda i: (0, 0))
    row = lambda c: pl.BlockSpec((RB, c), lambda i: (i, 0))
    in_specs = [row(32), row(32), row(16), row(16), row(64),
                full((64, 64)), full((1, 64)), full((64, 64)),
                full((64, 64)), full((1, 64))]
    args = [a0, a1, d0, d1, x, mW2, mb2, uWa, uWx, ub]
    out_specs = [row(64)]
    out_shape = [jax.ShapeDtypeStruct((N, 64), _F32)]
    if with_xh:
        in_specs.append(full((64, 64)))
        args.append(nW1x)
        out_specs += [row(32), row(32)]
        out_shape += [jax.ShapeDtypeStruct((N, 32), _F32)] * 2
    res = pl.pallas_call(
        _make_update_body(with_xh),
        grid=(NBLK,),
        in_specs=in_specs,
        out_specs=out_specs,
        out_shape=out_shape,
    )(*args)
    return res if with_xh else res[0]


def _readout_body(x, b, gateW, gateb, outW, outb, out, gmax_s, num_s):
    ph = pl.program_id(0)
    i = pl.program_id(1)

    @pl.when((ph == 0) & (i == 0))
    def _init():
        gmax_s[...] = jnp.full((1, NG), -1e30, _F32)
        num_s[...] = jnp.zeros((NG, 72), _F32)

    bcol = b[0]
    seg = lax.broadcasted_iota(jnp.int32, (1, NG), 1)
    mask = bcol == seg
    gate = jnp.dot(x[...], gateW[...], preferred_element_type=_F32) + gateb[...]

    @pl.when(ph == 0)
    def _maxpass():
        contrib = jnp.where(mask, gate, -1e30)
        gmax_s[...] = jnp.maximum(gmax_s[...],
                                  jnp.max(contrib, axis=0, keepdims=True))

    @pl.when(ph == 1)
    def _sumpass():
        gm = gmax_s[...]
        gm = jnp.where(gm > -1e29, gm, 0.0)
        gsel = jnp.sum(jnp.where(mask, gm, 0.0), axis=1, keepdims=True)
        e = jnp.exp(gate - gsel)
        em = jnp.where(mask, e, 0.0)
        xext = jnp.concatenate([x[...], jnp.ones((RB, 8), _F32)], axis=1)
        num_s[...] += lax.dot_general(em, xext,
                                      (((0,), (0,)), ((), ())),
                                      preferred_element_type=_F32)

    @pl.when((ph == 2) & (i == 0))
    def _finish():
        nv = num_s[...]
        den = nv[:, 64:65]
        ro = nv[:, :64] / (den + 1e-16)
        out[...] = jnp.dot(ro, outW[...], preferred_element_type=_F32) + outb[...]


def _readout(x, batch3, gateW, gateb, outW, outb):
    full = lambda s: pl.BlockSpec(s, lambda ph, i: (0, 0))
    return pl.pallas_call(
        _readout_body,
        grid=(3, NBLK),
        in_specs=[pl.BlockSpec((RB, 64), lambda ph, i: (i, 0)),
                  pl.BlockSpec((1, RB, 1), lambda ph, i: (i, 0, 0)),
                  full((64, 1)), full((1, 1)), full((64, 32)), full((1, 32))],
        out_specs=pl.BlockSpec((NG, 32), lambda ph, i: (0, 0)),
        out_shape=jax.ShapeDtypeStruct((NG, 32), _F32),
        scratch_shapes=[pltpu.VMEM((1, NG), _F32), pltpu.VMEM((NG, 72), _F32)],
    )(x, batch3, gateW, gateb, outW, outb)



_MESH = plsc.VectorSubcoreMesh(core_axis_name="c", subcore_axis_name="s",
                               num_cores=2, num_subcores=16)


def _edge_pass_body(xh0, xh1, eh0, eh1, sidx, didx, out0, out1,
                    sG, dG, xrA, erA, xrB, erB, aggr, gsemA, gsemB):
    cid = lax.axis_index("c")
    sid = lax.axis_index("s")
    base = sid * ROWS_PER_TILE
    ebase4 = lax.rem(sid, 8) * EPT4

    def zrow(i, _):
        xrA[i, pl.ds(0, 16)] = jnp.zeros((16,), _F32)
        xrA[i, pl.ds(16, 16)] = jnp.zeros((16,), _F32)
        return _
    lax.fori_loop(0, CHUNK, zrow, None)

    def zcp(c, _):
        pltpu.sync_copy(xrA, aggr.at[pl.ds(base + c * CHUNK, CHUNK)])
        return _
    lax.fori_loop(0, ZCOPIES, zcp, None)
    pltpu.sync_copy(xrA.at[pl.ds(0, ZTAIL)],
                    aggr.at[pl.ds(base + ZCOPIES * CHUNK, ZTAIL)])
    plsc.subcore_barrier()

    def issue(curS, cloc, cglob, xr, er, sem):
        srow = curS.at[cloc]
        eh_rows = pl.ds(ebase4 + cglob * 32, 32)

        @pl.when(cid == 0)
        def _g0():
            pltpu.async_copy(xh0.at[srow], xr, sem)
            pltpu.async_copy(eh0.at[eh_rows], er, sem)

        @pl.when(cid == 1)
        def _g1():
            pltpu.async_copy(xh1.at[srow], xr, sem)
            pltpu.async_copy(eh1.at[eh_rows], er, sem)

    def drain(xr, er, sem):
        pltpu.make_async_copy(xh0.at[pl.ds(0, CHUNK)], xr, sem).wait()
        pltpu.make_async_copy(eh0.at[pl.ds(0, 32)], er, sem).wait()

    def compute(xr, er):
        @plsc.parallel_loop(0, 32, step=1, unroll=4)
        def rows(r):
            for sub in range(4):
                for h in range(2):
                    xs = pl.ds(16 * h, 16)
                    es = pl.ds(32 * sub + 16 * h, 16)
                    xr[4 * r + sub, xs] = jnp.maximum(
                        xr[4 * r + sub, xs] + er[r, es], 0.0)

    def outer(g, _):
        gbase = g * GCH
        pltpu.sync_copy(sidx.at[sid, pl.ds(gbase, GCH)], sG)
        pltpu.sync_copy(didx.at[sid, pl.ds(gbase, GCH)], dG)
        issue(sG, 0, gbase, xrA, erA, gsemA)

        def pair(i, _):
            c0 = 2 * i
            issue(sG, c0 + 1, gbase + c0 + 1, xrB, erB, gsemB)
            drain(xrA, erA, gsemA)
            compute(xrA, erA)
            pltpu.sync_copy(xrA, aggr.at[dG.at[c0]], add=True)

            @pl.when(i < PAIRS - 1)
            def _next_even():
                issue(sG, c0 + 2, gbase + c0 + 2, xrA, erA, gsemA)

            drain(xrB, erB, gsemB)
            compute(xrB, erB)
            pltpu.sync_copy(xrB, aggr.at[dG.at[c0 + 1]], add=True)
            return _
        lax.fori_loop(0, PAIRS, pair, None)
        return _
    lax.fori_loop(0, NGROUPS, outer, None)
    plsc.subcore_barrier()

    @pl.when(cid == 0)
    def _w0():
        pltpu.sync_copy(aggr.at[pl.ds(base, ROWS_PER_TILE)],
                        out0.at[pl.ds(base, ROWS_PER_TILE)])

    @pl.when(cid == 1)
    def _w1():
        pltpu.sync_copy(aggr.at[pl.ds(base, ROWS_PER_TILE)],
                        out1.at[pl.ds(base, ROWS_PER_TILE)])


_edge_pass = pl.kernel(
    _edge_pass_body,
    out_type=[jax.ShapeDtypeStruct((NPAD, 32), _F32)] * 2,
    mesh=_MESH,
    compiler_params=pltpu.CompilerParams(use_tc_tiling_on_sc=False),
    scratch_types=[
        pltpu.VMEM((GCH, CHUNK), jnp.int32),
        pltpu.VMEM((GCH, CHUNK), jnp.int32),
        pltpu.VMEM((CHUNK, 32), _F32),
        pltpu.VMEM((32, 128), _F32),
        pltpu.VMEM((CHUNK, 32), _F32),
        pltpu.VMEM((32, 128), _F32),
        pltpu.VMEM_SHARED((NPAD, 32), _F32),
        pltpu.SemaphoreType.DMA,
        pltpu.SemaphoreType.DMA,
    ],
)


def _deg_body(didx, out0, out1, dbuf, ones, zbuf, degs, dsem):
    cid = lax.axis_index("c")
    sid = lax.axis_index("s")
    base = sid * ROWS_PER_TILE

    def fill(i, _):
        ones[i, pl.ds(0, 16)] = jnp.ones((16,), _F32)
        zbuf[i, pl.ds(0, 16)] = jnp.zeros((16,), _F32)
        return _
    lax.fori_loop(0, CHUNK, fill, None)

    def zcp(c, _):
        pltpu.sync_copy(zbuf, degs.at[pl.ds(base + c * CHUNK, CHUNK)])
        return _
    lax.fori_loop(0, ZCOPIES, zcp, None)
    plsc.subcore_barrier()

    def group(g, _):
        pltpu.sync_copy(didx.at[sid, pl.ds(cid * DEG_NCH + g * 17, 17)], dbuf)

        def fire(c, _):
            pltpu.async_copy(ones, degs.at[dbuf.at[c]], dsem, add=True)
            return _
        lax.fori_loop(0, 17, fire, None)

        def dr(c, _):
            pltpu.make_async_copy(out0.at[pl.ds(0, CHUNK)], ones, dsem).wait()
            return _
        lax.fori_loop(0, 17, dr, None)
        return _
    lax.fori_loop(0, DEG_NCH // 17, group, None)
    plsc.subcore_barrier()

    @pl.when(cid == 0)
    def _w0():
        pltpu.sync_copy(degs.at[pl.ds(base, ROWS_PER_TILE)],
                        out0.at[pl.ds(base, ROWS_PER_TILE)])

    @pl.when(cid == 1)
    def _w1():
        pltpu.sync_copy(degs.at[pl.ds(base, ROWS_PER_TILE)],
                        out1.at[pl.ds(base, ROWS_PER_TILE)])


_deg = pl.kernel(
    _deg_body,
    out_type=[jax.ShapeDtypeStruct((NPAD, 16), _F32)] * 2,
    mesh=_MESH,
    compiler_params=pltpu.CompilerParams(use_tc_tiling_on_sc=False),
    scratch_types=[
        pltpu.VMEM((17, CHUNK), jnp.int32),
        pltpu.VMEM((CHUNK, 16), _F32),
        pltpu.VMEM((CHUNK, 16), _F32),
        pltpu.VMEM_SHARED((NPAD, 16), _F32),
        pltpu.SemaphoreType.DMA,
    ],
)



def _tile_pack(a, pad_val):
    a = a.reshape(TILES, EPT)
    a = jnp.pad(a, ((0, 0), (0, NCH * CHUNK - EPT)), constant_values=pad_val)
    return a.reshape(TILES, NCH, CHUNK)


def kernel(node_features, edge_index, edge_features, batch, params):
    p = params
    r1 = lambda v: v.reshape(1, -1)

    x, xh0, xh1 = _node_mlp(node_features, p['nW1'], r1(p['nb1']),
                            p['nW2'], r1(p['nb2']), p['g1mW1'][:64])

    eye4 = jnp.eye(4, dtype=_F32)
    bd = lambda w: jnp.kron(eye4, w)
    t4 = lambda b: r1(jnp.tile(b, 4))
    m1e, m2e = p['g1mW1'][64:], p['g2mW1'][64:]
    eh10, eh11, eh20, eh21 = _edge_mlp(
        edge_features.reshape(E // 4, 64),
        bd(p['eW1']), t4(p['eb1']), bd(p['eW2']), t4(p['eb2']),
        bd(m1e[:, :32]), t4(p['g1mb1'][:32]), bd(m1e[:, 32:]), t4(p['g1mb1'][32:]),
        bd(m2e[:, :32]), t4(p['g2mb1'][:32]), bd(m2e[:, 32:]), t4(p['g2mb1'][32:]))

    srcd = jnp.concatenate([edge_index[0], edge_index[1]])
    dstd = jnp.concatenate([edge_index[1], edge_index[0]])
    sidx = _tile_pack(srcd, 0)
    didx = _tile_pack(dstd, N)

    deg0, deg1 = _deg(didx)

    a0, a1 = _edge_pass(xh0, xh1, eh10, eh11, sidx, didx)
    x, xh0, xh1 = _update(a0, a1, deg0, deg1, x, p['g1mW2'], r1(p['g1mb2']),
                          p['g1uW'][:64], p['g1uW'][64:], r1(p['g1ub']),
                          nW1x=p['g2mW1'][:64])

    a0, a1 = _edge_pass(xh0, xh1, eh20, eh21, sidx, didx)
    x = _update(a0, a1, deg0, deg1, x, p['g2mW2'], r1(p['g2mb2']),
                p['g2uW'][:64], p['g2uW'][64:], r1(p['g2ub']))

    batch3 = batch.reshape(NBLK, RB, 1)
    return _readout(x, batch3, p['gateW'], r1(p['gateb']),
                    p['outW'], r1(p['outb']))

# --- scband reference (transcript-rebuilt; emitter-appended) ---
"""Pipeline reference for scband-gnn-996432413617 (READ-ONLY COPY).

The authoritative reference and input builder live on the scoring server;
editing this copy changes nothing except your own understanding.
"""

import jax, jax.numpy as jnp
import numpy as np

N = 50000
E = 800000
NODE_DIM = 128
EDGE_DIM = 16
HN = 128
ON = 64
HE = 32
OE = 16
H1 = 64
H2 = 64
OUT = 32
NG = 64


def setup_inputs(seed: int = 0):
    key = jax.random.key(seed)
    ks = jax.random.split(key, 32)

    def w(k, shape):
        return jax.random.normal(k, shape, dtype=jnp.float32) * 0.05

    node_features = jax.random.normal(ks[0], (N, NODE_DIM), dtype=jnp.float32)
    edge_index = jax.random.randint(ks[1], (2, E), 0, N, dtype=jnp.int32)
    edge_features = jax.random.normal(ks[2], (E, EDGE_DIM), dtype=jnp.float32)
    batch = jnp.sort(jax.random.randint(ks[3], (N,), 0, NG, dtype=jnp.int32))
    params = {
        'nW1': w(ks[4], (NODE_DIM, HN)), 'nb1': jnp.zeros((HN,), jnp.float32),
        'nW2': w(ks[5], (HN, ON)), 'nb2': jnp.zeros((ON,), jnp.float32),
        'eW1': w(ks[6], (EDGE_DIM, HE)), 'eb1': jnp.zeros((HE,), jnp.float32),
        'eW2': w(ks[7], (HE, OE)), 'eb2': jnp.zeros((OE,), jnp.float32),
        'g1mW1': w(ks[8], (ON + OE, H1)), 'g1mb1': jnp.zeros((H1,), jnp.float32),
        'g1mW2': w(ks[9], (H1, H1)), 'g1mb2': jnp.zeros((H1,), jnp.float32),
        'g1uW': w(ks[10], (H1 + ON, H1)), 'g1ub': jnp.zeros((H1,), jnp.float32),
        'g2mW1': w(ks[11], (H1 + OE, H2)), 'g2mb1': jnp.zeros((H2,), jnp.float32),
        'g2mW2': w(ks[12], (H2, H2)), 'g2mb2': jnp.zeros((H2,), jnp.float32),
        'g2uW': w(ks[13], (H2 + H1, H2)), 'g2ub': jnp.zeros((H2,), jnp.float32),
        'gateW': w(ks[14], (H2, 1)), 'gateb': jnp.zeros((1,), jnp.float32),
        'outW': w(ks[15], (H2, OUT)), 'outb': jnp.zeros((OUT,), jnp.float32),
    }
    return {'node_features': node_features, 'edge_index': edge_index,
            'edge_features': edge_features, 'batch': batch, 'params': params}


def _forward(nf, ef, p, edge_index, batch):
    # node feature combiner (FCNN): relu(Linear) -> relu(Linear)
    x = jax.nn.relu(nf @ p['nW1'] + p['nb1'])
    x = jax.nn.relu(x @ p['nW2'] + p['nb2'])
    # edge feature combiner; squeeze(-1) is a no-op since OE != 1
    ea = jax.nn.relu(ef @ p['eW1'] + p['eb1'])
    ea = jax.nn.relu(ea @ p['eW2'] + p['eb2'])
    # make_undirected
    ei = jnp.concatenate([edge_index, edge_index[::-1]], axis=1)
    ea = jnp.concatenate([ea, ea], axis=0)
    src = ei[0]
    dst = ei[1]

    def layer(x, mW1, mb1, mW2, mb2, uW, ub):
        m = jnp.concatenate([x[src], ea], axis=-1)
        m = jax.nn.relu(m @ mW1 + mb1)
        m = m @ mW2 + mb2
        aggr = jax.ops.segment_sum(m, dst, num_segments=N)
        return jax.nn.relu(jnp.concatenate([aggr, x], axis=-1) @ uW + ub)

    x = layer(x, p['g1mW1'], p['g1mb1'], p['g1mW2'], p['g1mb2'], p['g1uW'], p['g1ub'])
    x = jax.nn.relu(x)
    x = layer(x, p['g2mW1'], p['g2mb1'], p['g2mW2'], p['g2mb2'], p['g2uW'], p['g2ub'])
    x = jax.nn.relu(x)
    # GlobalAttention readout: segment softmax over gate_nn(x)
    gate = x @ p['gateW'] + p['gateb']
    gmax = jax.ops.segment_max(gate, batch, num_segments=NG)
    gmax = jnp.where(jnp.isfinite(gmax), gmax, 0.0)
    e = jnp.exp(gate - gmax[batch])
    denom = jax.ops.segment_sum(e, batch, num_segments=NG)
    alpha = e / (denom[batch] + 1e-16)
    readout = jax.ops.segment_sum(alpha * x, batch, num_segments=NG)
    return readout @ p['outW'] + p['outb']


def reference(node_features, edge_index, edge_features, batch, params):
    return _forward(node_features, edge_features, params, edge_index, batch)

if __name__ == "__main__":
    import jax
    _d = setup_inputs()
    print(jax.jit(kernel)(*tuple(_d.values())))

</pallas_src>

<mosaic_0001>
#map = affine_map<(d0, d1) -> (0, 0)>
#map1 = affine_map<(d0, d1) -> (0, 0, 0)>
module attributes {stable_mosaic.version = 14 : i64} {
  func.func @_edge_pass_body(%arg0: i32, %arg1: i32, %arg2: memref<50000x32xf32, #tpu.memory_space<hbm>>, %arg3: memref<50000x32xf32, #tpu.memory_space<hbm>>, %arg4: memref<200024x128xf32, #tpu.memory_space<hbm>>, %arg5: memref<200024x128xf32, #tpu.memory_space<hbm>>, %arg6: memref<16x782x128xi32, #tpu.memory_space<hbm>>, %arg7: memref<16x782x128xi32, #tpu.memory_space<hbm>>, %arg8: memref<50048x32xf32, #tpu.memory_space<hbm>>, %arg9: memref<50048x32xf32, #tpu.memory_space<hbm>>, %arg10: memref<34x128xi32, #tpu.memory_space<vmem>>, %arg11: memref<34x128xi32, #tpu.memory_space<vmem>>, %arg12: memref<128x32xf32, #tpu.memory_space<vmem>>, %arg13: memref<32x128xf32, #tpu.memory_space<vmem>>, %arg14: memref<128x32xf32, #tpu.memory_space<vmem>>, %arg15: memref<32x128xf32, #tpu.memory_space<vmem>>, %arg16: memref<50048x32xf32, #tpu.memory_space<vmem_shared>>, %arg17: memref<!tpu.dma_semaphore, #tpu.memory_space<semaphore_mem>>, %arg18: memref<!tpu.dma_semaphore, #tpu.memory_space<semaphore_mem>>) attributes {dimension_semantics = [#tpu.dimension_semantics<core_parallel>, #tpu.dimension_semantics<subcore_parallel>], iteration_bounds = array<i64: 2, 16>, scalar_prefetch = 0 : i64, scratch_operands = 9 : i64, tpu.core_type = #tpu.core_type<sc_vector_subcore>, window_params = [{transform_indices = #map}, {transform_indices = #map}, {transform_indices = #map}, {transform_indices = #map}, {transform_indices = #map1}, {transform_indices = #map1}, {transform_indices = #map}, {transform_indices = #map}]} {
    %mul3A = arith.constant 3128 : i32
    %mul3A_0 = arith.muli %arg1, %mul3A : i32
    %rem3A = arith.constant 8 : i32
    %rem3A_1 = arith.remsi %arg1, %rem3A : i32
    %mul3A_2 = arith.constant 25000 : i32
    %mul3A_3 = arith.muli %rem3A_1, %mul3A_2 : i32
    %scan3A = arith.constant 0 : i32
    %scan3A_4 = arith.constant 128 : i32
    %scan3A_5 = arith.addi %scan3A, %scan3A_4 : i32
    %scan3A_6 = arith.constant 1 : i32
    scf.for %scan3A_27 = %scan3A to %scan3A_5 step %scan3A_6  : i32 {
      %broadcast_in_dim3A = arith.constant 0.000000e+00 : f32
      %broadcast_in_dim3A_28 = vector.broadcast %broadcast_in_dim3A : f32 to vector<16xf32>
      %swap3A = arith.index_cast %scan3A_27 : i32 to index
      %swap3A_29 = arith.constant 0 : index
      %swap3A_30 = tpu.vector_load %arg12[%swap3A, %swap3A_29] {strides = array<i32>} : memref<128x32xf32, #tpu.memory_space<vmem>>, vector<1x16xf32>,
      %swap3A_31 = vector.shape_cast %swap3A_30 : vector<1x16xf32> to vector<16xf32>
      %swap3A_32 = vector.shape_cast %broadcast_in_dim3A_28 : vector<16xf32> to vector<1x16xf32>
      tpu.vector_store %arg12[%swap3A, %swap3A_29], %swap3A_32 {strides = array<i32>} : memref<128x32xf32, #tpu.memory_space<vmem>>, vector<1x16xf32>,
      %broadcast_in_dim3A_33 = arith.constant 0.000000e+00 : f32
      %broadcast_in_dim3A_34 = vector.broadcast %broadcast_in_dim3A_33 : f32 to vector<16xf32>
      %swap3A_35 = arith.index_cast %scan3A_27 : i32 to index
      %swap3A_36 = arith.constant 16 : index
      %swap3A_37 = tpu.vector_load %arg12[%swap3A_35, %swap3A_36] {strides = array<i32>} : memref<128x32xf32, #tpu.memory_space<vmem>>, vector<1x16xf32>,
      %swap3A_38 = vector.shape_cast %swap3A_37 : vector<1x16xf32> to vector<16xf32>
      %swap3A_39 = vector.shape_cast %broadcast_in_dim3A_34 : vector<16xf32> to vector<1x16xf32>
      tpu.vector_store %arg12[%swap3A_35, %swap3A_36], %swap3A_39 {strides = array<i32>} : memref<128x32xf32, #tpu.memory_space<vmem>>, vector<1x16xf32>,
    }
    %scan3A_7 = arith.constant 128 : i32
    %scan3A_8 = arith.constant 0 : i32
    %scan3A_9 = arith.constant 24 : i32
    %scan3A_10 = arith.addi %scan3A_8, %scan3A_9 : i32
    %scan3A_11 = arith.constant 1 : i32
    scf.for %scan3A_27 = %scan3A_8 to %scan3A_10 step %scan3A_11  : i32 {
      %mul3A_28 = arith.constant 128 : i32
      %mul3A_29 = arith.muli %scan3A_27, %mul3A_28 : i32
      %add3A_30 = arith.addi %mul3A_0, %mul3A_29 : i32
      "tpu.region"() ({
        %run_scoped3A = tpu.sem_alloc : memref<!tpu.dma_semaphore, #tpu.memory_space<semaphore_mem>>
        %dma_start3A = arith.constant 0 : i32
        %dma_start3A_31 = tpu.memref_slice %arg16[%add3A_30, %dma_start3A] : memref<50048x32xf32, #tpu.memory_space<vmem_shared>> -> memref<128x32xf32, #tpu.memory_space<vmem_shared>>
        %dma_start3A_32 = arith.constant 0 : i32
        %dma_start3A_33 = tpu.memref_slice %arg16[%add3A_30, %dma_start3A_32] : memref<50048x32xf32, #tpu.memory_space<vmem_shared>> -> memref<128x32xf32, #tpu.memory_space<vmem_shared>>
        tpu.enqueue_dma source(%arg12 : memref<128x32xf32, #tpu.memory_space<vmem>>) target(%dma_start3A_33 : memref<128x32xf32, #tpu.memory_space<vmem_shared>>) target_semaphore(%run_scoped3A : memref<!tpu.dma_semaphore, #tpu.memory_space<semaphore_mem>>)
        %dma_wait3A = arith.constant 0 : i32
        %dma_wait3A_34 = tpu.memref_slice %arg16[%add3A_30, %dma_wait3A] : memref<50048x32xf32, #tpu.memory_space<vmem_shared>> -> memref<128x32xf32, #tpu.memory_space<vmem_shared>>
        %dma_wait3A_35 = arith.constant 0 : i32
        %dma_wait3A_36 = tpu.memref_slice %arg16[%add3A_30, %dma_wait3A_35] : memref<50048x32xf32, #tpu.memory_space<vmem_shared>> -> memref<128x32xf32, #tpu.memory_space<vmem_shared>>
        tpu.wait_dma2 semaphore(%run_scoped3A : memref<!tpu.dma_semaphore, #tpu.memory_space<semaphore_mem>>) src(%arg12 : memref<128x32xf32, #tpu.memory_space<vmem>>) dst(%dma_wait3A_36 : memref<128x32xf32, #tpu.memory_space<vmem_shared>>)
        tpu.yield
      }) : () -> ()
    }
    %scan3A_12 = arith.constant 24 : i32
    %add3A = arith.constant 3072 : i32
    %add3A_13 = arith.addi %mul3A_0, %add3A : i32
    "tpu.region"() ({
      %run_scoped3A = tpu.sem_alloc : memref<!tpu.dma_semaphore, #tpu.memory_space<semaphore_mem>>
      %dma_start3A = arith.constant 0 : i32
      %dma_start3A_27 = arith.constant 0 : i32
      %dma_start3A_28 = tpu.memref_slice %arg12[%dma_start3A, %dma_start3A_27] : memref<128x32xf32, #tpu.memory_space<vmem>> -> memref<56x32xf32, #tpu.memory_space<vmem>>
      %dma_start3A_29 = arith.constant 0 : i32
      %dma_start3A_30 = tpu.memref_slice %arg16[%add3A_13, %dma_start3A_29] : memref<50048x32xf32, #tpu.memory_space<vmem_shared>> -> memref<56x32xf32, #tpu.memory_space<vmem_shared>>
      %dma_start3A_31 = arith.constant 0 : i32
      %dma_start3A_32 = tpu.memref_slice %arg16[%add3A_13, %dma_start3A_31] : memref<50048x32xf32, #tpu.memory_space<vmem_shared>> -> memref<56x32xf32, #tpu.memory_space<vmem_shared>>
      %dma_start3A_33 = arith.constant 0 : i32
      %dma_start3A_34 = arith.constant 0 : i32
      %dma_start3A_35 = tpu.memref_slice %arg12[%dma_start3A_33, %dma_start3A_34] : memref<128x32xf32, #tpu.memory_space<vmem>> -> memref<56x32xf32, #tpu.memory_space<vmem>>
      tpu.enqueue_dma source(%dma_start3A_35 : memref<56x32xf32, #tpu.memory_space<vmem>>) target(%dma_start3A_32 : memref<56x32xf32, #tpu.memory_space<vmem_shared>>) target_semaphore(%run_scoped3A : memref<!tpu.dma_semaphore, #tpu.memory_space<semaphore_mem>>)
      %dma_wait3A = arith.constant 0 : i32
      %dma_wait3A_36 = arith.constant 0 : i32
      %dma_wait3A_37 = tpu.memref_slice %arg12[%dma_wait3A, %dma_wait3A_36] : memref<128x32xf32, #tpu.memory_space<vmem>> -> memref<56x32xf32, #tpu.memory_space<vmem>>
      %dma_wait3A_38 = arith.constant 0 : i32
      %dma_wait3A_39 = tpu.memref_slice %arg16[%add3A_13, %dma_wait3A_38] : memref<50048x32xf32, #tpu.memory_space<vmem_shared>> -> memref<56x32xf32, #tpu.memory_space<vmem_shared>>
      %dma_wait3A_40 = arith.constant 0 : i32
      %dma_wait3A_41 = tpu.memref_slice %arg16[%add3A_13, %dma_wait3A_40] : memref<50048x32xf32, #tpu.memory_space<vmem_shared>> -> memref<56x32xf32, #tpu.memory_space<vmem_shared>>
      %dma_wait3A_42 = arith.constant 0 : i32
      %dma_wait3A_43 = arith.constant 0 : i32
      %dma_wait3A_44 = tpu.memref_slice %arg12[%dma_wait3A_42, %dma_wait3A_43] : memref<128x32xf32, #tpu.memory_space<vmem>> -> memref<56x32xf32, #tpu.memory_space<vmem>>
      tpu.wait_dma2 semaphore(%run_scoped3A : memref<!tpu.dma_semaphore, #tpu.memory_space<semaphore_mem>>) src(%dma_wait3A_44 : memref<56x32xf32, #tpu.memory_space<vmem>>) dst(%dma_wait3A_41 : memref<56x32xf32, #tpu.memory_space<vmem_shared>>)
      tpu.yield
    }) : () -> ()
    %barrier3A = arith.constant 0 : index
    tpu.barrier barrier_id(%barrier3A)
    %scan3A_14 = arith.constant 0 : i32
    %scan3A_15 = arith.constant 23 : i32
    %scan3A_16 = arith.addi %scan3A_14, %scan3A_15 : i32
    %scan3A_17 = arith.constant 1 : i32
    scf.for %scan3A_27 = %scan3A_14 to %scan3A_16 step %scan3A_17  : i32 {
      %mul3A_28 = arith.constant 34 : i32
      %mul3A_29 = arith.muli %scan3A_27, %mul3A_28 : i32
      "tpu.region"() ({
        %run_scoped3A = tpu.sem_alloc : memref<!tpu.dma_semaphore, #tpu.memory_space<semaphore_mem>>
        %dma_start3A = arith.constant 0 : i32
        %dma_start3A_50 = tpu.memref_slice %arg6[%arg1, %mul3A_29, %dma_start3A] : memref<16x782x128xi32, #tpu.memory_space<hbm>> -> memref<1x34x128xi32, #tpu.memory_space<hbm>>
        %dma_start3A_51 = tpu.memref_squeeze %dma_start3A_50 : memref<1x34x128xi32, #tpu.memory_space<hbm>> -> memref<34x128xi32, #tpu.memory_space<hbm>>
        %dma_start3A_52 = arith.constant 0 : i32
        %dma_start3A_53 = tpu.memref_slice %arg6[%arg1, %mul3A_29, %dma_start3A_52] : memref<16x782x128xi32, #tpu.memory_space<hbm>> -> memref<1x34x128xi32, #tpu.memory_space<hbm>>
        %dma_start3A_54 = tpu.memref_squeeze %dma_start3A_53 : memref<1x34x128xi32, #tpu.memory_space<hbm>> -> memref<34x128xi32, #tpu.memory_space<hbm>>
        tpu.enqueue_dma source(%dma_start3A_54 : memref<34x128xi32, #tpu.memory_space<hbm>>) target(%arg10 : memref<34x128xi32, #tpu.memory_space<vmem>>) target_semaphore(%run_scoped3A : memref<!tpu.dma_semaphore, #tpu.memory_space<semaphore_mem>>)
        %dma_wait3A = arith.constant 0 : i32
        %dma_wait3A_55 = tpu.memref_slice %arg6[%arg1, %mul3A_29, %dma_wait3A] : memref<16x782x128xi32, #tpu.memory_space<hbm>> -> memref<1x34x128xi32, #tpu.memory_space<hbm>>
        %dma_wait3A_56 = tpu.memref_squeeze %dma_wait3A_55 : memref<1x34x128xi32, #tpu.memory_space<hbm>> -> memref<34x128xi32, #tpu.memory_space<hbm>>
        %dma_wait3A_57 = arith.constant 0 : i32
        %dma_wait3A_58 = tpu.memref_slice %arg6[%arg1, %mul3A_29, %dma_wait3A_57] : memref<16x782x128xi32, #tpu.memory_space<hbm>> -> memref<1x34x128xi32, #tpu.memory_space<hbm>>
        %dma_wait3A_59 = tpu.memref_squeeze %dma_wait3A_58 : memref<1x34x128xi32, #tpu.memory_space<hbm>> -> memref<34x128xi32, #tpu.memory_space<hbm>>
        tpu.wait_dma2 semaphore(%run_scoped3A : memref<!tpu.dma_semaphore, #tpu.memory_space<semaphore_mem>>) src(%dma_wait3A_59 : memref<34x128xi32, #tpu.memory_space<hbm>>) dst(%arg10 : memref<34x128xi32, #tpu.memory_space<vmem>>)
        tpu.yield
      }) : () -> ()
      "tpu.region"() ({
        %run_scoped3A = tpu.sem_alloc : memref<!tpu.dma_semaphore, #tpu.memory_space<semaphore_mem>>
        %dma_start3A = arith.constant 0 : i32
        %dma_start3A_50 = tpu.memref_slice %arg7[%arg1, %mul3A_29, %dma_start3A] : memref<16x782x128xi32, #tpu.memory_space<hbm>> -> memref<1x34x128xi32, #tpu.memory_space<hbm>>
        %dma_start3A_51 = tpu.memref_squeeze %dma_start3A_50 : memref<1x34x128xi32, #tpu.memory_space<hbm>> -> memref<34x128xi32, #tpu.memory_space<hbm>>
        %dma_start3A_52 = arith.constant 0 : i32
        %dma_start3A_53 = tpu.memref_slice %arg7[%arg1, %mul3A_29, %dma_start3A_52] : memref<16x782x128xi32, #tpu.memory_space<hbm>> -> memref<1x34x128xi32, #tpu.memory_space<hbm>>
        %dma_start3A_54 = tpu.memref_squeeze %dma_start3A_53 : memref<1x34x128xi32, #tpu.memory_space<hbm>> -> memref<34x128xi32, #tpu.memory_space<hbm>>
        tpu.enqueue_dma source(%dma_start3A_54 : memref<34x128xi32, #tpu.memory_space<hbm>>) target(%arg11 : memref<34x128xi32, #tpu.memory_space<vmem>>) target_semaphore(%run_scoped3A : memref<!tpu.dma_semaphore, #tpu.memory_space<semaphore_mem>>)
        %dma_wait3A = arith.constant 0 : i32
        %dma_wait3A_55 = tpu.memref_slice %arg7[%arg1, %mul3A_29, %dma_wait3A] : memref<16x782x128xi32, #tpu.memory_space<hbm>> -> memref<1x34x128xi32, #tpu.memory_space<hbm>>
        %dma_wait3A_56 = tpu.memref_squeeze %dma_wait3A_55 : memref<1x34x128xi32, #tpu.memory_space<hbm>> -> memref<34x128xi32, #tpu.memory_space<hbm>>
        %dma_wait3A_57 = arith.constant 0 : i32
        %dma_wait3A_58 = tpu.memref_slice %arg7[%arg1, %mul3A_29, %dma_wait3A_57] : memref<16x782x128xi32, #tpu.memory_space<hbm>> -> memref<1x34x128xi32, #tpu.memory_space<hbm>>
        %dma_wait3A_59 = tpu.memref_squeeze %dma_wait3A_58 : memref<1x34x128xi32, #tpu.memory_space<hbm>> -> memref<34x128xi32, #tpu.memory_space<hbm>>
        tpu.wait_dma2 semaphore(%run_scoped3A : memref<!tpu.dma_semaphore, #tpu.memory_space<semaphore_mem>>) src(%dma_wait3A_59 : memref<34x128xi32, #tpu.memory_space<hbm>>) dst(%arg11 : memref<34x128xi32, #tpu.memory_space<vmem>>)
        tpu.yield
      }) : () -> ()
      %mul3A_30 = arith.constant 32 : i32
      %mul3A_31 = arith.muli %mul3A_29, %mul3A_30 : i32
      %add3A_32 = arith.addi %mul3A_3, %mul3A_31 : i32
      %eq3A_33 = arith.constant 0 : i32
      %eq3A_34 = arith.cmpi eq, %arg0, %eq3A_33 : i32
      %convert_element_type3A_35 = arith.extui %eq3A_34 : i1 to i32
      %cond3A_36 = arith.constant 0 : i32
      %cond3A_37 = arith.constant 0 : i32
      %cond3A_38 = arith.cmpi ne, %convert_element_type3A_35, %cond3A_37 : i32
      scf.if %cond3A_38 {
        %dma_start3A = arith.constant 0 : i32
        %dma_start3A_50 = tpu.memref_slice %arg10[%cond3A_36, %dma_start3A] : memref<34x128xi32, #tpu.memory_space<vmem>> -> memref<1x128xi32, #tpu.memory_space<vmem>>
        %dma_start3A_51 = tpu.memref_squeeze %dma_start3A_50 : memref<1x128xi32, #tpu.memory_space<vmem>> -> memref<128xi32, #tpu.memory_space<vmem>>
        %dma_start3A_52 = arith.constant 0 : i32
        %dma_start3A_53 = arith.constant 0 : i32
        %dma_start3A_54 = tpu.memref_slice %arg2[%dma_start3A_52, %dma_start3A_53] : memref<50000x32xf32, #tpu.memory_space<hbm>> -> memref<50000x32xf32, #tpu.memory_space<hbm>>
        tpu.enqueue_indirect_dma source(%dma_start3A_54 : memref<50000x32xf32, #tpu.memory_space<hbm>>) target(%arg12 : memref<128x32xf32, #tpu.memory_space<vmem>>) offsets(%dma_start3A_51 : memref<128xi32, #tpu.memory_space<vmem>>) semaphore(%arg17 : memref<!tpu.dma_semaphore, #tpu.memory_space<semaphore_mem>>)
        %dma_start3A_55 = arith.constant 0 : i32
        %dma_start3A_56 = tpu.memref_slice %arg4[%add3A_32, %dma_start3A_55] : memref<200024x128xf32, #tpu.memory_space<hbm>> -> memref<32x128xf32, #tpu.memory_space<hbm>>
        %dma_start3A_57 = arith.constant 0 : i32
        %dma_start3A_58 = tpu.memref_slice %arg4[%add3A_32, %dma_start3A_57] : memref<200024x128xf32, #tpu.memory_space<hbm>> -> memref<32x128xf32, #tpu.memory_space<hbm>>
        tpu.enqueue_dma source(%dma_start3A_58 : memref<32x128xf32, #tpu.memory_space<hbm>>) target(%arg13 : memref<32x128xf32, #tpu.memory_space<vmem>>) target_semaphore(%arg17 : memref<!tpu.dma_semaphore, #tpu.memory_space<semaphore_mem>>)
      } else {
      }
      %eq3A_39 = arith.constant 1 : i32
      %eq3A_40 = arith.cmpi eq, %arg0, %eq3A_39 : i32
      %convert_element_type3A_41 = arith.extui %eq3A_40 : i1 to i32
      %cond3A_42 = arith.constant 0 : i32
      %cond3A_43 = arith.constant 0 : i32
      %cond3A_44 = arith.cmpi ne, %convert_element_type3A_41, %cond3A_43 : i32
      scf.if %cond3A_44 {
        %dma_start3A = arith.constant 0 : i32
        %dma_start3A_50 = tpu.memref_slice %arg10[%cond3A_42, %dma_start3A] : memref<34x128xi32, #tpu.memory_space<vmem>> -> memref<1x128xi32, #tpu.memory_space<vmem>>
        %dma_start3A_51 = tpu.memref_squeeze %dma_start3A_50 : memref<1x128xi32, #tpu.memory_space<vmem>> -> memref<128xi32, #tpu.memory_space<vmem>>
        %dma_start3A_52 = arith.constant 0 : i32
        %dma_start3A_53 = arith.constant 0 : i32
        %dma_start3A_54 = tpu.memref_slice %arg3[%dma_start3A_52, %dma_start3A_53] : memref<50000x32xf32, #tpu.memory_space<hbm>> -> memref<50000x32xf32, #tpu.memory_space<hbm>>
        tpu.enqueue_indirect_dma source(%dma_start3A_54 : memref<50000x32xf32, #tpu.memory_space<hbm>>) target(%arg12 : memref<128x32xf32, #tpu.memory_space<vmem>>) offsets(%dma_start3A_51 : memref<128xi32, #tpu.memory_space<vmem>>) semaphore(%arg17 : memref<!tpu.dma_semaphore, #tpu.memory_space<semaphore_mem>>)
        %dma_start3A_55 = arith.constant 0 : i32
        %dma_start3A_56 = tpu.memref_slice %arg5[%add3A_32, %dma_start3A_55] : memref<200024x128xf32, #tpu.memory_space<hbm>> -> memref<32x128xf32, #tpu.memory_space<hbm>>
        %dma_start3A_57 = arith.constant 0 : i32
        %dma_start3A_58 = tpu.memref_slice %arg5[%add3A_32, %dma_start3A_57] : memref<200024x128xf32, #tpu.memory_space<hbm>> -> memref<32x128xf32, #tpu.memory_space<hbm>>
        tpu.enqueue_dma source(%dma_start3A_58 : memref<32x128xf32, #tpu.memory_space<hbm>>) target(%arg13 : memref<32x128xf32, #tpu.memory_space<vmem>>) target_semaphore(%arg17 : memref<!tpu.dma_semaphore, #tpu.memory_space<semaphore_mem>>)
      } else {
      }
      %scan3A_45 = arith.constant 0 : i32
      %scan3A_46 = arith.constant 17 : i32
      %scan3A_47 = arith.addi %scan3A_45, %scan3A_46 : i32
      %scan3A_48 = arith.constant 1 : i32
      scf.for %scan3A_50 = %scan3A_45 to %scan3A_47 step %scan3A_48  : i32 {
        %mul3A_51 = arith.constant 2 : i32
        %mul3A_52 = arith.muli %mul3A_51, %scan3A_50 : i32
        %add3A_53 = arith.constant 1 : i32
        %add3A_54 = arith.addi %mul3A_52, %add3A_53 : i32
        %add3A_55 = arith.addi %mul3A_29, %mul3A_52 : i32
        %add3A_56 = arith.constant 1 : i32
        %add3A_57 = arith.addi %add3A_55, %add3A_56 : i32
        %mul3A_58 = arith.constant 32 : i32
        %mul3A_59 = arith.muli %add3A_57, %mul3A_58 : i32
        %add3A_60 = arith.addi %mul3A_3, %mul3A_59 : i32
        %eq3A_61 = arith.constant 0 : i32
        %eq3A_62 = arith.cmpi eq, %arg0, %eq3A_61 : i32
        %convert_element_type3A_63 = arith.extui %eq3A_62 : i1 to i32
        %cond3A_64 = arith.constant 0 : i32
        %cond3A_65 = arith.cmpi ne, %convert_element_type3A_63, %cond3A_64 : i32
        scf.if %cond3A_65 {
          %dma_start3A = arith.constant 0 : i32
          %dma_start3A_105 = tpu.memref_slice %arg10[%add3A_54, %dma_start3A] : memref<34x128xi32, #tpu.memory_space<vmem>> -> memref<1x128xi32, #tpu.memory_space<vmem>>
          %dma_start3A_106 = tpu.memref_squeeze %dma_start3A_105 : memref<1x128xi32, #tpu.memory_space<vmem>> -> memref<128xi32, #tpu.memory_space<vmem>>
          %dma_start3A_107 = arith.constant 0 : i32
          %dma_start3A_108 = arith.constant 0 : i32
          %dma_start3A_109 = tpu.memref_slice %arg2[%dma_start3A_107, %dma_start3A_108] : memref<50000x32xf32, #tpu.memory_space<hbm>> -> memref<50000x32xf32, #tpu.memory_space<hbm>>
          tpu.enqueue_indirect_dma source(%dma_start3A_109 : memref<50000x32xf32, #tpu.memory_space<hbm>>) target(%arg14 : memref<128x32xf32, #tpu.memory_space<vmem>>) offsets(%dma_start3A_106 : memref<128xi32, #tpu.memory_space<vmem>>) semaphore(%arg18 : memref<!tpu.dma_semaphore, #tpu.memory_space<semaphore_mem>>)
          %dma_start3A_110 = arith.constant 0 : i32
          %dma_start3A_111 = tpu.memref_slice %arg4[%add3A_60, %dma_start3A_110] : memref<200024x128xf32, #tpu.memory_space<hbm>> -> memref<32x128xf32, #tpu.memory_space<hbm>>
          %dma_start3A_112 = arith.constant 0 : i32
          %dma_start3A_113 = tpu.memref_slice %arg4[%add3A_60, %dma_start3A_112] : memref<200024x128xf32, #tpu.memory_space<hbm>> -> memref<32x128xf32, #tpu.memory_space<hbm>>
          tpu.enqueue_dma source(%dma_start3A_113 : memref<32x128xf32, #tpu.memory_space<hbm>>) target(%arg15 : memref<32x128xf32, #tpu.memory_space<vmem>>) target_semaphore(%arg18 : memref<!tpu.dma_semaphore, #tpu.memory_space<semaphore_mem>>)
        } else {
        }
        %eq3A_66 = arith.constant 1 : i32
        %eq3A_67 = arith.cmpi eq, %arg0, %eq3A_66 : i32
        %convert_element_type3A_68 = arith.extui %eq3A_67 : i1 to i32
        %cond3A_69 = arith.constant 0 : i32
        %cond3A_70 = arith.cmpi ne, %convert_element_type3A_68, %cond3A_69 : i32
        scf.if %cond3A_70 {
          %dma_start3A = arith.constant 0 : i32
          %dma_start3A_105 = tpu.memref_slice %arg10[%add3A_54, %dma_start3A] : memref<34x128xi32, #tpu.memory_space<vmem>> -> memref<1x128xi32, #tpu.memory_space<vmem>>
          %dma_start3A_106 = tpu.memref_squeeze %dma_start3A_105 : memref<1x128xi32, #tpu.memory_space<vmem>> -> memref<128xi32, #tpu.memory_space<vmem>>
          %dma_start3A_107 = arith.constant 0 : i32
          %dma_start3A_108 = arith.constant 0 : i32
          %dma_start3A_109 = tpu.memref_slice %arg3[%dma_start3A_107, %dma_start3A_108] : memref<50000x32xf32, #tpu.memory_space<hbm>> -> memref<50000x32xf32, #tpu.memory_space<hbm>>
          tpu.enqueue_indirect_dma source(%dma_start3A_109 : memref<50000x32xf32, #tpu.memory_space<hbm>>) target(%arg14 : memref<128x32xf32, #tpu.memory_space<vmem>>) offsets(%dma_start3A_106 : memref<128xi32, #tpu.memory_space<vmem>>) semaphore(%arg18 : memref<!tpu.dma_semaphore, #tpu.memory_space<semaphore_mem>>)
          %dma_start3A_110 = arith.constant 0 : i32
          %dma_start3A_111 = tpu.memref_slice %arg5[%add3A_60, %dma_start3A_110] : memref<200024x128xf32, #tpu.memory_space<hbm>> -> memref<32x128xf32, #tpu.memory_space<hbm>>
          %dma_start3A_112 = arith.constant 0 : i32
          %dma_start3A_113 = tpu.memref_slice %arg5[%add3A_60, %dma_start3A_112] : memref<200024x128xf32, #tpu.memory_space<hbm>> -> memref<32x128xf32, #tpu.memory_space<hbm>>
          tpu.enqueue_dma source(%dma_start3A_113 : memref<32x128xf32, #tpu.memory_space<hbm>>) target(%arg15 : memref<32x128xf32, #tpu.memory_space<vmem>>) target_semaphore(%arg18 : memref<!tpu.dma_semaphore, #tpu.memory_space<semaphore_mem>>)
        } else {
        }
        %dma_wait3A = arith.constant 0 : i32
        %dma_wait3A_71 = arith.constant 0 : i32
        %dma_wait3A_72 = tpu.memref_slice %arg2[%dma_wait3A, %dma_wait3A_71] : memref<50000x32xf32, #tpu.memory_space<hbm>> -> memref<128x32xf32, #tpu.memory_space<hbm>>
        %dma_wait3A_73 = arith.constant 0 : i32
        %dma_wait3A_74 = arith.constant 0 : i32
        %dma_wait3A_75 = tpu.memref_slice %arg2[%dma_wait3A_73, %dma_wait3A_74] : memref<50000x32xf32, #tpu.memory_space<hbm>> -> memref<128x32xf32, #tpu.memory_space<hbm>>
        tpu.wait_dma2 semaphore(%arg17 : memref<!tpu.dma_semaphore, #tpu.memory_space<semaphore_mem>>) src(%dma_wait3A_75 : memref<128x32xf32, #tpu.memory_space<hbm>>) dst(%arg12 : memref<128x32xf32, #tpu.memory_space<vmem>>)
        %dma_wait3A_76 = arith.constant 0 : i32
        %dma_wait3A_77 = arith.constant 0 : i32
        %dma_wait3A_78 = tpu.memref_slice %arg4[%dma_wait3A_76, %dma_wait3A_77] : memref<200024x128xf32, #tpu.memory_space<hbm>> -> memref<32x128xf32, #tpu.memory_space<hbm>>
        %dma_wait3A_79 = arith.constant 0 : i32
        %dma_wait3A_80 = arith.constant 0 : i32
        %dma_wait3A_81 = tpu.memref_slice %arg4[%dma_wait3A_79, %dma_wait3A_80] : memref<200024x128xf32, #tpu.memory_space<hbm>> -> memref<32x128xf32, #tpu.memory_space<hbm>>
        tpu.wait_dma2 semaphore(%arg17 : memref<!tpu.dma_semaphore, #tpu.memory_space<semaphore_mem>>) src(%dma_wait3A_81 : memref<32x128xf32, #tpu.memory_space<hbm>>) dst(%arg13 : memref<32x128xf32, #tpu.memory_space<vmem>>)
        %parallel_loop3A = arith.constant 0 : i32
        %parallel_loop3A_82 = arith.constant 32 : i32
        %parallel_loop3A_83 = arith.constant 1 : i32
        scf.for %parallel_loop3A_105 = %parallel_loop3A to %parallel_loop3A_82 step %parallel_loop3A_83  : i32 {
          %parallel_loop3A_106 = arith.constant 4 : i32
          %parallel_loop3A_107 = arith.muli %parallel_loop3A_106, %parallel_loop3A_105 : i32
          %parallel_loop3A_108 = arith.constant 0 : i32
          %parallel_loop3A_109 = arith.addi %parallel_loop3A_107, %parallel_loop3A_108 : i32
          %parallel_loop3A_110 = arith.index_cast %parallel_loop3A_109 : i32 to index
          %parallel_loop3A_111 = arith.constant 0 : index
          %parallel_loop3A_112 = tpu.vector_load %arg12[%parallel_loop3A_110, %parallel_loop3A_111] {strides = array<i32>} : memref<128x32xf32, #tpu.memory_space<vmem>>, vector<1x16xf32>,
          %parallel_loop3A_113 = vector.shape_cast %parallel_loop3A_112 : vector<1x16xf32> to vector<16xf32>
          %parallel_loop3A_114 = arith.index_cast %parallel_loop3A_105 : i32 to index
          %parallel_loop3A_115 = arith.constant 0 : index
          %parallel_loop3A_116 = tpu.vector_load %arg13[%parallel_loop3A_114, %parallel_loop3A_115] {strides = array<i32>} : memref<32x128xf32, #tpu.memory_space<vmem>>, vector<1x16xf32>,
          %parallel_loop3A_117 = vector.shape_cast %parallel_loop3A_116 : vector<1x16xf32> to vector<16xf32>
          %parallel_loop3A_118 = arith.addf %parallel_loop3A_113, %parallel_loop3A_117 : vector<16xf32>
          %parallel_loop3A_119 = arith.constant 0.000000e+00 : f32
          %parallel_loop3A_120 = vector.broadcast %parallel_loop3A_119 : f32 to vector<16xf32>
          %parallel_loop3A_121 = arith.maximumf %parallel_loop3A_118, %parallel_loop3A_120 : vector<16xf32>
          %parallel_loop3A_122 = arith.constant 4 : i32
          %parallel_loop3A_123 = arith.muli %parallel_loop3A_122, %parallel_loop3A_105 : i32
          %parallel_loop3A_124 = arith.constant 0 : i32
          %parallel_loop3A_125 = arith.addi %parallel_loop3A_123, %parallel_loop3A_124 : i32
          %parallel_loop3A_126 = arith.index_cast %parallel_loop3A_125 : i32 to index
          %parallel_loop3A_127 = arith.constant 0 : index
          %parallel_loop3A_128 = tpu.vector_load %arg12[%parallel_loop3A_126, %parallel_loop3A_127] {strides = array<i32>} : memref<128x32xf32, #tpu.memory_space<vmem>>, vector<1x16xf32>,
          %parallel_loop3A_129 = vector.shape_cast %parallel_loop3A_128 : vector<1x16xf32> to vector<16xf32>
          %parallel_loop3A_130 = vector.shape_cast %parallel_loop3A_121 : vector<16xf32> to vector<1x16xf32>
          tpu.vector_store %arg12[%parallel_loop3A_126, %parallel_loop3A_127], %parallel_loop3A_130 {strides = array<i32>} : memref<128x32xf32, #tpu.memory_space<vmem>>, vector<1x16xf32>,
          %parallel_loop3A_131 = arith.constant 4 : i32
          %parallel_loop3A_132 = arith.muli %parallel_loop3A_131, %parallel_loop3A_105 : i32
          %parallel_loop3A_133 = arith.constant 0 : i32
          %parallel_loop3A_134 = arith.addi %parallel_loop3A_132, %parallel_loop3A_133 : i32
          %parallel_loop3A_135 = arith.index_cast %parallel_loop3A_134 : i32 to index
          %parallel_loop3A_136 = arith.constant 16 : index
          %parallel_loop3A_137 = tpu.vector_load %arg12[%parallel_loop3A_135, %parallel_loop3A_136] {strides = array<i32>} : memref<128x32xf32, #tpu.memory_space<vmem>>, vector<1x16xf32>,
          %parallel_loop3A_138 = vector.shape_cast %parallel_loop3A_137 : vector<1x16xf32> to vector<16xf32>
          %parallel_loop3A_139 = arith.index_cast %parallel_loop3A_105 : i32 to index
          %parallel_loop3A_140 = arith.constant 16 : index
          %parallel_loop3A_141 = tpu.vector_load %arg13[%parallel_loop3A_139, %parallel_loop3A_140] {strides = array<i32>} : memref<32x128xf32, #tpu.memory_space<vmem>>, vector<1x16xf32>,
          %parallel_loop3A_142 = vector.shape_cast %parallel_loop3A_141 : vector<1x16xf32> to vector<16xf32>
          %parallel_loop3A_143 = arith.addf %parallel_loop3A_138, %parallel_loop3A_142 : vector<16xf32>
          %parallel_loop3A_144 = arith.constant 0.000000e+00 : f32
          %parallel_loop3A_145 = vector.broadcast %parallel_loop3A_144 : f32 to vector<16xf32>
          %parallel_loop3A_146 = arith.maximumf %parallel_loop3A_143, %parallel_loop3A_145 : vector<16xf32>
          %parallel_loop3A_147 = arith.constant 4 : i32
          %parallel_loop3A_148 = arith.muli %parallel_loop3A_147, %parallel_loop3A_105 : i32
          %parallel_loop3A_149 = arith.constant 0 : i32
          %parallel_loop3A_150 = arith.addi %parallel_loop3A_148, %parallel_loop3A_149 : i32
          %parallel_loop3A_151 = arith.index_cast %parallel_loop3A_150 : i32 to index
          %parallel_loop3A_152 = arith.constant 16 : index
          %parallel_loop3A_153 = tpu.vector_load %arg12[%parallel_loop3A_151, %parallel_loop3A_152] {strides = array<i32>} : memref<128x32xf32, #tpu.memory_space<vmem>>, vector<1x16xf32>,
          %parallel_loop3A_154 = vector.shape_cast %parallel_loop3A_153 : vector<1x16xf32> to vector<16xf32>
          %parallel_loop3A_155 = vector.shape_cast %parallel_loop3A_146 : vector<16xf32> to vector<1x16xf32>
          tpu.vector_store %arg12[%parallel_loop3A_151, %parallel_loop3A_152], %parallel_loop3A_155 {strides = array<i32>} : memref<128x32xf32, #tpu.memory_space<vmem>>, vector<1x16xf32>,
          %parallel_loop3A_156 = arith.constant 4 : i32
          %parallel_loop3A_157 = arith.muli %parallel_loop3A_156, %parallel_loop3A_105 : i32
          %parallel_loop3A_158 = arith.constant 1 : i32
          %parallel_loop3A_159 = arith.addi %parallel_loop3A_157, %parallel_loop3A_158 : i32
          %parallel_loop3A_160 = arith.index_cast %parallel_loop3A_159 : i32 to index
          %parallel_loop3A_161 = arith.constant 0 : index
          %parallel_loop3A_162 = tpu.vector_load %arg12[%parallel_loop3A_160, %parallel_loop3A_161] {strides = array<i32>} : memref<128x32xf32, #tpu.memory_space<vmem>>, vector<1x16xf32>,
          %parallel_loop3A_163 = vector.shape_cast %parallel_loop3A_162 : vector<1x16xf32> to vector<16xf32>
          %parallel_loop3A_164 = arith.index_cast %parallel_loop3A_105 : i32 to index
          %parallel_loop3A_165 = arith.constant 32 : index
          %parallel_loop3A_166 = tpu.vector_load %arg13[%parallel_loop3A_164, %parallel_loop3A_165] {strides = array<i32>} : memref<32x128xf32, #tpu.memory_space<vmem>>, vector<1x16xf32>,
          %parallel_loop3A_167 = vector.shape_cast %parallel_loop3A_166 : vector<1x16xf32> to vector<16xf32>
          %parallel_loop3A_168 = arith.addf %parallel_loop3A_163, %parallel_loop3A_167 : vector<16xf32>
          %parallel_loop3A_169 = arith.constant 0.000000e+00 : f32
          %parallel_loop3A_170 = vector.broadcast %parallel_loop3A_169 : f32 to vector<16xf32>
          %parallel_loop3A_171 = arith.maximumf %parallel_loop3A_168, %parallel_loop3A_170 : vector<16xf32>
          %parallel_loop3A_172 = arith.constant 4 : i32
          %parallel_loop3A_173 = arith.muli %parallel_loop3A_172, %parallel_loop3A_105 : i32
          %parallel_loop3A_174 = arith.constant 1 : i32
          %parallel_loop3A_175 = arith.addi %parallel_loop3A_173, %parallel_loop3A_174 : i32
          %parallel_loop3A_176 = arith.index_cast %parallel_loop3A_175 : i32 to index
          %parallel_loop3A_177 = arith.constant 0 : index
          %parallel_loop3A_178 = tpu.vector_load %arg12[%parallel_loop3A_176, %parallel_loop3A_177] {strides = array<i32>} : memref<128x32xf32, #tpu.memory_space<vmem>>, vector<1x16xf32>,
          %parallel_loop3A_179 = vector.shape_cast %parallel_loop3A_178 : vector<1x16xf32> to vector<16xf32>
          %parallel_loop3A_180 = vector.shape_cast %parallel_loop3A_171 : vector<16xf32> to vector<1x16xf32>
          tpu.vector_store %arg12[%parallel_loop3A_176, %parallel_loop3A_177], %parallel_loop3A_180 {strides = array<i32>} : memref<128x32xf32, #tpu.memory_space<vmem>>, vector<1x16xf32>,
          %parallel_loop3A_181 = arith.constant 4 : i32
          %parallel_loop3A_182 = arith.muli %parallel_loop3A_181, %parallel_loop3A_105 : i32
          %parallel_loop3A_183 = arith.constant 1 : i32
          %parallel_loop3A_184 = arith.addi %parallel_loop3A_182, %parallel_loop3A_183 : i32
          %parallel_loop3A_185 = arith.index_cast %parallel_loop3A_184 : i32 to index
          %parallel_loop3A_186 = arith.constant 16 : index
          %parallel_loop3A_187 = tpu.vector_load %arg12[%parallel_loop3A_185, %parallel_loop3A_186] {strides = array<i32>} : memref<128x32xf32, #tpu.memory_space<vmem>>, vector<1x16xf32>,
          %parallel_loop3A_188 = vector.shape_cast %parallel_loop3A_187 : vector<1x16xf32> to vector<16xf32>
          %parallel_loop3A_189 = arith.index_cast %parallel_loop3A_105 : i32 to index
          %parallel_loop3A_190 = arith.constant 48 : index
          %parallel_loop3A_191 = tpu.vector_load %arg13[%parallel_loop3A_189, %parallel_loop3A_190] {strides = array<i32>} : memref<32x128xf32, #tpu.memory_space<vmem>>, vector<1x16xf32>,
          %parallel_loop3A_192 = vector.shape_cast %parallel_loop3A_191 : vector<1x16xf32> to vector<16xf32>
          %parallel_loop3A_193 = arith.addf %parallel_loop3A_188, %parallel_loop3A_192 : vector<16xf32>
          %parallel_loop3A_194 = arith.constant 0.000000e+00 : f32
          %parallel_loop3A_195 = vector.broadcast %parallel_loop3A_194 : f32 to vector<16xf32>
          %parallel_loop3A_196 = arith.maximumf %parallel_loop3A_193, %parallel_loop3A_195 : vector<16xf32>
          %parallel_loop3A_197 = arith.constant 4 : i32
          %parallel_loop3A_198 = arith.muli %parallel_loop3A_197, %parallel_loop3A_105 : i32
          %parallel_loop3A_199 = arith.constant 1 : i32
          %parallel_loop3A_200 = arith.addi %parallel_loop3A_198, %parallel_loop3A_199 : i32
          %parallel_loop3A_201 = arith.index_cast %parallel_loop3A_200 : i32 to index
          %parallel_loop3A_202 = arith.constant 16 : index
          %parallel_loop3A_203 = tpu.vector_load %arg12[%parallel_loop3A_201, %parallel_loop3A_202] {strides = array<i32>} : memref<128x32xf32, #tpu.memory_space<vmem>>, vector<1x16xf32>,
          %parallel_loop3A_204 = vector.shape_cast %parallel_loop3A_203 : vector<1x16xf32> to vector<16xf32>
          %parallel_loop3A_205 = vector.shape_cast %parallel_loop3A_196 : vector<16xf32> to vector<1x16xf32>
          tpu.vector_store %arg12[%parallel_loop3A_201, %parallel_loop3A_202], %parallel_loop3A_205 {strides = array<i32>} : memref<128x32xf32, #tpu.memory_space<vmem>>, vector<1x16xf32>,
          %parallel_loop3A_206 = arith.constant 4 : i32
          %parallel_loop3A_207 = arith.muli %parallel_loop3A_206, %parallel_loop3A_105 : i32
          %parallel_loop3A_208 = arith.constant 2 : i32
          %parallel_loop3A_209 = arith.addi %parallel_loop3A_207, %parallel_loop3A_208 : i32
          %parallel_loop3A_210 = arith.index_cast %parallel_loop3A_209 : i32 to index
          %parallel_loop3A_211 = arith.constant 0 : index
          %parallel_loop3A_212 = tpu.vector_load %arg12[%parallel_loop3A_210, %parallel_loop3A_211] {strides = array<i32>} : memref<128x32xf32, #tpu.memory_space<vmem>>, vector<1x16xf32>,
          %parallel_loop3A_213 = vector.shape_cast %parallel_loop3A_212 : vector<1x16xf32> to vector<16xf32>
          %parallel_loop3A_214 = arith.index_cast %parallel_loop3A_105 : i32 to index
          %parallel_loop3A_215 = arith.constant 64 : index
          %parallel_loop3A_216 = tpu.vector_load %arg13[%parallel_loop3A_214, %parallel_loop3A_215] {strides = array<i32>} : memref<32x128xf32, #tpu.memory_space<vmem>>, vector<1x16xf32>,
          %parallel_loop3A_217 = vector.shape_cast %parallel_loop3A_216 : vector<1x16xf32> to vector<16xf32>
          %parallel_loop3A_218 = arith.addf %parallel_loop3A_213, %parallel_loop3A_217 : vector<16xf32>
          %parallel_loop3A_219 = arith.constant 0.000000e+00 : f32
          %parallel_loop3A_220 = vector.broadcast %parallel_loop3A_219 : f32 to vector<16xf32>
          %parallel_loop3A_221 = arith.maximumf %parallel_loop3A_218, %parallel_loop3A_220 : vector<16xf32>
          %parallel_loop3A_222 = arith.constant 4 : i32
          %parallel_loop3A_223 = arith.muli %parallel_loop3A_222, %parallel_loop3A_105 : i32
          %parallel_loop3A_224 = arith.constant 2 : i32
          %parallel_loop3A_225 = arith.addi %parallel_loop3A_223, %parallel_loop3A_224 : i32
          %parallel_loop3A_226 = arith.index_cast %parallel_loop3A_225 : i32 to index
          %parallel_loop3A_227 = arith.constant 0 : index
          %parallel_loop3A_228 = tpu.vector_load %arg12[%parallel_loop3A_226, %parallel_loop3A_227] {strides = array<i32>} : memref<128x32xf32, #tpu.memory_space<vmem>>, vector<1x16xf32>,
          %parallel_loop3A_229 = vector.shape_cast %parallel_loop3A_228 : vector<1x16xf32> to vector<16xf32>
          %parallel_loop3A_230 = vector.shape_cast %parallel_loop3A_221 : vector<16xf32> to vector<1x16xf32>
          tpu.vector_store %arg12[%parallel_loop3A_226, %parallel_loop3A_227], %parallel_loop3A_230 {strides = array<i32>} : memref<128x32xf32, #tpu.memory_space<vmem>>, vector<1x16xf32>,
          %parallel_loop3A_231 = arith.constant 4 : i32
          %parallel_loop3A_232 = arith.muli %parallel_loop3A_231, %parallel_loop3A_105 : i32
          %parallel_loop3A_233 = arith.constant 2 : i32
          %parallel_loop3A_234 = arith.addi %parallel_loop3A_232, %parallel_loop3A_233 : i32
          %parallel_loop3A_235 = arith.index_cast %parallel_loop3A_234 : i32 to index
          %parallel_loop3A_236 = arith.constant 16 : index
          %parallel_loop3A_237 = tpu.vector_load %arg12[%parallel_loop3A_235, %parallel_loop3A_236] {strides = array<i32>} : memref<128x32xf32, #tpu.memory_space<vmem>>, vector<1x16xf32>,
          %parallel_loop3A_238 = vector.shape_cast %parallel_loop3A_237 : vector<1x16xf32> to vector<16xf32>
          %parallel_loop3A_239 = arith.index_cast %parallel_loop3A_105 : i32 to index
          %parallel_loop3A_240 = arith.constant 80 : index
          %parallel_loop3A_241 = tpu.vector_load %arg13[%parallel_loop3A_239, %parallel_loop3A_240] {strides = array<i32>} : memref<32x128xf32, #tpu.memory_space<vmem>>, vector<1x16xf32>,
          %parallel_loop3A_242 = vector.shape_cast %parallel_loop3A_241 : vector<1x16xf32> to vector<16xf32>
          %parallel_loop3A_243 = arith.addf %parallel_loop3A_238, %parallel_loop3A_242 : vector<16xf32>
          %parallel_loop3A_244 = arith.constant 0.000000e+00 : f32
          %parallel_loop3A_245 = vector.broadcast %parallel_loop3A_244 : f32 to vector<16xf32>
          %parallel_loop3A_246 = arith.maximumf %parallel_loop3A_243, %parallel_loop3A_245 : vector<16xf32>
          %parallel_loop3A_247 = arith.constant 4 : i32
          %parallel_loop3A_248 = arith.muli %parallel_loop3A_247, %parallel_loop3A_105 : i32
          %parallel_loop3A_249 = arith.constant 2 : i32
          %parallel_loop3A_250 = arith.addi %parallel_loop3A_248, %parallel_loop3A_249 : i32
          %parallel_loop3A_251 = arith.index_cast %parallel_loop3A_250 : i32 to index
          %parallel_loop3A_252 = arith.constant 16 : index
          %parallel_loop3A_253 = tpu.vector_load %arg12[%parallel_loop3A_251, %parallel_loop3A_252] {strides = array<i32>} : memref<128x32xf32, #tpu.memory_space<vmem>>, vector<1x16xf32>,
          %parallel_loop3A_254 = vector.shape_cast %parallel_loop3A_253 : vector<1x16xf32> to vector<16xf32>
          %parallel_loop3A_255 = vector.shape_cast %parallel_loop3A_246 : vector<16xf32> to vector<1x16xf32>
          tpu.vector_store %arg12[%parallel_loop3A_251, %parallel_loop3A_252], %parallel_loop3A_255 {strides = array<i32>} : memref<128x32xf32, #tpu.memory_space<vmem>>, vector<1x16xf32>,
          %parallel_loop3A_256 = arith.constant 4 : i32
          %parallel_loop3A_257 = arith.muli %parallel_loop3A_256, %parallel_loop3A_105 : i32
          %parallel_loop3A_258 = arith.constant 3 : i32
          %parallel_loop3A_259 = arith.addi %parallel_loop3A_257, %parallel_loop3A_258 : i32
          %parallel_loop3A_260 = arith.index_cast %parallel_loop3A_259 : i32 to index
          %parallel_loop3A_261 = arith.constant 0 : index
          %parallel_loop3A_262 = tpu.vector_load %arg12[%parallel_loop3A_260, %parallel_loop3A_261] {strides = array<i32>} : memref<128x32xf32, #tpu.memory_space<vmem>>, vector<1x16xf32>,
          %parallel_loop3A_263 = vector.shape_cast %parallel_loop3A_262 : vector<1x16xf32> to vector<16xf32>
          %parallel_loop3A_264 = arith.index_cast %parallel_loop3A_105 : i32 to index
          %parallel_loop3A_265 = arith.constant 96 : index
          %parallel_loop3A_266 = tpu.vector_load %arg13[%parallel_loop3A_264, %parallel_loop3A_265] {strides = array<i32>} : memref<32x128xf32, #tpu.memory_space<vmem>>, vector<1x16xf32>,
          %parallel_loop3A_267 = vector.shape_cast %parallel_loop3A_266 : vector<1x16xf32> to vector<16xf32>
          %parallel_loop3A_268 = arith.addf %parallel_loop3A_263, %parallel_loop3A_267 : vector<16xf32>
          %parallel_loop3A_269 = arith.constant 0.000000e+00 : f32
          %parallel_loop3A_270 = vector.broadcast %parallel_loop3A_269 : f32 to vector<16xf32>
          %parallel_loop3A_271 = arith.maximumf %parallel_loop3A_268, %parallel_loop3A_270 : vector<16xf32>
          %parallel_loop3A_272 = arith.constant 4 : i32
          %parallel_loop3A_273 = arith.muli %parallel_loop3A_272, %parallel_loop3A_105 : i32
          %parallel_loop3A_274 = arith.constant 3 : i32
          %parallel_loop3A_275 = arith.addi %parallel_loop3A_273, %parallel_loop3A_274 : i32
          %parallel_loop3A_276 = arith.index_cast %parallel_loop3A_275 : i32 to index
          %parallel_loop3A_277 = arith.constant 0 : index
          %parallel_loop3A_278 = tpu.vector_load %arg12[%parallel_loop3A_276, %parallel_loop3A_277] {strides = array<i32>} : memref<128x32xf32, #tpu.memory_space<vmem>>, vector<1x16xf32>,
          %parallel_loop3A_279 = vector.shape_cast %parallel_loop3A_278 : vector<1x16xf32> to vector<16xf32>
          %parallel_loop3A_280 = vector.shape_cast %parallel_loop3A_271 : vector<16xf32> to vector<1x16xf32>
          tpu.vector_store %arg12[%parallel_loop3A_276, %parallel_loop3A_277], %parallel_loop3A_280 {strides = array<i32>} : memref<128x32xf32, #tpu.memory_space<vmem>>, vector<1x16xf32>,
          %parallel_loop3A_281 = arith.constant 4 : i32
          %parallel_loop3A_282 = arith.muli %parallel_loop3A_281, %parallel_loop3A_105 : i32
          %parallel_loop3A_283 = arith.constant 3 : i32
          %parallel_loop3A_284 = arith.addi %parallel_loop3A_282, %parallel_loop3A_283 : i32
          %parallel_loop3A_285 = arith.index_cast %parallel_loop3A_284 : i32 to index
          %parallel_loop3A_286 = arith.constant 16 : index
          %parallel_loop3A_287 = tpu.vector_load %arg12[%parallel_loop3A_285, %parallel_loop3A_286] {strides = array<i32>} : memref<128x32xf32, #tpu.memory_space<vmem>>, vector<1x16xf32>,
          %parallel_loop3A_288 = vector.shape_cast %parallel_loop3A_287 : vector<1x16xf32> to vector<16xf32>
          %parallel_loop3A_289 = arith.index_cast %parallel_loop3A_105 : i32 to index
          %parallel_loop3A_290 = arith.constant 112 : index
          %parallel_loop3A_291 = tpu.vector_load %arg13[%parallel_loop3A_289, %parallel_loop3A_290] {strides = array<i32>} : memref<32x128xf32, #tpu.memory_space<vmem>>, vector<1x16xf32>,
          %parallel_loop3A_292 = vector.shape_cast %parallel_loop3A_291 : vector<1x16xf32> to vector<16xf32>
          %parallel_loop3A_293 = arith.addf %parallel_loop3A_288, %parallel_loop3A_292 : vector<16xf32>
          %parallel_loop3A_294 = arith.constant 0.000000e+00 : f32
          %parallel_loop3A_295 = vector.broadcast %parallel_loop3A_294 : f32 to vector<16xf32>
          %parallel_loop3A_296 = arith.maximumf %parallel_loop3A_293, %parallel_loop3A_295 : vector<16xf32>
          %parallel_loop3A_297 = arith.constant 4 : i32
          %parallel_loop3A_298 = arith.muli %parallel_loop3A_297, %parallel_loop3A_105 : i32
          %parallel_loop3A_299 = arith.constant 3 : i32
          %parallel_loop3A_300 = arith.addi %parallel_loop3A_298, %parallel_loop3A_299 : i32
          %parallel_loop3A_301 = arith.index_cast %parallel_loop3A_300 : i32 to index
          %parallel_loop3A_302 = arith.constant 16 : index
          %parallel_loop3A_303 = tpu.vector_load %arg12[%parallel_loop3A_301, %parallel_loop3A_302] {strides = array<i32>} : memref<128x32xf32, #tpu.memory_space<vmem>>, vector<1x16xf32>,
          %parallel_loop3A_304 = vector.shape_cast %parallel_loop3A_303 : vector<1x16xf32> to vector<16xf32>
          %parallel_loop3A_305 = vector.shape_cast %parallel_loop3A_296 : vector<16xf32> to vector<1x16xf32>
          tpu.vector_store %arg12[%parallel_loop3A_301, %parallel_loop3A_302], %parallel_loop3A_305 {strides = array<i32>} : memref<128x32xf32, #tpu.memory_space<vmem>>, vector<1x16xf32>,
        } {sc.loop_unroll_factor = 4 : i64, sc.parallel_access}
        "tpu.region"() ({
          %run_scoped3A = tpu.sem_alloc : memref<!tpu.dma_semaphore, #tpu.memory_space<semaphore_mem>>
          %dma_start3A = arith.constant 0 : i32
          %dma_start3A_105 = tpu.memref_slice %arg11[%mul3A_52, %dma_start3A] : memref<34x128xi32, #tpu.memory_space<vmem>> -> memref<1x128xi32, #tpu.memory_space<vmem>>
          %dma_start3A_106 = tpu.memref_squeeze %dma_start3A_105 : memref<1x128xi32, #tpu.memory_space<vmem>> -> memref<128xi32, #tpu.memory_space<vmem>>
          %dma_start3A_107 = arith.constant 0 : i32
          %dma_start3A_108 = arith.constant 0 : i32
          %dma_start3A_109 = tpu.memref_slice %arg16[%dma_start3A_107, %dma_start3A_108] : memref<50048x32xf32, #tpu.memory_space<vmem_shared>> -> memref<50048x32xf32, #tpu.memory_space<vmem_shared>>
          tpu.enqueue_indirect_dma source(%arg12 : memref<128x32xf32, #tpu.memory_space<vmem>>) target(%dma_start3A_109 : memref<50048x32xf32, #tpu.memory_space<vmem_shared>>) offsets(%dma_start3A_106 : memref<128xi32, #tpu.memory_space<vmem>>) semaphore(%run_scoped3A : memref<!tpu.dma_semaphore, #tpu.memory_space<semaphore_mem>>) {add = true}
          %dma_wait3A_110 = arith.constant 0 : i32
          %dma_wait3A_111 = tpu.memref_slice %arg11[%mul3A_52, %dma_wait3A_110] : memref<34x128xi32, #tpu.memory_space<vmem>> -> memref<1x128xi32, #tpu.memory_space<vmem>>
          %dma_wait3A_112 = tpu.memref_squeeze %dma_wait3A_111 : memref<1x128xi32, #tpu.memory_space<vmem>> -> memref<128xi32, #tpu.memory_space<vmem>>
          %dma_wait3A_113 = arith.constant 0 : i32
          %dma_wait3A_114 = arith.constant 0 : i32
          %dma_wait3A_115 = tpu.memref_slice %arg16[%dma_wait3A_113, %dma_wait3A_114] : memref<50048x32xf32, #tpu.memory_space<vmem_shared>> -> memref<50048x32xf32, #tpu.memory_space<vmem_shared>>
          tpu.wait_indirect_dma semaphore(%run_scoped3A : memref<!tpu.dma_semaphore, #tpu.memory_space<semaphore_mem>>) src(%arg12 : memref<128x32xf32, #tpu.memory_space<vmem>>) dst(%dma_wait3A_115 : memref<50048x32xf32, #tpu.memory_space<vmem_shared>>)
          tpu.yield
        }) : () -> ()
        %lt3A = arith.constant 16 : i32
        %lt3A_84 = arith.cmpi slt, %scan3A_50, %lt3A : i32
        %convert_element_type3A_85 = arith.extui %lt3A_84 : i1 to i32
        %cond3A_86 = arith.constant 0 : i32
        %cond3A_87 = arith.cmpi ne, %convert_element_type3A_85, %cond3A_86 : i32
        scf.if %cond3A_87 {
          %add3A_105 = arith.constant 2 : i32
          %add3A_106 = arith.addi %mul3A_52, %add3A_105 : i32
          %add3A_107 = arith.addi %mul3A_29, %mul3A_52 : i32
          %add3A_108 = arith.constant 2 : i32
          %add3A_109 = arith.addi %add3A_107, %add3A_108 : i32
          %mul3A_110 = arith.constant 32 : i32
          %mul3A_111 = arith.muli %add3A_109, %mul3A_110 : i32
          %add3A_112 = arith.addi %mul3A_3, %mul3A_111 : i32
          %eq3A_113 = arith.constant 0 : i32
          %eq3A_114 = arith.cmpi eq, %arg0, %eq3A_113 : i32
          %convert_element_type3A_115 = arith.extui %eq3A_114 : i1 to i32
          %cond3A_116 = arith.constant 0 : i32
          %cond3A_117 = arith.cmpi ne, %convert_element_type3A_115, %cond3A_116 : i32
          scf.if %cond3A_117 {
            %dma_start3A = arith.constant 0 : i32
            %dma_start3A_123 = tpu.memref_slice %arg10[%add3A_106, %dma_start3A] : memref<34x128xi32, #tpu.memory_space<vmem>> -> memref<1x128xi32, #tpu.memory_space<vmem>>
            %dma_start3A_124 = tpu.memref_squeeze %dma_start3A_123 : memref<1x128xi32, #tpu.memory_space<vmem>> -> memref<128xi32, #tpu.memory_space<vmem>>
            %dma_start3A_125 = arith.constant 0 : i32
            %dma_start3A_126 = arith.constant 0 : i32
            %dma_start3A_127 = tpu.memref_slice %arg2[%dma_start3A_125, %dma_start3A_126] : memref<50000x32xf32, #tpu.memory_space<hbm>> -> memref<50000x32xf32, #tpu.memory_space<hbm>>
            tpu.enqueue_indirect_dma source(%dma_start3A_127 : memref<50000x32xf32, #tpu.memory_space<hbm>>) target(%arg12 : memref<128x32xf32, #tpu.memory_space<vmem>>) offsets(%dma_start3A_124 : memref<128xi32, #tpu.memory_space<vmem>>) semaphore(%arg17 : memref<!tpu.dma_semaphore, #tpu.memory_space<semaphore_mem>>)
            %dma_start3A_128 = arith.constant 0 : i32
            %dma_start3A_129 = tpu.memref_slice %arg4[%add3A_112, %dma_start3A_128] : memref<200024x128xf32, #tpu.memory_space<hbm>> -> memref<32x128xf32, #tpu.memory_space<hbm>>
            %dma_start3A_130 = arith.constant 0 : i32
            %dma_start3A_131 = tpu.memref_slice %arg4[%add3A_112, %dma_start3A_130] : memref<200024x128xf32, #tpu.memory_space<hbm>> -> memref<32x128xf32, #tpu.memory_space<hbm>>
            tpu.enqueue_dma source(%dma_start3A_131 : memref<32x128xf32, #tpu.memory_space<hbm>>) target(%arg13 : memref<32x128xf32, #tpu.memory_space<vmem>>) target_semaphore(%arg17 : memref<!tpu.dma_semaphore, #tpu.memory_space<semaphore_mem>>)
          } else {
          }
          %eq3A_118 = arith.constant 1 : i32
          %eq3A_119 = arith.cmpi eq, %arg0, %eq3A_118 : i32
          %convert_element_type3A_120 = arith.extui %eq3A_119 : i1 to i32
          %cond3A_121 = arith.constant 0 : i32
          %cond3A_122 = arith.cmpi ne, %convert_element_type3A_120, %cond3A_121 : i32
          scf.if %cond3A_122 {
            %dma_start3A = arith.constant 0 : i32
            %dma_start3A_123 = tpu.memref_slice %arg10[%add3A_106, %dma_start3A] : memref<34x128xi32, #tpu.memory_space<vmem>> -> memref<1x128xi32, #tpu.memory_space<vmem>>
            %dma_start3A_124 = tpu.memref_squeeze %dma_start3A_123 : memref<1x128xi32, #tpu.memory_space<vmem>> -> memref<128xi32, #tpu.memory_space<vmem>>
            %dma_start3A_125 = arith.constant 0 : i32
            %dma_start3A_126 = arith.constant 0 : i32
            %dma_start3A_127 = tpu.memref_slice %arg3[%dma_start3A_125, %dma_start3A_126] : memref<50000x32xf32, #tpu.memory_space<hbm>> -> memref<50000x32xf32, #tpu.memory_space<hbm>>
            tpu.enqueue_indirect_dma source(%dma_start3A_127 : memref<50000x32xf32, #tpu.memory_space<hbm>>) target(%arg12 : memref<128x32xf32, #tpu.memory_space<vmem>>) offsets(%dma_start3A_124 : memref<128xi32, #tpu.memory_space<vmem>>) semaphore(%arg17 : memref<!tpu.dma_semaphore, #tpu.memory_space<semaphore_mem>>)
            %dma_start3A_128 = arith.constant 0 : i32
            %dma_start3A_129 = tpu.memref_slice %arg5[%add3A_112, %dma_start3A_128] : memref<200024x128xf32, #tpu.memory_space<hbm>> -> memref<32x128xf32, #tpu.memory_space<hbm>>
            %dma_start3A_130 = arith.constant 0 : i32
            %dma_start3A_131 = tpu.memref_slice %arg5[%add3A_112, %dma_start3A_130] : memref<200024x128xf32, #tpu.memory_space<hbm>> -> memref<32x128xf32, #tpu.memory_space<hbm>>
            tpu.enqueue_dma source(%dma_start3A_131 : memref<32x128xf32, #tpu.memory_space<hbm>>) target(%arg13 : memref<32x128xf32, #tpu.memory_space<vmem>>) target_semaphore(%arg17 : memref<!tpu.dma_semaphore, #tpu.memory_space<semaphore_mem>>)
          } else {
          }
        } else {
        }
        %dma_wait3A_88 = arith.constant 0 : i32
        %dma_wait3A_89 = arith.constant 0 : i32
        %dma_wait3A_90 = tpu.memref_slice %arg2[%dma_wait3A_88, %dma_wait3A_89] : memref<50000x32xf32, #tpu.memory_space<hbm>> -> memref<128x32xf32, #tpu.memory_space<hbm>>
        %dma_wait3A_91 = arith.constant 0 : i32
        %dma_wait3A_92 = arith.constant 0 : i32
        %dma_wait3A_93 = tpu.memref_slice %arg2[%dma_wait3A_91, %dma_wait3A_92] : memref<50000x32xf32, #tpu.memory_space<hbm>> -> memref<128x32xf32, #tpu.memory_space<hbm>>
        tpu.wait_dma2 semaphore(%arg18 : memref<!tpu.dma_semaphore, #tpu.memory_space<semaphore_mem>>) src(%dma_wait3A_93 : memref<128x32xf32, #tpu.memory_space<hbm>>) dst(%arg14 : memref<128x32xf32, #tpu.memory_space<vmem>>)
        %dma_wait3A_94 = arith.constant 0 : i32
        %dma_wait3A_95 = arith.constant 0 : i32
        %dma_wait3A_96 = tpu.memref_slice %arg4[%dma_wait3A_94, %dma_wait3A_95] : memref<200024x128xf32, #tpu.memory_space<hbm>> -> memref<32x128xf32, #tpu.memory_space<hbm>>
        %dma_wait3A_97 = arith.constant 0 : i32
        %dma_wait3A_98 = arith.constant 0 : i32
        %dma_wait3A_99 = tpu.memref_slice %arg4[%dma_wait3A_97, %dma_wait3A_98] : memref<200024x128xf32, #tpu.memory_space<hbm>> -> memref<32x128xf32, #tpu.memory_space<hbm>>
        tpu.wait_dma2 semaphore(%arg18 : memref<!tpu.dma_semaphore, #tpu.memory_space<semaphore_mem>>) src(%dma_wait3A_99 : memref<32x128xf32, #tpu.memory_space<hbm>>) dst(%arg15 : memref<32x128xf32, #tpu.memory_space<vmem>>)
        %parallel_loop3A_100 = arith.constant 0 : i32
        %parallel_loop3A_101 = arith.constant 32 : i32
        %parallel_loop3A_102 = arith.constant 1 : i32
        scf.for %parallel_loop3A_105 = %parallel_loop3A_100 to %parallel_loop3A_101 step %parallel_loop3A_102  : i32 {
          %parallel_loop3A_106 = arith.constant 4 : i32
          %parallel_loop3A_107 = arith.muli %parallel_loop3A_106, %parallel_loop3A_105 : i32
          %parallel_loop3A_108 = arith.constant 0 : i32
          %parallel_loop3A_109 = arith.addi %parallel_loop3A_107, %parallel_loop3A_108 : i32
          %parallel_loop3A_110 = arith.index_cast %parallel_loop3A_109 : i32 to index
          %parallel_loop3A_111 = arith.constant 0 : index
          %parallel_loop3A_112 = tpu.vector_load %arg14[%parallel_loop3A_110, %parallel_loop3A_111] {strides = array<i32>} : memref<128x32xf32, #tpu.memory_space<vmem>>, vector<1x16xf32>,
          %parallel_loop3A_113 = vector.shape_cast %parallel_loop3A_112 : vector<1x16xf32> to vector<16xf32>
          %parallel_loop3A_114 = arith.index_cast %parallel_loop3A_105 : i32 to index
          %parallel_loop3A_115 = arith.constant 0 : index
          %parallel_loop3A_116 = tpu.vector_load %arg15[%parallel_loop3A_114, %parallel_loop3A_115] {strides = array<i32>} : memref<32x128xf32, #tpu.memory_space<vmem>>, vector<1x16xf32>,
          %parallel_loop3A_117 = vector.shape_cast %parallel_loop3A_116 : vector<1x16xf32> to vector<16xf32>
          %parallel_loop3A_118 = arith.addf %parallel_loop3A_113, %parallel_loop3A_117 : vector<16xf32>
          %parallel_loop3A_119 = arith.constant 0.000000e+00 : f32
          %parallel_loop3A_120 = vector.broadcast %parallel_loop3A_119 : f32 to vector<16xf32>
          %parallel_loop3A_121 = arith.maximumf %parallel_loop3A_118, %parallel_loop3A_120 : vector<16xf32>
          %parallel_loop3A_122 = arith.constant 4 : i32
          %parallel_loop3A_123 = arith.muli %parallel_loop3A_122, %parallel_loop3A_105 : i32
          %parallel_loop3A_124 = arith.constant 0 : i32
          %parallel_loop3A_125 = arith.addi %parallel_loop3A_123, %parallel_loop3A_124 : i32
          %parallel_loop3A_126 = arith.index_cast %parallel_loop3A_125 : i32 to index
          %parallel_loop3A_127 = arith.constant 0 : index
          %parallel_loop3A_128 = tpu.vector_load %arg14[%parallel_loop3A_126, %parallel_loop3A_127] {strides = array<i32>} : memref<128x32xf32, #tpu.memory_space<vmem>>, vector<1x16xf32>,
          %parallel_loop3A_129 = vector.shape_cast %parallel_loop3A_128 : vector<1x16xf32> to vector<16xf32>
          %parallel_loop3A_130 = vector.shape_cast %parallel_loop3A_121 : vector<16xf32> to vector<1x16xf32>
          tpu.vector_store %arg14[%parallel_loop3A_126, %parallel_loop3A_127], %parallel_loop3A_130 {strides = array<i32>} : memref<128x32xf32, #tpu.memory_space<vmem>>, vector<1x16xf32>,
          %parallel_loop3A_131 = arith.constant 4 : i32
          %parallel_loop3A_132 = arith.muli %parallel_loop3A_131, %parallel_loop3A_105 : i32
          %parallel_loop3A_133 = arith.constant 0 : i32
          %parallel_loop3A_134 = arith.addi %parallel_loop3A_132, %parallel_loop3A_133 : i32
          %parallel_loop3A_135 = arith.index_cast %parallel_loop3A_134 : i32 to index
          %parallel_loop3A_136 = arith.constant 16 : index
          %parallel_loop3A_137 = tpu.vector_load %arg14[%parallel_loop3A_135, %parallel_loop3A_136] {strides = array<i32>} : memref<128x32xf32, #tpu.memory_space<vmem>>, vector<1x16xf32>,
          %parallel_loop3A_138 = vector.shape_cast %parallel_loop3A_137 : vector<1x16xf32> to vector<16xf32>
          %parallel_loop3A_139 = arith.index_cast %parallel_loop3A_105 : i32 to index
          %parallel_loop3A_140 = arith.constant 16 : index
          %parallel_loop3A_141 = tpu.vector_load %arg15[%parallel_loop3A_139, %parallel_loop3A_140] {strides = array<i32>} : memref<32x128xf32, #tpu.memory_space<vmem>>, vector<1x16xf32>,
          %parallel_loop3A_142 = vector.shape_cast %parallel_loop3A_141 : vector<1x16xf32> to vector<16xf32>
          %parallel_loop3A_143 = arith.addf %parallel_loop3A_138, %parallel_loop3A_142 : vector<16xf32>
          %parallel_loop3A_144 = arith.constant 0.000000e+00 : f32
          %parallel_loop3A_145 = vector.broadcast %parallel_loop3A_144 : f32 to vector<16xf32>
          %parallel_loop3A_146 = arith.maximumf %parallel_loop3A_143, %parallel_loop3A_145 : vector<16xf32>
          %parallel_loop3A_147 = arith.constant 4 : i32
          %parallel_loop3A_148 = arith.muli %parallel_loop3A_147, %parallel_loop3A_105 : i32
          %parallel_loop3A_149 = arith.constant 0 : i32
          %parallel_loop3A_150 = arith.addi %parallel_loop3A_148, %parallel_loop3A_149 : i32
          %parallel_loop3A_151 = arith.index_cast %parallel_loop3A_150 : i32 to index
          %parallel_loop3A_152 = arith.constant 16 : index
          %parallel_loop3A_153 = tpu.vector_load %arg14[%parallel_loop3A_151, %parallel_loop3A_152] {strides = array<i32>} : memref<128x32xf32, #tpu.memory_space<vmem>>, vector<1x16xf32>,
          %parallel_loop3A_154 = vector.shape_cast %parallel_loop3A_153 : vector<1x16xf32> to vector<16xf32>
          %parallel_loop3A_155 = vector.shape_cast %parallel_loop3A_146 : vector<16xf32> to vector<1x16xf32>
          tpu.vector_store %arg14[%parallel_loop3A_151, %parallel_loop3A_152], %parallel_loop3A_155 {strides = array<i32>} : memref<128x32xf32, #tpu.memory_space<vmem>>, vector<1x16xf32>,
          %parallel_loop3A_156 = arith.constant 4 : i32
          %parallel_loop3A_157 = arith.muli %parallel_loop3A_156, %parallel_loop3A_105 : i32
          %parallel_loop3A_158 = arith.constant 1 : i32
          %parallel_loop3A_159 = arith.addi %parallel_loop3A_157, %parallel_loop3A_158 : i32
          %parallel_loop3A_160 = arith.index_cast %parallel_loop3A_159 : i32 to index
          %parallel_loop3A_161 = arith.constant 0 : index
          %parallel_loop3A_162 = tpu.vector_load %arg14[%parallel_loop3A_160, %parallel_loop3A_161] {strides = array<i32>} : memref<128x32xf32, #tpu.memory_space<vmem>>, vector<1x16xf32>,
          %parallel_loop3A_163 = vector.shape_cast %parallel_loop3A_162 : vector<1x16xf32> to vector<16xf32>
          %parallel_loop3A_164 = arith.index_cast %parallel_loop3A_105 : i32 to index
          %parallel_loop3A_165 = arith.constant 32 : index
          %parallel_loop3A_166 = tpu.vector_load %arg15[%parallel_loop3A_164, %parallel_loop3A_165] {strides = array<i32>} : memref<32x128xf32, #tpu.memory_space<vmem>>, vector<1x16xf32>,
          %parallel_loop3A_167 = vector.shape_cast %parallel_loop3A_166 : vector<1x16xf32> to vector<16xf32>
          %parallel_loop3A_168 = arith.addf %parallel_loop3A_163, %parallel_loop3A_167 : vector<16xf32>
          %parallel_loop3A_169 = arith.constant 0.000000e+00 : f32
          %parallel_loop3A_170 = vector.broadcast %parallel_loop3A_169 : f32 to vector<16xf32>
          %parallel_loop3A_171 = arith.maximumf %parallel_loop3A_168, %parallel_loop3A_170 : vector<16xf32>
          %parallel_loop3A_172 = arith.constant 4 : i32
          %parallel_loop3A_173 = arith.muli %parallel_loop3A_172, %parallel_loop3A_105 : i32
          %parallel_loop3A_174 = arith.constant 1 : i32
          %parallel_loop3A_175 = arith.addi %parallel_loop3A_173, %parallel_loop3A_174 : i32
          %parallel_loop3A_176 = arith.index_cast %parallel_loop3A_175 : i32 to index
          %parallel_loop3A_177 = arith.constant 0 : index
          %parallel_loop3A_178 = tpu.vector_load %arg14[%parallel_loop3A_176, %parallel_loop3A_177] {strides = array<i32>} : memref<128x32xf32, #tpu.memory_space<vmem>>, vector<1x16xf32>,
          %parallel_loop3A_179 = vector.shape_cast %parallel_loop3A_178 : vector<1x16xf32> to vector<16xf32>
          %parallel_loop3A_180 = vector.shape_cast %parallel_loop3A_171 : vector<16xf32> to vector<1x16xf32>
          tpu.vector_store %arg14[%parallel_loop3A_176, %parallel_loop3A_177], %parallel_loop3A_180 {strides = array<i32>} : memref<128x32xf32, #tpu.memory_space<vmem>>, vector<1x16xf32>,
          %parallel_loop3A_181 = arith.constant 4 : i32
          %parallel_loop3A_182 = arith.muli %parallel_loop3A_181, %parallel_loop3A_105 : i32
          %parallel_loop3A_183 = arith.constant 1 : i32
          %parallel_loop3A_184 = arith.addi %parallel_loop3A_182, %parallel_loop3A_183 : i32
          %parallel_loop3A_185 = arith.index_cast %parallel_loop3A_184 : i32 to index
          %parallel_loop3A_186 = arith.constant 16 : index
          %parallel_loop3A_187 = tpu.vector_load %arg14[%parallel_loop3A_185, %parallel_loop3A_186] {strides = array<i32>} : memref<128x32xf32, #tpu.memory_space<vmem>>, vector<1x16xf32>,
          %parallel_loop3A_188 = vector.shape_cast %parallel_loop3A_187 : vector<1x16xf32> to vector<16xf32>
          %parallel_loop3A_189 = arith.index_cast %parallel_loop3A_105 : i32 to index
          %parallel_loop3A_190 = arith.constant 48 : index
          %parallel_loop3A_191 = tpu.vector_load %arg15[%parallel_loop3A_189, %parallel_loop3A_190] {strides = array<i32>} : memref<32x128xf32, #tpu.memory_space<vmem>>, vector<1x16xf32>,
          %parallel_loop3A_192 = vector.shape_cast %parallel_loop3A_191 : vector<1x16xf32> to vector<16xf32>
          %parallel_loop3A_193 = arith.addf %parallel_loop3A_188, %parallel_loop3A_192 : vector<16xf32>
          %parallel_loop3A_194 = arith.constant 0.000000e+00 : f32
          %parallel_loop3A_195 = vector.broadcast %parallel_loop3A_194 : f32 to vector<16xf32>
          %parallel_loop3A_196 = arith.maximumf %parallel_loop3A_193, %parallel_loop3A_195 : vector<16xf32>
          %parallel_loop3A_197 = arith.constant 4 : i32
          %parallel_loop3A_198 = arith.muli %parallel_loop3A_197, %parallel_loop3A_105 : i32
          %parallel_loop3A_199 = arith.constant 1 : i32
          %parallel_loop3A_200 = arith.addi %parallel_loop3A_198, %parallel_loop3A_199 : i32
          %parallel_loop3A_201 = arith.index_cast %parallel_loop3A_200 : i32 to index
          %parallel_loop3A_202 = arith.constant 16 : index
          %parallel_loop3A_203 = tpu.vector_load %arg14[%parallel_loop3A_201, %parallel_loop3A_202] {strides = array<i32>} : memref<128x32xf32, #tpu.memory_space<vmem>>, vector<1x16xf32>,
          %parallel_loop3A_204 = vector.shape_cast %parallel_loop3A_203 : vector<1x16xf32> to vector<16xf32>
          %parallel_loop3A_205 = vector.shape_cast %parallel_loop3A_196 : vector<16xf32> to vector<1x16xf32>
          tpu.vector_store %arg14[%parallel_loop3A_201, %parallel_loop3A_202], %parallel_loop3A_205 {strides = array<i32>} : memref<128x32xf32, #tpu.memory_space<vmem>>, vector<1x16xf32>,
          %parallel_loop3A_206 = arith.constant 4 : i32
          %parallel_loop3A_207 = arith.muli %parallel_loop3A_206, %parallel_loop3A_105 : i32
          %parallel_loop3A_208 = arith.constant 2 : i32
          %parallel_loop3A_209 = arith.addi %parallel_loop3A_207, %parallel_loop3A_208 : i32
          %parallel_loop3A_210 = arith.index_cast %parallel_loop3A_209 : i32 to index
          %parallel_loop3A_211 = arith.constant 0 : index
          %parallel_loop3A_212 = tpu.vector_load %arg14[%parallel_loop3A_210, %parallel_loop3A_211] {strides = array<i32>} : memref<128x32xf32, #tpu.memory_space<vmem>>, vector<1x16xf32>,
          %parallel_loop3A_213 = vector.shape_cast %parallel_loop3A_212 : vector<1x16xf32> to vector<16xf32>
          %parallel_loop3A_214 = arith.index_cast %parallel_loop3A_105 : i32 to index
          %parallel_loop3A_215 = arith.constant 64 : index
          %parallel_loop3A_216 = tpu.vector_load %arg15[%parallel_loop3A_214, %parallel_loop3A_215] {strides = array<i32>} : memref<32x128xf32, #tpu.memory_space<vmem>>, vector<1x16xf32>,
          %parallel_loop3A_217 = vector.shape_cast %parallel_loop3A_216 : vector<1x16xf32> to vector<16xf32>
          %parallel_loop3A_218 = arith.addf %parallel_loop3A_213, %parallel_loop3A_217 : vector<16xf32>
          %parallel_loop3A_219 = arith.constant 0.000000e+00 : f32
          %parallel_loop3A_220 = vector.broadcast %parallel_loop3A_219 : f32 to vector<16xf32>
          %parallel_loop3A_221 = arith.maximumf %parallel_loop3A_218, %parallel_loop3A_220 : vector<16xf32>
          %parallel_loop3A_222 = arith.constant 4 : i32
          %parallel_loop3A_223 = arith.muli %parallel_loop3A_222, %parallel_loop3A_105 : i32
          %parallel_loop3A_224 = arith.constant 2 : i32
          %parallel_loop3A_225 = arith.addi %parallel_loop3A_223, %parallel_loop3A_224 : i32
          %parallel_loop3A_226 = arith.index_cast %parallel_loop3A_225 : i32 to index
          %parallel_loop3A_227 = arith.constant 0 : index
          %parallel_loop3A_228 = tpu.vector_load %arg14[%parallel_loop3A_226, %parallel_loop3A_227] {strides = array<i32>} : memref<128x32xf32, #tpu.memory_space<vmem>>, vector<1x16xf32>,
          %parallel_loop3A_229 = vector.shape_cast %parallel_loop3A_228 : vector<1x16xf32> to vector<16xf32>
          %parallel_loop3A_230 = vector.shape_cast %parallel_loop3A_221 : vector<16xf32> to vector<1x16xf32>
          tpu.vector_store %arg14[%parallel_loop3A_226, %parallel_loop3A_227], %parallel_loop3A_230 {strides = array<i32>} : memref<128x32xf32, #tpu.memory_space<vmem>>, vector<1x16xf32>,
          %parallel_loop3A_231 = arith.constant 4 : i32
          %parallel_loop3A_232 = arith.muli %parallel_loop3A_231, %parallel_loop3A_105 : i32
          %parallel_loop3A_233 = arith.constant 2 : i32
          %parallel_loop3A_234 = arith.addi %parallel_loop3A_232, %parallel_loop3A_233 : i32
          %parallel_loop3A_235 = arith.index_cast %parallel_loop3A_234 : i32 to index
          %parallel_loop3A_236 = arith.constant 16 : index
          %parallel_loop3A_237 = tpu.vector_load %arg14[%parallel_loop3A_235, %parallel_loop3A_236] {strides = array<i32>} : memref<128x32xf32, #tpu.memory_space<vmem>>, vector<1x16xf32>,
          %parallel_loop3A_238 = vector.shape_cast %parallel_loop3A_237 : vector<1x16xf32> to vector<16xf32>
          %parallel_loop3A_239 = arith.index_cast %parallel_loop3A_105 : i32 to index
          %parallel_loop3A_240 = arith.constant 80 : index
          %parallel_loop3A_241 = tpu.vector_load %arg15[%parallel_loop3A_239, %parallel_loop3A_240] {strides = array<i32>} : memref<32x128xf32, #tpu.memory_space<vmem>>, vector<1x16xf32>,
          %parallel_loop3A_242 = vector.shape_cast %parallel_loop3A_241 : vector<1x16xf32> to vector<16xf32>
          %parallel_loop3A_243 = arith.addf %parallel_loop3A_238, %parallel_loop3A_242 : vector<16xf32>
          %parallel_loop3A_244 = arith.constant 0.000000e+00 : f32
          %parallel_loop3A_245 = vector.broadcast %parallel_loop3A_244 : f32 to vector<16xf32>
          %parallel_loop3A_246 = arith.maximumf %parallel_loop3A_243, %parallel_loop3A_245 : vector<16xf32>
          %parallel_loop3A_247 = arith.constant 4 : i32
          %parallel_loop3A_248 = arith.muli %parallel_loop3A_247, %parallel_loop3A_105 : i32
          %parallel_loop3A_249 = arith.constant 2 : i32
          %parallel_loop3A_250 = arith.addi %parallel_loop3A_248, %parallel_loop3A_249 : i32
          %parallel_loop3A_251 = arith.index_cast %parallel_loop3A_250 : i32 to index
          %parallel_loop3A_252 = arith.constant 16 : index
          %parallel_loop3A_253 = tpu.vector_load %arg14[%parallel_loop3A_251, %parallel_loop3A_252] {strides = array<i32>} : memref<128x32xf32, #tpu.memory_space<vmem>>, vector<1x16xf32>,
          %parallel_loop3A_254 = vector.shape_cast %parallel_loop3A_253 : vector<1x16xf32> to vector<16xf32>
          %parallel_loop3A_255 = vector.shape_cast %parallel_loop3A_246 : vector<16xf32> to vector<1x16xf32>
          tpu.vector_store %arg14[%parallel_loop3A_251, %parallel_loop3A_252], %parallel_loop3A_255 {strides = array<i32>} : memref<128x32xf32, #tpu.memory_space<vmem>>, vector<1x16xf32>,
          %parallel_loop3A_256 = arith.constant 4 : i32
          %parallel_loop3A_257 = arith.muli %parallel_loop3A_256, %parallel_loop3A_105 : i32
          %parallel_loop3A_258 = arith.constant 3 : i32
          %parallel_loop3A_259 = arith.addi %parallel_loop3A_257, %parallel_loop3A_258 : i32
          %parallel_loop3A_260 = arith.index_cast %parallel_loop3A_259 : i32 to index
          %parallel_loop3A_261 = arith.constant 0 : index
          %parallel_loop3A_262 = tpu.vector_load %arg14[%parallel_loop3A_260, %parallel_loop3A_261] {strides = array<i32>} : memref<128x32xf32, #tpu.memory_space<vmem>>, vector<1x16xf32>,
          %parallel_loop3A_263 = vector.shape_cast %parallel_loop3A_262 : vector<1x16xf32> to vector<16xf32>
          %parallel_loop3A_264 = arith.index_cast %parallel_loop3A_105 : i32 to index
          %parallel_loop3A_265 = arith.constant 96 : index
          %parallel_loop3A_266 = tpu.vector_load %arg15[%parallel_loop3A_264, %parallel_loop3A_265] {strides = array<i32>} : memref<32x128xf32, #tpu.memory_space<vmem>>, vector<1x16xf32>,
          %parallel_loop3A_267 = vector.shape_cast %parallel_loop3A_266 : vector<1x16xf32> to vector<16xf32>
          %parallel_loop3A_268 = arith.addf %parallel_loop3A_263, %parallel_loop3A_267 : vector<16xf32>
          %parallel_loop3A_269 = arith.constant 0.000000e+00 : f32
          %parallel_loop3A_270 = vector.broadcast %parallel_loop3A_269 : f32 to vector<16xf32>
          %parallel_loop3A_271 = arith.maximumf %parallel_loop3A_268, %parallel_loop3A_270 : vector<16xf32>
          %parallel_loop3A_272 = arith.constant 4 : i32
          %parallel_loop3A_273 = arith.muli %parallel_loop3A_272, %parallel_loop3A_105 : i32
          %parallel_loop3A_274 = arith.constant 3 : i32
          %parallel_loop3A_275 = arith.addi %parallel_loop3A_273, %parallel_loop3A_274 : i32
          %parallel_loop3A_276 = arith.index_cast %parallel_loop3A_275 : i32 to index
          %parallel_loop3A_277 = arith.constant 0 : index
          %parallel_loop3A_278 = tpu.vector_load %arg14[%parallel_loop3A_276, %parallel_loop3A_277] {strides = array<i32>} : memref<128x32xf32, #tpu.memory_space<vmem>>, vector<1x16xf32>,
          %parallel_loop3A_279 = vector.shape_cast %parallel_loop3A_278 : vector<1x16xf32> to vector<16xf32>
          %parallel_loop3A_280 = vector.shape_cast %parallel_loop3A_271 : vector<16xf32> to vector<1x16xf32>
          tpu.vector_store %arg14[%parallel_loop3A_276, %parallel_loop3A_277], %parallel_loop3A_280 {strides = array<i32>} : memref<128x32xf32, #tpu.memory_space<vmem>>, vector<1x16xf32>,
          %parallel_loop3A_281 = arith.constant 4 : i32
          %parallel_loop3A_282 = arith.muli %parallel_loop3A_281, %parallel_loop3A_105 : i32
          %parallel_loop3A_283 = arith.constant 3 : i32
          %parallel_loop3A_284 = arith.addi %parallel_loop3A_282, %parallel_loop3A_283 : i32
          %parallel_loop3A_285 = arith.index_cast %parallel_loop3A_284 : i32 to index
          %parallel_loop3A_286 = arith.constant 16 : index
          %parallel_loop3A_287 = tpu.vector_load %arg14[%parallel_loop3A_285, %parallel_loop3A_286] {strides = array<i32>} : memref<128x32xf32, #tpu.memory_space<vmem>>, vector<1x16xf32>,
          %parallel_loop3A_288 = vector.shape_cast %parallel_loop3A_287 : vector<1x16xf32> to vector<16xf32>
          %parallel_loop3A_289 = arith.index_cast %parallel_loop3A_105 : i32 to index
          %parallel_loop3A_290 = arith.constant 112 : index
          %parallel_loop3A_291 = tpu.vector_load %arg15[%parallel_loop3A_289, %parallel_loop3A_290] {strides = array<i32>} : memref<32x128xf32, #tpu.memory_space<vmem>>, vector<1x16xf32>,
          %parallel_loop3A_292 = vector.shape_cast %parallel_loop3A_291 : vector<1x16xf32> to vector<16xf32>
          %parallel_loop3A_293 = arith.addf %parallel_loop3A_288, %parallel_loop3A_292 : vector<16xf32>
          %parallel_loop3A_294 = arith.constant 0.000000e+00 : f32
          %parallel_loop3A_295 = vector.broadcast %parallel_loop3A_294 : f32 to vector<16xf32>
          %parallel_loop3A_296 = arith.maximumf %parallel_loop3A_293, %parallel_loop3A_295 : vector<16xf32>
          %parallel_loop3A_297 = arith.constant 4 : i32
          %parallel_loop3A_298 = arith.muli %parallel_loop3A_297, %parallel_loop3A_105 : i32
          %parallel_loop3A_299 = arith.constant 3 : i32
          %parallel_loop3A_300 = arith.addi %parallel_loop3A_298, %parallel_loop3A_299 : i32
          %parallel_loop3A_301 = arith.index_cast %parallel_loop3A_300 : i32 to index
          %parallel_loop3A_302 = arith.constant 16 : index
          %parallel_loop3A_303 = tpu.vector_load %arg14[%parallel_loop3A_301, %parallel_loop3A_302] {strides = array<i32>} : memref<128x32xf32, #tpu.memory_space<vmem>>, vector<1x16xf32>,
          %parallel_loop3A_304 = vector.shape_cast %parallel_loop3A_303 : vector<1x16xf32> to vector<16xf32>
          %parallel_loop3A_305 = vector.shape_cast %parallel_loop3A_296 : vector<16xf32> to vector<1x16xf32>
          tpu.vector_store %arg14[%parallel_loop3A_301, %parallel_loop3A_302], %parallel_loop3A_305 {strides = array<i32>} : memref<128x32xf32, #tpu.memory_space<vmem>>, vector<1x16xf32>,
        } {sc.loop_unroll_factor = 4 : i64, sc.parallel_access}
        %add3A_103 = arith.constant 1 : i32
        %add3A_104 = arith.addi %mul3A_52, %add3A_103 : i32
        "tpu.region"() ({
          %run_scoped3A = tpu.sem_alloc : memref<!tpu.dma_semaphore, #tpu.memory_space<semaphore_mem>>
          %dma_start3A = arith.constant 0 : i32
          %dma_start3A_105 = tpu.memref_slice %arg11[%add3A_104, %dma_start3A] : memref<34x128xi32, #tpu.memory_space<vmem>> -> memref<1x128xi32, #tpu.memory_space<vmem>>
          %dma_start3A_106 = tpu.memref_squeeze %dma_start3A_105 : memref<1x128xi32, #tpu.memory_space<vmem>> -> memref<128xi32, #tpu.memory_space<vmem>>
          %dma_start3A_107 = arith.constant 0 : i32
          %dma_start3A_108 = arith.constant 0 : i32
          %dma_start3A_109 = tpu.memref_slice %arg16[%dma_start3A_107, %dma_start3A_108] : memref<50048x32xf32, #tpu.memory_space<vmem_shared>> -> memref<50048x32xf32, #tpu.memory_space<vmem_shared>>
          tpu.enqueue_indirect_dma source(%arg14 : memref<128x32xf32, #tpu.memory_space<vmem>>) target(%dma_start3A_109 : memref<50048x32xf32, #tpu.memory_space<vmem_shared>>) offsets(%dma_start3A_106 : memref<128xi32, #tpu.memory_space<vmem>>) semaphore(%run_scoped3A : memref<!tpu.dma_semaphore, #tpu.memory_space<semaphore_mem>>) {add = true}
          %dma_wait3A_110 = arith.constant 0 : i32
          %dma_wait3A_111 = tpu.memref_slice %arg11[%add3A_104, %dma_wait3A_110] : memref<34x128xi32, #tpu.memory_space<vmem>> -> memref<1x128xi32, #tpu.memory_space<vmem>>
          %dma_wait3A_112 = tpu.memref_squeeze %dma_wait3A_111 : memref<1x128xi32, #tpu.memory_space<vmem>> -> memref<128xi32, #tpu.memory_space<vmem>>
          %dma_wait3A_113 = arith.constant 0 : i32
          %dma_wait3A_114 = arith.constant 0 : i32
          %dma_wait3A_115 = tpu.memref_slice %arg16[%dma_wait3A_113, %dma_wait3A_114] : memref<50048x32xf32, #tpu.memory_space<vmem_shared>> -> memref<50048x32xf32, #tpu.memory_space<vmem_shared>>
          tpu.wait_indirect_dma semaphore(%run_scoped3A : memref<!tpu.dma_semaphore, #tpu.memory_space<semaphore_mem>>) src(%arg14 : memref<128x32xf32, #tpu.memory_space<vmem>>) dst(%dma_wait3A_115 : memref<50048x32xf32, #tpu.memory_space<vmem_shared>>)
          tpu.yield
        }) : () -> ()
      }
      %scan3A_49 = arith.constant 17 : i32
    }
    %scan3A_18 = arith.constant 23 : i32
    %barrier3A_19 = arith.constant 0 : index
    tpu.barrier barrier_id(%barrier3A_19)
    %eq3A = arith.constant 0 : i32
    %eq3A_20 = arith.cmpi eq, %arg0, %eq3A : i32
    %convert_element_type3A = arith.extui %eq3A_20 : i1 to i32
    %cond3A = arith.constant 0 : i32
    %cond3A_21 = arith.cmpi ne, %convert_element_type3A, %cond3A : i32
    scf.if %cond3A_21 {
      "tpu.region"() ({
        %run_scoped3A = tpu.sem_alloc : memref<!tpu.dma_semaphore, #tpu.memory_space<semaphore_mem>>
        %dma_start3A = arith.constant 0 : i32
        %dma_start3A_27 = tpu.memref_slice %arg8[%mul3A_0, %dma_start3A] : memref<50048x32xf32, #tpu.memory_space<hbm>> -> memref<3128x32xf32, #tpu.memory_space<hbm>>
        %dma_start3A_28 = arith.constant 0 : i32
        %dma_start3A_29 = tpu.memref_slice %arg16[%mul3A_0, %dma_start3A_28] : memref<50048x32xf32, #tpu.memory_space<vmem_shared>> -> memref<3128x32xf32, #tpu.memory_space<vmem_shared>>
        tpu.enqueue_dma source(%dma_start3A_29 : memref<3128x32xf32, #tpu.memory_space<vmem_shared>>) target(%dma_start3A_27 : memref<3128x32xf32, #tpu.memory_space<hbm>>) target_semaphore(%run_scoped3A : memref<!tpu.dma_semaphore, #tpu.memory_space<semaphore_mem>>)
        %dma_wait3A = arith.constant 0 : i32
        %dma_wait3A_30 = tpu.memref_slice %arg8[%mul3A_0, %dma_wait3A] : memref<50048x32xf32, #tpu.memory_space<hbm>> -> memref<3128x32xf32, #tpu.memory_space<hbm>>
        %dma_wait3A_31 = arith.constant 0 : i32
        %dma_wait3A_32 = tpu.memref_slice %arg16[%mul3A_0, %dma_wait3A_31] : memref<50048x32xf32, #tpu.memory_space<vmem_shared>> -> memref<3128x32xf32, #tpu.memory_space<vmem_shared>>
        tpu.wait_dma2 semaphore(%run_scoped3A : memref<!tpu.dma_semaphore, #tpu.memory_space<semaphore_mem>>) src(%dma_wait3A_32 : memref<3128x32xf32, #tpu.memory_space<vmem_shared>>) dst(%dma_wait3A_30 : memref<3128x32xf32, #tpu.memory_space<hbm>>)
        tpu.yield
      }) : () -> ()
    } else {
    }
    %eq3A_22 = arith.constant 1 : i32
    %eq3A_23 = arith.cmpi eq, %arg0, %eq3A_22 : i32
    %convert_element_type3A_24 = arith.extui %eq3A_23 : i1 to i32
    %cond3A_25 = arith.constant 0 : i32
    %cond3A_26 = arith.cmpi ne, %convert_element_type3A_24, %cond3A_25 : i32
    scf.if %cond3A_26 {
      "tpu.region"() ({
        %run_scoped3A = tpu.sem_alloc : memref<!tpu.dma_semaphore, #tpu.memory_space<semaphore_mem>>
        %dma_start3A = arith.constant 0 : i32
        %dma_start3A_27 = tpu.memref_slice %arg9[%mul3A_0, %dma_start3A] : memref<50048x32xf32, #tpu.memory_space<hbm>> -> memref<3128x32xf32, #tpu.memory_space<hbm>>
        %dma_start3A_28 = arith.constant 0 : i32
        %dma_start3A_29 = tpu.memref_slice %arg16[%mul3A_0, %dma_start3A_28] : memref<50048x32xf32, #tpu.memory_space<vmem_shared>> -> memref<3128x32xf32, #tpu.memory_space<vmem_shared>>
        tpu.enqueue_dma source(%dma_start3A_29 : memref<3128x32xf32, #tpu.memory_space<vmem_shared>>) target(%dma_start3A_27 : memref<3128x32xf32, #tpu.memory_space<hbm>>) target_semaphore(%run_scoped3A : memref<!tpu.dma_semaphore, #tpu.memory_space<semaphore_mem>>)
        %dma_wait3A = arith.constant 0 : i32
        %dma_wait3A_30 = tpu.memref_slice %arg9[%mul3A_0, %dma_wait3A] : memref<50048x32xf32, #tpu.memory_space<hbm>> -> memref<3128x32xf32, #tpu.memory_space<hbm>>
        %dma_wait3A_31 = arith.constant 0 : i32
        %dma_wait3A_32 = tpu.memref_slice %arg16[%mul3A_0, %dma_wait3A_31] : memref<50048x32xf32, #tpu.memory_space<vmem_shared>> -> memref<3128x32xf32, #tpu.memory_space<vmem_shared>>
        tpu.wait_dma2 semaphore(%run_scoped3A : memref<!tpu.dma_semaphore, #tpu.memory_space<semaphore_mem>>) src(%dma_wait3A_32 : memref<3128x32xf32, #tpu.memory_space<vmem_shared>>) dst(%dma_wait3A_30 : memref<3128x32xf32, #tpu.memory_space<hbm>>)
        tpu.yield
      }) : () -> ()
    } else {
    }
    return
  }
}

#map = affine_map<(d0, d1) -> (0, 0, 0)>
#map1 = affine_map<(d0, d1) -> (0, 0)>
module attributes {stable_mosaic.version = 14 : i64} {
  func.func @_deg_body(%arg0: i32, %arg1: i32, %arg2: memref<16x782x128xi32, #tpu.memory_space<hbm>>, %arg3: memref<50048x16xf32, #tpu.memory_space<hbm>>, %arg4: memref<50048x16xf32, #tpu.memory_space<hbm>>, %arg5: memref<17x128xi32, #tpu.memory_space<vmem>>, %arg6: memref<128x16xf32, #tpu.memory_space<vmem>>, %arg7: memref<128x16xf32, #tpu.memory_space<vmem>>, %arg8: memref<50048x16xf32, #tpu.memory_space<vmem_shared>>, %arg9: memref<!tpu.dma_semaphore, #tpu.memory_space<semaphore_mem>>) attributes {dimension_semantics = [#tpu.dimension_semantics<core_parallel>, #tpu.dimension_semantics<subcore_parallel>], iteration_bounds = array<i64: 2, 16>, scalar_prefetch = 0 : i64, scratch_operands = 5 : i64, tpu.core_type = #tpu.core_type<sc_vector_subcore>, window_params = [{transform_indices = #map}, {transform_indices = #map1}, {transform_indices = #map1}]} {
    %mul3A = arith.constant 3128 : i32
    %mul3A_0 = arith.muli %arg1, %mul3A : i32
    %scan3A = arith.constant 0 : i32
    %scan3A_1 = arith.constant 128 : i32
    %scan3A_2 = arith.addi %scan3A, %scan3A_1 : i32
    %scan3A_3 = arith.constant 1 : i32
    scf.for %scan3A_23 = %scan3A to %scan3A_2 step %scan3A_3  : i32 {
      %broadcast_in_dim3A = arith.constant 1.000000e+00 : f32
      %broadcast_in_dim3A_24 = vector.broadcast %broadcast_in_dim3A : f32 to vector<16xf32>
      %swap3A = arith.index_cast %scan3A_23 : i32 to index
      %swap3A_25 = arith.constant 0 : index
      %swap3A_26 = tpu.vector_load %arg6[%swap3A, %swap3A_25] {strides = array<i32>} : memref<128x16xf32, #tpu.memory_space<vmem>>, vector<1x16xf32>,
      %swap3A_27 = vector.shape_cast %swap3A_26 : vector<1x16xf32> to vector<16xf32>
      %swap3A_28 = vector.shape_cast %broadcast_in_dim3A_24 : vector<16xf32> to vector<1x16xf32>
      tpu.vector_store %arg6[%swap3A, %swap3A_25], %swap3A_28 {strides = array<i32>} : memref<128x16xf32, #tpu.memory_space<vmem>>, vector<1x16xf32>,
      %broadcast_in_dim3A_29 = arith.constant 0.000000e+00 : f32
      %broadcast_in_dim3A_30 = vector.broadcast %broadcast_in_dim3A_29 : f32 to vector<16xf32>
      %swap3A_31 = arith.index_cast %scan3A_23 : i32 to index
      %swap3A_32 = arith.constant 0 : index
      %swap3A_33 = tpu.vector_load %arg7[%swap3A_31, %swap3A_32] {strides = array<i32>} : memref<128x16xf32, #tpu.memory_space<vmem>>, vector<1x16xf32>,
      %swap3A_34 = vector.shape_cast %swap3A_33 : vector<1x16xf32> to vector<16xf32>
      %swap3A_35 = vector.shape_cast %broadcast_in_dim3A_30 : vector<16xf32> to vector<1x16xf32>
      tpu.vector_store %arg7[%swap3A_31, %swap3A_32], %swap3A_35 {strides = array<i32>} : memref<128x16xf32, #tpu.memory_space<vmem>>, vector<1x16xf32>,
    }
    %scan3A_4 = arith.constant 128 : i32
    %scan3A_5 = arith.constant 0 : i32
    %scan3A_6 = arith.constant 24 : i32
    %scan3A_7 = arith.addi %scan3A_5, %scan3A_6 : i32
    %scan3A_8 = arith.constant 1 : i32
    scf.for %scan3A_23 = %scan3A_5 to %scan3A_7 step %scan3A_8  : i32 {
      %mul3A_24 = arith.constant 128 : i32
      %mul3A_25 = arith.muli %scan3A_23, %mul3A_24 : i32
      %add3A = arith.addi %mul3A_0, %mul3A_25 : i32
      "tpu.region"() ({
        %run_scoped3A = tpu.sem_alloc : memref<!tpu.dma_semaphore, #tpu.memory_space<semaphore_mem>>
        %dma_start3A = arith.constant 0 : i32
        %dma_start3A_26 = tpu.memref_slice %arg8[%add3A, %dma_start3A] : memref<50048x16xf32, #tpu.memory_space<vmem_shared>> -> memref<128x16xf32, #tpu.memory_space<vmem_shared>>
        %dma_start3A_27 = arith.constant 0 : i32
        %dma_start3A_28 = tpu.memref_slice %arg8[%add3A, %dma_start3A_27] : memref<50048x16xf32, #tpu.memory_space<vmem_shared>> -> memref<128x16xf32, #tpu.memory_space<vmem_shared>>
        tpu.enqueue_dma source(%arg7 : memref<128x16xf32, #tpu.memory_space<vmem>>) target(%dma_start3A_28 : memref<128x16xf32, #tpu.memory_space<vmem_shared>>) target_semaphore(%run_scoped3A : memref<!tpu.dma_semaphore, #tpu.memory_space<semaphore_mem>>)
        %dma_wait3A = arith.constant 0 : i32
        %dma_wait3A_29 = tpu.memref_slice %arg8[%add3A, %dma_wait3A] : memref<50048x16xf32, #tpu.memory_space<vmem_shared>> -> memref<128x16xf32, #tpu.memory_space<vmem_shared>>
        %dma_wait3A_30 = arith.constant 0 : i32
        %dma_wait3A_31 = tpu.memref_slice %arg8[%add3A, %dma_wait3A_30] : memref<50048x16xf32, #tpu.memory_space<vmem_shared>> -> memref<128x16xf32, #tpu.memory_space<vmem_shared>>
        tpu.wait_dma2 semaphore(%run_scoped3A : memref<!tpu.dma_semaphore, #tpu.memory_space<semaphore_mem>>) src(%arg7 : memref<128x16xf32, #tpu.memory_space<vmem>>) dst(%dma_wait3A_31 : memref<128x16xf32, #tpu.memory_space<vmem_shared>>)
        tpu.yield
      }) : () -> ()
    }
    %scan3A_9 = arith.constant 24 : i32
    %barrier3A = arith.constant 0 : index
    tpu.barrier barrier_id(%barrier3A)
    %scan3A_10 = arith.constant 0 : i32
    %scan3A_11 = arith.constant 23 : i32
    %scan3A_12 = arith.addi %scan3A_10, %scan3A_11 : i32
    %scan3A_13 = arith.constant 1 : i32
    scf.for %scan3A_23 = %scan3A_10 to %scan3A_12 step %scan3A_13  : i32 {
      %mul3A_24 = arith.constant 391 : i32
      %mul3A_25 = arith.muli %arg0, %mul3A_24 : i32
      %mul3A_26 = arith.constant 17 : i32
      %mul3A_27 = arith.muli %scan3A_23, %mul3A_26 : i32
      %add3A = arith.addi %mul3A_25, %mul3A_27 : i32
      "tpu.region"() ({
        %run_scoped3A = tpu.sem_alloc : memref<!tpu.dma_semaphore, #tpu.memory_space<semaphore_mem>>
        %dma_start3A = arith.constant 0 : i32
        %dma_start3A_38 = tpu.memref_slice %arg2[%arg1, %add3A, %dma_start3A] : memref<16x782x128xi32, #tpu.memory_space<hbm>> -> memref<1x17x128xi32, #tpu.memory_space<hbm>>
        %dma_start3A_39 = tpu.memref_squeeze %dma_start3A_38 : memref<1x17x128xi32, #tpu.memory_space<hbm>> -> memref<17x128xi32, #tpu.memory_space<hbm>>
        %dma_start3A_40 = arith.constant 0 : i32
        %dma_start3A_41 = tpu.memref_slice %arg2[%arg1, %add3A, %dma_start3A_40] : memref<16x782x128xi32, #tpu.memory_space<hbm>> -> memref<1x17x128xi32, #tpu.memory_space<hbm>>
        %dma_start3A_42 = tpu.memref_squeeze %dma_start3A_41 : memref<1x17x128xi32, #tpu.memory_space<hbm>> -> memref<17x128xi32, #tpu.memory_space<hbm>>
        tpu.enqueue_dma source(%dma_start3A_42 : memref<17x128xi32, #tpu.memory_space<hbm>>) target(%arg5 : memref<17x128xi32, #tpu.memory_space<vmem>>) target_semaphore(%run_scoped3A : memref<!tpu.dma_semaphore, #tpu.memory_space<semaphore_mem>>)
        %dma_wait3A = arith.constant 0 : i32
        %dma_wait3A_43 = tpu.memref_slice %arg2[%arg1, %add3A, %dma_wait3A] : memref<16x782x128xi32, #tpu.memory_space<hbm>> -> memref<1x17x128xi32, #tpu.memory_space<hbm>>
        %dma_wait3A_44 = tpu.memref_squeeze %dma_wait3A_43 : memref<1x17x128xi32, #tpu.memory_space<hbm>> -> memref<17x128xi32, #tpu.memory_space<hbm>>
        %dma_wait3A_45 = arith.constant 0 : i32
        %dma_wait3A_46 = tpu.memref_slice %arg2[%arg1, %add3A, %dma_wait3A_45] : memref<16x782x128xi32, #tpu.memory_space<hbm>> -> memref<1x17x128xi32, #tpu.memory_space<hbm>>
        %dma_wait3A_47 = tpu.memref_squeeze %dma_wait3A_46 : memref<1x17x128xi32, #tpu.memory_space<hbm>> -> memref<17x128xi32, #tpu.memory_space<hbm>>
        tpu.wait_dma2 semaphore(%run_scoped3A : memref<!tpu.dma_semaphore, #tpu.memory_space<semaphore_mem>>) src(%dma_wait3A_47 : memref<17x128xi32, #tpu.memory_space<hbm>>) dst(%arg5 : memref<17x128xi32, #tpu.memory_space<vmem>>)
        tpu.yield
      }) : () -> ()
      %scan3A_28 = arith.constant 0 : i32
      %scan3A_29 = arith.constant 17 : i32
      %scan3A_30 = arith.addi %scan3A_28, %scan3A_29 : i32
      %scan3A_31 = arith.constant 1 : i32
      scf.for %scan3A_38 = %scan3A_28 to %scan3A_30 step %scan3A_31  : i32 {
        %dma_start3A = arith.constant 0 : i32
        %dma_start3A_39 = tpu.memref_slice %arg5[%scan3A_38, %dma_start3A] : memref<17x128xi32, #tpu.memory_space<vmem>> -> memref<1x128xi32, #tpu.memory_space<vmem>>
        %dma_start3A_40 = tpu.memref_squeeze %dma_start3A_39 : memref<1x128xi32, #tpu.memory_space<vmem>> -> memref<128xi32, #tpu.memory_space<vmem>>
        %dma_start3A_41 = arith.constant 0 : i32
        %dma_start3A_42 = arith.constant 0 : i32
        %dma_start3A_43 = tpu.memref_slice %arg8[%dma_start3A_41, %dma_start3A_42] : memref<50048x16xf32, #tpu.memory_space<vmem_shared>> -> memref<50048x16xf32, #tpu.memory_space<vmem_shared>>
        tpu.enqueue_indirect_dma source(%arg6 : memref<128x16xf32, #tpu.memory_space<vmem>>) target(%dma_start3A_43 : memref<50048x16xf32, #tpu.memory_space<vmem_shared>>) offsets(%dma_start3A_40 : memref<128xi32, #tpu.memory_space<vmem>>) semaphore(%arg9 : memref<!tpu.dma_semaphore, #tpu.memory_space<semaphore_mem>>) {add = true}
      }
      %scan3A_32 = arith.constant 17 : i32
      %scan3A_33 = arith.constant 0 : i32
      %scan3A_34 = arith.constant 17 : i32
      %scan3A_35 = arith.addi %scan3A_33, %scan3A_34 : i32
      %scan3A_36 = arith.constant 1 : i32
      scf.for %scan3A_38 = %scan3A_33 to %scan3A_35 step %scan3A_36  : i32 {
        %dma_wait3A = arith.constant 0 : i32
        %dma_wait3A_39 = arith.constant 0 : i32
        %dma_wait3A_40 = tpu.memref_slice %arg3[%dma_wait3A, %dma_wait3A_39] : memref<50048x16xf32, #tpu.memory_space<hbm>> -> memref<128x16xf32, #tpu.memory_space<hbm>>
        %dma_wait3A_41 = arith.constant 0 : i32
        %dma_wait3A_42 = arith.constant 0 : i32
        %dma_wait3A_43 = tpu.memref_slice %arg3[%dma_wait3A_41, %dma_wait3A_42] : memref<50048x16xf32, #tpu.memory_space<hbm>> -> memref<128x16xf32, #tpu.memory_space<hbm>>
        tpu.wait_dma2 semaphore(%arg9 : memref<!tpu.dma_semaphore, #tpu.memory_space<semaphore_mem>>) src(%dma_wait3A_43 : memref<128x16xf32, #tpu.memory_space<hbm>>) dst(%arg6 : memref<128x16xf32, #tpu.memory_space<vmem>>)
      }
      %scan3A_37 = arith.constant 17 : i32
    }
    %scan3A_14 = arith.constant 23 : i32
    %barrier3A_15 = arith.constant 0 : index
    tpu.barrier barrier_id(%barrier3A_15)
    %eq3A = arith.constant 0 : i32
    %eq3A_16 = arith.cmpi eq, %arg0, %eq3A : i32
    %convert_element_type3A = arith.extui %eq3A_16 : i1 to i32
    %cond3A = arith.constant 0 : i32
    %cond3A_17 = arith.cmpi ne, %convert_element_type3A, %cond3A : i32
    scf.if %cond3A_17 {
      "tpu.region"() ({
        %run_scoped3A = tpu.sem_alloc : memref<!tpu.dma_semaphore, #tpu.memory_space<semaphore_mem>>
        %dma_start3A = arith.constant 0 : i32
        %dma_start3A_23 = tpu.memref_slice %arg3[%mul3A_0, %dma_start3A] : memref<50048x16xf32, #tpu.memory_space<hbm>> -> memref<3128x16xf32, #tpu.memory_space<hbm>>
        %dma_start3A_24 = arith.constant 0 : i32
        %dma_start3A_25 = tpu.memref_slice %arg8[%mul3A_0, %dma_start3A_24] : memref<50048x16xf32, #tpu.memory_space<vmem_shared>> -> memref<3128x16xf32, #tpu.memory_space<vmem_shared>>
        tpu.enqueue_dma source(%dma_start3A_25 : memref<3128x16xf32, #tpu.memory_space<vmem_shared>>) target(%dma_start3A_23 : memref<3128x16xf32, #tpu.memory_space<hbm>>) target_semaphore(%run_scoped3A : memref<!tpu.dma_semaphore, #tpu.memory_space<semaphore_mem>>)
        %dma_wait3A = arith.constant 0 : i32
        %dma_wait3A_26 = tpu.memref_slice %arg3[%mul3A_0, %dma_wait3A] : memref<50048x16xf32, #tpu.memory_space<hbm>> -> memref<3128x16xf32, #tpu.memory_space<hbm>>
        %dma_wait3A_27 = arith.constant 0 : i32
        %dma_wait3A_28 = tpu.memref_slice %arg8[%mul3A_0, %dma_wait3A_27] : memref<50048x16xf32, #tpu.memory_space<vmem_shared>> -> memref<3128x16xf32, #tpu.memory_space<vmem_shared>>
        tpu.wait_dma2 semaphore(%run_scoped3A : memref<!tpu.dma_semaphore, #tpu.memory_space<semaphore_mem>>) src(%dma_wait3A_28 : memref<3128x16xf32, #tpu.memory_space<vmem_shared>>) dst(%dma_wait3A_26 : memref<3128x16xf32, #tpu.memory_space<hbm>>)
        tpu.yield
      }) : () -> ()
    } else {
    }
    %eq3A_18 = arith.constant 1 : i32
    %eq3A_19 = arith.cmpi eq, %arg0, %eq3A_18 : i32
    %convert_element_type3A_20 = arith.extui %eq3A_19 : i1 to i32
    %cond3A_21 = arith.constant 0 : i32
    %cond3A_22 = arith.cmpi ne, %convert_element_type3A_20, %cond3A_21 : i32
    scf.if %cond3A_22 {
      "tpu.region"() ({
        %run_scoped3A = tpu.sem_alloc : memref<!tpu.dma_semaphore, #tpu.memory_space<semaphore_mem>>
        %dma_start3A = arith.constant 0 : i32
        %dma_start3A_23 = tpu.memref_slice %arg4[%mul3A_0, %dma_start3A] : memref<50048x16xf32, #tpu.memory_space<hbm>> -> memref<3128x16xf32, #tpu.memory_space<hbm>>
        %dma_start3A_24 = arith.constant 0 : i32
        %dma_start3A_25 = tpu.memref_slice %arg8[%mul3A_0, %dma_start3A_24] : memref<50048x16xf32, #tpu.memory_space<vmem_shared>> -> memref<3128x16xf32, #tpu.memory_space<vmem_shared>>
        tpu.enqueue_dma source(%dma_start3A_25 : memref<3128x16xf32, #tpu.memory_space<vmem_shared>>) target(%dma_start3A_23 : memref<3128x16xf32, #tpu.memory_space<hbm>>) target_semaphore(%run_scoped3A : memref<!tpu.dma_semaphore, #tpu.memory_space<semaphore_mem>>)
        %dma_wait3A = arith.constant 0 : i32
        %dma_wait3A_26 = tpu.memref_slice %arg4[%mul3A_0, %dma_wait3A] : memref<50048x16xf32, #tpu.memory_space<hbm>> -> memref<3128x16xf32, #tpu.memory_space<hbm>>
        %dma_wait3A_27 = arith.constant 0 : i32
        %dma_wait3A_28 = tpu.memref_slice %arg8[%mul3A_0, %dma_wait3A_27] : memref<50048x16xf32, #tpu.memory_space<vmem_shared>> -> memref<3128x16xf32, #tpu.memory_space<vmem_shared>>
        tpu.wait_dma2 semaphore(%run_scoped3A : memref<!tpu.dma_semaphore, #tpu.memory_space<semaphore_mem>>) src(%dma_wait3A_28 : memref<3128x16xf32, #tpu.memory_space<vmem_shared>>) dst(%dma_wait3A_26 : memref<3128x16xf32, #tpu.memory_space<hbm>>)
        tpu.yield
      }) : () -> ()
    } else {
    }
    return
  }
}

#map = affine_map<(d0, d1) -> (0, 0)>
#map1 = affine_map<(d0, d1) -> (0, 0, 0)>
module attributes {stable_mosaic.version = 14 : i64} {
  func.func @_edge_pass_body(%arg0: i32, %arg1: i32, %arg2: memref<50000x32xf32, #tpu.memory_space<hbm>>, %arg3: memref<50000x32xf32, #tpu.memory_space<hbm>>, %arg4: memref<200024x128xf32, #tpu.memory_space<hbm>>, %arg5: memref<200024x128xf32, #tpu.memory_space<hbm>>, %arg6: memref<16x782x128xi32, #tpu.memory_space<hbm>>, %arg7: memref<16x782x128xi32, #tpu.memory_space<hbm>>, %arg8: memref<50048x32xf32, #tpu.memory_space<hbm>>, %arg9: memref<50048x32xf32, #tpu.memory_space<hbm>>, %arg10: memref<34x128xi32, #tpu.memory_space<vmem>>, %arg11: memref<34x128xi32, #tpu.memory_space<vmem>>, %arg12: memref<128x32xf32, #tpu.memory_space<vmem>>, %arg13: memref<32x128xf32, #tpu.memory_space<vmem>>, %arg14: memref<128x32xf32, #tpu.memory_space<vmem>>, %arg15: memref<32x128xf32, #tpu.memory_space<vmem>>, %arg16: memref<50048x32xf32, #tpu.memory_space<vmem_shared>>, %arg17: memref<!tpu.dma_semaphore, #tpu.memory_space<semaphore_mem>>, %arg18: memref<!tpu.dma_semaphore, #tpu.memory_space<semaphore_mem>>) attributes {dimension_semantics = [#tpu.dimension_semantics<core_parallel>, #tpu.dimension_semantics<subcore_parallel>], iteration_bounds = array<i64: 2, 16>, scalar_prefetch = 0 : i64, scratch_operands = 9 : i64, tpu.core_type = #tpu.core_type<sc_vector_subcore>, window_params = [{transform_indices = #map}, {transform_indices = #map}, {transform_indices = #map}, {transform_indices = #map}, {transform_indices = #map1}, {transform_indices = #map1}, {transform_indices = #map}, {transform_indices = #map}]} {
    %mul3A = arith.constant 3128 : i32
    %mul3A_0 = arith.muli %arg1, %mul3A : i32
    %rem3A = arith.constant 8 : i32
    %rem3A_1 = arith.remsi %arg1, %rem3A : i32
    %mul3A_2 = arith.constant 25000 : i32
    %mul3A_3 = arith.muli %rem3A_1, %mul3A_2 : i32
    %scan3A = arith.constant 0 : i32
    %scan3A_4 = arith.constant 128 : i32
    %scan3A_5 = arith.addi %scan3A, %scan3A_4 : i32
    %scan3A_6 = arith.constant 1 : i32
    scf.for %scan3A_27 = %scan3A to %scan3A_5 step %scan3A_6  : i32 {
      %broadcast_in_dim3A = arith.constant 0.000000e+00 : f32
      %broadcast_in_dim3A_28 = vector.broadcast %broadcast_in_dim3A : f32 to vector<16xf32>
      %swap3A = arith.index_cast %scan3A_27 : i32 to index
      %swap3A_29 = arith.constant 0 : index
      %swap3A_30 = tpu.vector_load %arg12[%swap3A, %swap3A_29] {strides = array<i32>} : memref<128x32xf32, #tpu.memory_space<vmem>>, vector<1x16xf32>,
      %swap3A_31 = vector.shape_cast %swap3A_30 : vector<1x16xf32> to vector<16xf32>
      %swap3A_32 = vector.shape_cast %broadcast_in_dim3A_28 : vector<16xf32> to vector<1x16xf32>
      tpu.vector_store %arg12[%swap3A, %swap3A_29], %swap3A_32 {strides = array<i32>} : memref<128x32xf32, #tpu.memory_space<vmem>>, vector<1x16xf32>,
      %broadcast_in_dim3A_33 = arith.constant 0.000000e+00 : f32
      %broadcast_in_dim3A_34 = vector.broadcast %broadcast_in_dim3A_33 : f32 to vector<16xf32>
      %swap3A_35 = arith.index_cast %scan3A_27 : i32 to index
      %swap3A_36 = arith.constant 16 : index
      %swap3A_37 = tpu.vector_load %arg12[%swap3A_35, %swap3A_36] {strides = array<i32>} : memref<128x32xf32, #tpu.memory_space<vmem>>, vector<1x16xf32>,
      %swap3A_38 = vector.shape_cast %swap3A_37 : vector<1x16xf32> to vector<16xf32>
      %swap3A_39 = vector.shape_cast %broadcast_in_dim3A_34 : vector<16xf32> to vector<1x16xf32>
      tpu.vector_store %arg12[%swap3A_35, %swap3A_36], %swap3A_39 {strides = array<i32>} : memref<128x32xf32, #tpu.memory_space<vmem>>, vector<1x16xf32>,
    }
    %scan3A_7 = arith.constant 128 : i32
    %scan3A_8 = arith.constant 0 : i32
    %scan3A_9 = arith.constant 24 : i32
    %scan3A_10 = arith.addi %scan3A_8, %scan3A_9 : i32
    %scan3A_11 = arith.constant 1 : i32
    scf.for %scan3A_27 = %scan3A_8 to %scan3A_10 step %scan3A_11  : i32 {
      %mul3A_28 = arith.constant 128 : i32
      %mul3A_29 = arith.muli %scan3A_27, %mul3A_28 : i32
      %add3A_30 = arith.addi %mul3A_0, %mul3A_29 : i32
      "tpu.region"() ({
        %run_scoped3A = tpu.sem_alloc : memref<!tpu.dma_semaphore, #tpu.memory_space<semaphore_mem>>
        %dma_start3A = arith.constant 0 : i32
        %dma_start3A_31 = tpu.memref_slice %arg16[%add3A_30, %dma_start3A] : memref<50048x32xf32, #tpu.memory_space<vmem_shared>> -> memref<128x32xf32, #tpu.memory_space<vmem_shared>>
        %dma_start3A_32 = arith.constant 0 : i32
        %dma_start3A_33 = tpu.memref_slice %arg16[%add3A_30, %dma_start3A_32] : memref<50048x32xf32, #tpu.memory_space<vmem_shared>> -> memref<128x32xf32, #tpu.memory_space<vmem_shared>>
        tpu.enqueue_dma source(%arg12 : memref<128x32xf32, #tpu.memory_space<vmem>>) target(%dma_start3A_33 : memref<128x32xf32, #tpu.memory_space<vmem_shared>>) target_semaphore(%run_scoped3A : memref<!tpu.dma_semaphore, #tpu.memory_space<semaphore_mem>>)
        %dma_wait3A = arith.constant 0 : i32
        %dma_wait3A_34 = tpu.memref_slice %arg16[%add3A_30, %dma_wait3A] : memref<50048x32xf32, #tpu.memory_space<vmem_shared>> -> memref<128x32xf32, #tpu.memory_space<vmem_shared>>
        %dma_wait3A_35 = arith.constant 0 : i32
        %dma_wait3A_36 = tpu.memref_slice %arg16[%add3A_30, %dma_wait3A_35] : memref<50048x32xf32, #tpu.memory_space<vmem_shared>> -> memref<128x32xf32, #tpu.memory_space<vmem_shared>>
        tpu.wait_dma2 semaphore(%run_scoped3A : memref<!tpu.dma_semaphore, #tpu.memory_space<semaphore_mem>>) src(%arg12 : memref<128x32xf32, #tpu.memory_space<vmem>>) dst(%dma_wait3A_36 : memref<128x32xf32, #tpu.memory_space<vmem_shared>>)
        tpu.yield
      }) : () -> ()
    }
    %scan3A_12 = arith.constant 24 : i32
    %add3A = arith.constant 3072 : i32
    %add3A_13 = arith.addi %mul3A_0, %add3A : i32
    "tpu.region"() ({
      %run_scoped3A = tpu.sem_alloc : memref<!tpu.dma_semaphore, #tpu.memory_space<semaphore_mem>>
      %dma_start3A = arith.constant 0 : i32
      %dma_start3A_27 = arith.constant 0 : i32
      %dma_start3A_28 = tpu.memref_slice %arg12[%dma_start3A, %dma_start3A_27] : memref<128x32xf32, #tpu.memory_space<vmem>> -> memref<56x32xf32, #tpu.memory_space<vmem>>
      %dma_start3A_29 = arith.constant 0 : i32
      %dma_start3A_30 = tpu.memref_slice %arg16[%add3A_13, %dma_start3A_29] : memref<50048x32xf32, #tpu.memory_space<vmem_shared>> -> memref<56x32xf32, #tpu.memory_space<vmem_shared>>
      %dma_start3A_31 = arith.constant 0 : i32
      %dma_start3A_32 = tpu.memref_slice %arg16[%add3A_13, %dma_start3A_31] : memref<50048x32xf32, #tpu.memory_space<vmem_shared>> -> memref<56x32xf32, #tpu.memory_space<vmem_shared>>
      %dma_start3A_33 = arith.constant 0 : i32
      %dma_start3A_34 = arith.constant 0 : i32
      %dma_start3A_35 = tpu.memref_slice %arg12[%dma_start3A_33, %dma_start3A_34] : memref<128x32xf32, #tpu.memory_space<vmem>> -> memref<56x32xf32, #tpu.memory_space<vmem>>
      tpu.enqueue_dma source(%dma_start3A_35 : memref<56x32xf32, #tpu.memory_space<vmem>>) target(%dma_start3A_32 : memref<56x32xf32, #tpu.memory_space<vmem_shared>>) target_semaphore(%run_scoped3A : memref<!tpu.dma_semaphore, #tpu.memory_space<semaphore_mem>>)
      %dma_wait3A = arith.constant 0 : i32
      %dma_wait3A_36 = arith.constant 0 : i32
      %dma_wait3A_37 = tpu.memref_slice %arg12[%dma_wait3A, %dma_wait3A_36] : memref<128x32xf32, #tpu.memory_space<vmem>> -> memref<56x32xf32, #tpu.memory_space<vmem>>
      %dma_wait3A_38 = arith.constant 0 : i32
      %dma_wait3A_39 = tpu.memref_slice %arg16[%add3A_13, %dma_wait3A_38] : memref<50048x32xf32, #tpu.memory_space<vmem_shared>> -> memref<56x32xf32, #tpu.memory_space<vmem_shared>>
      %dma_wait3A_40 = arith.constant 0 : i32
      %dma_wait3A_41 = tpu.memref_slice %arg16[%add3A_13, %dma_wait3A_40] : memref<50048x32xf32, #tpu.memory_space<vmem_shared>> -> memref<56x32xf32, #tpu.memory_space<vmem_shared>>
      %dma_wait3A_42 = arith.constant 0 : i32
      %dma_wait3A_43 = arith.constant 0 : i32
      %dma_wait3A_44 = tpu.memref_slice %arg12[%dma_wait3A_42, %dma_wait3A_43] : memref<128x32xf32, #tpu.memory_space<vmem>> -> memref<56x32xf32, #tpu.memory_space<vmem>>
      tpu.wait_dma2 semaphore(%run_scoped3A : memref<!tpu.dma_semaphore, #tpu.memory_space<semaphore_mem>>) src(%dma_wait3A_44 : memref<56x32xf32, #tpu.memory_space<vmem>>) dst(%dma_wait3A_41 : memref<56x32xf32, #tpu.memory_space<vmem_shared>>)
      tpu.yield
    }) : () -> ()
    %barrier3A = arith.constant 0 : index
    tpu.barrier barrier_id(%barrier3A)
    %scan3A_14 = arith.constant 0 : i32
    %scan3A_15 = arith.constant 23 : i32
    %scan3A_16 = arith.addi %scan3A_14, %scan3A_15 : i32
    %scan3A_17 = arith.constant 1 : i32
    scf.for %scan3A_27 = %scan3A_14 to %scan3A_16 step %scan3A_17  : i32 {
      %mul3A_28 = arith.constant 34 : i32
      %mul3A_29 = arith.muli %scan3A_27, %mul3A_28 : i32
      "tpu.region"() ({
        %run_scoped3A = tpu.sem_alloc : memref<!tpu.dma_semaphore, #tpu.memory_space<semaphore_mem>>
        %dma_start3A = arith.constant 0 : i32
        %dma_start3A_50 = tpu.memref_slice %arg6[%arg1, %mul3A_29, %dma_start3A] : memref<16x782x128xi32, #tpu.memory_space<hbm>> -> memref<1x34x128xi32, #tpu.memory_space<hbm>>
        %dma_start3A_51 = tpu.memref_squeeze %dma_start3A_50 : memref<1x34x128xi32, #tpu.memory_space<hbm>> -> memref<34x128xi32, #tpu.memory_space<hbm>>
        %dma_start3A_52 = arith.constant 0 : i32
        %dma_start3A_53 = tpu.memref_slice %arg6[%arg1, %mul3A_29, %dma_start3A_52] : memref<16x782x128xi32, #tpu.memory_space<hbm>> -> memref<1x34x128xi32, #tpu.memory_space<hbm>>
        %dma_start3A_54 = tpu.memref_squeeze %dma_start3A_53 : memref<1x34x128xi32, #tpu.memory_space<hbm>> -> memref<34x128xi32, #tpu.memory_space<hbm>>
        tpu.enqueue_dma source(%dma_start3A_54 : memref<34x128xi32, #tpu.memory_space<hbm>>) target(%arg10 : memref<34x128xi32, #tpu.memory_space<vmem>>) target_semaphore(%run_scoped3A : memref<!tpu.dma_semaphore, #tpu.memory_space<semaphore_mem>>)
        %dma_wait3A = arith.constant 0 : i32
        %dma_wait3A_55 = tpu.memref_slice %arg6[%arg1, %mul3A_29, %dma_wait3A] : memref<16x782x128xi32, #tpu.memory_space<hbm>> -> memref<1x34x128xi32, #tpu.memory_space<hbm>>
        %dma_wait3A_56 = tpu.memref_squeeze %dma_wait3A_55 : memref<1x34x128xi32, #tpu.memory_space<hbm>> -> memref<34x128xi32, #tpu.memory_space<hbm>>
        %dma_wait3A_57 = arith.constant 0 : i32
        %dma_wait3A_58 = tpu.memref_slice %arg6[%arg1, %mul3A_29, %dma_wait3A_57] : memref<16x782x128xi32, #tpu.memory_space<hbm>> -> memref<1x34x128xi32, #tpu.memory_space<hbm>>
        %dma_wait3A_59 = tpu.memref_squeeze %dma_wait3A_58 : memref<1x34x128xi32, #tpu.memory_space<hbm>> -> memref<34x128xi32, #tpu.memory_space<hbm>>
        tpu.wait_dma2 semaphore(%run_scoped3A : memref<!tpu.dma_semaphore, #tpu.memory_space<semaphore_mem>>) src(%dma_wait3A_59 : memref<34x128xi32, #tpu.memory_space<hbm>>) dst(%arg10 : memref<34x128xi32, #tpu.memory_space<vmem>>)
        tpu.yield
      }) : () -> ()
      "tpu.region"() ({
        %run_scoped3A = tpu.sem_alloc : memref<!tpu.dma_semaphore, #tpu.memory_space<semaphore_mem>>
        %dma_start3A = arith.constant 0 : i32
        %dma_start3A_50 = tpu.memref_slice %arg7[%arg1, %mul3A_29, %dma_start3A] : memref<16x782x128xi32, #tpu.memory_space<hbm>> -> memref<1x34x128xi32, #tpu.memory_space<hbm>>
        %dma_start3A_51 = tpu.memref_squeeze %dma_start3A_50 : memref<1x34x128xi32, #tpu.memory_space<hbm>> -> memref<34x128xi32, #tpu.memory_space<hbm>>
        %dma_start3A_52 = arith.constant 0 : i32
        %dma_start3A_53 = tpu.memref_slice %arg7[%arg1, %mul3A_29, %dma_start3A_52] : memref<16x782x128xi32, #tpu.memory_space<hbm>> -> memref<1x34x128xi32, #tpu.memory_space<hbm>>
        %dma_start3A_54 = tpu.memref_squeeze %dma_start3A_53 : memref<1x34x128xi32, #tpu.memory_space<hbm>> -> memref<34x128xi32, #tpu.memory_space<hbm>>
        tpu.enqueue_dma source(%dma_start3A_54 : memref<34x128xi32, #tpu.memory_space<hbm>>) target(%arg11 : memref<34x128xi32, #tpu.memory_space<vmem>>) target_semaphore(%run_scoped3A : memref<!tpu.dma_semaphore, #tpu.memory_space<semaphore_mem>>)
        %dma_wait3A = arith.constant 0 : i32
        %dma_wait3A_55 = tpu.memref_slice %arg7[%arg1, %mul3A_29, %dma_wait3A] : memref<16x782x128xi32, #tpu.memory_space<hbm>> -> memref<1x34x128xi32, #tpu.memory_space<hbm>>
        %dma_wait3A_56 = tpu.memref_squeeze %dma_wait3A_55 : memref<1x34x128xi32, #tpu.memory_space<hbm>> -> memref<34x128xi32, #tpu.memory_space<hbm>>
        %dma_wait3A_57 = arith.constant 0 : i32
        %dma_wait3A_58 = tpu.memref_slice %arg7[%arg1, %mul3A_29, %dma_wait3A_57] : memref<16x782x128xi32, #tpu.memory_space<hbm>> -> memref<1x34x128xi32, #tpu.memory_space<hbm>>
        %dma_wait3A_59 = tpu.memref_squeeze %dma_wait3A_58 : memref<1x34x128xi32, #tpu.memory_space<hbm>> -> memref<34x128xi32, #tpu.memory_space<hbm>>
        tpu.wait_dma2 semaphore(%run_scoped3A : memref<!tpu.dma_semaphore, #tpu.memory_space<semaphore_mem>>) src(%dma_wait3A_59 : memref<34x128xi32, #tpu.memory_space<hbm>>) dst(%arg11 : memref<34x128xi32, #tpu.memory_space<vmem>>)
        tpu.yield
      }) : () -> ()
      %mul3A_30 = arith.constant 32 : i32
      %mul3A_31 = arith.muli %mul3A_29, %mul3A_30 : i32
      %add3A_32 = arith.addi %mul3A_3, %mul3A_31 : i32
      %eq3A_33 = arith.constant 0 : i32
      %eq3A_34 = arith.cmpi eq, %arg0, %eq3A_33 : i32
      %convert_element_type3A_35 = arith.extui %eq3A_34 : i1 to i32
      %cond3A_36 = arith.constant 0 : i32
      %cond3A_37 = arith.constant 0 : i32
      %cond3A_38 = arith.cmpi ne, %convert_element_type3A_35, %cond3A_37 : i32
      scf.if %cond3A_38 {
        %dma_start3A = arith.constant 0 : i32
        %dma_start3A_50 = tpu.memref_slice %arg10[%cond3A_36, %dma_start3A] : memref<34x128xi32, #tpu.memory_space<vmem>> -> memref<1x128xi32, #tpu.memory_space<vmem>>
        %dma_start3A_51 = tpu.memref_squeeze %dma_start3A_50 : memref<1x128xi32, #tpu.memory_space<vmem>> -> memref<128xi32, #tpu.memory_space<vmem>>
        %dma_start3A_52 = arith.constant 0 : i32
        %dma_start3A_53 = arith.constant 0 : i32
        %dma_start3A_54 = tpu.memref_slice %arg2[%dma_start3A_52, %dma_start3A_53] : memref<50000x32xf32, #tpu.memory_space<hbm>> -> memref<50000x32xf32, #tpu.memory_space<hbm>>
        tpu.enqueue_indirect_dma source(%dma_start3A_54 : memref<50000x32xf32, #tpu.memory_space<hbm>>) target(%arg12 : memref<128x32xf32, #tpu.memory_space<vmem>>) offsets(%dma_start3A_51 : memref<128xi32, #tpu.memory_space<vmem>>) semaphore(%arg17 : memref<!tpu.dma_semaphore, #tpu.memory_space<semaphore_mem>>)
        %dma_start3A_55 = arith.constant 0 : i32
        %dma_start3A_56 = tpu.memref_slice %arg4[%add3A_32, %dma_start3A_55] : memref<200024x128xf32, #tpu.memory_space<hbm>> -> memref<32x128xf32, #tpu.memory_space<hbm>>
        %dma_start3A_57 = arith.constant 0 : i32
        %dma_start3A_58 = tpu.memref_slice %arg4[%add3A_32, %dma_start3A_57] : memref<200024x128xf32, #tpu.memory_space<hbm>> -> memref<32x128xf32, #tpu.memory_space<hbm>>
        tpu.enqueue_dma source(%dma_start3A_58 : memref<32x128xf32, #tpu.memory_space<hbm>>) target(%arg13 : memref<32x128xf32, #tpu.memory_space<vmem>>) target_semaphore(%arg17 : memref<!tpu.dma_semaphore, #tpu.memory_space<semaphore_mem>>)
      } else {
      }
      %eq3A_39 = arith.constant 1 : i32
      %eq3A_40 = arith.cmpi eq, %arg0, %eq3A_39 : i32
      %convert_element_type3A_41 = arith.extui %eq3A_40 : i1 to i32
      %cond3A_42 = arith.constant 0 : i32
      %cond3A_43 = arith.constant 0 : i32
      %cond3A_44 = arith.cmpi ne, %convert_element_type3A_41, %cond3A_43 : i32
      scf.if %cond3A_44 {
        %dma_start3A = arith.constant 0 : i32
        %dma_start3A_50 = tpu.memref_slice %arg10[%cond3A_42, %dma_start3A] : memref<34x128xi32, #tpu.memory_space<vmem>> -> memref<1x128xi32, #tpu.memory_space<vmem>>
        %dma_start3A_51 = tpu.memref_squeeze %dma_start3A_50 : memref<1x128xi32, #tpu.memory_space<vmem>> -> memref<128xi32, #tpu.memory_space<vmem>>
        %dma_start3A_52 = arith.constant 0 : i32
        %dma_start3A_53 = arith.constant 0 : i32
        %dma_start3A_54 = tpu.memref_slice %arg3[%dma_start3A_52, %dma_start3A_53] : memref<50000x32xf32, #tpu.memory_space<hbm>> -> memref<50000x32xf32, #tpu.memory_space<hbm>>
        tpu.enqueue_indirect_dma source(%dma_start3A_54 : memref<50000x32xf32, #tpu.memory_space<hbm>>) target(%arg12 : memref<128x32xf32, #tpu.memory_space<vmem>>) offsets(%dma_start3A_51 : memref<128xi32, #tpu.memory_space<vmem>>) semaphore(%arg17 : memref<!tpu.dma_semaphore, #tpu.memory_space<semaphore_mem>>)
        %dma_start3A_55 = arith.constant 0 : i32
        %dma_start3A_56 = tpu.memref_slice %arg5[%add3A_32, %dma_start3A_55] : memref<200024x128xf32, #tpu.memory_space<hbm>> -> memref<32x128xf32, #tpu.memory_space<hbm>>
        %dma_start3A_57 = arith.constant 0 : i32
        %dma_start3A_58 = tpu.memref_slice %arg5[%add3A_32, %dma_start3A_57] : memref<200024x128xf32, #tpu.memory_space<hbm>> -> memref<32x128xf32, #tpu.memory_space<hbm>>
        tpu.enqueue_dma source(%dma_start3A_58 : memref<32x128xf32, #tpu.memory_space<hbm>>) target(%arg13 : memref<32x128xf32, #tpu.memory_space<vmem>>) target_semaphore(%arg17 : memref<!tpu.dma_semaphore, #tpu.memory_space<semaphore_mem>>)
      } else {
      }
      %scan3A_45 = arith.constant 0 : i32
      %scan3A_46 = arith.constant 17 : i32
      %scan3A_47 = arith.addi %scan3A_45, %scan3A_46 : i32
      %scan3A_48 = arith.constant 1 : i32
      scf.for %scan3A_50 = %scan3A_45 to %scan3A_47 step %scan3A_48  : i32 {
        %mul3A_51 = arith.constant 2 : i32
        %mul3A_52 = arith.muli %mul3A_51, %scan3A_50 : i32
        %add3A_53 = arith.constant 1 : i32
        %add3A_54 = arith.addi %mul3A_52, %add3A_53 : i32
        %add3A_55 = arith.addi %mul3A_29, %mul3A_52 : i32
        %add3A_56 = arith.constant 1 : i32
        %add3A_57 = arith.addi %add3A_55, %add3A_56 : i32
        %mul3A_58 = arith.constant 32 : i32
        %mul3A_59 = arith.muli %add3A_57, %mul3A_58 : i32
        %add3A_60 = arith.addi %mul3A_3, %mul3A_59 : i32
        %eq3A_61 = arith.constant 0 : i32
        %eq3A_62 = arith.cmpi eq, %arg0, %eq3A_61 : i32
        %convert_element_type3A_63 = arith.extui %eq3A_62 : i1 to i32
        %cond3A_64 = arith.constant 0 : i32
        %cond3A_65 = arith.cmpi ne, %convert_element_type3A_63, %cond3A_64 : i32
        scf.if %cond3A_65 {
          %dma_start3A = arith.constant 0 : i32
          %dma_start3A_105 = tpu.memref_slice %arg10[%add3A_54, %dma_start3A] : memref<34x128xi32, #tpu.memory_space<vmem>> -> memref<1x128xi32, #tpu.memory_space<vmem>>
          %dma_start3A_106 = tpu.memref_squeeze %dma_start3A_105 : memref<1x128xi32, #tpu.memory_space<vmem>> -> memref<128xi32, #tpu.memory_space<vmem>>
          %dma_start3A_107 = arith.constant 0 : i32
          %dma_start3A_108 = arith.constant 0 : i32
          %dma_start3A_109 = tpu.memref_slice %arg2[%dma_start3A_107, %dma_start3A_108] : memref<50000x32xf32, #tpu.memory_space<hbm>> -> memref<50000x32xf32, #tpu.memory_space<hbm>>
          tpu.enqueue_indirect_dma source(%dma_start3A_109 : memref<50000x32xf32, #tpu.memory_space<hbm>>) target(%arg14 : memref<128x32xf32, #tpu.memory_space<vmem>>) offsets(%dma_start3A_106 : memref<128xi32, #tpu.memory_space<vmem>>) semaphore(%arg18 : memref<!tpu.dma_semaphore, #tpu.memory_space<semaphore_mem>>)
          %dma_start3A_110 = arith.constant 0 : i32
          %dma_start3A_111 = tpu.memref_slice %arg4[%add3A_60, %dma_start3A_110] : memref<200024x128xf32, #tpu.memory_space<hbm>> -> memref<32x128xf32, #tpu.memory_space<hbm>>
          %dma_start3A_112 = arith.constant 0 : i32
          %dma_start3A_113 = tpu.memref_slice %arg4[%add3A_60, %dma_start3A_112] : memref<200024x128xf32, #tpu.memory_space<hbm>> -> memref<32x128xf32, #tpu.memory_space<hbm>>
          tpu.enqueue_dma source(%dma_start3A_113 : memref<32x128xf32, #tpu.memory_space<hbm>>) target(%arg15 : memref<32x128xf32, #tpu.memory_space<vmem>>) target_semaphore(%arg18 : memref<!tpu.dma_semaphore, #tpu.memory_space<semaphore_mem>>)
        } else {
        }
        %eq3A_66 = arith.constant 1 : i32
        %eq3A_67 = arith.cmpi eq, %arg0, %eq3A_66 : i32
        %convert_element_type3A_68 = arith.extui %eq3A_67 : i1 to i32
        %cond3A_69 = arith.constant 0 : i32
        %cond3A_70 = arith.cmpi ne, %convert_element_type3A_68, %cond3A_69 : i32
        scf.if %cond3A_70 {
          %dma_start3A = arith.constant 0 : i32
          %dma_start3A_105 = tpu.memref_slice %arg10[%add3A_54, %dma_start3A] : memref<34x128xi32, #tpu.memory_space<vmem>> -> memref<1x128xi32, #tpu.memory_space<vmem>>
          %dma_start3A_106 = tpu.memref_squeeze %dma_start3A_105 : memref<1x128xi32, #tpu.memory_space<vmem>> -> memref<128xi32, #tpu.memory_space<vmem>>
          %dma_start3A_107 = arith.constant 0 : i32
          %dma_start3A_108 = arith.constant 0 : i32
          %dma_start3A_109 = tpu.memref_slice %arg3[%dma_start3A_107, %dma_start3A_108] : memref<50000x32xf32, #tpu.memory_space<hbm>> -> memref<50000x32xf32, #tpu.memory_space<hbm>>
          tpu.enqueue_indirect_dma source(%dma_start3A_109 : memref<50000x32xf32, #tpu.memory_space<hbm>>) target(%arg14 : memref<128x32xf32, #tpu.memory_space<vmem>>) offsets(%dma_start3A_106 : memref<128xi32, #tpu.memory_space<vmem>>) semaphore(%arg18 : memref<!tpu.dma_semaphore, #tpu.memory_space<semaphore_mem>>)
          %dma_start3A_110 = arith.constant 0 : i32
          %dma_start3A_111 = tpu.memref_slice %arg5[%add3A_60, %dma_start3A_110] : memref<200024x128xf32, #tpu.memory_space<hbm>> -> memref<32x128xf32, #tpu.memory_space<hbm>>
          %dma_start3A_112 = arith.constant 0 : i32
          %dma_start3A_113 = tpu.memref_slice %arg5[%add3A_60, %dma_start3A_112] : memref<200024x128xf32, #tpu.memory_space<hbm>> -> memref<32x128xf32, #tpu.memory_space<hbm>>
          tpu.enqueue_dma source(%dma_start3A_113 : memref<32x128xf32, #tpu.memory_space<hbm>>) target(%arg15 : memref<32x128xf32, #tpu.memory_space<vmem>>) target_semaphore(%arg18 : memref<!tpu.dma_semaphore, #tpu.memory_space<semaphore_mem>>)
        } else {
        }
        %dma_wait3A = arith.constant 0 : i32
        %dma_wait3A_71 = arith.constant 0 : i32
        %dma_wait3A_72 = tpu.memref_slice %arg2[%dma_wait3A, %dma_wait3A_71] : memref<50000x32xf32, #tpu.memory_space<hbm>> -> memref<128x32xf32, #tpu.memory_space<hbm>>
        %dma_wait3A_73 = arith.constant 0 : i32
        %dma_wait3A_74 = arith.constant 0 : i32
        %dma_wait3A_75 = tpu.memref_slice %arg2[%dma_wait3A_73, %dma_wait3A_74] : memref<50000x32xf32, #tpu.memory_space<hbm>> -> memref<128x32xf32, #tpu.memory_space<hbm>>
        tpu.wait_dma2 semaphore(%arg17 : memref<!tpu.dma_semaphore, #tpu.memory_space<semaphore_mem>>) src(%dma_wait3A_75 : memref<128x32xf32, #tpu.memory_space<hbm>>) dst(%arg12 : memref<128x32xf32, #tpu.memory_space<vmem>>)
        %dma_wait3A_76 = arith.constant 0 : i32
        %dma_wait3A_77 = arith.constant 0 : i32
        %dma_wait3A_78 = tpu.memref_slice %arg4[%dma_wait3A_76, %dma_wait3A_77] : memref<200024x128xf32, #tpu.memory_space<hbm>> -> memref<32x128xf32, #tpu.memory_space<hbm>>
        %dma_wait3A_79 = arith.constant 0 : i32
        %dma_wait3A_80 = arith.constant 0 : i32
        %dma_wait3A_81 = tpu.memref_slice %arg4[%dma_wait3A_79, %dma_wait3A_80] : memref<200024x128xf32, #tpu.memory_space<hbm>> -> memref<32x128xf32, #tpu.memory_space<hbm>>
        tpu.wait_dma2 semaphore(%arg17 : memref<!tpu.dma_semaphore, #tpu.memory_space<semaphore_mem>>) src(%dma_wait3A_81 : memref<32x128xf32, #tpu.memory_space<hbm>>) dst(%arg13 : memref<32x128xf32, #tpu.memory_space<vmem>>)
        %parallel_loop3A = arith.constant 0 : i32
        %parallel_loop3A_82 = arith.constant 32 : i32
        %parallel_loop3A_83 = arith.constant 1 : i32
        scf.for %parallel_loop3A_105 = %parallel_loop3A to %parallel_loop3A_82 step %parallel_loop3A_83  : i32 {
          %parallel_loop3A_106 = arith.constant 4 : i32
          %parallel_loop3A_107 = arith.muli %parallel_loop3A_106, %parallel_loop3A_105 : i32
          %parallel_loop3A_108 = arith.constant 0 : i32
          %parallel_loop3A_109 = arith.addi %parallel_loop3A_107, %parallel_loop3A_108 : i32
          %parallel_loop3A_110 = arith.index_cast %parallel_loop3A_109 : i32 to index
          %parallel_loop3A_111 = arith.constant 0 : index
          %parallel_loop3A_112 = tpu.vector_load %arg12[%parallel_loop3A_110, %parallel_loop3A_111] {strides = array<i32>} : memref<128x32xf32, #tpu.memory_space<vmem>>, vector<1x16xf32>,
          %parallel_loop3A_113 = vector.shape_cast %parallel_loop3A_112 : vector<1x16xf32> to vector<16xf32>
          %parallel_loop3A_114 = arith.index_cast %parallel_loop3A_105 : i32 to index
          %parallel_loop3A_115 = arith.constant 0 : index
          %parallel_loop3A_116 = tpu.vector_load %arg13[%parallel_loop3A_114, %parallel_loop3A_115] {strides = array<i32>} : memref<32x128xf32, #tpu.memory_space<vmem>>, vector<1x16xf32>,
          %parallel_loop3A_117 = vector.shape_cast %parallel_loop3A_116 : vector<1x16xf32> to vector<16xf32>
          %parallel_loop3A_118 = arith.addf %parallel_loop3A_113, %parallel_loop3A_117 : vector<16xf32>
          %parallel_loop3A_119 = arith.constant 0.000000e+00 : f32
          %parallel_loop3A_120 = vector.broadcast %parallel_loop3A_119 : f32 to vector<16xf32>
          %parallel_loop3A_121 = arith.maximumf %parallel_loop3A_118, %parallel_loop3A_120 : vector<16xf32>
          %parallel_loop3A_122 = arith.constant 4 : i32
          %parallel_loop3A_123 = arith.muli %parallel_loop3A_122, %parallel_loop3A_105 : i32
          %parallel_loop3A_124 = arith.constant 0 : i32
          %parallel_loop3A_125 = arith.addi %parallel_loop3A_123, %parallel_loop3A_124 : i32
          %parallel_loop3A_126 = arith.index_cast %parallel_loop3A_125 : i32 to index
          %parallel_loop3A_127 = arith.constant 0 : index
          %parallel_loop3A_128 = tpu.vector_load %arg12[%parallel_loop3A_126, %parallel_loop3A_127] {strides = array<i32>} : memref<128x32xf32, #tpu.memory_space<vmem>>, vector<1x16xf32>,
          %parallel_loop3A_129 = vector.shape_cast %parallel_loop3A_128 : vector<1x16xf32> to vector<16xf32>
          %parallel_loop3A_130 = vector.shape_cast %parallel_loop3A_121 : vector<16xf32> to vector<1x16xf32>
          tpu.vector_store %arg12[%parallel_loop3A_126, %parallel_loop3A_127], %parallel_loop3A_130 {strides = array<i32>} : memref<128x32xf32, #tpu.memory_space<vmem>>, vector<1x16xf32>,
          %parallel_loop3A_131 = arith.constant 4 : i32
          %parallel_loop3A_132 = arith.muli %parallel_loop3A_131, %parallel_loop3A_105 : i32
          %parallel_loop3A_133 = arith.constant 0 : i32
          %parallel_loop3A_134 = arith.addi %parallel_loop3A_132, %parallel_loop3A_133 : i32
          %parallel_loop3A_135 = arith.index_cast %parallel_loop3A_134 : i32 to index
          %parallel_loop3A_136 = arith.constant 16 : index
          %parallel_loop3A_137 = tpu.vector_load %arg12[%parallel_loop3A_135, %parallel_loop3A_136] {strides = array<i32>} : memref<128x32xf32, #tpu.memory_space<vmem>>, vector<1x16xf32>,
          %parallel_loop3A_138 = vector.shape_cast %parallel_loop3A_137 : vector<1x16xf32> to vector<16xf32>
          %parallel_loop3A_139 = arith.index_cast %parallel_loop3A_105 : i32 to index
          %parallel_loop3A_140 = arith.constant 16 : index
          %parallel_loop3A_141 = tpu.vector_load %arg13[%parallel_loop3A_139, %parallel_loop3A_140] {strides = array<i32>} : memref<32x128xf32, #tpu.memory_space<vmem>>, vector<1x16xf32>,
          %parallel_loop3A_142 = vector.shape_cast %parallel_loop3A_141 : vector<1x16xf32> to vector<16xf32>
          %parallel_loop3A_143 = arith.addf %parallel_loop3A_138, %parallel_loop3A_142 : vector<16xf32>
          %parallel_loop3A_144 = arith.constant 0.000000e+00 : f32
          %parallel_loop3A_145 = vector.broadcast %parallel_loop3A_144 : f32 to vector<16xf32>
          %parallel_loop3A_146 = arith.maximumf %parallel_loop3A_143, %parallel_loop3A_145 : vector<16xf32>
          %parallel_loop3A_147 = arith.constant 4 : i32
          %parallel_loop3A_148 = arith.muli %parallel_loop3A_147, %parallel_loop3A_105 : i32
          %parallel_loop3A_149 = arith.constant 0 : i32
          %parallel_loop3A_150 = arith.addi %parallel_loop3A_148, %parallel_loop3A_149 : i32
          %parallel_loop3A_151 = arith.index_cast %parallel_loop3A_150 : i32 to index
          %parallel_loop3A_152 = arith.constant 16 : index
          %parallel_loop3A_153 = tpu.vector_load %arg12[%parallel_loop3A_151, %parallel_loop3A_152] {strides = array<i32>} : memref<128x32xf32, #tpu.memory_space<vmem>>, vector<1x16xf32>,
          %parallel_loop3A_154 = vector.shape_cast %parallel_loop3A_153 : vector<1x16xf32> to vector<16xf32>
          %parallel_loop3A_155 = vector.shape_cast %parallel_loop3A_146 : vector<16xf32> to vector<1x16xf32>
          tpu.vector_store %arg12[%parallel_loop3A_151, %parallel_loop3A_152], %parallel_loop3A_155 {strides = array<i32>} : memref<128x32xf32, #tpu.memory_space<vmem>>, vector<1x16xf32>,
          %parallel_loop3A_156 = arith.constant 4 : i32
          %parallel_loop3A_157 = arith.muli %parallel_loop3A_156, %parallel_loop3A_105 : i32
          %parallel_loop3A_158 = arith.constant 1 : i32
          %parallel_loop3A_159 = arith.addi %parallel_loop3A_157, %parallel_loop3A_158 : i32
          %parallel_loop3A_160 = arith.index_cast %parallel_loop3A_159 : i32 to index
          %parallel_loop3A_161 = arith.constant 0 : index
          %parallel_loop3A_162 = tpu.vector_load %arg12[%parallel_loop3A_160, %parallel_loop3A_161] {strides = array<i32>} : memref<128x32xf32, #tpu.memory_space<vmem>>, vector<1x16xf32>,
          %parallel_loop3A_163 = vector.shape_cast %parallel_loop3A_162 : vector<1x16xf32> to vector<16xf32>
          %parallel_loop3A_164 = arith.index_cast %parallel_loop3A_105 : i32 to index
          %parallel_loop3A_165 = arith.constant 32 : index
          %parallel_loop3A_166 = tpu.vector_load %arg13[%parallel_loop3A_164, %parallel_loop3A_165] {strides = array<i32>} : memref<32x128xf32, #tpu.memory_space<vmem>>, vector<1x16xf32>,
          %parallel_loop3A_167 = vector.shape_cast %parallel_loop3A_166 : vector<1x16xf32> to vector<16xf32>
          %parallel_loop3A_168 = arith.addf %parallel_loop3A_163, %parallel_loop3A_167 : vector<16xf32>
          %parallel_loop3A_169 = arith.constant 0.000000e+00 : f32
          %parallel_loop3A_170 = vector.broadcast %parallel_loop3A_169 : f32 to vector<16xf32>
          %parallel_loop3A_171 = arith.maximumf %parallel_loop3A_168, %parallel_loop3A_170 : vector<16xf32>
          %parallel_loop3A_172 = arith.constant 4 : i32
          %parallel_loop3A_173 = arith.muli %parallel_loop3A_172, %parallel_loop3A_105 : i32
          %parallel_loop3A_174 = arith.constant 1 : i32
          %parallel_loop3A_175 = arith.addi %parallel_loop3A_173, %parallel_loop3A_174 : i32
          %parallel_loop3A_176 = arith.index_cast %parallel_loop3A_175 : i32 to index
          %parallel_loop3A_177 = arith.constant 0 : index
          %parallel_loop3A_178 = tpu.vector_load %arg12[%parallel_loop3A_176, %parallel_loop3A_177] {strides = array<i32>} : memref<128x32xf32, #tpu.memory_space<vmem>>, vector<1x16xf32>,
          %parallel_loop3A_179 = vector.shape_cast %parallel_loop3A_178 : vector<1x16xf32> to vector<16xf32>
          %parallel_loop3A_180 = vector.shape_cast %parallel_loop3A_171 : vector<16xf32> to vector<1x16xf32>
          tpu.vector_store %arg12[%parallel_loop3A_176, %parallel_loop3A_177], %parallel_loop3A_180 {strides = array<i32>} : memref<128x32xf32, #tpu.memory_space<vmem>>, vector<1x16xf32>,
          %parallel_loop3A_181 = arith.constant 4 : i32
          %parallel_loop3A_182 = arith.muli %parallel_loop3A_181, %parallel_loop3A_105 : i32
          %parallel_loop3A_183 = arith.constant 1 : i32
          %parallel_loop3A_184 = arith.addi %parallel_loop3A_182, %parallel_loop3A_183 : i32
          %parallel_loop3A_185 = arith.index_cast %parallel_loop3A_184 : i32 to index
          %parallel_loop3A_186 = arith.constant 16 : index
          %parallel_loop3A_187 = tpu.vector_load %arg12[%parallel_loop3A_185, %parallel_loop3A_186] {strides = array<i32>} : memref<128x32xf32, #tpu.memory_space<vmem>>, vector<1x16xf32>,
          %parallel_loop3A_188 = vector.shape_cast %parallel_loop3A_187 : vector<1x16xf32> to vector<16xf32>
          %parallel_loop3A_189 = arith.index_cast %parallel_loop3A_105 : i32 to index
          %parallel_loop3A_190 = arith.constant 48 : index
          %parallel_loop3A_191 = tpu.vector_load %arg13[%parallel_loop3A_189, %parallel_loop3A_190] {strides = array<i32>} : memref<32x128xf32, #tpu.memory_space<vmem>>, vector<1x16xf32>,
          %parallel_loop3A_192 = vector.shape_cast %parallel_loop3A_191 : vector<1x16xf32> to vector<16xf32>
          %parallel_loop3A_193 = arith.addf %parallel_loop3A_188, %parallel_loop3A_192 : vector<16xf32>
          %parallel_loop3A_194 = arith.constant 0.000000e+00 : f32
          %parallel_loop3A_195 = vector.broadcast %parallel_loop3A_194 : f32 to vector<16xf32>
          %parallel_loop3A_196 = arith.maximumf %parallel_loop3A_193, %parallel_loop3A_195 : vector<16xf32>
          %parallel_loop3A_197 = arith.constant 4 : i32
          %parallel_loop3A_198 = arith.muli %parallel_loop3A_197, %parallel_loop3A_105 : i32
          %parallel_loop3A_199 = arith.constant 1 : i32
          %parallel_loop3A_200 = arith.addi %parallel_loop3A_198, %parallel_loop3A_199 : i32
          %parallel_loop3A_201 = arith.index_cast %parallel_loop3A_200 : i32 to index
          %parallel_loop3A_202 = arith.constant 16 : index
          %parallel_loop3A_203 = tpu.vector_load %arg12[%parallel_loop3A_201, %parallel_loop3A_202] {strides = array<i32>} : memref<128x32xf32, #tpu.memory_space<vmem>>, vector<1x16xf32>,
          %parallel_loop3A_204 = vector.shape_cast %parallel_loop3A_203 : vector<1x16xf32> to vector<16xf32>
          %parallel_loop3A_205 = vector.shape_cast %parallel_loop3A_196 : vector<16xf32> to vector<1x16xf32>
          tpu.vector_store %arg12[%parallel_loop3A_201, %parallel_loop3A_202], %parallel_loop3A_205 {strides = array<i32>} : memref<128x32xf32, #tpu.memory_space<vmem>>, vector<1x16xf32>,
          %parallel_loop3A_206 = arith.constant 4 : i32
          %parallel_loop3A_207 = arith.muli %parallel_loop3A_206, %parallel_loop3A_105 : i32
          %parallel_loop3A_208 = arith.constant 2 : i32
          %parallel_loop3A_209 = arith.addi %parallel_loop3A_207, %parallel_loop3A_208 : i32
          %parallel_loop3A_210 = arith.index_cast %parallel_loop3A_209 : i32 to index
          %parallel_loop3A_211 = arith.constant 0 : index
          %parallel_loop3A_212 = tpu.vector_load %arg12[%parallel_loop3A_210, %parallel_loop3A_211] {strides = array<i32>} : memref<128x32xf32, #tpu.memory_space<vmem>>, vector<1x16xf32>,
          %parallel_loop3A_213 = vector.shape_cast %parallel_loop3A_212 : vector<1x16xf32> to vector<16xf32>
          %parallel_loop3A_214 = arith.index_cast %parallel_loop3A_105 : i32 to index
          %parallel_loop3A_215 = arith.constant 64 : index
          %parallel_loop3A_216 = tpu.vector_load %arg13[%parallel_loop3A_214, %parallel_loop3A_215] {strides = array<i32>} : memref<32x128xf32, #tpu.memory_space<vmem>>, vector<1x16xf32>,
          %parallel_loop3A_217 = vector.shape_cast %parallel_loop3A_216 : vector<1x16xf32> to vector<16xf32>
          %parallel_loop3A_218 = arith.addf %parallel_loop3A_213, %parallel_loop3A_217 : vector<16xf32>
          %parallel_loop3A_219 = arith.constant 0.000000e+00 : f32
          %parallel_loop3A_220 = vector.broadcast %parallel_loop3A_219 : f32 to vector<16xf32>
          %parallel_loop3A_221 = arith.maximumf %parallel_loop3A_218, %parallel_loop3A_220 : vector<16xf32>
          %parallel_loop3A_222 = arith.constant 4 : i32
          %parallel_loop3A_223 = arith.muli %parallel_loop3A_222, %parallel_loop3A_105 : i32
          %parallel_loop3A_224 = arith.constant 2 : i32
          %parallel_loop3A_225 = arith.addi %parallel_loop3A_223, %parallel_loop3A_224 : i32
          %parallel_loop3A_226 = arith.index_cast %parallel_loop3A_225 : i32 to index
          %parallel_loop3A_227 = arith.constant 0 : index
          %parallel_loop3A_228 = tpu.vector_load %arg12[%parallel_loop3A_226, %parallel_loop3A_227] {strides = array<i32>} : memref<128x32xf32, #tpu.memory_space<vmem>>, vector<1x16xf32>,
          %parallel_loop3A_229 = vector.shape_cast %parallel_loop3A_228 : vector<1x16xf32> to vector<16xf32>
          %parallel_loop3A_230 = vector.shape_cast %parallel_loop3A_221 : vector<16xf32> to vector<1x16xf32>
          tpu.vector_store %arg12[%parallel_loop3A_226, %parallel_loop3A_227], %parallel_loop3A_230 {strides = array<i32>} : memref<128x32xf32, #tpu.memory_space<vmem>>, vector<1x16xf32>,
          %parallel_loop3A_231 = arith.constant 4 : i32
          %parallel_loop3A_232 = arith.muli %parallel_loop3A_231, %parallel_loop3A_105 : i32
          %parallel_loop3A_233 = arith.constant 2 : i32
          %parallel_loop3A_234 = arith.addi %parallel_loop3A_232, %parallel_loop3A_233 : i32
          %parallel_loop3A_235 = arith.index_cast %parallel_loop3A_234 : i32 to index
          %parallel_loop3A_236 = arith.constant 16 : index
          %parallel_loop3A_237 = tpu.vector_load %arg12[%parallel_loop3A_235, %parallel_loop3A_236] {strides = array<i32>} : memref<128x32xf32, #tpu.memory_space<vmem>>, vector<1x16xf32>,
          %parallel_loop3A_238 = vector.shape_cast %parallel_loop3A_237 : vector<1x16xf32> to vector<16xf32>
          %parallel_loop3A_239 = arith.index_cast %parallel_loop3A_105 : i32 to index
          %parallel_loop3A_240 = arith.constant 80 : index
          %parallel_loop3A_241 = tpu.vector_load %arg13[%parallel_loop3A_239, %parallel_loop3A_240] {strides = array<i32>} : memref<32x128xf32, #tpu.memory_space<vmem>>, vector<1x16xf32>,
          %parallel_loop3A_242 = vector.shape_cast %parallel_loop3A_241 : vector<1x16xf32> to vector<16xf32>
          %parallel_loop3A_243 = arith.addf %parallel_loop3A_238, %parallel_loop3A_242 : vector<16xf32>
          %parallel_loop3A_244 = arith.constant 0.000000e+00 : f32
          %parallel_loop3A_245 = vector.broadcast %parallel_loop3A_244 : f32 to vector<16xf32>
          %parallel_loop3A_246 = arith.maximumf %parallel_loop3A_243, %parallel_loop3A_245 : vector<16xf32>
          %parallel_loop3A_247 = arith.constant 4 : i32
          %parallel_loop3A_248 = arith.muli %parallel_loop3A_247, %parallel_loop3A_105 : i32
          %parallel_loop3A_249 = arith.constant 2 : i32
          %parallel_loop3A_250 = arith.addi %parallel_loop3A_248, %parallel_loop3A_249 : i32
          %parallel_loop3A_251 = arith.index_cast %parallel_loop3A_250 : i32 to index
          %parallel_loop3A_252 = arith.constant 16 : index
          %parallel_loop3A_253 = tpu.vector_load %arg12[%parallel_loop3A_251, %parallel_loop3A_252] {strides = array<i32>} : memref<128x32xf32, #tpu.memory_space<vmem>>, vector<1x16xf32>,
          %parallel_loop3A_254 = vector.shape_cast %parallel_loop3A_253 : vector<1x16xf32> to vector<16xf32>
          %parallel_loop3A_255 = vector.shape_cast %parallel_loop3A_246 : vector<16xf32> to vector<1x16xf32>
          tpu.vector_store %arg12[%parallel_loop3A_251, %parallel_loop3A_252], %parallel_loop3A_255 {strides = array<i32>} : memref<128x32xf32, #tpu.memory_space<vmem>>, vector<1x16xf32>,
          %parallel_loop3A_256 = arith.constant 4 : i32
          %parallel_loop3A_257 = arith.muli %parallel_loop3A_256, %parallel_loop3A_105 : i32
          %parallel_loop3A_258 = arith.constant 3 : i32
          %parallel_loop3A_259 = arith.addi %parallel_loop3A_257, %parallel_loop3A_258 : i32
          %parallel_loop3A_260 = arith.index_cast %parallel_loop3A_259 : i32 to index
          %parallel_loop3A_261 = arith.constant 0 : index
          %parallel_loop3A_262 = tpu.vector_load %arg12[%parallel_loop3A_260, %parallel_loop3A_261] {strides = array<i32>} : memref<128x32xf32, #tpu.memory_space<vmem>>, vector<1x16xf32>,
          %parallel_loop3A_263 = vector.shape_cast %parallel_loop3A_262 : vector<1x16xf32> to vector<16xf32>
          %parallel_loop3A_264 = arith.index_cast %parallel_loop3A_105 : i32 to index
          %parallel_loop3A_265 = arith.constant 96 : index
          %parallel_loop3A_266 = tpu.vector_load %arg13[%parallel_loop3A_264, %parallel_loop3A_265] {strides = array<i32>} : memref<32x128xf32, #tpu.memory_space<vmem>>, vector<1x16xf32>,
          %parallel_loop3A_267 = vector.shape_cast %parallel_loop3A_266 : vector<1x16xf32> to vector<16xf32>
          %parallel_loop3A_268 = arith.addf %parallel_loop3A_263, %parallel_loop3A_267 : vector<16xf32>
          %parallel_loop3A_269 = arith.constant 0.000000e+00 : f32
          %parallel_loop3A_270 = vector.broadcast %parallel_loop3A_269 : f32 to vector<16xf32>
          %parallel_loop3A_271 = arith.maximumf %parallel_loop3A_268, %parallel_loop3A_270 : vector<16xf32>
          %parallel_loop3A_272 = arith.constant 4 : i32
          %parallel_loop3A_273 = arith.muli %parallel_loop3A_272, %parallel_loop3A_105 : i32
          %parallel_loop3A_274 = arith.constant 3 : i32
          %parallel_loop3A_275 = arith.addi %parallel_loop3A_273, %parallel_loop3A_274 : i32
          %parallel_loop3A_276 = arith.index_cast %parallel_loop3A_275 : i32 to index
          %parallel_loop3A_277 = arith.constant 0 : index
          %parallel_loop3A_278 = tpu.vector_load %arg12[%parallel_loop3A_276, %parallel_loop3A_277] {strides = array<i32>} : memref<128x32xf32, #tpu.memory_space<vmem>>, vector<1x16xf32>,
          %parallel_loop3A_279 = vector.shape_cast %parallel_loop3A_278 : vector<1x16xf32> to vector<16xf32>
          %parallel_loop3A_280 = vector.shape_cast %parallel_loop3A_271 : vector<16xf32> to vector<1x16xf32>
          tpu.vector_store %arg12[%parallel_loop3A_276, %parallel_loop3A_277], %parallel_loop3A_280 {strides = array<i32>} : memref<128x32xf32, #tpu.memory_space<vmem>>, vector<1x16xf32>,
          %parallel_loop3A_281 = arith.constant 4 : i32
          %parallel_loop3A_282 = arith.muli %parallel_loop3A_281, %parallel_loop3A_105 : i32
          %parallel_loop3A_283 = arith.constant 3 : i32
          %parallel_loop3A_284 = arith.addi %parallel_loop3A_282, %parallel_loop3A_283 : i32
          %parallel_loop3A_285 = arith.index_cast %parallel_loop3A_284 : i32 to index
          %parallel_loop3A_286 = arith.constant 16 : index
          %parallel_loop3A_287 = tpu.vector_load %arg12[%parallel_loop3A_285, %parallel_loop3A_286] {strides = array<i32>} : memref<128x32xf32, #tpu.memory_space<vmem>>, vector<1x16xf32>,
          %parallel_loop3A_288 = vector.shape_cast %parallel_loop3A_287 : vector<1x16xf32> to vector<16xf32>
          %parallel_loop3A_289 = arith.index_cast %parallel_loop3A_105 : i32 to index
          %parallel_loop3A_290 = arith.constant 112 : index
          %parallel_loop3A_291 = tpu.vector_load %arg13[%parallel_loop3A_289, %parallel_loop3A_290] {strides = array<i32>} : memref<32x128xf32, #tpu.memory_space<vmem>>, vector<1x16xf32>,
          %parallel_loop3A_292 = vector.shape_cast %parallel_loop3A_291 : vector<1x16xf32> to vector<16xf32>
          %parallel_loop3A_293 = arith.addf %parallel_loop3A_288, %parallel_loop3A_292 : vector<16xf32>
          %parallel_loop3A_294 = arith.constant 0.000000e+00 : f32
          %parallel_loop3A_295 = vector.broadcast %parallel_loop3A_294 : f32 to vector<16xf32>
          %parallel_loop3A_296 = arith.maximumf %parallel_loop3A_293, %parallel_loop3A_295 : vector<16xf32>
          %parallel_loop3A_297 = arith.constant 4 : i32
          %parallel_loop3A_298 = arith.muli %parallel_loop3A_297, %parallel_loop3A_105 : i32
          %parallel_loop3A_299 = arith.constant 3 : i32
          %parallel_loop3A_300 = arith.addi %parallel_loop3A_298, %parallel_loop3A_299 : i32
          %parallel_loop3A_301 = arith.index_cast %parallel_loop3A_300 : i32 to index
          %parallel_loop3A_302 = arith.constant 16 : index
          %parallel_loop3A_303 = tpu.vector_load %arg12[%parallel_loop3A_301, %parallel_loop3A_302] {strides = array<i32>} : memref<128x32xf32, #tpu.memory_space<vmem>>, vector<1x16xf32>,
          %parallel_loop3A_304 = vector.shape_cast %parallel_loop3A_303 : vector<1x16xf32> to vector<16xf32>
          %parallel_loop3A_305 = vector.shape_cast %parallel_loop3A_296 : vector<16xf32> to vector<1x16xf32>
          tpu.vector_store %arg12[%parallel_loop3A_301, %parallel_loop3A_302], %parallel_loop3A_305 {strides = array<i32>} : memref<128x32xf32, #tpu.memory_space<vmem>>, vector<1x16xf32>,
        } {sc.loop_unroll_factor = 4 : i64, sc.parallel_access}
        "tpu.region"() ({
          %run_scoped3A = tpu.sem_alloc : memref<!tpu.dma_semaphore, #tpu.memory_space<semaphore_mem>>
          %dma_start3A = arith.constant 0 : i32
          %dma_start3A_105 = tpu.memref_slice %arg11[%mul3A_52, %dma_start3A] : memref<34x128xi32, #tpu.memory_space<vmem>> -> memref<1x128xi32, #tpu.memory_space<vmem>>
          %dma_start3A_106 = tpu.memref_squeeze %dma_start3A_105 : memref<1x128xi32, #tpu.memory_space<vmem>> -> memref<128xi32, #tpu.memory_space<vmem>>
          %dma_start3A_107 = arith.constant 0 : i32
          %dma_start3A_108 = arith.constant 0 : i32
          %dma_start3A_109 = tpu.memref_slice %arg16[%dma_start3A_107, %dma_start3A_108] : memref<50048x32xf32, #tpu.memory_space<vmem_shared>> -> memref<50048x32xf32, #tpu.memory_space<vmem_shared>>
          tpu.enqueue_indirect_dma source(%arg12 : memref<128x32xf32, #tpu.memory_space<vmem>>) target(%dma_start3A_109 : memref<50048x32xf32, #tpu.memory_space<vmem_shared>>) offsets(%dma_start3A_106 : memref<128xi32, #tpu.memory_space<vmem>>) semaphore(%run_scoped3A : memref<!tpu.dma_semaphore, #tpu.memory_space<semaphore_mem>>) {add = true}
          %dma_wait3A_110 = arith.constant 0 : i32
          %dma_wait3A_111 = tpu.memref_slice %arg11[%mul3A_52, %dma_wait3A_110] : memref<34x128xi32, #tpu.memory_space<vmem>> -> memref<1x128xi32, #tpu.memory_space<vmem>>
          %dma_wait3A_112 = tpu.memref_squeeze %dma_wait3A_111 : memref<1x128xi32, #tpu.memory_space<vmem>> -> memref<128xi32, #tpu.memory_space<vmem>>
          %dma_wait3A_113 = arith.constant 0 : i32
          %dma_wait3A_114 = arith.constant 0 : i32
          %dma_wait3A_115 = tpu.memref_slice %arg16[%dma_wait3A_113, %dma_wait3A_114] : memref<50048x32xf32, #tpu.memory_space<vmem_shared>> -> memref<50048x32xf32, #tpu.memory_space<vmem_shared>>
          tpu.wait_indirect_dma semaphore(%run_scoped3A : memref<!tpu.dma_semaphore, #tpu.memory_space<semaphore_mem>>) src(%arg12 : memref<128x32xf32, #tpu.memory_space<vmem>>) dst(%dma_wait3A_115 : memref<50048x32xf32, #tpu.memory_space<vmem_shared>>)
          tpu.yield
        }) : () -> ()
        %lt3A = arith.constant 16 : i32
        %lt3A_84 = arith.cmpi slt, %scan3A_50, %lt3A : i32
        %convert_element_type3A_85 = arith.extui %lt3A_84 : i1 to i32
        %cond3A_86 = arith.constant 0 : i32
        %cond3A_87 = arith.cmpi ne, %convert_element_type3A_85, %cond3A_86 : i32
        scf.if %cond3A_87 {
          %add3A_105 = arith.constant 2 : i32
          %add3A_106 = arith.addi %mul3A_52, %add3A_105 : i32
          %add3A_107 = arith.addi %mul3A_29, %mul3A_52 : i32
          %add3A_108 = arith.constant 2 : i32
          %add3A_109 = arith.addi %add3A_107, %add3A_108 : i32
          %mul3A_110 = arith.constant 32 : i32
          %mul3A_111 = arith.muli %add3A_109, %mul3A_110 : i32
          %add3A_112 = arith.addi %mul3A_3, %mul3A_111 : i32
          %eq3A_113 = arith.constant 0 : i32
          %eq3A_114 = arith.cmpi eq, %arg0, %eq3A_113 : i32
          %convert_element_type3A_115 = arith.extui %eq3A_114 : i1 to i32
          %cond3A_116 = arith.constant 0 : i32
          %cond3A_117 = arith.cmpi ne, %convert_element_type3A_115, %cond3A_116 : i32
          scf.if %cond3A_117 {
            %dma_start3A = arith.constant 0 : i32
            %dma_start3A_123 = tpu.memref_slice %arg10[%add3A_106, %dma_start3A] : memref<34x128xi32, #tpu.memory_space<vmem>> -> memref<1x128xi32, #tpu.memory_space<vmem>>
            %dma_start3A_124 = tpu.memref_squeeze %dma_start3A_123 : memref<1x128xi32, #tpu.memory_space<vmem>> -> memref<128xi32, #tpu.memory_space<vmem>>
            %dma_start3A_125 = arith.constant 0 : i32
            %dma_start3A_126 = arith.constant 0 : i32
            %dma_start3A_127 = tpu.memref_slice %arg2[%dma_start3A_125, %dma_start3A_126] : memref<50000x32xf32, #tpu.memory_space<hbm>> -> memref<50000x32xf32, #tpu.memory_space<hbm>>
            tpu.enqueue_indirect_dma source(%dma_start3A_127 : memref<50000x32xf32, #tpu.memory_space<hbm>>) target(%arg12 : memref<128x32xf32, #tpu.memory_space<vmem>>) offsets(%dma_start3A_124 : memref<128xi32, #tpu.memory_space<vmem>>) semaphore(%arg17 : memref<!tpu.dma_semaphore, #tpu.memory_space<semaphore_mem>>)
            %dma_start3A_128 = arith.constant 0 : i32
            %dma_start3A_129 = tpu.memref_slice %arg4[%add3A_112, %dma_start3A_128] : memref<200024x128xf32, #tpu.memory_space<hbm>> -> memref<32x128xf32, #tpu.memory_space<hbm>>
            %dma_start3A_130 = arith.constant 0 : i32
            %dma_start3A_131 = tpu.memref_slice %arg4[%add3A_112, %dma_start3A_130] : memref<200024x128xf32, #tpu.memory_space<hbm>> -> memref<32x128xf32, #tpu.memory_space<hbm>>
            tpu.enqueue_dma source(%dma_start3A_131 : memref<32x128xf32, #tpu.memory_space<hbm>>) target(%arg13 : memref<32x128xf32, #tpu.memory_space<vmem>>) target_semaphore(%arg17 : memref<!tpu.dma_semaphore, #tpu.memory_space<semaphore_mem>>)
          } else {
          }
          %eq3A_118 = arith.constant 1 : i32
          %eq3A_119 = arith.cmpi eq, %arg0, %eq3A_118 : i32
          %convert_element_type3A_120 = arith.extui %eq3A_119 : i1 to i32
          %cond3A_121 = arith.constant 0 : i32
          %cond3A_122 = arith.cmpi ne, %convert_element_type3A_120, %cond3A_121 : i32
          scf.if %cond3A_122 {
            %dma_start3A = arith.constant 0 : i32
            %dma_start3A_123 = tpu.memref_slice %arg10[%add3A_106, %dma_start3A] : memref<34x128xi32, #tpu.memory_space<vmem>> -> memref<1x128xi32, #tpu.memory_space<vmem>>
            %dma_start3A_124 = tpu.memref_squeeze %dma_start3A_123 : memref<1x128xi32, #tpu.memory_space<vmem>> -> memref<128xi32, #tpu.memory_space<vmem>>
            %dma_start3A_125 = arith.constant 0 : i32
            %dma_start3A_126 = arith.constant 0 : i32
            %dma_start3A_127 = tpu.memref_slice %arg3[%dma_start3A_125, %dma_start3A_126] : memref<50000x32xf32, #tpu.memory_space<hbm>> -> memref<50000x32xf32, #tpu.memory_space<hbm>>
            tpu.enqueue_indirect_dma source(%dma_start3A_127 : memref<50000x32xf32, #tpu.memory_space<hbm>>) target(%arg12 : memref<128x32xf32, #tpu.memory_space<vmem>>) offsets(%dma_start3A_124 : memref<128xi32, #tpu.memory_space<vmem>>) semaphore(%arg17 : memref<!tpu.dma_semaphore, #tpu.memory_space<semaphore_mem>>)
            %dma_start3A_128 = arith.constant 0 : i32
            %dma_start3A_129 = tpu.memref_slice %arg5[%add3A_112, %dma_start3A_128] : memref<200024x128xf32, #tpu.memory_space<hbm>> -> memref<32x128xf32, #tpu.memory_space<hbm>>
            %dma_start3A_130 = arith.constant 0 : i32
            %dma_start3A_131 = tpu.memref_slice %arg5[%add3A_112, %dma_start3A_130] : memref<200024x128xf32, #tpu.memory_space<hbm>> -> memref<32x128xf32, #tpu.memory_space<hbm>>
            tpu.enqueue_dma source(%dma_start3A_131 : memref<32x128xf32, #tpu.memory_space<hbm>>) target(%arg13 : memref<32x128xf32, #tpu.memory_space<vmem>>) target_semaphore(%arg17 : memref<!tpu.dma_semaphore, #tpu.memory_space<semaphore_mem>>)
          } else {
          }
        } else {
        }
        %dma_wait3A_88 = arith.constant 0 : i32
        %dma_wait3A_89 = arith.constant 0 : i32
        %dma_wait3A_90 = tpu.memref_slice %arg2[%dma_wait3A_88, %dma_wait3A_89] : memref<50000x32xf32, #tpu.memory_space<hbm>> -> memref<128x32xf32, #tpu.memory_space<hbm>>
        %dma_wait3A_91 = arith.constant 0 : i32
        %dma_wait3A_92 = arith.constant 0 : i32
        %dma_wait3A_93 = tpu.memref_slice %arg2[%dma_wait3A_91, %dma_wait3A_92] : memref<50000x32xf32, #tpu.memory_space<hbm>> -> memref<128x32xf32, #tpu.memory_space<hbm>>
        tpu.wait_dma2 semaphore(%arg18 : memref<!tpu.dma_semaphore, #tpu.memory_space<semaphore_mem>>) src(%dma_wait3A_93 : memref<128x32xf32, #tpu.memory_space<hbm>>) dst(%arg14 : memref<128x32xf32, #tpu.memory_space<vmem>>)
        %dma_wait3A_94 = arith.constant 0 : i32
        %dma_wait3A_95 = arith.constant 0 : i32
        %dma_wait3A_96 = tpu.memref_slice %arg4[%dma_wait3A_94, %dma_wait3A_95] : memref<200024x128xf32, #tpu.memory_space<hbm>> -> memref<32x128xf32, #tpu.memory_space<hbm>>
        %dma_wait3A_97 = arith.constant 0 : i32
        %dma_wait3A_98 = arith.constant 0 : i32
        %dma_wait3A_99 = tpu.memref_slice %arg4[%dma_wait3A_97, %dma_wait3A_98] : memref<200024x128xf32, #tpu.memory_space<hbm>> -> memref<32x128xf32, #tpu.memory_space<hbm>>
        tpu.wait_dma2 semaphore(%arg18 : memref<!tpu.dma_semaphore, #tpu.memory_space<semaphore_mem>>) src(%dma_wait3A_99 : memref<32x128xf32, #tpu.memory_space<hbm>>) dst(%arg15 : memref<32x128xf32, #tpu.memory_space<vmem>>)
        %parallel_loop3A_100 = arith.constant 0 : i32
        %parallel_loop3A_101 = arith.constant 32 : i32
        %parallel_loop3A_102 = arith.constant 1 : i32
        scf.for %parallel_loop3A_105 = %parallel_loop3A_100 to %parallel_loop3A_101 step %parallel_loop3A_102  : i32 {
          %parallel_loop3A_106 = arith.constant 4 : i32
          %parallel_loop3A_107 = arith.muli %parallel_loop3A_106, %parallel_loop3A_105 : i32
          %parallel_loop3A_108 = arith.constant 0 : i32
          %parallel_loop3A_109 = arith.addi %parallel_loop3A_107, %parallel_loop3A_108 : i32
          %parallel_loop3A_110 = arith.index_cast %parallel_loop3A_109 : i32 to index
          %parallel_loop3A_111 = arith.constant 0 : index
          %parallel_loop3A_112 = tpu.vector_load %arg14[%parallel_loop3A_110, %parallel_loop3A_111] {strides = array<i32>} : memref<128x32xf32, #tpu.memory_space<vmem>>, vector<1x16xf32>,
          %parallel_loop3A_113 = vector.shape_cast %parallel_loop3A_112 : vector<1x16xf32> to vector<16xf32>
          %parallel_loop3A_114 = arith.index_cast %parallel_loop3A_105 : i32 to index
          %parallel_loop3A_115 = arith.constant 0 : index
          %parallel_loop3A_116 = tpu.vector_load %arg15[%parallel_loop3A_114, %parallel_loop3A_115] {strides = array<i32>} : memref<32x128xf32, #tpu.memory_space<vmem>>, vector<1x16xf32>,
          %parallel_loop3A_117 = vector.shape_cast %parallel_loop3A_116 : vector<1x16xf32> to vector<16xf32>
          %parallel_loop3A_118 = arith.addf %parallel_loop3A_113, %parallel_loop3A_117 : vector<16xf32>
          %parallel_loop3A_119 = arith.constant 0.000000e+00 : f32
          %parallel_loop3A_120 = vector.broadcast %parallel_loop3A_119 : f32 to vector<16xf32>
          %parallel_loop3A_121 = arith.maximumf %parallel_loop3A_118, %parallel_loop3A_120 : vector<16xf32>
          %parallel_loop3A_122 = arith.constant 4 : i32
          %parallel_loop3A_123 = arith.muli %parallel_loop3A_122, %parallel_loop3A_105 : i32
          %parallel_loop3A_124 = arith.constant 0 : i32
          %parallel_loop3A_125 = arith.addi %parallel_loop3A_123, %parallel_loop3A_124 : i32
          %parallel_loop3A_126 = arith.index_cast %parallel_loop3A_125 : i32 to index
          %parallel_loop3A_127 = arith.constant 0 : index
          %parallel_loop3A_128 = tpu.vector_load %arg14[%parallel_loop3A_126, %parallel_loop3A_127] {strides = array<i32>} : memref<128x32xf32, #tpu.memory_space<vmem>>, vector<1x16xf32>,
          %parallel_loop3A_129 = vector.shape_cast %parallel_loop3A_128 : vector<1x16xf32> to vector<16xf32>
          %parallel_loop3A_130 = vector.shape_cast %parallel_loop3A_121 : vector<16xf32> to vector<1x16xf32>
          tpu.vector_store %arg14[%parallel_loop3A_126, %parallel_loop3A_127], %parallel_loop3A_130 {strides = array<i32>} : memref<128x32xf32, #tpu.memory_space<vmem>>, vector<1x16xf32>,
          %parallel_loop3A_131 = arith.constant 4 : i32
          %parallel_loop3A_132 = arith.muli %parallel_loop3A_131, %parallel_loop3A_105 : i32
          %parallel_loop3A_133 = arith.constant 0 : i32
          %parallel_loop3A_134 = arith.addi %parallel_loop3A_132, %parallel_loop3A_133 : i32
          %parallel_loop3A_135 = arith.index_cast %parallel_loop3A_134 : i32 to index
          %parallel_loop3A_136 = arith.constant 16 : index
          %parallel_loop3A_137 = tpu.vector_load %arg14[%parallel_loop3A_135, %parallel_loop3A_136] {strides = array<i32>} : memref<128x32xf32, #tpu.memory_space<vmem>>, vector<1x16xf32>,
          %parallel_loop3A_138 = vector.shape_cast %parallel_loop3A_137 : vector<1x16xf32> to vector<16xf32>
          %parallel_loop3A_139 = arith.index_cast %parallel_loop3A_105 : i32 to index
          %parallel_loop3A_140 = arith.constant 16 : index
          %parallel_loop3A_141 = tpu.vector_load %arg15[%parallel_loop3A_139, %parallel_loop3A_140] {strides = array<i32>} : memref<32x128xf32, #tpu.memory_space<vmem>>, vector<1x16xf32>,
          %parallel_loop3A_142 = vector.shape_cast %parallel_loop3A_141 : vector<1x16xf32> to vector<16xf32>
          %parallel_loop3A_143 = arith.addf %parallel_loop3A_138, %parallel_loop3A_142 : vector<16xf32>
          %parallel_loop3A_144 = arith.constant 0.000000e+00 : f32
          %parallel_loop3A_145 = vector.broadcast %parallel_loop3A_144 : f32 to vector<16xf32>
          %parallel_loop3A_146 = arith.maximumf %parallel_loop3A_143, %parallel_loop3A_145 : vector<16xf32>
          %parallel_loop3A_147 = arith.constant 4 : i32
          %parallel_loop3A_148 = arith.muli %parallel_loop3A_147, %parallel_loop3A_105 : i32
          %parallel_loop3A_149 = arith.constant 0 : i32
          %parallel_loop3A_150 = arith.addi %parallel_loop3A_148, %parallel_loop3A_149 : i32
          %parallel_loop3A_151 = arith.index_cast %parallel_loop3A_150 : i32 to index
          %parallel_loop3A_152 = arith.constant 16 : index
          %parallel_loop3A_153 = tpu.vector_load %arg14[%parallel_loop3A_151, %parallel_loop3A_152] {strides = array<i32>} : memref<128x32xf32, #tpu.memory_space<vmem>>, vector<1x16xf32>,
          %parallel_loop3A_154 = vector.shape_cast %parallel_loop3A_153 : vector<1x16xf32> to vector<16xf32>
          %parallel_loop3A_155 = vector.shape_cast %parallel_loop3A_146 : vector<16xf32> to vector<1x16xf32>
          tpu.vector_store %arg14[%parallel_loop3A_151, %parallel_loop3A_152], %parallel_loop3A_155 {strides = array<i32>} : memref<128x32xf32, #tpu.memory_space<vmem>>, vector<1x16xf32>,
          %parallel_loop3A_156 = arith.constant 4 : i32
          %parallel_loop3A_157 = arith.muli %parallel_loop3A_156, %parallel_loop3A_105 : i32
          %parallel_loop3A_158 = arith.constant 1 : i32
          %parallel_loop3A_159 = arith.addi %parallel_loop3A_157, %parallel_loop3A_158 : i32
          %parallel_loop3A_160 = arith.index_cast %parallel_loop3A_159 : i32 to index
          %parallel_loop3A_161 = arith.constant 0 : index
          %parallel_loop3A_162 = tpu.vector_load %arg14[%parallel_loop3A_160, %parallel_loop3A_161] {strides = array<i32>} : memref<128x32xf32, #tpu.memory_space<vmem>>, vector<1x16xf32>,
          %parallel_loop3A_163 = vector.shape_cast %parallel_loop3A_162 : vector<1x16xf32> to vector<16xf32>
          %parallel_loop3A_164 = arith.index_cast %parallel_loop3A_105 : i32 to index
          %parallel_loop3A_165 = arith.constant 32 : index
          %parallel_loop3A_166 = tpu.vector_load %arg15[%parallel_loop3A_164, %parallel_loop3A_165] {strides = array<i32>} : memref<32x128xf32, #tpu.memory_space<vmem>>, vector<1x16xf32>,
          %parallel_loop3A_167 = vector.shape_cast %parallel_loop3A_166 : vector<1x16xf32> to vector<16xf32>
          %parallel_loop3A_168 = arith.addf %parallel_loop3A_163, %parallel_loop3A_167 : vector<16xf32>
          %parallel_loop3A_169 = arith.constant 0.000000e+00 : f32
          %parallel_loop3A_170 = vector.broadcast %parallel_loop3A_169 : f32 to vector<16xf32>
          %parallel_loop3A_171 = arith.maximumf %parallel_loop3A_168, %parallel_loop3A_170 : vector<16xf32>
          %parallel_loop3A_172 = arith.constant 4 : i32
          %parallel_loop3A_173 = arith.muli %parallel_loop3A_172, %parallel_loop3A_105 : i32
          %parallel_loop3A_174 = arith.constant 1 : i32
          %parallel_loop3A_175 = arith.addi %parallel_loop3A_173, %parallel_loop3A_174 : i32
          %parallel_loop3A_176 = arith.index_cast %parallel_loop3A_175 : i32 to index
          %parallel_loop3A_177 = arith.constant 0 : index
          %parallel_loop3A_178 = tpu.vector_load %arg14[%parallel_loop3A_176, %parallel_loop3A_177] {strides = array<i32>} : memref<128x32xf32, #tpu.memory_space<vmem>>, vector<1x16xf32>,
          %parallel_loop3A_179 = vector.shape_cast %parallel_loop3A_178 : vector<1x16xf32> to vector<16xf32>
          %parallel_loop3A_180 = vector.shape_cast %parallel_loop3A_171 : vector<16xf32> to vector<1x16xf32>
          tpu.vector_store %arg14[%parallel_loop3A_176, %parallel_loop3A_177], %parallel_loop3A_180 {strides = array<i32>} : memref<128x32xf32, #tpu.memory_space<vmem>>, vector<1x16xf32>,
          %parallel_loop3A_181 = arith.constant 4 : i32
          %parallel_loop3A_182 = arith.muli %parallel_loop3A_181, %parallel_loop3A_105 : i32
          %parallel_loop3A_183 = arith.constant 1 : i32
          %parallel_loop3A_184 = arith.addi %parallel_loop3A_182, %parallel_loop3A_183 : i32
          %parallel_loop3A_185 = arith.index_cast %parallel_loop3A_184 : i32 to index
          %parallel_loop3A_186 = arith.constant 16 : index
          %parallel_loop3A_187 = tpu.vector_load %arg14[%parallel_loop3A_185, %parallel_loop3A_186] {strides = array<i32>} : memref<128x32xf32, #tpu.memory_space<vmem>>, vector<1x16xf32>,
          %parallel_loop3A_188 = vector.shape_cast %parallel_loop3A_187 : vector<1x16xf32> to vector<16xf32>
          %parallel_loop3A_189 = arith.index_cast %parallel_loop3A_105 : i32 to index
          %parallel_loop3A_190 = arith.constant 48 : index
          %parallel_loop3A_191 = tpu.vector_load %arg15[%parallel_loop3A_189, %parallel_loop3A_190] {strides = array<i32>} : memref<32x128xf32, #tpu.memory_space<vmem>>, vector<1x16xf32>,
          %parallel_loop3A_192 = vector.shape_cast %parallel_loop3A_191 : vector<1x16xf32> to vector<16xf32>
          %parallel_loop3A_193 = arith.addf %parallel_loop3A_188, %parallel_loop3A_192 : vector<16xf32>
          %parallel_loop3A_194 = arith.constant 0.000000e+00 : f32
          %parallel_loop3A_195 = vector.broadcast %parallel_loop3A_194 : f32 to vector<16xf32>
          %parallel_loop3A_196 = arith.maximumf %parallel_loop3A_193, %parallel_loop3A_195 : vector<16xf32>
          %parallel_loop3A_197 = arith.constant 4 : i32
          %parallel_loop3A_198 = arith.muli %parallel_loop3A_197, %parallel_loop3A_105 : i32
          %parallel_loop3A_199 = arith.constant 1 : i32
          %parallel_loop3A_200 = arith.addi %parallel_loop3A_198, %parallel_loop3A_199 : i32
          %parallel_loop3A_201 = arith.index_cast %parallel_loop3A_200 : i32 to index
          %parallel_loop3A_202 = arith.constant 16 : index
          %parallel_loop3A_203 = tpu.vector_load %arg14[%parallel_loop3A_201, %parallel_loop3A_202] {strides = array<i32>} : memref<128x32xf32, #tpu.memory_space<vmem>>, vector<1x16xf32>,
          %parallel_loop3A_204 = vector.shape_cast %parallel_loop3A_203 : vector<1x16xf32> to vector<16xf32>
          %parallel_loop3A_205 = vector.shape_cast %parallel_loop3A_196 : vector<16xf32> to vector<1x16xf32>
          tpu.vector_store %arg14[%parallel_loop3A_201, %parallel_loop3A_202], %parallel_loop3A_205 {strides = array<i32>} : memref<128x32xf32, #tpu.memory_space<vmem>>, vector<1x16xf32>,
          %parallel_loop3A_206 = arith.constant 4 : i32
          %parallel_loop3A_207 = arith.muli %parallel_loop3A_206, %parallel_loop3A_105 : i32
          %parallel_loop3A_208 = arith.constant 2 : i32
          %parallel_loop3A_209 = arith.addi %parallel_loop3A_207, %parallel_loop3A_208 : i32
          %parallel_loop3A_210 = arith.index_cast %parallel_loop3A_209 : i32 to index
          %parallel_loop3A_211 = arith.constant 0 : index
          %parallel_loop3A_212 = tpu.vector_load %arg14[%parallel_loop3A_210, %parallel_loop3A_211] {strides = array<i32>} : memref<128x32xf32, #tpu.memory_space<vmem>>, vector<1x16xf32>,
          %parallel_loop3A_213 = vector.shape_cast %parallel_loop3A_212 : vector<1x16xf32> to vector<16xf32>
          %parallel_loop3A_214 = arith.index_cast %parallel_loop3A_105 : i32 to index
          %parallel_loop3A_215 = arith.constant 64 : index
          %parallel_loop3A_216 = tpu.vector_load %arg15[%parallel_loop3A_214, %parallel_loop3A_215] {strides = array<i32>} : memref<32x128xf32, #tpu.memory_space<vmem>>, vector<1x16xf32>,
          %parallel_loop3A_217 = vector.shape_cast %parallel_loop3A_216 : vector<1x16xf32> to vector<16xf32>
          %parallel_loop3A_218 = arith.addf %parallel_loop3A_213, %parallel_loop3A_217 : vector<16xf32>
          %parallel_loop3A_219 = arith.constant 0.000000e+00 : f32
          %parallel_loop3A_220 = vector.broadcast %parallel_loop3A_219 : f32 to vector<16xf32>
          %parallel_loop3A_221 = arith.maximumf %parallel_loop3A_218, %parallel_loop3A_220 : vector<16xf32>
          %parallel_loop3A_222 = arith.constant 4 : i32
          %parallel_loop3A_223 = arith.muli %parallel_loop3A_222, %parallel_loop3A_105 : i32
          %parallel_loop3A_224 = arith.constant 2 : i32
          %parallel_loop3A_225 = arith.addi %parallel_loop3A_223, %parallel_loop3A_224 : i32
          %parallel_loop3A_226 = arith.index_cast %parallel_loop3A_225 : i32 to index
          %parallel_loop3A_227 = arith.constant 0 : index
          %parallel_loop3A_228 = tpu.vector_load %arg14[%parallel_loop3A_226, %parallel_loop3A_227] {strides = array<i32>} : memref<128x32xf32, #tpu.memory_space<vmem>>, vector<1x16xf32>,
          %parallel_loop3A_229 = vector.shape_cast %parallel_loop3A_228 : vector<1x16xf32> to vector<16xf32>
          %parallel_loop3A_230 = vector.shape_cast %parallel_loop3A_221 : vector<16xf32> to vector<1x16xf32>
          tpu.vector_store %arg14[%parallel_loop3A_226, %parallel_loop3A_227], %parallel_loop3A_230 {strides = array<i32>} : memref<128x32xf32, #tpu.memory_space<vmem>>, vector<1x16xf32>,
          %parallel_loop3A_231 = arith.constant 4 : i32
          %parallel_loop3A_232 = arith.muli %parallel_loop3A_231, %parallel_loop3A_105 : i32
          %parallel_loop3A_233 = arith.constant 2 : i32
          %parallel_loop3A_234 = arith.addi %parallel_loop3A_232, %parallel_loop3A_233 : i32
          %parallel_loop3A_235 = arith.index_cast %parallel_loop3A_234 : i32 to index
          %parallel_loop3A_236 = arith.constant 16 : index
          %parallel_loop3A_237 = tpu.vector_load %arg14[%parallel_loop3A_235, %parallel_loop3A_236] {strides = array<i32>} : memref<128x32xf32, #tpu.memory_space<vmem>>, vector<1x16xf32>,
          %parallel_loop3A_238 = vector.shape_cast %parallel_loop3A_237 : vector<1x16xf32> to vector<16xf32>
          %parallel_loop3A_239 = arith.index_cast %parallel_loop3A_105 : i32 to index
          %parallel_loop3A_240 = arith.constant 80 : index
          %parallel_loop3A_241 = tpu.vector_load %arg15[%parallel_loop3A_239, %parallel_loop3A_240] {strides = array<i32>} : memref<32x128xf32, #tpu.memory_space<vmem>>, vector<1x16xf32>,
          %parallel_loop3A_242 = vector.shape_cast %parallel_loop3A_241 : vector<1x16xf32> to vector<16xf32>
          %parallel_loop3A_243 = arith.addf %parallel_loop3A_238, %parallel_loop3A_242 : vector<16xf32>
          %parallel_loop3A_244 = arith.constant 0.000000e+00 : f32
          %parallel_loop3A_245 = vector.broadcast %parallel_loop3A_244 : f32 to vector<16xf32>
          %parallel_loop3A_246 = arith.maximumf %parallel_loop3A_243, %parallel_loop3A_245 : vector<16xf32>
          %parallel_loop3A_247 = arith.constant 4 : i32
          %parallel_loop3A_248 = arith.muli %parallel_loop3A_247, %parallel_loop3A_105 : i32
          %parallel_loop3A_249 = arith.constant 2 : i32
          %parallel_loop3A_250 = arith.addi %parallel_loop3A_248, %parallel_loop3A_249 : i32
          %parallel_loop3A_251 = arith.index_cast %parallel_loop3A_250 : i32 to index
          %parallel_loop3A_252 = arith.constant 16 : index
          %parallel_loop3A_253 = tpu.vector_load %arg14[%parallel_loop3A_251, %parallel_loop3A_252] {strides = array<i32>} : memref<128x32xf32, #tpu.memory_space<vmem>>, vector<1x16xf32>,
          %parallel_loop3A_254 = vector.shape_cast %parallel_loop3A_253 : vector<1x16xf32> to vector<16xf32>
          %parallel_loop3A_255 = vector.shape_cast %parallel_loop3A_246 : vector<16xf32> to vector<1x16xf32>
          tpu.vector_store %arg14[%parallel_loop3A_251, %parallel_loop3A_252], %parallel_loop3A_255 {strides = array<i32>} : memref<128x32xf32, #tpu.memory_space<vmem>>, vector<1x16xf32>,
          %parallel_loop3A_256 = arith.constant 4 : i32
          %parallel_loop3A_257 = arith.muli %parallel_loop3A_256, %parallel_loop3A_105 : i32
          %parallel_loop3A_258 = arith.constant 3 : i32
          %parallel_loop3A_259 = arith.addi %parallel_loop3A_257, %parallel_loop3A_258 : i32
          %parallel_loop3A_260 = arith.index_cast %parallel_loop3A_259 : i32 to index
          %parallel_loop3A_261 = arith.constant 0 : index
          %parallel_loop3A_262 = tpu.vector_load %arg14[%parallel_loop3A_260, %parallel_loop3A_261] {strides = array<i32>} : memref<128x32xf32, #tpu.memory_space<vmem>>, vector<1x16xf32>,
          %parallel_loop3A_263 = vector.shape_cast %parallel_loop3A_262 : vector<1x16xf32> to vector<16xf32>
          %parallel_loop3A_264 = arith.index_cast %parallel_loop3A_105 : i32 to index
          %parallel_loop3A_265 = arith.constant 96 : index
          %parallel_loop3A_266 = tpu.vector_load %arg15[%parallel_loop3A_264, %parallel_loop3A_265] {strides = array<i32>} : memref<32x128xf32, #tpu.memory_space<vmem>>, vector<1x16xf32>,
          %parallel_loop3A_267 = vector.shape_cast %parallel_loop3A_266 : vector<1x16xf32> to vector<16xf32>
          %parallel_loop3A_268 = arith.addf %parallel_loop3A_263, %parallel_loop3A_267 : vector<16xf32>
          %parallel_loop3A_269 = arith.constant 0.000000e+00 : f32
          %parallel_loop3A_270 = vector.broadcast %parallel_loop3A_269 : f32 to vector<16xf32>
          %parallel_loop3A_271 = arith.maximumf %parallel_loop3A_268, %parallel_loop3A_270 : vector<16xf32>
          %parallel_loop3A_272 = arith.constant 4 : i32
          %parallel_loop3A_273 = arith.muli %parallel_loop3A_272, %parallel_loop3A_105 : i32
          %parallel_loop3A_274 = arith.constant 3 : i32
          %parallel_loop3A_275 = arith.addi %parallel_loop3A_273, %parallel_loop3A_274 : i32
          %parallel_loop3A_276 = arith.index_cast %parallel_loop3A_275 : i32 to index
          %parallel_loop3A_277 = arith.constant 0 : index
          %parallel_loop3A_278 = tpu.vector_load %arg14[%parallel_loop3A_276, %parallel_loop3A_277] {strides = array<i32>} : memref<128x32xf32, #tpu.memory_space<vmem>>, vector<1x16xf32>,
          %parallel_loop3A_279 = vector.shape_cast %parallel_loop3A_278 : vector<1x16xf32> to vector<16xf32>
          %parallel_loop3A_280 = vector.shape_cast %parallel_loop3A_271 : vector<16xf32> to vector<1x16xf32>
          tpu.vector_store %arg14[%parallel_loop3A_276, %parallel_loop3A_277], %parallel_loop3A_280 {strides = array<i32>} : memref<128x32xf32, #tpu.memory_space<vmem>>, vector<1x16xf32>,
          %parallel_loop3A_281 = arith.constant 4 : i32
          %parallel_loop3A_282 = arith.muli %parallel_loop3A_281, %parallel_loop3A_105 : i32
          %parallel_loop3A_283 = arith.constant 3 : i32
          %parallel_loop3A_284 = arith.addi %parallel_loop3A_282, %parallel_loop3A_283 : i32
          %parallel_loop3A_285 = arith.index_cast %parallel_loop3A_284 : i32 to index
          %parallel_loop3A_286 = arith.constant 16 : index
          %parallel_loop3A_287 = tpu.vector_load %arg14[%parallel_loop3A_285, %parallel_loop3A_286] {strides = array<i32>} : memref<128x32xf32, #tpu.memory_space<vmem>>, vector<1x16xf32>,
          %parallel_loop3A_288 = vector.shape_cast %parallel_loop3A_287 : vector<1x16xf32> to vector<16xf32>
          %parallel_loop3A_289 = arith.index_cast %parallel_loop3A_105 : i32 to index
          %parallel_loop3A_290 = arith.constant 112 : index
          %parallel_loop3A_291 = tpu.vector_load %arg15[%parallel_loop3A_289, %parallel_loop3A_290] {strides = array<i32>} : memref<32x128xf32, #tpu.memory_space<vmem>>, vector<1x16xf32>,
          %parallel_loop3A_292 = vector.shape_cast %parallel_loop3A_291 : vector<1x16xf32> to vector<16xf32>
          %parallel_loop3A_293 = arith.addf %parallel_loop3A_288, %parallel_loop3A_292 : vector<16xf32>
          %parallel_loop3A_294 = arith.constant 0.000000e+00 : f32
          %parallel_loop3A_295 = vector.broadcast %parallel_loop3A_294 : f32 to vector<16xf32>
          %parallel_loop3A_296 = arith.maximumf %parallel_loop3A_293, %parallel_loop3A_295 : vector<16xf32>
          %parallel_loop3A_297 = arith.constant 4 : i32
          %parallel_loop3A_298 = arith.muli %parallel_loop3A_297, %parallel_loop3A_105 : i32
          %parallel_loop3A_299 = arith.constant 3 : i32
          %parallel_loop3A_300 = arith.addi %parallel_loop3A_298, %parallel_loop3A_299 : i32
          %parallel_loop3A_301 = arith.index_cast %parallel_loop3A_300 : i32 to index
          %parallel_loop3A_302 = arith.constant 16 : index
          %parallel_loop3A_303 = tpu.vector_load %arg14[%parallel_loop3A_301, %parallel_loop3A_302] {strides = array<i32>} : memref<128x32xf32, #tpu.memory_space<vmem>>, vector<1x16xf32>,
          %parallel_loop3A_304 = vector.shape_cast %parallel_loop3A_303 : vector<1x16xf32> to vector<16xf32>
          %parallel_loop3A_305 = vector.shape_cast %parallel_loop3A_296 : vector<16xf32> to vector<1x16xf32>
          tpu.vector_store %arg14[%parallel_loop3A_301, %parallel_loop3A_302], %parallel_loop3A_305 {strides = array<i32>} : memref<128x32xf32, #tpu.memory_space<vmem>>, vector<1x16xf32>,
        } {sc.loop_unroll_factor = 4 : i64, sc.parallel_access}
        %add3A_103 = arith.constant 1 : i32
        %add3A_104 = arith.addi %mul3A_52, %add3A_103 : i32
        "tpu.region"() ({
          %run_scoped3A = tpu.sem_alloc : memref<!tpu.dma_semaphore, #tpu.memory_space<semaphore_mem>>
          %dma_start3A = arith.constant 0 : i32
          %dma_start3A_105 = tpu.memref_slice %arg11[%add3A_104, %dma_start3A] : memref<34x128xi32, #tpu.memory_space<vmem>> -> memref<1x128xi32, #tpu.memory_space<vmem>>
          %dma_start3A_106 = tpu.memref_squeeze %dma_start3A_105 : memref<1x128xi32, #tpu.memory_space<vmem>> -> memref<128xi32, #tpu.memory_space<vmem>>
          %dma_start3A_107 = arith.constant 0 : i32
          %dma_start3A_108 = arith.constant 0 : i32
          %dma_start3A_109 = tpu.memref_slice %arg16[%dma_start3A_107, %dma_start3A_108] : memref<50048x32xf32, #tpu.memory_space<vmem_shared>> -> memref<50048x32xf32, #tpu.memory_space<vmem_shared>>
          tpu.enqueue_indirect_dma source(%arg14 : memref<128x32xf32, #tpu.memory_space<vmem>>) target(%dma_start3A_109 : memref<50048x32xf32, #tpu.memory_space<vmem_shared>>) offsets(%dma_start3A_106 : memref<128xi32, #tpu.memory_space<vmem>>) semaphore(%run_scoped3A : memref<!tpu.dma_semaphore, #tpu.memory_space<semaphore_mem>>) {add = true}
          %dma_wait3A_110 = arith.constant 0 : i32
          %dma_wait3A_111 = tpu.memref_slice %arg11[%add3A_104, %dma_wait3A_110] : memref<34x128xi32, #tpu.memory_space<vmem>> -> memref<1x128xi32, #tpu.memory_space<vmem>>
          %dma_wait3A_112 = tpu.memref_squeeze %dma_wait3A_111 : memref<1x128xi32, #tpu.memory_space<vmem>> -> memref<128xi32, #tpu.memory_space<vmem>>
          %dma_wait3A_113 = arith.constant 0 : i32
          %dma_wait3A_114 = arith.constant 0 : i32
          %dma_wait3A_115 = tpu.memref_slice %arg16[%dma_wait3A_113, %dma_wait3A_114] : memref<50048x32xf32, #tpu.memory_space<vmem_shared>> -> memref<50048x32xf32, #tpu.memory_space<vmem_shared>>
          tpu.wait_indirect_dma semaphore(%run_scoped3A : memref<!tpu.dma_semaphore, #tpu.memory_space<semaphore_mem>>) src(%arg14 : memref<128x32xf32, #tpu.memory_space<vmem>>) dst(%dma_wait3A_115 : memref<50048x32xf32, #tpu.memory_space<vmem_shared>>)
          tpu.yield
        }) : () -> ()
      }
      %scan3A_49 = arith.constant 17 : i32
    }
    %scan3A_18 = arith.constant 23 : i32
    %barrier3A_19 = arith.constant 0 : index
    tpu.barrier barrier_id(%barrier3A_19)
    %eq3A = arith.constant 0 : i32
    %eq3A_20 = arith.cmpi eq, %arg0, %eq3A : i32
    %convert_element_type3A = arith.extui %eq3A_20 : i1 to i32
    %cond3A = arith.constant 0 : i32
    %cond3A_21 = arith.cmpi ne, %convert_element_type3A, %cond3A : i32
    scf.if %cond3A_21 {
      "tpu.region"() ({
        %run_scoped3A = tpu.sem_alloc : memref<!tpu.dma_semaphore, #tpu.memory_space<semaphore_mem>>
        %dma_start3A = arith.constant 0 : i32
        %dma_start3A_27 = tpu.memref_slice %arg8[%mul3A_0, %dma_start3A] : memref<50048x32xf32, #tpu.memory_space<hbm>> -> memref<3128x32xf32, #tpu.memory_space<hbm>>
        %dma_start3A_28 = arith.constant 0 : i32
        %dma_start3A_29 = tpu.memref_slice %arg16[%mul3A_0, %dma_start3A_28] : memref<50048x32xf32, #tpu.memory_space<vmem_shared>> -> memref<3128x32xf32, #tpu.memory_space<vmem_shared>>
        tpu.enqueue_dma source(%dma_start3A_29 : memref<3128x32xf32, #tpu.memory_space<vmem_shared>>) target(%dma_start3A_27 : memref<3128x32xf32, #tpu.memory_space<hbm>>) target_semaphore(%run_scoped3A : memref<!tpu.dma_semaphore, #tpu.memory_space<semaphore_mem>>)
        %dma_wait3A = arith.constant 0 : i32
        %dma_wait3A_30 = tpu.memref_slice %arg8[%mul3A_0, %dma_wait3A] : memref<50048x32xf32, #tpu.memory_space<hbm>> -> memref<3128x32xf32, #tpu.memory_space<hbm>>
        %dma_wait3A_31 = arith.constant 0 : i32
        %dma_wait3A_32 = tpu.memref_slice %arg16[%mul3A_0, %dma_wait3A_31] : memref<50048x32xf32, #tpu.memory_space<vmem_shared>> -> memref<3128x32xf32, #tpu.memory_space<vmem_shared>>
        tpu.wait_dma2 semaphore(%run_scoped3A : memref<!tpu.dma_semaphore, #tpu.memory_space<semaphore_mem>>) src(%dma_wait3A_32 : memref<3128x32xf32, #tpu.memory_space<vmem_shared>>) dst(%dma_wait3A_30 : memref<3128x32xf32, #tpu.memory_space<hbm>>)
        tpu.yield
      }) : () -> ()
    } else {
    }
    %eq3A_22 = arith.constant 1 : i32
    %eq3A_23 = arith.cmpi eq, %arg0, %eq3A_22 : i32
    %convert_element_type3A_24 = arith.extui %eq3A_23 : i1 to i32
    %cond3A_25 = arith.constant 0 : i32
    %cond3A_26 = arith.cmpi ne, %convert_element_type3A_24, %cond3A_25 : i32
    scf.if %cond3A_26 {
      "tpu.region"() ({
        %run_scoped3A = tpu.sem_alloc : memref<!tpu.dma_semaphore, #tpu.memory_space<semaphore_mem>>
        %dma_start3A = arith.constant 0 : i32
        %dma_start3A_27 = tpu.memref_slice %arg9[%mul3A_0, %dma_start3A] : memref<50048x32xf32, #tpu.memory_space<hbm>> -> memref<3128x32xf32, #tpu.memory_space<hbm>>
        %dma_start3A_28 = arith.constant 0 : i32
        %dma_start3A_29 = tpu.memref_slice %arg16[%mul3A_0, %dma_start3A_28] : memref<50048x32xf32, #tpu.memory_space<vmem_shared>> -> memref<3128x32xf32, #tpu.memory_space<vmem_shared>>
        tpu.enqueue_dma source(%dma_start3A_29 : memref<3128x32xf32, #tpu.memory_space<vmem_shared>>) target(%dma_start3A_27 : memref<3128x32xf32, #tpu.memory_space<hbm>>) target_semaphore(%run_scoped3A : memref<!tpu.dma_semaphore, #tpu.memory_space<semaphore_mem>>)
        %dma_wait3A = arith.constant 0 : i32
        %dma_wait3A_30 = tpu.memref_slice %arg9[%mul3A_0, %dma_wait3A] : memref<50048x32xf32, #tpu.memory_space<hbm>> -> memref<3128x32xf32, #tpu.memory_space<hbm>>
        %dma_wait3A_31 = arith.constant 0 : i32
        %dma_wait3A_32 = tpu.memref_slice %arg16[%mul3A_0, %dma_wait3A_31] : memref<50048x32xf32, #tpu.memory_space<vmem_shared>> -> memref<3128x32xf32, #tpu.memory_space<vmem_shared>>
        tpu.wait_dma2 semaphore(%run_scoped3A : memref<!tpu.dma_semaphore, #tpu.memory_space<semaphore_mem>>) src(%dma_wait3A_32 : memref<3128x32xf32, #tpu.memory_space<vmem_shared>>) dst(%dma_wait3A_30 : memref<3128x32xf32, #tpu.memory_space<hbm>>)
        tpu.yield
      }) : () -> ()
    } else {
    }
    return
  }
}

module attributes {stable_mosaic.version = 14 : i64} {
  func.func @_node_mlp_body(%arg0: i32, %arg1: memref<2000x128xf32, #tpu.memory_space<vmem>>, %arg2: memref<128x128xf32, #tpu.memory_space<vmem>>, %arg3: memref<1x128xf32, #tpu.memory_space<vmem>>, %arg4: memref<128x64xf32, #tpu.memory_space<vmem>>, %arg5: memref<1x64xf32, #tpu.memory_space<vmem>>, %arg6: memref<64x64xf32, #tpu.memory_space<vmem>>, %arg7: memref<2000x64xf32, #tpu.memory_space<vmem>>, %arg8: memref<2000x32xf32, #tpu.memory_space<vmem>>, %arg9: memref<2000x32xf32, #tpu.memory_space<vmem>>) attributes {dimension_semantics = [#tpu.dimension_semantics<arbitrary>], iteration_bounds = array<i64: 25>, scalar_prefetch = 0 : i64, scratch_operands = 0 : i64, tpu.core_type = #tpu.core_type<tc>, window_params = [{transform_indices = @transform_0, window_bounds = array<i64: 2000, 128>}, {pipeline_mode = #tpu.pipeline_mode<synchronous>, transform_indices = @transform_1, window_bounds = array<i64: 128, 128>}, {pipeline_mode = #tpu.pipeline_mode<synchronous>, transform_indices = @transform_2, window_bounds = array<i64: 1, 128>}, {pipeline_mode = #tpu.pipeline_mode<synchronous>, transform_indices = @transform_3, window_bounds = array<i64: 128, 64>}, {pipeline_mode = #tpu.pipeline_mode<synchronous>, transform_indices = @transform_4, window_bounds = array<i64: 1, 64>}, {pipeline_mode = #tpu.pipeline_mode<synchronous>, transform_indices = @transform_5, window_bounds = array<i64: 64, 64>}, {transform_indices = @transform_6, window_bounds = array<i64: 2000, 64>}, {transform_indices = @transform_7, window_bounds = array<i64: 2000, 32>}, {transform_indices = @transform_8, window_bounds = array<i64: 2000, 32>}]} {
    %get3A = arith.constant 0 : index
    %get3A_0 = arith.constant 0 : index
    %get3A_1 = vector.load %arg1[%get3A, %get3A_0] : memref<2000x128xf32, #tpu.memory_space<vmem>>, vector<2000x128xf32>
    %get3A_2 = arith.constant 0 : index
    %get3A_3 = arith.constant 0 : index
    %get3A_4 = vector.load %arg2[%get3A_2, %get3A_3] : memref<128x128xf32, #tpu.memory_space<vmem>>, vector<128x128xf32>
    %dot_general3A = arith.constant dense<0.000000e+00> : vector<2000x128xf32>
    %dot_general3A_5 = tpu.matmul %get3A_1, %get3A_4, %dot_general3A {dimension_numbers = #tpu.dot_dimension_numbers<[1], [0], [0], [1], [0, 0, 1, 1], [], []>, transpose_lhs_hint = false} : vector<2000x128xf32>, vector<128x128xf32>, vector<2000x128xf32> -> vector<2000x128xf32>
    %get3A_6 = arith.constant 0 : index
    %get3A_7 = arith.constant 0 : index
    %get3A_8 = vector.load %arg3[%get3A_6, %get3A_7] : memref<1x128xf32, #tpu.memory_space<vmem>>, vector<1x128xf32>
    %add3A = vector.broadcast %get3A_8 : vector<1x128xf32> to vector<2000x128xf32>
    %add3A_9 = arith.addf %dot_general3A_5, %add3A : vector<2000x128xf32>
    %max3A = arith.constant 0.000000e+00 : f32
    %max3A_10 = vector.broadcast %max3A : f32 to vector<2000x128xf32>
    %max3A_11 = arith.maximumf %add3A_9, %max3A_10 : vector<2000x128xf32>
    %get3A_12 = arith.constant 0 : index
    %get3A_13 = arith.constant 0 : index
    %get3A_14 = vector.load %arg4[%get3A_12, %get3A_13] : memref<128x64xf32, #tpu.memory_space<vmem>>, vector<128x64xf32>
    %dot_general3A_15 = arith.constant dense<0.000000e+00> : vector<2000x64xf32>
    %dot_general3A_16 = tpu.matmul %max3A_11, %get3A_14, %dot_general3A_15 {dimension_numbers = #tpu.dot_dimension_numbers<[1], [0], [0], [1], [0, 0, 1, 1], [], []>, transpose_lhs_hint = false} : vector<2000x128xf32>, vector<128x64xf32>, vector<2000x64xf32> -> vector<2000x64xf32>
    %get3A_17 = arith.constant 0 : index
    %get3A_18 = arith.constant 0 : index
    %get3A_19 = vector.load %arg5[%get3A_17, %get3A_18] : memref<1x64xf32, #tpu.memory_space<vmem>>, vector<1x64xf32>
    %add3A_20 = vector.broadcast %get3A_19 : vector<1x64xf32> to vector<2000x64xf32>
    %add3A_21 = arith.addf %dot_general3A_16, %add3A_20 : vector<2000x64xf32>
    %max3A_22 = arith.constant 0.000000e+00 : f32
    %max3A_23 = vector.broadcast %max3A_22 : f32 to vector<2000x64xf32>
    %max3A_24 = arith.maximumf %add3A_21, %max3A_23 : vector<2000x64xf32>
    %get3A_25 = arith.constant 0 : index
    %get3A_26 = arith.constant 0 : index
    %get3A_27 = vector.load %arg6[%get3A_25, %get3A_26] : memref<64x64xf32, #tpu.memory_space<vmem>>, vector<64x64xf32>
    %dot_general3A_28 = arith.constant dense<0.000000e+00> : vector<2000x64xf32>
    %dot_general3A_29 = tpu.matmul %max3A_24, %get3A_27, %dot_general3A_28 {dimension_numbers = #tpu.dot_dimension_numbers<[1], [0], [0], [1], [0, 0, 1, 1], [], []>, transpose_lhs_hint = false} : vector<2000x64xf32>, vector<64x64xf32>, vector<2000x64xf32> -> vector<2000x64xf32>
    %swap3A = arith.constant 0 : index
    %swap3A_30 = arith.constant 0 : index
    %swap3A_31 = vector.load %arg7[%swap3A, %swap3A_30] : memref<2000x64xf32, #tpu.memory_space<vmem>>, vector<2000x64xf32>
    tpu.vector_store %arg7[%swap3A, %swap3A_30], %max3A_24 {strides = array<i32>} : memref<2000x64xf32, #tpu.memory_space<vmem>>, vector<2000x64xf32>,
    %slice3A = vector.extract_strided_slice %dot_general3A_29 {offsets = [0, 0], sizes = [2000, 32], strides = [1, 1]} : vector<2000x64xf32> to vector<2000x32xf32>
    %swap3A_32 = arith.constant 0 : index
    %swap3A_33 = arith.constant 0 : index
    %swap3A_34 = vector.load %arg8[%swap3A_32, %swap3A_33] : memref<2000x32xf32, #tpu.memory_space<vmem>>, vector<2000x32xf32>
    tpu.vector_store %arg8[%swap3A_32, %swap3A_33], %slice3A {strides = array<i32>} : memref<2000x32xf32, #tpu.memory_space<vmem>>, vector<2000x32xf32>,
    %slice3A_35 = vector.extract_strided_slice %dot_general3A_29 {offsets = [0, 32], sizes = [2000, 32], strides = [1, 1]} : vector<2000x64xf32> to vector<2000x32xf32>
    %swap3A_36 = arith.constant 0 : index
    %swap3A_37 = arith.constant 0 : index
    %swap3A_38 = vector.load %arg9[%swap3A_36, %swap3A_37] : memref<2000x32xf32, #tpu.memory_space<vmem>>, vector<2000x32xf32>
    tpu.vector_store %arg9[%swap3A_36, %swap3A_37], %slice3A_35 {strides = array<i32>} : memref<2000x32xf32, #tpu.memory_space<vmem>>, vector<2000x32xf32>,
    return
  }
  func.func @transform_0(%arg0: i32) -> (i32, i32) {
    %c0_i32 = arith.constant 0 : i32
    %c0_i32_0 = arith.constant 0 : i32
    return %arg0, %c0_i32 : i32, i32
  }
  func.func @transform_1(%arg0: i32) -> (i32, i32) {
    %c0_i32 = arith.constant 0 : i32
    %c0_i32_0 = arith.constant 0 : i32
    %c0_i32_1 = arith.constant 0 : i32
    return %c0_i32, %c0_i32_0 : i32, i32
  }
  func.func @transform_2(%arg0: i32) -> (i32, i32) {
    %c0_i32 = arith.constant 0 : i32
    %c0_i32_0 = arith.constant 0 : i32
    %c0_i32_1 = arith.constant 0 : i32
    return %c0_i32, %c0_i32_0 : i32, i32
  }
  func.func @transform_3(%arg0: i32) -> (i32, i32) {
    %c0_i32 = arith.constant 0 : i32
    %c0_i32_0 = arith.constant 0 : i32
    %c0_i32_1 = arith.constant 0 : i32
    return %c0_i32, %c0_i32_0 : i32, i32
  }
  func.func @transform_4(%arg0: i32) -> (i32, i32) {
    %c0_i32 = arith.constant 0 : i32
    %c0_i32_0 = arith.constant 0 : i32
    %c0_i32_1 = arith.constant 0 : i32
    return %c0_i32, %c0_i32_0 : i32, i32
  }
  func.func @transform_5(%arg0: i32) -> (i32, i32) {
    %c0_i32 = arith.constant 0 : i32
    %c0_i32_0 = arith.constant 0 : i32
    %c0_i32_1 = arith.constant 0 : i32
    return %c0_i32, %c0_i32_0 : i32, i32
  }
  func.func @transform_6(%arg0: i32) -> (i32, i32) {
    %c0_i32 = arith.constant 0 : i32
    %c0_i32_0 = arith.constant 0 : i32
    return %arg0, %c0_i32 : i32, i32
  }
  func.func @transform_7(%arg0: i32) -> (i32, i32) {
    %c0_i32 = arith.constant 0 : i32
    %c0_i32_0 = arith.constant 0 : i32
    return %arg0, %c0_i32 : i32, i32
  }
  func.func @transform_8(%arg0: i32) -> (i32, i32) {
    %c0_i32 = arith.constant 0 : i32
    %c0_i32_0 = arith.constant 0 : i32
    return %arg0, %c0_i32 : i32, i32
  }
}

module attributes {stable_mosaic.version = 14 : i64} {
  func.func @_edge_mlp_body(%arg0: i32, %arg1: memref<1000x64xf32, #tpu.memory_space<vmem>>, %arg2: memref<64x128xf32, #tpu.memory_space<vmem>>, %arg3: memref<1x128xf32, #tpu.memory_space<vmem>>, %arg4: memref<128x64xf32, #tpu.memory_space<vmem>>, %arg5: memref<1x64xf32, #tpu.memory_space<vmem>>, %arg6: memref<64x128xf32, #tpu.memory_space<vmem>>, %arg7: memref<1x128xf32, #tpu.memory_space<vmem>>, %arg8: memref<64x128xf32, #tpu.memory_space<vmem>>, %arg9: memref<1x128xf32, #tpu.memory_space<vmem>>, %arg10: memref<64x128xf32, #tpu.memory_space<vmem>>, %arg11: memref<1x128xf32, #tpu.memory_space<vmem>>, %arg12: memref<64x128xf32, #tpu.memory_space<vmem>>, %arg13: memref<1x128xf32, #tpu.memory_space<vmem>>, %arg14: memref<1000x128xf32, #tpu.memory_space<vmem>>, %arg15: memref<1000x128xf32, #tpu.memory_space<vmem>>, %arg16: memref<1000x128xf32, #tpu.memory_space<vmem>>, %arg17: memref<1000x128xf32, #tpu.memory_space<vmem>>) attributes {dimension_semantics = [#tpu.dimension_semantics<arbitrary>], iteration_bounds = array<i64: 200>, scalar_prefetch = 0 : i64, scratch_operands = 0 : i64, tpu.core_type = #tpu.core_type<tc>, window_params = [{transform_indices = @transform_0, window_bounds = array<i64: 1000, 64>}, {pipeline_mode = #tpu.pipeline_mode<synchronous>, transform_indices = @transform_1, window_bounds = array<i64: 64, 128>}, {pipeline_mode = #tpu.pipeline_mode<synchronous>, transform_indices = @transform_2, window_bounds = array<i64: 1, 128>}, {pipeline_mode = #tpu.pipeline_mode<synchronous>, transform_indices = @transform_3, window_bounds = array<i64: 128, 64>}, {pipeline_mode = #tpu.pipeline_mode<synchronous>, transform_indices = @transform_4, window_bounds = array<i64: 1, 64>}, {pipeline_mode = #tpu.pipeline_mode<synchronous>, transform_indices = @transform_5, window_bounds = array<i64: 64, 128>}, {pipeline_mode = #tpu.pipeline_mode<synchronous>, transform_indices = @transform_6, window_bounds = array<i64: 1, 128>}, {pipeline_mode = #tpu.pipeline_mode<synchronous>, transform_indices = @transform_7, window_bounds = array<i64: 64, 128>}, {pipeline_mode = #tpu.pipeline_mode<synchronous>, transform_indices = @transform_8, window_bounds = array<i64: 1, 128>}, {pipeline_mode = #tpu.pipeline_mode<synchronous>, transform_indices = @transform_9, window_bounds = array<i64: 64, 128>}, {pipeline_mode = #tpu.pipeline_mode<synchronous>, transform_indices = @transform_10, window_bounds = array<i64: 1, 128>}, {pipeline_mode = #tpu.pipeline_mode<synchronous>, transform_indices = @transform_11, window_bounds = array<i64: 64, 128>}, {pipeline_mode = #tpu.pipeline_mode<synchronous>, transform_indices = @transform_12, window_bounds = array<i64: 1, 128>}, {transform_indices = @transform_13, window_bounds = array<i64: 1000, 128>}, {transform_indices = @transform_14, window_bounds = array<i64: 1000, 128>}, {transform_indices = @transform_15, window_bounds = array<i64: 1000, 128>}, {transform_indices = @transform_16, window_bounds = array<i64: 1000, 128>}]} {
    %get3A = arith.constant 0 : index
    %get3A_0 = arith.constant 0 : index
    %get3A_1 = vector.load %arg1[%get3A, %get3A_0] : memref<1000x64xf32, #tpu.memory_space<vmem>>, vector<1000x64xf32>
    %get3A_2 = arith.constant 0 : index
    %get3A_3 = arith.constant 0 : index
    %get3A_4 = vector.load %arg2[%get3A_2, %get3A_3] : memref<64x128xf32, #tpu.memory_space<vmem>>, vector<64x128xf32>
    %dot_general3A = arith.constant dense<0.000000e+00> : vector<1000x128xf32>
    %dot_general3A_5 = tpu.matmul %get3A_1, %get3A_4, %dot_general3A {dimension_numbers = #tpu.dot_dimension_numbers<[1], [0], [0], [1], [0, 0, 1, 1], [], []>, transpose_lhs_hint = false} : vector<1000x64xf32>, vector<64x128xf32>, vector<1000x128xf32> -> vector<1000x128xf32>
    %get3A_6 = arith.constant 0 : index
    %get3A_7 = arith.constant 0 : index
    %get3A_8 = vector.load %arg3[%get3A_6, %get3A_7] : memref<1x128xf32, #tpu.memory_space<vmem>>, vector<1x128xf32>
    %add3A = vector.broadcast %get3A_8 : vector<1x128xf32> to vector<1000x128xf32>
    %add3A_9 = arith.addf %dot_general3A_5, %add3A : vector<1000x128xf32>
    %max3A = arith.constant 0.000000e+00 : f32
    %max3A_10 = vector.broadcast %max3A : f32 to vector<1000x128xf32>
    %max3A_11 = arith.maximumf %add3A_9, %max3A_10 : vector<1000x128xf32>
    %get3A_12 = arith.constant 0 : index
    %get3A_13 = arith.constant 0 : index
    %get3A_14 = vector.load %arg4[%get3A_12, %get3A_13] : memref<128x64xf32, #tpu.memory_space<vmem>>, vector<128x64xf32>
    %dot_general3A_15 = arith.constant dense<0.000000e+00> : vector<1000x64xf32>
    %dot_general3A_16 = tpu.matmul %max3A_11, %get3A_14, %dot_general3A_15 {dimension_numbers = #tpu.dot_dimension_numbers<[1], [0], [0], [1], [0, 0, 1, 1], [], []>, transpose_lhs_hint = false} : vector<1000x128xf32>, vector<128x64xf32>, vector<1000x64xf32> -> vector<1000x64xf32>
    %get3A_17 = arith.constant 0 : index
    %get3A_18 = arith.constant 0 : index
    %get3A_19 = vector.load %arg5[%get3A_17, %get3A_18] : memref<1x64xf32, #tpu.memory_space<vmem>>, vector<1x64xf32>
    %add3A_20 = vector.broadcast %get3A_19 : vector<1x64xf32> to vector<1000x64xf32>
    %add3A_21 = arith.addf %dot_general3A_16, %add3A_20 : vector<1000x64xf32>
    %max3A_22 = arith.constant 0.000000e+00 : f32
    %max3A_23 = vector.broadcast %max3A_22 : f32 to vector<1000x64xf32>
    %max3A_24 = arith.maximumf %add3A_21, %max3A_23 : vector<1000x64xf32>
    %get3A_25 = arith.constant 0 : index
    %get3A_26 = arith.constant 0 : index
    %get3A_27 = vector.load %arg6[%get3A_25, %get3A_26] : memref<64x128xf32, #tpu.memory_space<vmem>>, vector<64x128xf32>
    %dot_general3A_28 = arith.constant dense<0.000000e+00> : vector<1000x128xf32>
    %dot_general3A_29 = tpu.matmul %max3A_24, %get3A_27, %dot_general3A_28 {dimension_numbers = #tpu.dot_dimension_numbers<[1], [0], [0], [1], [0, 0, 1, 1], [], []>, transpose_lhs_hint = false} : vector<1000x64xf32>, vector<64x128xf32>, vector<1000x128xf32> -> vector<1000x128xf32>
    %get3A_30 = arith.constant 0 : index
    %get3A_31 = arith.constant 0 : index
    %get3A_32 = vector.load %arg7[%get3A_30, %get3A_31] : memref<1x128xf32, #tpu.memory_space<vmem>>, vector<1x128xf32>
    %add3A_33 = vector.broadcast %get3A_32 : vector<1x128xf32> to vector<1000x128xf32>
    %add3A_34 = arith.addf %dot_general3A_29, %add3A_33 : vector<1000x128xf32>
    %swap3A = arith.constant 0 : index
    %swap3A_35 = arith.constant 0 : index
    %swap3A_36 = vector.load %arg14[%swap3A, %swap3A_35] : memref<1000x128xf32, #tpu.memory_space<vmem>>, vector<1000x128xf32>
    tpu.vector_store %arg14[%swap3A, %swap3A_35], %add3A_34 {strides = array<i32>} : memref<1000x128xf32, #tpu.memory_space<vmem>>, vector<1000x128xf32>,
    %get3A_37 = arith.constant 0 : index
    %get3A_38 = arith.constant 0 : index
    %get3A_39 = vector.load %arg8[%get3A_37, %get3A_38] : memref<64x128xf32, #tpu.memory_space<vmem>>, vector<64x128xf32>
    %dot_general3A_40 = arith.constant dense<0.000000e+00> : vector<1000x128xf32>
    %dot_general3A_41 = tpu.matmul %max3A_24, %get3A_39, %dot_general3A_40 {dimension_numbers = #tpu.dot_dimension_numbers<[1], [0], [0], [1], [0, 0, 1, 1], [], []>, transpose_lhs_hint = false} : vector<1000x64xf32>, vector<64x128xf32>, vector<1000x128xf32> -> vector<1000x128xf32>
    %get3A_42 = arith.constant 0 : index
    %get3A_43 = arith.constant 0 : index
    %get3A_44 = vector.load %arg9[%get3A_42, %get3A_43] : memref<1x128xf32, #tpu.memory_space<vmem>>, vector<1x128xf32>
    %add3A_45 = vector.broadcast %get3A_44 : vector<1x128xf32> to vector<1000x128xf32>
    %add3A_46 = arith.addf %dot_general3A_41, %add3A_45 : vector<1000x128xf32>
    %swap3A_47 = arith.constant 0 : index
    %swap3A_48 = arith.constant 0 : index
    %swap3A_49 = vector.load %arg15[%swap3A_47, %swap3A_48] : memref<1000x128xf32, #tpu.memory_space<vmem>>, vector<1000x128xf32>
    tpu.vector_store %arg15[%swap3A_47, %swap3A_48], %add3A_46 {strides = array<i32>} : memref<1000x128xf32, #tpu.memory_space<vmem>>, vector<1000x128xf32>,
    %get3A_50 = arith.constant 0 : index
    %get3A_51 = arith.constant 0 : index
    %get3A_52 = vector.load %arg10[%get3A_50, %get3A_51] : memref<64x128xf32, #tpu.memory_space<vmem>>, vector<64x128xf32>
    %dot_general3A_53 = arith.constant dense<0.000000e+00> : vector<1000x128xf32>
    %dot_general3A_54 = tpu.matmul %max3A_24, %get3A_52, %dot_general3A_53 {dimension_numbers = #tpu.dot_dimension_numbers<[1], [0], [0], [1], [0, 0, 1, 1], [], []>, transpose_lhs_hint = false} : vector<1000x64xf32>, vector<64x128xf32>, vector<1000x128xf32> -> vector<1000x128xf32>
    %get3A_55 = arith.constant 0 : index
    %get3A_56 = arith.constant 0 : index
    %get3A_57 = vector.load %arg11[%get3A_55, %get3A_56] : memref<1x128xf32, #tpu.memory_space<vmem>>, vector<1x128xf32>
    %add3A_58 = vector.broadcast %get3A_57 : vector<1x128xf32> to vector<1000x128xf32>
    %add3A_59 = arith.addf %dot_general3A_54, %add3A_58 : vector<1000x128xf32>
    %swap3A_60 = arith.constant 0 : index
    %swap3A_61 = arith.constant 0 : index
    %swap3A_62 = vector.load %arg16[%swap3A_60, %swap3A_61] : memref<1000x128xf32, #tpu.memory_space<vmem>>, vector<1000x128xf32>
    tpu.vector_store %arg16[%swap3A_60, %swap3A_61], %add3A_59 {strides = array<i32>} : memref<1000x128xf32, #tpu.memory_space<vmem>>, vector<1000x128xf32>,
    %get3A_63 = arith.constant 0 : index
    %get3A_64 = arith.constant 0 : index
    %get3A_65 = vector.load %arg12[%get3A_63, %get3A_64] : memref<64x128xf32, #tpu.memory_space<vmem>>, vector<64x128xf32>
    %dot_general3A_66 = arith.constant dense<0.000000e+00> : vector<1000x128xf32>
    %dot_general3A_67 = tpu.matmul %max3A_24, %get3A_65, %dot_general3A_66 {dimension_numbers = #tpu.dot_dimension_numbers<[1], [0], [0], [1], [0, 0, 1, 1], [], []>, transpose_lhs_hint = false} : vector<1000x64xf32>, vector<64x128xf32>, vector<1000x128xf32> -> vector<1000x128xf32>
    %get3A_68 = arith.constant 0 : index
    %get3A_69 = arith.constant 0 : index
    %get3A_70 = vector.load %arg13[%get3A_68, %get3A_69] : memref<1x128xf32, #tpu.memory_space<vmem>>, vector<1x128xf32>
    %add3A_71 = vector.broadcast %get3A_70 : vector<1x128xf32> to vector<1000x128xf32>
    %add3A_72 = arith.addf %dot_general3A_67, %add3A_71 : vector<1000x128xf32>
    %swap3A_73 = arith.constant 0 : index
    %swap3A_74 = arith.constant 0 : index
    %swap3A_75 = vector.load %arg17[%swap3A_73, %swap3A_74] : memref<1000x128xf32, #tpu.memory_space<vmem>>, vector<1000x128xf32>
    tpu.vector_store %arg17[%swap3A_73, %swap3A_74], %add3A_72 {strides = array<i32>} : memref<1000x128xf32, #tpu.memory_space<vmem>>, vector<1000x128xf32>,
    return
  }
  func.func @transform_0(%arg0: i32) -> (i32, i32) {
    %c0_i32 = arith.constant 0 : i32
    %c0_i32_0 = arith.constant 0 : i32
    return %arg0, %c0_i32 : i32, i32
  }
  func.func @transform_1(%arg0: i32) -> (i32, i32) {
    %c0_i32 = arith.constant 0 : i32
    %c0_i32_0 = arith.constant 0 : i32
    %c0_i32_1 = arith.constant 0 : i32
    return %c0_i32, %c0_i32_0 : i32, i32
  }
  func.func @transform_2(%arg0: i32) -> (i32, i32) {
    %c0_i32 = arith.constant 0 : i32
    %c0_i32_0 = arith.constant 0 : i32
    %c0_i32_1 = arith.constant 0 : i32
    return %c0_i32, %c0_i32_0 : i32, i32
  }
  func.func @transform_3(%arg0: i32) -> (i32, i32) {
    %c0_i32 = arith.constant 0 : i32
    %c0_i32_0 = arith.constant 0 : i32
    %c0_i32_1 = arith.constant 0 : i32
    return %c0_i32, %c0_i32_0 : i32, i32
  }
  func.func @transform_4(%arg0: i32) -> (i32, i32) {
    %c0_i32 = arith.constant 0 : i32
    %c0_i32_0 = arith.constant 0 : i32
    %c0_i32_1 = arith.constant 0 : i32
    return %c0_i32, %c0_i32_0 : i32, i32
  }
  func.func @transform_5(%arg0: i32) -> (i32, i32) {
    %c0_i32 = arith.constant 0 : i32
    %c0_i32_0 = arith.constant 0 : i32
    %c0_i32_1 = arith.constant 0 : i32
    return %c0_i32, %c0_i32_0 : i32, i32
  }
  func.func @transform_6(%arg0: i32) -> (i32, i32) {
    %c0_i32 = arith.constant 0 : i32
    %c0_i32_0 = arith.constant 0 : i32
    %c0_i32_1 = arith.constant 0 : i32
    return %c0_i32, %c0_i32_0 : i32, i32
  }
  func.func @transform_7(%arg0: i32) -> (i32, i32) {
    %c0_i32 = arith.constant 0 : i32
    %c0_i32_0 = arith.constant 0 : i32
    %c0_i32_1 = arith.constant 0 : i32
    return %c0_i32, %c0_i32_0 : i32, i32
  }
  func.func @transform_8(%arg0: i32) -> (i32, i32) {
    %c0_i32 = arith.constant 0 : i32
    %c0_i32_0 = arith.constant 0 : i32
    %c0_i32_1 = arith.constant 0 : i32
    return %c0_i32, %c0_i32_0 : i32, i32
  }
  func.func @transform_9(%arg0: i32) -> (i32, i32) {
    %c0_i32 = arith.constant 0 : i32
    %c0_i32_0 = arith.constant 0 : i32
    %c0_i32_1 = arith.constant 0 : i32
    return %c0_i32, %c0_i32_0 : i32, i32
  }
  func.func @transform_10(%arg0: i32) -> (i32, i32) {
    %c0_i32 = arith.constant 0 : i32
    %c0_i32_0 = arith.constant 0 : i32
    %c0_i32_1 = arith.constant 0 : i32
    return %c0_i32, %c0_i32_0 : i32, i32
  }
  func.func @transform_11(%arg0: i32) -> (i32, i32) {
    %c0_i32 = arith.constant 0 : i32
    %c0_i32_0 = arith.constant 0 : i32
    %c0_i32_1 = arith.constant 0 : i32
    return %c0_i32, %c0_i32_0 : i32, i32
  }
  func.func @transform_12(%arg0: i32) -> (i32, i32) {
    %c0_i32 = arith.constant 0 : i32
    %c0_i32_0 = arith.constant 0 : i32
    %c0_i32_1 = arith.constant 0 : i32
    return %c0_i32, %c0_i32_0 : i32, i32
  }
  func.func @transform_13(%arg0: i32) -> (i32, i32) {
    %c0_i32 = arith.constant 0 : i32
    %c0_i32_0 = arith.constant 0 : i32
    return %arg0, %c0_i32 : i32, i32
  }
  func.func @transform_14(%arg0: i32) -> (i32, i32) {
    %c0_i32 = arith.constant 0 : i32
    %c0_i32_0 = arith.constant 0 : i32
    return %arg0, %c0_i32 : i32, i32
  }
  func.func @transform_15(%arg0: i32) -> (i32, i32) {
    %c0_i32 = arith.constant 0 : i32
    %c0_i32_0 = arith.constant 0 : i32
    return %arg0, %c0_i32 : i32, i32
  }
  func.func @transform_16(%arg0: i32) -> (i32, i32) {
    %c0_i32 = arith.constant 0 : i32
    %c0_i32_0 = arith.constant 0 : i32
    return %arg0, %c0_i32 : i32, i32
  }
}

module attributes {stable_mosaic.version = 14 : i64} {
  func.func @body(%arg0: i32, %arg1: memref<2000x32xf32, #tpu.memory_space<vmem>>, %arg2: memref<2000x32xf32, #tpu.memory_space<vmem>>, %arg3: memref<2000x16xf32, #tpu.memory_space<vmem>>, %arg4: memref<2000x16xf32, #tpu.memory_space<vmem>>, %arg5: memref<2000x64xf32, #tpu.memory_space<vmem>>, %arg6: memref<64x64xf32, #tpu.memory_space<vmem>>, %arg7: memref<1x64xf32, #tpu.memory_space<vmem>>, %arg8: memref<64x64xf32, #tpu.memory_space<vmem>>, %arg9: memref<64x64xf32, #tpu.memory_space<vmem>>, %arg10: memref<1x64xf32, #tpu.memory_space<vmem>>, %arg11: memref<64x64xf32, #tpu.memory_space<vmem>>, %arg12: memref<2000x64xf32, #tpu.memory_space<vmem>>, %arg13: memref<2000x32xf32, #tpu.memory_space<vmem>>, %arg14: memref<2000x32xf32, #tpu.memory_space<vmem>>) attributes {dimension_semantics = [#tpu.dimension_semantics<arbitrary>], iteration_bounds = array<i64: 25>, scalar_prefetch = 0 : i64, scratch_operands = 0 : i64, tpu.core_type = #tpu.core_type<tc>, window_params = [{transform_indices = @transform_0, window_bounds = array<i64: 2000, 32>}, {transform_indices = @transform_1, window_bounds = array<i64: 2000, 32>}, {transform_indices = @transform_2, window_bounds = array<i64: 2000, 16>}, {transform_indices = @transform_3, window_bounds = array<i64: 2000, 16>}, {transform_indices = @transform_4, window_bounds = array<i64: 2000, 64>}, {pipeline_mode = #tpu.pipeline_mode<synchronous>, transform_indices = @transform_5, window_bounds = array<i64: 64, 64>}, {pipeline_mode = #tpu.pipeline_mode<synchronous>, transform_indices = @transform_6, window_bounds = array<i64: 1, 64>}, {pipeline_mode = #tpu.pipeline_mode<synchronous>, transform_indices = @transform_7, window_bounds = array<i64: 64, 64>}, {pipeline_mode = #tpu.pipeline_mode<synchronous>, transform_indices = @transform_8, window_bounds = array<i64: 64, 64>}, {pipeline_mode = #tpu.pipeline_mode<synchronous>, transform_indices = @transform_9, window_bounds = array<i64: 1, 64>}, {pipeline_mode = #tpu.pipeline_mode<synchronous>, transform_indices = @transform_10, window_bounds = array<i64: 64, 64>}, {transform_indices = @transform_11, window_bounds = array<i64: 2000, 64>}, {transform_indices = @transform_12, window_bounds = array<i64: 2000, 32>}, {transform_indices = @transform_13, window_bounds = array<i64: 2000, 32>}]} {
    %get3A = arith.constant 0 : index
    %get3A_0 = arith.constant 0 : index
    %get3A_1 = vector.load %arg1[%get3A, %get3A_0] : memref<2000x32xf32, #tpu.memory_space<vmem>>, vector<2000x32xf32>
    %get3A_2 = arith.constant 0 : index
    %get3A_3 = arith.constant 0 : index
    %get3A_4 = vector.load %arg2[%get3A_2, %get3A_3] : memref<2000x32xf32, #tpu.memory_space<vmem>>, vector<2000x32xf32>
    %concatenate3A = tpu.concatenate %get3A_1, %get3A_4 in 1 : vector<2000x32xf32>, vector<2000x32xf32> -> vector<2000x64xf32>
    %get3A_5 = arith.constant 0 : index
    %get3A_6 = arith.constant 0 : index
    %get3A_7 = vector.load %arg3[%get3A_5, %get3A_6] : memref<2000x16xf32, #tpu.memory_space<vmem>>, vector<2000x1xf32>
    %get3A_8 = arith.constant 0 : index
    %get3A_9 = arith.constant 0 : index
    %get3A_10 = vector.load %arg4[%get3A_8, %get3A_9] : memref<2000x16xf32, #tpu.memory_space<vmem>>, vector<2000x1xf32>
    %add3A = arith.addf %get3A_7, %get3A_10 : vector<2000x1xf32>
    %get3A_11 = arith.constant 0 : index
    %get3A_12 = arith.constant 0 : index
    %get3A_13 = vector.load %arg6[%get3A_11, %get3A_12] : memref<64x64xf32, #tpu.memory_space<vmem>>, vector<64x64xf32>
    %dot_general3A = arith.constant dense<0.000000e+00> : vector<2000x64xf32>
    %dot_general3A_14 = tpu.matmul %concatenate3A, %get3A_13, %dot_general3A {dimension_numbers = #tpu.dot_dimension_numbers<[1], [0], [0], [1], [0, 0, 1, 1], [], []>, transpose_lhs_hint = false} : vector<2000x64xf32>, vector<64x64xf32>, vector<2000x64xf32> -> vector<2000x64xf32>
    %get3A_15 = arith.constant 0 : index
    %get3A_16 = arith.constant 0 : index
    %get3A_17 = vector.load %arg7[%get3A_15, %get3A_16] : memref<1x64xf32, #tpu.memory_space<vmem>>, vector<1x64xf32>
    %mul3A = vector.broadcast %add3A : vector<2000x1xf32> to vector<2000x64xf32>
    %mul3A_18 = vector.broadcast %get3A_17 : vector<1x64xf32> to vector<2000x64xf32>
    %mul3A_19 = arith.mulf %mul3A, %mul3A_18 : vector<2000x64xf32>
    %add3A_20 = arith.addf %dot_general3A_14, %mul3A_19 : vector<2000x64xf32>
    %get3A_21 = arith.constant 0 : index
    %get3A_22 = arith.constant 0 : index
    %get3A_23 = vector.load %arg8[%get3A_21, %get3A_22] : memref<64x64xf32, #tpu.memory_space<vmem>>, vector<64x64xf32>
    %dot_general3A_24 = arith.constant dense<0.000000e+00> : vector<2000x64xf32>
    %dot_general3A_25 = tpu.matmul %add3A_20, %get3A_23, %dot_general3A_24 {dimension_numbers = #tpu.dot_dimension_numbers<[1], [0], [0], [1], [0, 0, 1, 1], [], []>, transpose_lhs_hint = false} : vector<2000x64xf32>, vector<64x64xf32>, vector<2000x64xf32> -> vector<2000x64xf32>
    %get3A_26 = arith.constant 0 : index
    %get3A_27 = arith.constant 0 : index
    %get3A_28 = vector.load %arg5[%get3A_26, %get3A_27] : memref<2000x64xf32, #tpu.memory_space<vmem>>, vector<2000x64xf32>
    %get3A_29 = arith.constant 0 : index
    %get3A_30 = arith.constant 0 : index
    %get3A_31 = vector.load %arg9[%get3A_29, %get3A_30] : memref<64x64xf32, #tpu.memory_space<vmem>>, vector<64x64xf32>
    %dot_general3A_32 = arith.constant dense<0.000000e+00> : vector<2000x64xf32>
    %dot_general3A_33 = tpu.matmul %get3A_28, %get3A_31, %dot_general3A_32 {dimension_numbers = #tpu.dot_dimension_numbers<[1], [0], [0], [1], [0, 0, 1, 1], [], []>, transpose_lhs_hint = false} : vector<2000x64xf32>, vector<64x64xf32>, vector<2000x64xf32> -> vector<2000x64xf32>
    %add3A_34 = arith.addf %dot_general3A_25, %dot_general3A_33 : vector<2000x64xf32>
    %get3A_35 = arith.constant 0 : index
    %get3A_36 = arith.constant 0 : index
    %get3A_37 = vector.load %arg10[%get3A_35, %get3A_36] : memref<1x64xf32, #tpu.memory_space<vmem>>, vector<1x64xf32>
    %add3A_38 = vector.broadcast %get3A_37 : vector<1x64xf32> to vector<2000x64xf32>
    %add3A_39 = arith.addf %add3A_34, %add3A_38 : vector<2000x64xf32>
    %max3A = arith.constant 0.000000e+00 : f32
    %max3A_40 = vector.broadcast %max3A : f32 to vector<2000x64xf32>
    %max3A_41 = arith.maximumf %add3A_39, %max3A_40 : vector<2000x64xf32>
    %swap3A = arith.constant 0 : index
    %swap3A_42 = arith.constant 0 : index
    %swap3A_43 = vector.load %arg12[%swap3A, %swap3A_42] : memref<2000x64xf32, #tpu.memory_space<vmem>>, vector<2000x64xf32>
    tpu.vector_store %arg12[%swap3A, %swap3A_42], %max3A_41 {strides = array<i32>} : memref<2000x64xf32, #tpu.memory_space<vmem>>, vector<2000x64xf32>,
    %get3A_44 = arith.constant 0 : index
    %get3A_45 = arith.constant 0 : index
    %get3A_46 = vector.load %arg11[%get3A_44, %get3A_45] : memref<64x64xf32, #tpu.memory_space<vmem>>, vector<64x64xf32>
    %dot_general3A_47 = arith.constant dense<0.000000e+00> : vector<2000x64xf32>
    %dot_general3A_48 = tpu.matmul %max3A_41, %get3A_46, %dot_general3A_47 {dimension_numbers = #tpu.dot_dimension_numbers<[1], [0], [0], [1], [0, 0, 1, 1], [], []>, transpose_lhs_hint = false} : vector<2000x64xf32>, vector<64x64xf32>, vector<2000x64xf32> -> vector<2000x64xf32>
    %slice3A = vector.extract_strided_slice %dot_general3A_48 {offsets = [0, 0], sizes = [2000, 32], strides = [1, 1]} : vector<2000x64xf32> to vector<2000x32xf32>
    %swap3A_49 = arith.constant 0 : index
    %swap3A_50 = arith.constant 0 : index
    %swap3A_51 = vector.load %arg13[%swap3A_49, %swap3A_50] : memref<2000x32xf32, #tpu.memory_space<vmem>>, vector<2000x32xf32>
    tpu.vector_store %arg13[%swap3A_49, %swap3A_50], %slice3A {strides = array<i32>} : memref<2000x32xf32, #tpu.memory_space<vmem>>, vector<2000x32xf32>,
    %slice3A_52 = vector.extract_strided_slice %dot_general3A_48 {offsets = [0, 32], sizes = [2000, 32], strides = [1, 1]} : vector<2000x64xf32> to vector<2000x32xf32>
    %swap3A_53 = arith.constant 0 : index
    %swap3A_54 = arith.constant 0 : index
    %swap3A_55 = vector.load %arg14[%swap3A_53, %swap3A_54] : memref<2000x32xf32, #tpu.memory_space<vmem>>, vector<2000x32xf32>
    tpu.vector_store %arg14[%swap3A_53, %swap3A_54], %slice3A_52 {strides = array<i32>} : memref<2000x32xf32, #tpu.memory_space<vmem>>, vector<2000x32xf32>,
    return
  }
  func.func @transform_0(%arg0: i32) -> (i32, i32) {
    %c0_i32 = arith.constant 0 : i32
    %c0_i32_0 = arith.constant 0 : i32
    return %arg0, %c0_i32 : i32, i32
  }
  func.func @transform_1(%arg0: i32) -> (i32, i32) {
    %c0_i32 = arith.constant 0 : i32
    %c0_i32_0 = arith.constant 0 : i32
    return %arg0, %c0_i32 : i32, i32
  }
  func.func @transform_2(%arg0: i32) -> (i32, i32) {
    %c0_i32 = arith.constant 0 : i32
    %c0_i32_0 = arith.constant 0 : i32
    return %arg0, %c0_i32 : i32, i32
  }
  func.func @transform_3(%arg0: i32) -> (i32, i32) {
    %c0_i32 = arith.constant 0 : i32
    %c0_i32_0 = arith.constant 0 : i32
    return %arg0, %c0_i32 : i32, i32
  }
  func.func @transform_4(%arg0: i32) -> (i32, i32) {
    %c0_i32 = arith.constant 0 : i32
    %c0_i32_0 = arith.constant 0 : i32
    return %arg0, %c0_i32 : i32, i32
  }
  func.func @transform_5(%arg0: i32) -> (i32, i32) {
    %c0_i32 = arith.constant 0 : i32
    %c0_i32_0 = arith.constant 0 : i32
    %c0_i32_1 = arith.constant 0 : i32
    return %c0_i32, %c0_i32_0 : i32, i32
  }
  func.func @transform_6(%arg0: i32) -> (i32, i32) {
    %c0_i32 = arith.constant 0 : i32
    %c0_i32_0 = arith.constant 0 : i32
    %c0_i32_1 = arith.constant 0 : i32
    return %c0_i32, %c0_i32_0 : i32, i32
  }
  func.func @transform_7(%arg0: i32) -> (i32, i32) {
    %c0_i32 = arith.constant 0 : i32
    %c0_i32_0 = arith.constant 0 : i32
    %c0_i32_1 = arith.constant 0 : i32
    return %c0_i32, %c0_i32_0 : i32, i32
  }
  func.func @transform_8(%arg0: i32) -> (i32, i32) {
    %c0_i32 = arith.constant 0 : i32
    %c0_i32_0 = arith.constant 0 : i32
    %c0_i32_1 = arith.constant 0 : i32
    return %c0_i32, %c0_i32_0 : i32, i32
  }
  func.func @transform_9(%arg0: i32) -> (i32, i32) {
    %c0_i32 = arith.constant 0 : i32
    %c0_i32_0 = arith.constant 0 : i32
    %c0_i32_1 = arith.constant 0 : i32
    return %c0_i32, %c0_i32_0 : i32, i32
  }
  func.func @transform_10(%arg0: i32) -> (i32, i32) {
    %c0_i32 = arith.constant 0 : i32
    %c0_i32_0 = arith.constant 0 : i32
    %c0_i32_1 = arith.constant 0 : i32
    return %c0_i32, %c0_i32_0 : i32, i32
  }
  func.func @transform_11(%arg0: i32) -> (i32, i32) {
    %c0_i32 = arith.constant 0 : i32
    %c0_i32_0 = arith.constant 0 : i32
    return %arg0, %c0_i32 : i32, i32
  }
  func.func @transform_12(%arg0: i32) -> (i32, i32) {
    %c0_i32 = arith.constant 0 : i32
    %c0_i32_0 = arith.constant 0 : i32
    return %arg0, %c0_i32 : i32, i32
  }
  func.func @transform_13(%arg0: i32) -> (i32, i32) {
    %c0_i32 = arith.constant 0 : i32
    %c0_i32_0 = arith.constant 0 : i32
    return %arg0, %c0_i32 : i32, i32
  }
}

module attributes {stable_mosaic.version = 14 : i64} {
  func.func @body(%arg0: i32, %arg1: memref<2000x32xf32, #tpu.memory_space<vmem>>, %arg2: memref<2000x32xf32, #tpu.memory_space<vmem>>, %arg3: memref<2000x16xf32, #tpu.memory_space<vmem>>, %arg4: memref<2000x16xf32, #tpu.memory_space<vmem>>, %arg5: memref<2000x64xf32, #tpu.memory_space<vmem>>, %arg6: memref<64x64xf32, #tpu.memory_space<vmem>>, %arg7: memref<1x64xf32, #tpu.memory_space<vmem>>, %arg8: memref<64x64xf32, #tpu.memory_space<vmem>>, %arg9: memref<64x64xf32, #tpu.memory_space<vmem>>, %arg10: memref<1x64xf32, #tpu.memory_space<vmem>>, %arg11: memref<2000x64xf32, #tpu.memory_space<vmem>>) attributes {dimension_semantics = [#tpu.dimension_semantics<arbitrary>], iteration_bounds = array<i64: 25>, scalar_prefetch = 0 : i64, scratch_operands = 0 : i64, tpu.core_type = #tpu.core_type<tc>, window_params = [{transform_indices = @transform_0, window_bounds = array<i64: 2000, 32>}, {transform_indices = @transform_1, window_bounds = array<i64: 2000, 32>}, {transform_indices = @transform_2, window_bounds = array<i64: 2000, 16>}, {transform_indices = @transform_3, window_bounds = array<i64: 2000, 16>}, {transform_indices = @transform_4, window_bounds = array<i64: 2000, 64>}, {pipeline_mode = #tpu.pipeline_mode<synchronous>, transform_indices = @transform_5, window_bounds = array<i64: 64, 64>}, {pipeline_mode = #tpu.pipeline_mode<synchronous>, transform_indices = @transform_6, window_bounds = array<i64: 1, 64>}, {pipeline_mode = #tpu.pipeline_mode<synchronous>, transform_indices = @transform_7, window_bounds = array<i64: 64, 64>}, {pipeline_mode = #tpu.pipeline_mode<synchronous>, transform_indices = @transform_8, window_bounds = array<i64: 64, 64>}, {pipeline_mode = #tpu.pipeline_mode<synchronous>, transform_indices = @transform_9, window_bounds = array<i64: 1, 64>}, {transform_indices = @transform_10, window_bounds = array<i64: 2000, 64>}]} {
    %get3A = arith.constant 0 : index
    %get3A_0 = arith.constant 0 : index
    %get3A_1 = vector.load %arg1[%get3A, %get3A_0] : memref<2000x32xf32, #tpu.memory_space<vmem>>, vector<2000x32xf32>
    %get3A_2 = arith.constant 0 : index
    %get3A_3 = arith.constant 0 : index
    %get3A_4 = vector.load %arg2[%get3A_2, %get3A_3] : memref<2000x32xf32, #tpu.memory_space<vmem>>, vector<2000x32xf32>
    %concatenate3A = tpu.concatenate %get3A_1, %get3A_4 in 1 : vector<2000x32xf32>, vector<2000x32xf32> -> vector<2000x64xf32>
    %get3A_5 = arith.constant 0 : index
    %get3A_6 = arith.constant 0 : index
    %get3A_7 = vector.load %arg3[%get3A_5, %get3A_6] : memref<2000x16xf32, #tpu.memory_space<vmem>>, vector<2000x1xf32>
    %get3A_8 = arith.constant 0 : index
    %get3A_9 = arith.constant 0 : index
    %get3A_10 = vector.load %arg4[%get3A_8, %get3A_9] : memref<2000x16xf32, #tpu.memory_space<vmem>>, vector<2000x1xf32>
    %add3A = arith.addf %get3A_7, %get3A_10 : vector<2000x1xf32>
    %get3A_11 = arith.constant 0 : index
    %get3A_12 = arith.constant 0 : index
    %get3A_13 = vector.load %arg6[%get3A_11, %get3A_12] : memref<64x64xf32, #tpu.memory_space<vmem>>, vector<64x64xf32>
    %dot_general3A = arith.constant dense<0.000000e+00> : vector<2000x64xf32>
    %dot_general3A_14 = tpu.matmul %concatenate3A, %get3A_13, %dot_general3A {dimension_numbers = #tpu.dot_dimension_numbers<[1], [0], [0], [1], [0, 0, 1, 1], [], []>, transpose_lhs_hint = false} : vector<2000x64xf32>, vector<64x64xf32>, vector<2000x64xf32> -> vector<2000x64xf32>
    %get3A_15 = arith.constant 0 : index
    %get3A_16 = arith.constant 0 : index
    %get3A_17 = vector.load %arg7[%get3A_15, %get3A_16] : memref<1x64xf32, #tpu.memory_space<vmem>>, vector<1x64xf32>
    %mul3A = vector.broadcast %add3A : vector<2000x1xf32> to vector<2000x64xf32>
    %mul3A_18 = vector.broadcast %get3A_17 : vector<1x64xf32> to vector<2000x64xf32>
    %mul3A_19 = arith.mulf %mul3A, %mul3A_18 : vector<2000x64xf32>
    %add3A_20 = arith.addf %dot_general3A_14, %mul3A_19 : vector<2000x64xf32>
    %get3A_21 = arith.constant 0 : index
    %get3A_22 = arith.constant 0 : index
    %get3A_23 = vector.load %arg8[%get3A_21, %get3A_22] : memref<64x64xf32, #tpu.memory_space<vmem>>, vector<64x64xf32>
    %dot_general3A_24 = arith.constant dense<0.000000e+00> : vector<2000x64xf32>
    %dot_general3A_25 = tpu.matmul %add3A_20, %get3A_23, %dot_general3A_24 {dimension_numbers = #tpu.dot_dimension_numbers<[1], [0], [0], [1], [0, 0, 1, 1], [], []>, transpose_lhs_hint = false} : vector<2000x64xf32>, vector<64x64xf32>, vector<2000x64xf32> -> vector<2000x64xf32>
    %get3A_26 = arith.constant 0 : index
    %get3A_27 = arith.constant 0 : index
    %get3A_28 = vector.load %arg5[%get3A_26, %get3A_27] : memref<2000x64xf32, #tpu.memory_space<vmem>>, vector<2000x64xf32>
    %get3A_29 = arith.constant 0 : index
    %get3A_30 = arith.constant 0 : index
    %get3A_31 = vector.load %arg9[%get3A_29, %get3A_30] : memref<64x64xf32, #tpu.memory_space<vmem>>, vector<64x64xf32>
    %dot_general3A_32 = arith.constant dense<0.000000e+00> : vector<2000x64xf32>
    %dot_general3A_33 = tpu.matmul %get3A_28, %get3A_31, %dot_general3A_32 {dimension_numbers = #tpu.dot_dimension_numbers<[1], [0], [0], [1], [0, 0, 1, 1], [], []>, transpose_lhs_hint = false} : vector<2000x64xf32>, vector<64x64xf32>, vector<2000x64xf32> -> vector<2000x64xf32>
    %add3A_34 = arith.addf %dot_general3A_25, %dot_general3A_33 : vector<2000x64xf32>
    %get3A_35 = arith.constant 0 : index
    %get3A_36 = arith.constant 0 : index
    %get3A_37 = vector.load %arg10[%get3A_35, %get3A_36] : memref<1x64xf32, #tpu.memory_space<vmem>>, vector<1x64xf32>
    %add3A_38 = vector.broadcast %get3A_37 : vector<1x64xf32> to vector<2000x64xf32>
    %add3A_39 = arith.addf %add3A_34, %add3A_38 : vector<2000x64xf32>
    %max3A = arith.constant 0.000000e+00 : f32
    %max3A_40 = vector.broadcast %max3A : f32 to vector<2000x64xf32>
    %max3A_41 = arith.maximumf %add3A_39, %max3A_40 : vector<2000x64xf32>
    %swap3A = arith.constant 0 : index
    %swap3A_42 = arith.constant 0 : index
    %swap3A_43 = vector.load %arg11[%swap3A, %swap3A_42] : memref<2000x64xf32, #tpu.memory_space<vmem>>, vector<2000x64xf32>
    tpu.vector_store %arg11[%swap3A, %swap3A_42], %max3A_41 {strides = array<i32>} : memref<2000x64xf32, #tpu.memory_space<vmem>>, vector<2000x64xf32>,
    return
  }
  func.func @transform_0(%arg0: i32) -> (i32, i32) {
    %c0_i32 = arith.constant 0 : i32
    %c0_i32_0 = arith.constant 0 : i32
    return %arg0, %c0_i32 : i32, i32
  }
  func.func @transform_1(%arg0: i32) -> (i32, i32) {
    %c0_i32 = arith.constant 0 : i32
    %c0_i32_0 = arith.constant 0 : i32
    return %arg0, %c0_i32 : i32, i32
  }
  func.func @transform_2(%arg0: i32) -> (i32, i32) {
    %c0_i32 = arith.constant 0 : i32
    %c0_i32_0 = arith.constant 0 : i32
    return %arg0, %c0_i32 : i32, i32
  }
  func.func @transform_3(%arg0: i32) -> (i32, i32) {
    %c0_i32 = arith.constant 0 : i32
    %c0_i32_0 = arith.constant 0 : i32
    return %arg0, %c0_i32 : i32, i32
  }
  func.func @transform_4(%arg0: i32) -> (i32, i32) {
    %c0_i32 = arith.constant 0 : i32
    %c0_i32_0 = arith.constant 0 : i32
    return %arg0, %c0_i32 : i32, i32
  }
  func.func @transform_5(%arg0: i32) -> (i32, i32) {
    %c0_i32 = arith.constant 0 : i32
    %c0_i32_0 = arith.constant 0 : i32
    %c0_i32_1 = arith.constant 0 : i32
    return %c0_i32, %c0_i32_0 : i32, i32
  }
  func.func @transform_6(%arg0: i32) -> (i32, i32) {
    %c0_i32 = arith.constant 0 : i32
    %c0_i32_0 = arith.constant 0 : i32
    %c0_i32_1 = arith.constant 0 : i32
    return %c0_i32, %c0_i32_0 : i32, i32
  }
  func.func @transform_7(%arg0: i32) -> (i32, i32) {
    %c0_i32 = arith.constant 0 : i32
    %c0_i32_0 = arith.constant 0 : i32
    %c0_i32_1 = arith.constant 0 : i32
    return %c0_i32, %c0_i32_0 : i32, i32
  }
  func.func @transform_8(%arg0: i32) -> (i32, i32) {
    %c0_i32 = arith.constant 0 : i32
    %c0_i32_0 = arith.constant 0 : i32
    %c0_i32_1 = arith.constant 0 : i32
    return %c0_i32, %c0_i32_0 : i32, i32
  }
  func.func @transform_9(%arg0: i32) -> (i32, i32) {
    %c0_i32 = arith.constant 0 : i32
    %c0_i32_0 = arith.constant 0 : i32
    %c0_i32_1 = arith.constant 0 : i32
    return %c0_i32, %c0_i32_0 : i32, i32
  }
  func.func @transform_10(%arg0: i32) -> (i32, i32) {
    %c0_i32 = arith.constant 0 : i32
    %c0_i32_0 = arith.constant 0 : i32
    return %arg0, %c0_i32 : i32, i32
  }
}

module attributes {stable_mosaic.version = 14 : i64} {
  func.func @_readout_body(%arg0: i32, %arg1: i32, %arg2: memref<2000x64xf32, #tpu.memory_space<vmem>>, %arg3: memref<1x2000x1xi32, #tpu.memory_space<vmem>>, %arg4: memref<64x1xf32, #tpu.memory_space<vmem>>, %arg5: memref<1x1xf32, #tpu.memory_space<vmem>>, %arg6: memref<64x32xf32, #tpu.memory_space<vmem>>, %arg7: memref<1x32xf32, #tpu.memory_space<vmem>>, %arg8: memref<64x32xf32, #tpu.memory_space<vmem>>, %arg9: memref<1x64xf32, #tpu.memory_space<vmem>>, %arg10: memref<64x72xf32, #tpu.memory_space<vmem>>) attributes {dimension_semantics = [#tpu.dimension_semantics<arbitrary>, #tpu.dimension_semantics<arbitrary>], iteration_bounds = array<i64: 3, 25>, scalar_prefetch = 0 : i64, scratch_operands = 2 : i64, tpu.core_type = #tpu.core_type<tc>, window_params = [{transform_indices = @transform_0, window_bounds = array<i64: 2000, 64>}, {transform_indices = @transform_1, window_bounds = array<i64: 1, 2000, 1>}, {pipeline_mode = #tpu.pipeline_mode<synchronous>, transform_indices = @transform_2, window_bounds = array<i64: 64, 1>}, {pipeline_mode = #tpu.pipeline_mode<synchronous>, transform_indices = @transform_3, window_bounds = array<i64: 1, 1>}, {pipeline_mode = #tpu.pipeline_mode<synchronous>, transform_indices = @transform_4, window_bounds = array<i64: 64, 32>}, {pipeline_mode = #tpu.pipeline_mode<synchronous>, transform_indices = @transform_5, window_bounds = array<i64: 1, 32>}, {pipeline_mode = #tpu.pipeline_mode<synchronous>, transform_indices = @transform_6, window_bounds = array<i64: 64, 32>}]} {
    %eq3A = arith.constant 0 : i32
    %eq3A_0 = arith.cmpi eq, %arg0, %eq3A : i32
    %eq3A_1 = arith.constant 0 : i32
    %eq3A_2 = arith.cmpi eq, %arg1, %eq3A_1 : i32
    %and3A = arith.andi %eq3A_0, %eq3A_2 : i1
    %convert_element_type3A = arith.extui %and3A : i1 to i32
    %cond3A = arith.constant 0 : i32
    %cond3A_3 = arith.cmpi ne, %convert_element_type3A, %cond3A : i32
    scf.if %cond3A_3 {
      %broadcast_in_dim3A = arith.constant -1.000000e+30 : f32
      %broadcast_in_dim3A_40 = vector.broadcast %broadcast_in_dim3A : f32 to vector<1x64xf32>
      %swap3A = arith.constant 0 : index
      %swap3A_41 = arith.constant 0 : index
      %swap3A_42 = vector.load %arg9[%swap3A, %swap3A_41] : memref<1x64xf32, #tpu.memory_space<vmem>>, vector<1x64xf32>
      tpu.vector_store %arg9[%swap3A, %swap3A_41], %broadcast_in_dim3A_40 {strides = array<i32>} : memref<1x64xf32, #tpu.memory_space<vmem>>, vector<1x64xf32>,
      %broadcast_in_dim3A_43 = arith.constant 0.000000e+00 : f32
      %broadcast_in_dim3A_44 = vector.broadcast %broadcast_in_dim3A_43 : f32 to vector<64x72xf32>
      %swap3A_45 = arith.constant 0 : index
      %swap3A_46 = arith.constant 0 : index
      %swap3A_47 = vector.load %arg10[%swap3A_45, %swap3A_46] : memref<64x72xf32, #tpu.memory_space<vmem>>, vector<64x72xf32>
      tpu.vector_store %arg10[%swap3A_45, %swap3A_46], %broadcast_in_dim3A_44 {strides = array<i32>} : memref<64x72xf32, #tpu.memory_space<vmem>>, vector<64x72xf32>,
    } else {
    }
    %get3A = arith.constant 0 : index
    %get3A_4 = arith.constant 0 : index
    %get3A_5 = arith.constant 0 : index
    %get3A_6 = vector.load %arg3[%get3A, %get3A_4, %get3A_5] : memref<1x2000x1xi32, #tpu.memory_space<vmem>>, vector<1x2000x1xi32>
    %get3A_7 = vector.shape_cast %get3A_6 : vector<1x2000x1xi32> to vector<2000x1xi32>
    %iota3A = tpu.iota {dimensions = array<i32: 1>} : vector<1x64xi32>
    %eq3A_8 = vector.broadcast %get3A_7 : vector<2000x1xi32> to vector<2000x64xi32>
    %eq3A_9 = vector.broadcast %iota3A : vector<1x64xi32> to vector<2000x64xi32>
    %eq3A_10 = arith.cmpi eq, %eq3A_8, %eq3A_9 : vector<2000x64xi32>
    %get3A_11 = arith.constant 0 : index
    %get3A_12 = arith.constant 0 : index
    %get3A_13 = vector.load %arg2[%get3A_11, %get3A_12] : memref<2000x64xf32, #tpu.memory_space<vmem>>, vector<2000x64xf32>
    %get3A_14 = arith.constant 0 : index
    %get3A_15 = arith.constant 0 : index
    %get3A_16 = vector.load %arg4[%get3A_14, %get3A_15] : memref<64x1xf32, #tpu.memory_space<vmem>>, vector<64x1xf32>
    %dot_general3A = arith.constant dense<0.000000e+00> : vector<2000x1xf32>
    %dot_general3A_17 = tpu.matmul %get3A_13, %get3A_16, %dot_general3A {dimension_numbers = #tpu.dot_dimension_numbers<[1], [0], [0], [1], [0, 0, 1, 1], [], []>, transpose_lhs_hint = false} : vector<2000x64xf32>, vector<64x1xf32>, vector<2000x1xf32> -> vector<2000x1xf32>
    %get3A_18 = arith.constant 0 : index
    %get3A_19 = arith.constant 0 : index
    %get3A_20 = vector.load %arg5[%get3A_18, %get3A_19] : memref<1x1xf32, #tpu.memory_space<vmem>>, vector<1x1xf32>
    %add3A = vector.broadcast %get3A_20 : vector<1x1xf32> to vector<2000x1xf32>
    %add3A_21 = arith.addf %dot_general3A_17, %add3A : vector<2000x1xf32>
    %eq3A_22 = arith.constant 0 : i32
    %eq3A_23 = arith.cmpi eq, %arg0, %eq3A_22 : i32
    %convert_element_type3A_24 = arith.extui %eq3A_23 : i1 to i32
    %cond3A_25 = arith.constant 0 : i32
    %cond3A_26 = arith.cmpi ne, %convert_element_type3A_24, %cond3A_25 : i32
    scf.if %cond3A_26 {
      %jit3A = arith.constant -1.000000e+30 : f32
      %broadcast_in_dim3A = vector.shape_cast %add3A_21 : vector<2000x1xf32> to vector<2000x1xf32>
      %broadcast_in_dim3A_40 = vector.broadcast %broadcast_in_dim3A : vector<2000x1xf32> to vector<2000x64xf32>
      %broadcast_in_dim3A_41 = vector.broadcast %jit3A : f32 to vector<2000x64xf32>
      %select_n3A = arith.select %eq3A_10, %broadcast_in_dim3A_40, %broadcast_in_dim3A_41 : vector<2000x64xi1>, vector<2000x64xf32>
      %get3A_42 = arith.constant 0 : index
      %get3A_43 = arith.constant 0 : index
      %get3A_44 = vector.load %arg9[%get3A_42, %get3A_43] : memref<1x64xf32, #tpu.memory_space<vmem>>, vector<1x64xf32>
      %reduce_max3A = arith.constant dense<0xFF800000> : vector<64xf32>
      %reduce_max3A_45 = vector.multi_reduction <maximumf>, %select_n3A, %reduce_max3A [0] : vector<2000x64xf32> to vector<64xf32>
      %broadcast_in_dim3A_46 = vector.shape_cast %reduce_max3A_45 : vector<64xf32> to vector<1x64xf32>
      %max3A = arith.maximumf %get3A_44, %broadcast_in_dim3A_46 : vector<1x64xf32>
      %swap3A = arith.constant 0 : index
      %swap3A_47 = arith.constant 0 : index
      %swap3A_48 = vector.load %arg9[%swap3A, %swap3A_47] : memref<1x64xf32, #tpu.memory_space<vmem>>, vector<1x64xf32>
      tpu.vector_store %arg9[%swap3A, %swap3A_47], %max3A {strides = array<i32>} : memref<1x64xf32, #tpu.memory_space<vmem>>, vector<1x64xf32>,
    } else {
    }
    %eq3A_27 = arith.constant 1 : i32
    %eq3A_28 = arith.cmpi eq, %arg0, %eq3A_27 : i32
    %convert_element_type3A_29 = arith.extui %eq3A_28 : i1 to i32
    %cond3A_30 = arith.constant 0 : i32
    %cond3A_31 = arith.cmpi ne, %convert_element_type3A_29, %cond3A_30 : i32
    scf.if %cond3A_31 {
      %get3A_40 = arith.constant 0 : index
      %get3A_41 = arith.constant 0 : index
      %get3A_42 = vector.load %arg9[%get3A_40, %get3A_41] : memref<1x64xf32, #tpu.memory_space<vmem>>, vector<1x64xf32>
      %gt3A = arith.constant -1.000000e+29 : f32
      %gt3A_43 = vector.broadcast %gt3A : f32 to vector<1x64xf32>
      %gt3A_44 = arith.cmpf ogt, %get3A_42, %gt3A_43 : vector<1x64xf32>
      %jit3A = arith.constant 0.000000e+00 : f32
      %broadcast_in_dim3A = vector.broadcast %jit3A : f32 to vector<1x64xf32>
      %select_n3A = arith.select %gt3A_44, %get3A_42, %broadcast_in_dim3A : vector<1x64xi1>, vector<1x64xf32>
      %jit3A_45 = arith.constant 0.000000e+00 : f32
      %broadcast_in_dim3A_46 = vector.shape_cast %select_n3A : vector<1x64xf32> to vector<1x64xf32>
      %broadcast_in_dim3A_47 = vector.broadcast %broadcast_in_dim3A_46 : vector<1x64xf32> to vector<2000x64xf32>
      %broadcast_in_dim3A_48 = vector.broadcast %jit3A_45 : f32 to vector<2000x64xf32>
      %select_n3A_49 = arith.select %eq3A_10, %broadcast_in_dim3A_47, %broadcast_in_dim3A_48 : vector<2000x64xi1>, vector<2000x64xf32>
      %reduce_sum3A = arith.constant dense<0.000000e+00> : vector<2000xf32>
      %reduce_sum3A_50 = vector.multi_reduction <add>, %select_n3A_49, %reduce_sum3A [1] : vector<2000x64xf32> to vector<2000xf32>
      %broadcast_in_dim3A_51 = vector.shape_cast %reduce_sum3A_50 : vector<2000xf32> to vector<2000x1xf32>
      %sub3A = arith.subf %add3A_21, %broadcast_in_dim3A_51 : vector<2000x1xf32>
      %exp3A = math.exp %sub3A : vector<2000x1xf32>
      %jit3A_52 = arith.constant 0.000000e+00 : f32
      %broadcast_in_dim3A_53 = vector.shape_cast %exp3A : vector<2000x1xf32> to vector<2000x1xf32>
      %broadcast_in_dim3A_54 = vector.broadcast %broadcast_in_dim3A_53 : vector<2000x1xf32> to vector<2000x64xf32>
      %broadcast_in_dim3A_55 = vector.broadcast %jit3A_52 : f32 to vector<2000x64xf32>
      %select_n3A_56 = arith.select %eq3A_10, %broadcast_in_dim3A_54, %broadcast_in_dim3A_55 : vector<2000x64xi1>, vector<2000x64xf32>
      %get3A_57 = arith.constant 0 : index
      %get3A_58 = arith.constant 0 : index
      %get3A_59 = vector.load %arg2[%get3A_57, %get3A_58] : memref<2000x64xf32, #tpu.memory_space<vmem>>, vector<2000x64xf32>
      %broadcast_in_dim3A_60 = arith.constant 1.000000e+00 : f32
      %broadcast_in_dim3A_61 = vector.broadcast %broadcast_in_dim3A_60 : f32 to vector<2000x8xf32>
      %concatenate3A = tpu.concatenate %get3A_59, %broadcast_in_dim3A_61 in 1 : vector<2000x64xf32>, vector<2000x8xf32> -> vector<2000x72xf32>
      %get3A_62 = arith.constant 0 : index
      %get3A_63 = arith.constant 0 : index
      %get3A_64 = vector.load %arg10[%get3A_62, %get3A_63] : memref<64x72xf32, #tpu.memory_space<vmem>>, vector<64x72xf32>
      %dot_general3A_65 = arith.constant dense<0.000000e+00> : vector<64x72xf32>
      %dot_general3A_66 = tpu.matmul %select_n3A_56, %concatenate3A, %dot_general3A_65 {dimension_numbers = #tpu.dot_dimension_numbers<[0], [0], [1], [1], [0, 1, 1, 1], [], []>, transpose_lhs_hint = false} : vector<2000x64xf32>, vector<2000x72xf32>, vector<64x72xf32> -> vector<64x72xf32>
      %add3A_67 = arith.addf %get3A_64, %dot_general3A_66 : vector<64x72xf32>
      %swap3A = arith.constant 0 : index
      %swap3A_68 = arith.constant 0 : index
      %swap3A_69 = vector.load %arg10[%swap3A, %swap3A_68] : memref<64x72xf32, #tpu.memory_space<vmem>>, vector<64x72xf32>
      tpu.vector_store %arg10[%swap3A, %swap3A_68], %add3A_67 {strides = array<i32>} : memref<64x72xf32, #tpu.memory_space<vmem>>, vector<64x72xf32>,
    } else {
    }
    %eq3A_32 = arith.constant 2 : i32
    %eq3A_33 = arith.cmpi eq, %arg0, %eq3A_32 : i32
    %eq3A_34 = arith.constant 0 : i32
    %eq3A_35 = arith.cmpi eq, %arg1, %eq3A_34 : i32
    %and3A_36 = arith.andi %eq3A_33, %eq3A_35 : i1
    %convert_element_type3A_37 = arith.extui %and3A_36 : i1 to i32
    %cond3A_38 = arith.constant 0 : i32
    %cond3A_39 = arith.cmpi ne, %convert_element_type3A_37, %cond3A_38 : i32
    scf.if %cond3A_39 {
      %get3A_40 = arith.constant 0 : index
      %get3A_41 = arith.constant 0 : index
      %get3A_42 = vector.load %arg10[%get3A_40, %get3A_41] : memref<64x72xf32, #tpu.memory_space<vmem>>, vector<64x72xf32>
      %slice3A = vector.extract_strided_slice %get3A_42 {offsets = [0, 64], sizes = [64, 1], strides = [1, 1]} : vector<64x72xf32> to vector<64x1xf32>
      %slice3A_43 = vector.extract_strided_slice %get3A_42 {offsets = [0, 0], sizes = [64, 64], strides = [1, 1]} : vector<64x72xf32> to vector<64x64xf32>
      %add3A_44 = arith.constant 1.000000e-16 : f32
      %add3A_45 = vector.broadcast %add3A_44 : f32 to vector<64x1xf32>
      %add3A_46 = arith.addf %slice3A, %add3A_45 : vector<64x1xf32>
      %div3A = vector.broadcast %add3A_46 : vector<64x1xf32> to vector<64x64xf32>
      %div3A_47 = arith.divf %slice3A_43, %div3A : vector<64x64xf32>
      %get3A_48 = arith.constant 0 : index
      %get3A_49 = arith.constant 0 : index
      %get3A_50 = vector.load %arg6[%get3A_48, %get3A_49] : memref<64x32xf32, #tpu.memory_space<vmem>>, vector<64x32xf32>
      %dot_general3A_51 = arith.constant dense<0.000000e+00> : vector<64x32xf32>
      %dot_general3A_52 = tpu.matmul %div3A_47, %get3A_50, %dot_general3A_51 {dimension_numbers = #tpu.dot_dimension_numbers<[1], [0], [0], [1], [0, 0, 1, 1], [], []>, transpose_lhs_hint = false} : vector<64x64xf32>, vector<64x32xf32>, vector<64x32xf32> -> vector<64x32xf32>
      %get3A_53 = arith.constant 0 : index
      %get3A_54 = arith.constant 0 : index
      %get3A_55 = vector.load %arg7[%get3A_53, %get3A_54] : memref<1x32xf32, #tpu.memory_space<vmem>>, vector<1x32xf32>
      %add3A_56 = vector.broadcast %get3A_55 : vector<1x32xf32> to vector<64x32xf32>
      %add3A_57 = arith.addf %dot_general3A_52, %add3A_56 : vector<64x32xf32>
      %swap3A = arith.constant 0 : index
      %swap3A_58 = arith.constant 0 : index
      %swap3A_59 = vector.load %arg8[%swap3A, %swap3A_58] : memref<64x32xf32, #tpu.memory_space<vmem>>, vector<64x32xf32>
      tpu.vector_store %arg8[%swap3A, %swap3A_58], %add3A_57 {strides = array<i32>} : memref<64x32xf32, #tpu.memory_space<vmem>>, vector<64x32xf32>,
    } else {
    }
    return
  }
  func.func @transform_0(%arg0: i32, %arg1: i32) -> (i32, i32) {
    %c0_i32 = arith.constant 0 : i32
    %c0_i32_0 = arith.constant 0 : i32
    return %arg1, %c0_i32 : i32, i32
  }
  func.func @transform_1(%arg0: i32, %arg1: i32) -> (i32, i32, i32) {
    %c0_i32 = arith.constant 0 : i32
    %c0_i32_0 = arith.constant 0 : i32
    %c0_i32_1 = arith.constant 0 : i32
    return %arg1, %c0_i32, %c0_i32_0 : i32, i32, i32
  }
  func.func @transform_2(%arg0: i32, %arg1: i32) -> (i32, i32) {
    %c0_i32 = arith.constant 0 : i32
    %c0_i32_0 = arith.constant 0 : i32
    %c0_i32_1 = arith.constant 0 : i32
    return %c0_i32, %c0_i32_0 : i32, i32
  }
  func.func @transform_3(%arg0: i32, %arg1: i32) -> (i32, i32) {
    %c0_i32 = arith.constant 0 : i32
    %c0_i32_0 = arith.constant 0 : i32
    %c0_i32_1 = arith.constant 0 : i32
    return %c0_i32, %c0_i32_0 : i32, i32
  }
  func.func @transform_4(%arg0: i32, %arg1: i32) -> (i32, i32) {
    %c0_i32 = arith.constant 0 : i32
    %c0_i32_0 = arith.constant 0 : i32
    %c0_i32_1 = arith.constant 0 : i32
    return %c0_i32, %c0_i32_0 : i32, i32
  }
  func.func @transform_5(%arg0: i32, %arg1: i32) -> (i32, i32) {
    %c0_i32 = arith.constant 0 : i32
    %c0_i32_0 = arith.constant 0 : i32
    %c0_i32_1 = arith.constant 0 : i32
    return %c0_i32, %c0_i32_0 : i32, i32
  }
  func.func @transform_6(%arg0: i32, %arg1: i32) -> (i32, i32) {
    %c0_i32 = arith.constant 0 : i32
    %c0_i32_0 = arith.constant 0 : i32
    %c0_i32_1 = arith.constant 0 : i32
    return %c0_i32, %c0_i32_0 : i32, i32
  }
}

</mosaic_0001>

<sc_bundles>
// kernel: kernel.10.cloned.1.call-start
scs
__scs_entry_jumppad:
0x0: {  	(pc) =	sbr.rel $0x88, $3  }
0x1: {  	(tag) =	ssettag $0x0;
	lr =	simm.s32 $0x1  }
0x2: {  	[smem:$0x3F85] =	sst lr;
	_ =	strace $0xD0000000  }
0x3: {  	_ = 	snop  }
0x4: {  	_ = 	snop  }
0x5: {  	_ = 	snop  }
0x6: {  	_ = 	snop  }
0x7: {  	_ = 	snop  }
__scs_overlays_trampoline_lowered:
0x8: {  	[smem:$0x3F94] =	sst s0  }
0x9: {  	[smem:$0x3F95] =	sst s1  }
0xa: {  	[smem:$0x3F96] =	sst s2  }
0xb: {  	[smem:$0x3F97] =	sst s3  }
0xc: {  	[smem:$0x3F98] =	sst s4  }
0xd: {  	[smem:$0x3F99] =	sst s5  }
0xe: {  	[smem:$0x3F9A] =	sst s6  }
0xf: {  	[smem:$0x3F9B] =	sst s7  }
0x10: {  	[smem:$0x3F9C] =	sst s8  }
0x11: {  	[smem:$0x3F9D] =	sst s9;
	s0 =	simm.s32 @!p0 $0x0  }
0x12: {  	s1 =	sld [smem:$0x3F83];
	s0 =	simm.s32 @p0 $0x1  }
0x13: {  	[smem:$0x3F9E] =	sst s0;
	s0 =	simm.s32 @!p1 $0x0  }
0x14: {  	s2 =	sld [smem:$0x3F82];
	s0 =	simm.s32 @p1 $0x1  }
0x15: {  	[smem:$0x3F9F] =	sst s0;
	s0 =	simm.s32 @!p2 $0x0  }
0x16: {  	s3 =	sld [smem:$0x3FDB];
	s0 =	simm.s32 @p2 $0x1  }
0x17: {  	s4 =	simm.s32 $0x1BF5;
	[smem:$0x3FA1] =	sst s0  }
0x18: {  	s0 =	sld [smem:$0x3F84];
	_ =	swait.ge [sflag:s4], $0x0  }
0x19: {  	s7 =	sld [smem:$0x3F85]  }
0x1a: {  	s8 =	sadd.s32 $0xFFFFE003, lr  }
0x1b: {  	s9 =	sadd.s32 $0xFFFFFEF7, lr;
	s5 =	simm.s32 $0xFFFFFFFF;
	p2 =	slt.u32 s8, $0xFFFFF086  }
0x1c: {  	p1 =	slt.u32 s9, $0xF7A;
	s5 =	simm.s32 @!p2 $0x0  }
0x1d: {  	s5 =	simm.s32 @p1 $0x1;
	p0 =	seq.s32 s7, s2  }
0x1e: {  	s7 =	smul.u32 @!p0 $0xF7A, s2;
	p2 =	seq.s32 @!p0 s5, $0x0  }
0x1f: {  	s9 =	smul.u32 $0xF7A, s1;
	s8 =	simm.s32 @!p0 $0x1BF5;
	p2 =	por !p2, p0  }
0x20: {  	[sflag:s8] =	ssyncset.s32 @!p0 $0xFFFFF086;
	s6 =	sadd.s32 @!p0 s3, s7;
	s7 =	simm.s32 @!p0 $0x108  }
0x21: {  	s3 =	sadd.s32 s3, s9;
	s6 =	sadd.s32 @!p0 $0x88, s6;
	s7 =	simm.s32 @p2 $0x1082  }
0x22: {  	[simem:s7], [sflag:s8] =	dma.local @!p0 [hbm:s6], $0xF7A  }
0x23: {  	s9 =	sor.u32 $0xD0000000, s2;
	s6 =	simm.s32 $0x108;
	_ =	swait.ge @!p0 [sflag:s8], $0x0  }
0x24: {  	s3 =	sadd.s32 $0x88, s3;
	s6 =	simm.s32 @!p1 $0x1082;
	[sflag:s4] =	ssyncset.s32 $0xFFFFF086  }
0x25: {  	[simem:s6], [sflag:s4] =	dma.local [hbm:s3], $0xF7A  }
0x26: {  	[smem:$0x3F85] =	sst s1;
	(tag) =	ssettag s2;
	_ =	strace s9  }
0x27: {  	s1 =	sld [smem:$0x3F95]  }
0x28: {  	s2 =	sld [smem:$0x3F96]  }
0x29: {  	s4 =	sld [smem:$0x3F98]  }
0x2a: {  	p0 =	seq.s32 s5, $0x0;
	s5 =	sld [smem:$0x3F99]  }
0x2b: {  	s6 =	sld [smem:$0x3F9A]  }
0x2c: {  	s7 =	sld [smem:$0x3F9B]  }
0x2d: {  	s3 =	simm.s32 $0x108;
	s8 =	sld [smem:$0x3F9C]  }
0x2e: {  	s3 =	simm.s32 @!p0 $0x1082;
	s9 =	sld [smem:$0x3F9D]  }
0x2f: {  	lr =	sadd.s32 s0, s3;
	s0 =	sld [smem:$0x3F94]  }
0x30: {  	s3 =	sld [smem:$0x3F97]  }
0x31: {  	[smem:$0x3FA0] =	sst s10  }
0x32: {  	s10 =	sld [smem:$0x3F9E];
	_ =	sdelay $0x3  }
0x33: {  	p0 =	seq.s32 s10, $0x1;
	s10 =	sld [smem:$0x3FA0];
	_ =	sdelay $0x3  }
0x34: {  	[smem:$0x3FA0] =	sst s10  }
0x35: {  	s10 =	sld [smem:$0x3F9F];
	_ =	sdelay $0x3  }
0x36: {  	p1 =	seq.s32 s10, $0x1;
	s10 =	sld [smem:$0x3FA0];
	_ =	sdelay $0x3  }
0x37: {  	[smem:$0x3FA0] =	sst s10  }
0x38: {  	s10 =	sld [smem:$0x3FA1]  }
0x39: {  	_ = 	snop;
	(pc) =	sbr.ind lr, $3  }
0x3a: {  	_ = 	snop  }
0x3b: {  	_ = 	snop  }
0x3c: {  	p2 =	seq.s32 s10, $0x1;
	s10 =	sld [smem:$0x3FA0]  }
0x3d: {  	_ =	shalt  }
0x3e: {  	_ =	shalt  }
0x3f: {  	_ =	shalt  }
0x40: {  	_ =	shalt  }
0x41: {  	_ =	shalt  }
0x42: {  	_ =	shalt  }
0x43: {  	_ =	shalt  }
0x44: {  	_ =	shalt  }
0x45: {  	_ =	shalt  }
0x46: {  	_ =	shalt  }
0x47: {  	_ =	shalt  }
0x48: {  	_ =	shalt  }
0x49: {  	_ =	shalt  }
0x4a: {  	_ =	shalt  }
0x4b: {  	_ =	shalt  }
0x4c: {  	_ =	shalt  }
0x4d: {  	_ =	shalt  }
0x4e: {  	_ =	shalt  }
0x4f: {  	_ =	shalt  }
0x50: {  	_ =	shalt  }
0x51: {  	_ =	shalt  }
0x52: {  	_ =	shalt  }
0x53: {  	_ =	shalt  }
0x54: {  	_ =	shalt  }
0x55: {  	_ =	shalt  }
0x56: {  	_ =	shalt  }
0x57: {  	_ =	shalt  }
0x58: {  	_ =	shalt  }
0x59: {  	_ =	shalt  }
0x5a: {  	_ =	shalt  }
0x5b: {  	_ =	shalt  }
0x5c: {  	_ =	shalt  }
0x5d: {  	_ =	shalt  }
0x5e: {  	_ =	shalt  }
0x5f: {  	_ =	shalt  }
0x60: {  	_ =	shalt  }
0x61: {  	_ =	shalt  }
0x62: {  	_ =	shalt  }
0x63: {  	_ =	shalt  }
0x64: {  	_ =	shalt  }
0x65: {  	_ =	shalt  }
0x66: {  	_ =	shalt  }
0x67: {  	_ =	shalt  }
0x68: {  	_ =	shalt  }
0x69: {  	_ =	shalt  }
0x6a: {  	_ =	shalt  }
0x6b: {  	_ =	shalt  }
0x6c: {  	_ =	shalt  }
0x6d: {  	_ =	shalt  }
0x6e: {  	_ =	shalt  }
0x6f: {  	_ =	shalt  }
0x70: {  	_ =	shalt  }
0x71: {  	_ =	shalt  }
0x72: {  	_ =	shalt  }
0x73: {  	_ =	shalt  }
0x74: {  	_ =	shalt  }
0x75: {  	_ =	shalt  }
0x76: {  	_ =	shalt  }
0x77: {  	_ =	shalt  }
0x78: {  	_ =	shalt  }
0x79: {  	_ =	shalt  }
0x7a: {  	_ =	shalt  }
0x7b: {  	_ =	shalt  }
0x7c: {  	_ =	shalt  }
0x7d: {  	_ =	shalt  }
0x7e: {  	_ =	shalt  }
0x7f: {  	_ =	shalt  }
0x80: {  	_ =	shalt  }
0x81: {  	_ =	shalt  }
0x82: {  	_ =	shalt  }
0x83: {  	_ =	shalt  }
0x84: {  	_ =	shalt  }
0x85: {  	_ =	shalt  }
0x86: {  	_ =	shalt  }
0x87: {  	_ =	shalt  }
.Lfunc_end0:
.L_simem_size_0:
called_computation_lowered:
.L_overlay_start_0:
0x88: {  	s2 =	sld [smem:$0x3FD9]  }
0x89: {  	s3 =	sld [smem:$0x3FFE];
	_ =	sdelay $0x1  }
0x8a: {  	s1 =	srdreg.scid  }
0x8b: {  	s0 =	sand.u32 $0x1, s1  }
0x8c: {  	s17 =	sshll.u32 s0, $0xA;
	s2 =	sadd.s32 s3, s2  }
0x8d: {  	s2 =	sadd.s32 s2, s17  }
0x8e: {  	[smem:$0x3FAC] =	sst s2  }
0x8f: {  	_ = 	snop  }
0x90: {  	(tm) =	ssettm $0x1  }
0x91: {  	s18 =	sld [smem:$0x3FFB];
	_ =	sdelay $0x3  }
0x92: {  	_ =	strace s18  }
0x93: {  	s2 =	sld [smem:$0x3FFC];
	_ =	sdelay $0x3  }
0x94: {  	_ =	strace s2  }
0x95: {  	s2 =	sld [smem:$0x3FFD];
	_ =	sdelay $0x3  }
0x96: {  	_ =	strace s2  }
0x97: {  	_ =	strace $0x8FFFFFFF  }
0x98: {  	s19 =	sld [smem:$0x3FDB];
	_ =	sdelay $0x1  }
0x99: {  	s20 =	simm.s32 $_scs_section_size  }
0x9a: {  	s4 =	simm.s32 $_size__tile_overlayer_lowered;
	s5 =	simm.s32 $_tile_overlayer_lowered  }
0x9b: {  	s6 =	simm.s32 $0x1BFF;
	s21 =	sshll.u32 s5, $0x1;
	s3 =	sadd.s32 s20, s19  }
0x9c: {  	s22 =	simm.s32 $0x0;
	s4 =	sshll.u32 s4, $0x1;
	s5 =	sadd.s32 s21, s3  }
0x9d: {  	[timem:s22], [sflag:s6] =	dma.local [hbm:s5], s4  }
0x9e: {  	_ =	swait.ge [sflag:s6], s4  }
0x9f: {  	s4 =	ssub.s32 $0x0, s4;
	[sflag:s6] =	ssyncset.done $0x0  }
0xa0: {  	[sflag:s6] =	ssyncadd.s32 s4;
	_ =	sdelay $0x1  }
0xa1: {  	s23 =	simm.s32 $0x1B8B  }
0xa2: {  	_ =	swait.ge [sflag:s23], $0x1  }
0xa3: {  	[sflag:s23] =	ssyncset.done $0x0  }
0xa4: {  	[sflag:s23] =	ssyncadd.s32 $0xFFFFFFFF  }
0xa5: {  	s4 =	sld [smem:$0x0]  }
0xa6: {  	s5 =	sand.u32 $0xFFFFFFFE, s1  }
0xa7: {  	p0 =	sne.s32 s1, s5  }
0xa8: {  	s5 =	sshll.u32 @p0 s5, $0xE  }
0xa9: {  	s5 =	sadd.s32 @p0 $0x11B8D, s5;
	s6 =	sshll.u32 @p0 s4, $0x11  }
0xaa: {  	s5 =	sor.u32 @p0 s6, s5  }
0xab: {  	[sflag:s5] =	ssyncadd.remote.s32 @p0 $0x1;
	_ =	sdelay $0x1  }
0xac: {  	s5 =	simm.s32 @p0 $0x1B8D  }
0xad: {  	_ =	swait.eq @p0 [sflag:s5], $0x1  }
0xae: {  	[sflag:s5] =	ssyncadd.s32 @p0 $0xFFFFFFFF  }
0xaf: {  	s6 =	sshll.u32 @!p0 s1, $0xE  }
0xb0: {  	s6 =	sor.u32 @!p0 $0x4000, s6;
	s5 =	simm.s32 @!p0 $0x1B8D  }
0xb1: {  	s4 =	sshll.u32 @!p0 s4, $0x11;
	s6 =	sadd.s32 @!p0 $0x11B8D, s6;
	_ =	swait.eq @!p0 [sflag:s5], $0x1  }
0xb2: {  	s4 =	sor.u32 @!p0 s4, s6;
	[sflag:s5] =	ssyncadd.s32 @!p0 $0xFFFFFFFF  }
0xb3: {  	s25 =	simm.s32 $0x1B8E;
	s24 =	sld [smem:$0x3FFE];
	[sflag:s4] =	ssyncadd.remote.s32 @!p0 $0x1  }
0xb4: {  	s26 =	simm.s32 $execute0_lowered;
	[smem:$0x3FD2] =	sst s25  }
0xb5: {  	s5 =	sshll.u32 s26, $0x1;
	_ =	strace $0x80000049;
	[dreg:$0x1] =	wrdreg $0xFFFFFFFF  }
0xb6: {  	s28 =	simm.s32 $_size_execute0_lowered;
	s3 =	sadd.s32 s3, s5;
	[dreg:$0x0] =	wrdreg $0x0  }
0xb7: {  	s5 =	sshll.u32 s28, $0x1;
	[dreg:$0x2] =	wrdreg s3  }
0xb8: {  	[dreg:$0x3] =	wrdreg s5  }
0xb9: {  	[dreg:$0x4] =	wrdreg $0xC0  }
0xba: {  	_ =	task [dreg:s22], $0x5FFFF  }
0xbb: {  	[dreg:$0x1] =	wrdreg $0xFFFFFFFF  }
0xbc: {  	[dreg:$0x0] =	wrdreg $0x60  }
0xbd: {  	[dreg:$0x2] =	wrdreg s24  }
0xbe: {  	[dreg:$0x3] =	wrdreg $0x18800  }
0xbf: {  	[dreg:$0x4] =	wrdreg $0x9  }
0xc0: {  	_ =	task.clear_ibuf [dreg:s22], $0x5FFFF;
	_ =	strace $0x90000049  }
0xc1: {  	s29 =	simm.s32 $0x9;
	_ =	strace $0x8000004B  }
0xc2: {  	_ =	swait.ge [sflag:s29], $0x1  }
0xc3: {  	[sflag:s29] =	ssyncadd.s32 $0xFFFFFFFF  }
0xc4: {  	_ =	strace $0x9000004B  }
0xc5: {  	_ =	sfence  }
0xc6: {  	s30 =	sld [smem:$0x0];
	_ =	sdelay $0x2  }
0xc7: {  	s31 =	sshll.u32 s1, $0xD;
	s1 =	sshrl.u32 s1, $0x2  }
0xc8: {  	s4 =	sand.u32 $0x4000, s31;
	s1 =	sadd.s32 s1, s30  }
0xc9: {  	s0 =	sor.u32 s4, s0;
	s1 =	sshll.u32 s1, $0x11  }
0xca: {  	s0 =	sor.u32 s1, s0  }
0xcb: {  	s0 =	sadd.s32 $0x8F2B, s0  }
0xcc: {  	[sflag:s0] =	ssyncadd.remote.s32 $0x1  }
0xcd: {  	_ =	sfence.sel $0xFFFF  }
0xce: {  	[dreg:$0x0] =	wrdreg $0xFFFFFFFF;
	(pc) =	sbr.abs _section_cstart, $3  }
0xcf: {  	[dreg:$0x1] =	wrdreg $0xFFFFFFFF  }
0xd0: {  	_ =	task.clear_ibuf [dreg:s22], $0x2FFFF;
	_ =	strace $0x9FFFFFFF  }
0xd1: {  	(tm) =	ssettm $0x7FFFFFFF  }
tec
execute0_lowered:
.L_overlay_start_1:
0x0: {  	(tag) =	ssettag $0x1  }
0x1: {  	s0 =	srdreg.scid;
	s8 =	stileid.u32  }
0x2: {  	s1 =	rddreg [dreg:$0x0];
	s4 =	smul.u32 $0x18700, s8  }
0x3: {  	s2 =	rddreg [dreg:$0x1];
	s28 =	smul.u32 $0x30E00, s8  }
0x4: {  	s3 =	simm.s32 $0x0;
	s0 =	sand.u32 $0x1, s0;
	s8 =	smul.u32 $0xC380, s8  }
0x5: {  	[smem:$0x7FF] =	sst s3;
	s5 =	smul.u32 $0xC380, s0;
	s6 =	ssub.s32 $0x2, s0  }
0x6: {  	_ =	strace $0x8000004A;
	s7 =	sshrl.u32 s6, $0x1;
	s30 =	sadd.s32 s8, s2  }
0x7: {  	s4 =	sadd.s32 s5, s4;
	s5 =	sshrl.u32 s28, $0x2;
	s6 =	ssub.s32 s6, s7  }
0x8: {  	s25 =	sshrl.u32 s30, $0x3;
	s4 =	sshrl.u32 s4, $0x3;
	s6 =	smax.u32 s6, $0x1  }
0x9: {  	[dreg:$0x16] =	wrdreg s25;
	s9 =	sadd.s32 s4, s1;
	s4 =	sadd.s32 s5, s2  }
0xa: {  	[dreg:$0x3] =	wrdreg s6;
	s7 =	sadd.s32 $0x800, s4  }
0xb: {  	s29 =	sshrl.u32 s8, $0x3;
	s8 =	sadd.s32 $0x1000, s4;
	[dreg:$0x4] =	wrdreg s7  }
0xc: {  	s10 =	sadd.s32 $0x1800, s4;
	[dreg:$0x5] =	wrdreg s8  }
0xd: {  	s11 =	sadd.s32 $0x2000, s4;
	[dreg:$0x6] =	wrdreg s10  }
0xe: {  	s12 =	sadd.s32 $0x2800, s4;
	[dreg:$0x7] =	wrdreg s11  }
0xf: {  	s13 =	sadd.s32 $0x3000, s4;
	[dreg:$0x8] =	wrdreg s12  }
0x10: {  	s14 =	sadd.s32 $0x3800, s4;
	[dreg:$0x9] =	wrdreg s13  }
0x11: {  	s15 =	sadd.s32 $0x4000, s4;
	[dreg:$0xa] =	wrdreg s14  }
0x12: {  	s16 =	sadd.s32 $0x4800, s4;
	[dreg:$0xb] =	wrdreg s15  }
0x13: {  	s17 =	sadd.s32 $0x5000, s4;
	[dreg:$0xc] =	wrdreg s16  }
0x14: {  	s18 =	sadd.s32 $0x5800, s4;
	[dreg:$0xd] =	wrdreg s17  }
0x15: {  	s19 =	sadd.s32 $0x6000, s4;
	[dreg:$0xe] =	wrdreg s18  }
0x16: {  	s20 =	sadd.s32 $0x6800, s4;
	[dreg:$0xf] =	wrdreg s19  }
0x17: {  	s21 =	sadd.s32 $0x7000, s4;
	[dreg:$0x10] =	wrdreg s20  }
0x18: {  	p0 =	seq.s32 s0, $0x1;
	s22 =	sadd.s32 $0x7800, s4;
	[dreg:$0x11] =	wrdreg s21  }
0x19: {  	s25 =	simm.s32 $0x0;
	s23 =	sadd.s32 $0x8000, s4;
	[dreg:$0x12] =	wrdreg s22  }
0x1a: {  	s6 =	simm.s32 $0xFD600;
	s24 =	sadd.s32 $0x8800, s4;
	[dreg:$0x13] =	wrdreg s23  }
0x1b: {  	s5 =	simm.s32 $0x2;
	s26 =	sadd.s32 $0x9000, s4;
	[dreg:$0x15] =	wrdreg s24  }
0x1c: {  	s6 =	simm.s32 @!p0 $0x115E00;
	s28 =	sadd.s32 $0x9800, s4;
	[dreg:$0x17] =	wrdreg s26  }
0x1d: {  	s30 =	sadd.s32 $0xA800, s4;
	s31 =	sadd.s32 $0xB000, s4;
	[dreg:$0x18] =	wrdreg s28  }
0x1e: {  	s1 =	sadd.s32 s6, s1;
	s24 =	sadd.s32 $0x9000, s9;
	[dreg:$0x1a] =	wrdreg s30  }
0x1f: {  	s6 =	simm.s32 $0x80;
	s7 =	simm.s32 $0x880;
	s8 =	simm.s32 $0x100  }
0x20: {  	s9 =	simm.s32 $0x180;
	s10 =	simm.s32 $0x200;
	s11 =	simm.s32 $0x280  }
0x21: {  	s12 =	simm.s32 $0x300;
	s13 =	simm.s32 $0x380;
	s14 =	simm.s32 $0x400  }
0x22: {  	s15 =	simm.s32 $0x480;
	s16 =	simm.s32 $0x500;
	s17 =	simm.s32 $0x580  }
0x23: {  	s18 =	simm.s32 $0x600;
	s19 =	simm.s32 $0x680;
	s20 =	simm.s32 $0x700  }
0x24: {  	s21 =	simm.s32 $0x780;
	s22 =	simm.s32 $0x800;
	s0 =	sadd.s32 s1, s29  }
0x25: {  	s23 =	simm.s32 $0x1;
	s29 =	sadd.s32 $0xA000, s4;
	[dreg:$0x14] =	wrdreg s0  }
0x26: {  	v0 =	vimm.f32 $1.000000000e+00;
	v1 =	vimm.f32 $0.0e+00;
	s1 =	sadd.s32 $0xB800, s4;
	[dreg:$0x19] =	wrdreg s29;
	s0 =	simm.s32 $0x1080  }
.LBB2_1:
0x27: {  	s26 =	simm.s32 $0x40;
	s28 =	simm.s32 $0x0  }
.LBB2_2:
0x28: {  	p0 =	sne.s32 s26, $0x1FC0;
	[tilespmem:s28+$0x880] =	vst v0;
	s29 =	smov.u32 s26;
	s26 =	sadd.s32 $0x40, s26  }
.Ltmp0:
0x29: {  	[tilespmem:s28+$0x1080] =	vst v1;
	(pc) =	sbr.rel @p0 .LBB2_2-.Ltmp0, $2  }
0x2a: {  	_ =	sdelay $0x2  }
0x2b: {  	s28 =	sshra.s32 s29, $0x2  }
0x2c: {  	[tilespmem:s28+$0x880] =	vst v0  }
0x2d: {  	[tilespmem:s28+$0x1080] =	vst v1  }
0x2e: {  	[spmem:s4] =	stream.linear.scatter [tilespmem:s0], [sflag:$0x2], $0x800, $0x38;
	[tilespmem:$0xDC00] =	vst v63  }
0x2f: {  	_ =	swait.ge [sflag:s5], $0x800  }
0x30: {  	[sflag:s5] =	ssyncset.done $0x0  }
0x31: {  	s26 =	rddreg [dreg:$0x4];
	[sflag:s5] =	ssyncadd.s32 $0xFFFFF800  }
0x32: {  	[spmem:s26] =	stream.linear.scatter [tilespmem:s0], [sflag:$0x2], $0x800, $0x38;
	[tilespmem:$0xDC00] =	vst v63  }
0x33: {  	_ =	swait.ge [sflag:s5], $0x800  }
0x34: {  	[sflag:s5] =	ssyncset.done $0x0  }
0x35: {  	s30 =	rddreg [dreg:$0x5];
	[sflag:s5] =	ssyncadd.s32 $0xFFFFF800  }
0x36: {  	[spmem:s30] =	stream.linear.scatter [tilespmem:s0], [sflag:$0x2], $0x800, $0x38;
	[tilespmem:$0xDC00] =	vst v63  }
0x37: {  	_ =	swait.ge [sflag:s5], $0x800  }
0x38: {  	[sflag:s5] =	ssyncset.done $0x0  }
0x39: {  	s29 =	rddreg [dreg:$0x6];
	[sflag:s5] =	ssyncadd.s32 $0xFFFFF800  }
0x3a: {  	[spmem:s29] =	stream.linear.scatter [tilespmem:s0], [sflag:$0x2], $0x800, $0x38;
	[tilespmem:$0xDC00] =	vst v63  }
0x3b: {  	_ =	swait.ge [sflag:s5], $0x800  }
0x3c: {  	[sflag:s5] =	ssyncset.done $0x0  }
0x3d: {  	s30 =	rddreg [dreg:$0x7];
	[sflag:s5] =	ssyncadd.s32 $0xFFFFF800  }
0x3e: {  	[spmem:s30] =	stream.linear.scatter [tilespmem:s0], [sflag:$0x2], $0x800, $0x38;
	[tilespmem:$0xDC00] =	vst v63  }
0x3f: {  	_ =	swait.ge [sflag:s5], $0x800  }
0x40: {  	[sflag:s5] =	ssyncset.done $0x0  }
0x41: {  	s29 =	rddreg [dreg:$0x8];
	[sflag:s5] =	ssyncadd.s32 $0xFFFFF800  }
0x42: {  	[spmem:s29] =	stream.linear.scatter [tilespmem:s0], [sflag:$0x2], $0x800, $0x38;
	[tilespmem:$0xDC00] =	vst v63  }
0x43: {  	_ =	swait.ge [sflag:s5], $0x800  }
0x44: {  	[sflag:s5] =	ssyncset.done $0x0  }
0x45: {  	s30 =	rddreg [dreg:$0x9];
	[sflag:s5] =	ssyncadd.s32 $0xFFFFF800  }
0x46: {  	[spmem:s30] =	stream.linear.scatter [tilespmem:s0], [sflag:$0x2], $0x800, $0x38;
	[tilespmem:$0xDC00] =	vst v63  }
0x47: {  	_ =	swait.ge [sflag:s5], $0x800  }
0x48: {  	[sflag:s5] =	ssyncset.done $0x0  }
0x49: {  	s29 =	rddreg [dreg:$0xa];
	[sflag:s5] =	ssyncadd.s32 $0xFFFFF800  }
0x4a: {  	[spmem:s29] =	stream.linear.scatter [tilespmem:s0], [sflag:$0x2], $0x800, $0x38;
	[tilespmem:$0xDC00] =	vst v63  }
0x4b: {  	_ =	swait.ge [sflag:s5], $0x800  }
0x4c: {  	[sflag:s5] =	ssyncset.done $0x0  }
0x4d: {  	s30 =	rddreg [dreg:$0xb];
	[sflag:s5] =	ssyncadd.s32 $0xFFFFF800  }
0x4e: {  	[spmem:s30] =	stream.linear.scatter [tilespmem:s0], [sflag:$0x2], $0x800, $0x38;
	[tilespmem:$0xDC00] =	vst v63  }
0x4f: {  	_ =	swait.ge [sflag:s5], $0x800  }
0x50: {  	[sflag:s5] =	ssyncset.done $0x0  }
0x51: {  	s29 =	rddreg [dreg:$0xc];
	[sflag:s5] =	ssyncadd.s32 $0xFFFFF800  }
0x52: {  	[spmem:s29] =	stream.linear.scatter [tilespmem:s0], [sflag:$0x2], $0x800, $0x38;
	[tilespmem:$0xDC00] =	vst v63  }
0x53: {  	_ =	swait.ge [sflag:s5], $0x800  }
0x54: {  	[sflag:s5] =	ssyncset.done $0x0  }
0x55: {  	s30 =	rddreg [dreg:$0xd];
	[sflag:s5] =	ssyncadd.s32 $0xFFFFF800  }
0x56: {  	[spmem:s30] =	stream.linear.scatter [tilespmem:s0], [sflag:$0x2], $0x800, $0x38;
	[tilespmem:$0xDC00] =	vst v63  }
0x57: {  	_ =	swait.ge [sflag:s5], $0x800  }
0x58: {  	[sflag:s5] =	ssyncset.done $0x0  }
0x59: {  	s29 =	rddreg [dreg:$0xe];
	[sflag:s5] =	ssyncadd.s32 $0xFFFFF800  }
0x5a: {  	[spmem:s29] =	stream.linear.scatter [tilespmem:s0], [sflag:$0x2], $0x800, $0x38;
	[tilespmem:$0xDC00] =	vst v63  }
0x5b: {  	_ =	swait.ge [sflag:s5], $0x800  }
0x5c: {  	[sflag:s5] =	ssyncset.done $0x0  }
0x5d: {  	s30 =	rddreg [dreg:$0xf];
	[sflag:s5] =	ssyncadd.s32 $0xFFFFF800  }
0x5e: {  	[spmem:s30] =	stream.linear.scatter [tilespmem:s0], [sflag:$0x2], $0x800, $0x38;
	[tilespmem:$0xDC00] =	vst v63  }
0x5f: {  	_ =	swait.ge [sflag:s5], $0x800  }
0x60: {  	[sflag:s5] =	ssyncset.done $0x0  }
0x61: {  	s29 =	rddreg [dreg:$0x10];
	[sflag:s5] =	ssyncadd.s32 $0xFFFFF800  }
0x62: {  	[spmem:s29] =	stream.linear.scatter [tilespmem:s0], [sflag:$0x2], $0x800, $0x38;
	[tilespmem:$0xDC00] =	vst v63  }
0x63: {  	_ =	swait.ge [sflag:s5], $0x800  }
0x64: {  	[sflag:s5] =	ssyncset.done $0x0  }
0x65: {  	s30 =	rddreg [dreg:$0x11];
	[sflag:s5] =	ssyncadd.s32 $0xFFFFF800  }
0x66: {  	[spmem:s30] =	stream.linear.scatter [tilespmem:s0], [sflag:$0x2], $0x800, $0x38;
	[tilespmem:$0xDC00] =	vst v63  }
0x67: {  	_ =	swait.ge [sflag:s5], $0x800  }
0x68: {  	[sflag:s5] =	ssyncset.done $0x0  }
0x69: {  	s29 =	rddreg [dreg:$0x12];
	[sflag:s5] =	ssyncadd.s32 $0xFFFFF800  }
0x6a: {  	[spmem:s29] =	stream.linear.scatter [tilespmem:s0], [sflag:$0x2], $0x800, $0x38;
	[tilespmem:$0xDC00] =	vst v63  }
0x6b: {  	_ =	swait.ge [sflag:s5], $0x800  }
0x6c: {  	[sflag:s5] =	ssyncset.done $0x0  }
0x6d: {  	s30 =	rddreg [dreg:$0x13];
	[sflag:s5] =	ssyncadd.s32 $0xFFFFF800  }
0x6e: {  	[spmem:s30] =	stream.linear.scatter [tilespmem:s0], [sflag:$0x2], $0x800, $0x38;
	[tilespmem:$0xDC00] =	vst v63  }
0x6f: {  	_ =	swait.ge [sflag:s5], $0x800  }
0x70: {  	[sflag:s5] =	ssyncset.done $0x0  }
0x71: {  	s29 =	rddreg [dreg:$0x15];
	[sflag:s5] =	ssyncadd.s32 $0xFFFFF800  }
0x72: {  	[spmem:s29] =	stream.linear.scatter [tilespmem:s0], [sflag:$0x2], $0x800, $0x38;
	[tilespmem:$0xDC00] =	vst v63  }
0x73: {  	_ =	swait.ge [sflag:s5], $0x800  }
0x74: {  	[sflag:s5] =	ssyncset.done $0x0  }
0x75: {  	s30 =	rddreg [dreg:$0x17];
	[sflag:s5] =	ssyncadd.s32 $0xFFFFF800  }
0x76: {  	[spmem:s30] =	stream.linear.scatter [tilespmem:s0], [sflag:$0x2], $0x800, $0x38;
	[tilespmem:$0xDC00] =	vst v63  }
0x77: {  	_ =	swait.ge [sflag:s5], $0x800  }
0x78: {  	[sflag:s5] =	ssyncset.done $0x0  }
0x79: {  	s29 =	rddreg [dreg:$0x18];
	[sflag:s5] =	ssyncadd.s32 $0xFFFFF800  }
0x7a: {  	[spmem:s29] =	stream.linear.scatter [tilespmem:s0], [sflag:$0x2], $0x800, $0x38;
	[tilespmem:$0xDC00] =	vst v63  }
0x7b: {  	_ =	swait.ge [sflag:s5], $0x800  }
0x7c: {  	[sflag:s5] =	ssyncset.done $0x0  }
0x7d: {  	s30 =	rddreg [dreg:$0x19];
	[sflag:s5] =	ssyncadd.s32 $0xFFFFF800  }
0x7e: {  	[spmem:s30] =	stream.linear.scatter [tilespmem:s0], [sflag:$0x2], $0x800, $0x38;
	[tilespmem:$0xDC00] =	vst v63  }
0x7f: {  	_ =	swait.ge [sflag:s5], $0x800  }
0x80: {  	[sflag:s5] =	ssyncset.done $0x0  }
0x81: {  	s29 =	rddreg [dreg:$0x1a];
	[sflag:s5] =	ssyncadd.s32 $0xFFFFF800  }
0x82: {  	[spmem:s29] =	stream.linear.scatter [tilespmem:s0], [sflag:$0x2], $0x800, $0x38;
	[tilespmem:$0xDC00] =	vst v63  }
0x83: {  	_ =	swait.ge [sflag:s5], $0x800  }
0x84: {  	[sflag:s5] =	ssyncset.done $0x0  }
0x85: {  	[sflag:s5] =	ssyncadd.s32 $0xFFFFF800  }
0x86: {  	[spmem:s31] =	stream.linear.scatter [tilespmem:s0], [sflag:$0x2], $0x800, $0x38;
	[tilespmem:$0xDC00] =	vst v63  }
0x87: {  	_ =	swait.ge [sflag:s5], $0x800  }
0x88: {  	[sflag:s5] =	ssyncset.done $0x0  }
0x89: {  	[sflag:s5] =	ssyncadd.s32 $0xFFFFF800  }
0x8a: {  	[spmem:s1] =	stream.linear.scatter [tilespmem:s0], [sflag:$0x2], $0x800, $0x38;
	[tilespmem:$0xDC00] =	vst v63  }
0x8b: {  	_ =	swait.ge [sflag:s5], $0x800  }
0x8c: {  	[sflag:s5] =	ssyncset.done $0x0  }
0x8d: {  	[sflag:s5] =	ssyncadd.s32 $0xFFFFF800  }
0x8e: {  	s30 =	sadd.s32 $0x0, s24;
	[bflag:$0x0] =	sbarrier.arrive $0xFFFF  }
0x8f: {  	[tilespmem:s3], [sflag:$0x2] =	stream.linear.gather [hbm4b:s30+s3], $0x880, $0x38;
	[tilespmem:$0xDC00] =	vst v63  }
0x90: {  	_ =	swait.ge [sflag:s5], $0x880  }
0x91: {  	[sflag:s5] =	ssyncset.done $0x0  }
0x92: {  	[sflag:s5] =	ssyncadd.s32 $0xFFFFF780  }
0x93: {  	[spmem:s2] =	stream.indirect.scatter.add.f32 [tilespmem:s7], [sflag:$0x1], $0x10, s3, s6, $0xb8;
	[tilespmem:$0xDC00] =	vst v63  }
0x94: {  	_ = 	snop  }
0x95: {  	[spmem:s2] =	stream.indirect.scatter.add.f32 [tilespmem:s7], [sflag:$0x1], $0x10, s6, s6, $0xb8;
	[tilespmem:$0xDC00] =	vst v63  }
0x96: {  	_ = 	snop  }
0x97: {  	[spmem:s2] =	stream.indirect.scatter.add.f32 [tilespmem:s7], [sflag:$0x1], $0x10, s8, s6, $0xb8;
	[tilespmem:$0xDC00] =	vst v63  }
0x98: {  	_ = 	snop  }
0x99: {  	[spmem:s2] =	stream.indirect.scatter.add.f32 [tilespmem:s7], [sflag:$0x1], $0x10, s9, s6, $0xb8;
	[tilespmem:$0xDC00] =	vst v63  }
0x9a: {  	_ = 	snop  }
0x9b: {  	[spmem:s2] =	stream.indirect.scatter.add.f32 [tilespmem:s7], [sflag:$0x1], $0x10, s10, s6, $0xb8;
	[tilespmem:$0xDC00] =	vst v63  }
0x9c: {  	_ = 	snop  }
0x9d: {  	[spmem:s2] =	stream.indirect.scatter.add.f32 [tilespmem:s7], [sflag:$0x1], $0x10, s11, s6, $0xb8;
	[tilespmem:$0xDC00] =	vst v63  }
0x9e: {  	_ = 	snop  }
0x9f: {  	[spmem:s2] =	stream.indirect.scatter.add.f32 [tilespmem:s7], [sflag:$0x1], $0x10, s12, s6, $0xb8;
	[tilespmem:$0xDC00] =	vst v63  }
0xa0: {  	_ = 	snop  }
0xa1: {  	[spmem:s2] =	stream.indirect.scatter.add.f32 [tilespmem:s7], [sflag:$0x1], $0x10, s13, s6, $0xb8;
	[tilespmem:$0xDC00] =	vst v63  }
0xa2: {  	_ = 	snop  }
0xa3: {  	[spmem:s2] =	stream.indirect.scatter.add.f32 [tilespmem:s7], [sflag:$0x1], $0x10, s14, s6, $0xb8;
	[tilespmem:$0xDC00] =	vst v63  }
0xa4: {  	_ = 	snop  }
0xa5: {  	[spmem:s2] =	stream.indirect.scatter.add.f32 [tilespmem:s7], [sflag:$0x1], $0x10, s15, s6, $0xb8;
	[tilespmem:$0xDC00] =	vst v63  }
0xa6: {  	_ = 	snop  }
0xa7: {  	[spmem:s2] =	stream.indirect.scatter.add.f32 [tilespmem:s7], [sflag:$0x1], $0x10, s16, s6, $0xb8;
	[tilespmem:$0xDC00] =	vst v63  }
0xa8: {  	_ = 	snop  }
0xa9: {  	[spmem:s2] =	stream.indirect.scatter.add.f32 [tilespmem:s7], [sflag:$0x1], $0x10, s17, s6, $0xb8;
	[tilespmem:$0xDC00] =	vst v63  }
0xaa: {  	_ = 	snop  }
0xab: {  	[spmem:s2] =	stream.indirect.scatter.add.f32 [tilespmem:s7], [sflag:$0x1], $0x10, s18, s6, $0xb8;
	[tilespmem:$0xDC00] =	vst v63  }
0xac: {  	_ = 	snop  }
0xad: {  	[spmem:s2] =	stream.indirect.scatter.add.f32 [tilespmem:s7], [sflag:$0x1], $0x10, s19, s6, $0xb8;
	[tilespmem:$0xDC00] =	vst v63  }
0xae: {  	_ = 	snop  }
0xaf: {  	[spmem:s2] =	stream.indirect.scatter.add.f32 [tilespmem:s7], [sflag:$0x1], $0x10, s20, s6, $0xb8;
	[tilespmem:$0xDC00] =	vst v63  }
0xb0: {  	_ = 	snop  }
0xb1: {  	[spmem:s2] =	stream.indirect.scatter.add.f32 [tilespmem:s7], [sflag:$0x1], $0x10, s21, s6, $0xb8;
	[tilespmem:$0xDC00] =	vst v63  }
0xb2: {  	_ = 	snop  }
0xb3: {  	[spmem:s2] =	stream.indirect.scatter.add.f32 [tilespmem:s7], [sflag:$0x1], $0x10, s22, s6, $0xb8;
	[tilespmem:$0xDC00] =	vst v63  }
0xb4: {  	_ =	swait.ge [sflag:s23], $0x800  }
0xb5: {  	[sflag:s23] =	ssyncset.done $0x0  }
0xb6: {  	[sflag:s23] =	ssyncadd.s32 $0xFFFFF800  }
0xb7: {  	_ =	swait.ge [sflag:s23], $0x800  }
0xb8: {  	[sflag:s23] =	ssyncset.done $0x0  }
0xb9: {  	[sflag:s23] =	ssyncadd.s32 $0xFFFFF800  }
0xba: {  	_ =	swait.ge [sflag:s23], $0x800  }
0xbb: {  	[sflag:s23] =	ssyncset.done $0x0  }
0xbc: {  	[sflag:s23] =	ssyncadd.s32 $0xFFFFF800  }
0xbd: {  	_ =	swait.ge [sflag:s23], $0x800  }
0xbe: {  	[sflag:s23] =	ssyncset.done $0x0  }
0xbf: {  	[sflag:s23] =	ssyncadd.s32 $0xFFFFF800  }
0xc0: {  	_ =	swait.ge [sflag:s23], $0x800  }
0xc1: {  	[sflag:s23] =	ssyncset.done $0x0  }
0xc2: {  	[sflag:s23] =	ssyncadd.s32 $0xFFFFF800  }
0xc3: {  	_ =	swait.ge [sflag:s23], $0x800  }
0xc4: {  	[sflag:s23] =	ssyncset.done $0x0  }
0xc5: {  	[sflag:s23] =	ssyncadd.s32 $0xFFFFF800  }
0xc6: {  	_ =	swait.ge [sflag:s23], $0x800  }
0xc7: {  	[sflag:s23] =	ssyncset.done $0x0  }
0xc8: {  	[sflag:s23] =	ssyncadd.s32 $0xFFFFF800  }
0xc9: {  	_ =	swait.ge [sflag:s23], $0x800  }
0xca: {  	[sflag:s23] =	ssyncset.done $0x0  }
0xcb: {  	[sflag:s23] =	ssyncadd.s32 $0xFFFFF800  }
0xcc: {  	_ =	swait.ge [sflag:s23], $0x800  }
0xcd: {  	[sflag:s23] =	ssyncset.done $0x0  }
0xce: {  	[sflag:s23] =	ssyncadd.s32 $0xFFFFF800  }
0xcf: {  	_ =	swait.ge [sflag:s23], $0x800  }
0xd0: {  	[sflag:s23] =	ssyncset.done $0x0  }
0xd1: {  	[sflag:s23] =	ssyncadd.s32 $0xFFFFF800  }
0xd2: {  	_ =	swait.ge [sflag:s23], $0x800  }
0xd3: {  	[sflag:s23] =	ssyncset.done $0x0  }
0xd4: {  	[sflag:s23] =	ssyncadd.s32 $0xFFFFF800  }
0xd5: {  	_ =	swait.ge [sflag:s23], $0x800  }
0xd6: {  	[sflag:s23] =	ssyncset.done $0x0  }
0xd7: {  	[sflag:s23] =	ssyncadd.s32 $0xFFFFF800  }
0xd8: {  	_ =	swait.ge [sflag:s23], $0x800  }
0xd9: {  	[sflag:s23] =	ssyncset.done $0x0  }
0xda: {  	[sflag:s23] =	ssyncadd.s32 $0xFFFFF800  }
0xdb: {  	_ =	swait.ge [sflag:s23], $0x800  }
0xdc: {  	[sflag:s23] =	ssyncset.done $0x0  }
0xdd: {  	[sflag:s23] =	ssyncadd.s32 $0xFFFFF800  }
0xde: {  	_ =	swait.ge [sflag:s23], $0x800  }
0xdf: {  	[sflag:s23] =	ssyncset.done $0x0  }
0xe0: {  	[sflag:s23] =	ssyncadd.s32 $0xFFFFF800  }
0xe1: {  	_ =	swait.ge [sflag:s23], $0x800  }
0xe2: {  	[sflag:s23] =	ssyncset.done $0x0  }
0xe3: {  	[sflag:s23] =	ssyncadd.s32 $0xFFFFF800  }
0xe4: {  	_ =	swait.ge [sflag:s23], $0x800  }
0xe5: {  	s28 =	simm.s32 $0x220;
	s26 =	simm.s32 $0x110;
	[sflag:s23] =	ssyncset.done $0x0  }
.LBB2_4:
0xe6: {  	s30 =	sadd.s32 s26, s24  }
0xe7: {  	[sflag:s23] =	ssyncadd.s32 $0xFFFFF800;
	s26 =	smov.u32 s28;
	s29 =	sadd.s32 $0x110, s28  }
0xe8: {  	[tilespmem:s3], [sflag:$0x2] =	stream.linear.gather [hbm4b:s30+s3], $0x880, $0x38;
	[tilespmem:$0xDC00] =	vst v63  }
0xe9: {  	p0 =	sne.s32 s28, $0x1760;
	_ =	swait.ge [sflag:s5], $0x880  }
0xea: {  	[sflag:s5] =	ssyncset.done $0x0  }
0xeb: {  	[sflag:s5] =	ssyncadd.s32 $0xFFFFF780  }
0xec: {  	[spmem:s2] =	stream.indirect.scatter.add.f32 [tilespmem:s7], [sflag:$0x1], $0x10, s3, s6, $0xb8;
	[tilespmem:$0xDC00] =	vst v63  }
0xed: {  	_ = 	snop  }
0xee: {  	[spmem:s2] =	stream.indirect.scatter.add.f32 [tilespmem:s7], [sflag:$0x1], $0x10, s6, s6, $0xb8;
	[tilespmem:$0xDC00] =	vst v63  }
0xef: {  	_ = 	snop  }
0xf0: {  	[spmem:s2] =	stream.indirect.scatter.add.f32 [tilespmem:s7], [sflag:$0x1], $0x10, s8, s6, $0xb8;
	[tilespmem:$0xDC00] =	vst v63  }
0xf1: {  	_ = 	snop  }
0xf2: {  	[spmem:s2] =	stream.indirect.scatter.add.f32 [tilespmem:s7], [sflag:$0x1], $0x10, s9, s6, $0xb8;
	[tilespmem:$0xDC00] =	vst v63  }
0xf3: {  	_ = 	snop  }
0xf4: {  	[spmem:s2] =	stream.indirect.scatter.add.f32 [tilespmem:s7], [sflag:$0x1], $0x10, s10, s6, $0xb8;
	[tilespmem:$0xDC00] =	vst v63  }
0xf5: {  	_ = 	snop  }
0xf6: {  	[spmem:s2] =	stream.indirect.scatter.add.f32 [tilespmem:s7], [sflag:$0x1], $0x10, s11, s6, $0xb8;
	[tilespmem:$0xDC00] =	vst v63  }
0xf7: {  	_ = 	snop  }
0xf8: {  	[spmem:s2] =	stream.indirect.scatter.add.f32 [tilespmem:s7], [sflag:$0x1], $0x10, s12, s6, $0xb8;
	[tilespmem:$0xDC00] =	vst v63  }
0xf9: {  	_ = 	snop  }
0xfa: {  	[spmem:s2] =	stream.indirect.scatter.add.f32 [tilespmem:s7], [sflag:$0x1], $0x10, s13, s6, $0xb8;
	[tilespmem:$0xDC00] =	vst v63  }
0xfb: {  	_ = 	snop  }
0xfc: {  	[spmem:s2] =	stream.indirect.scatter.add.f32 [tilespmem:s7], [sflag:$0x1], $0x10, s14, s6, $0xb8;
	[tilespmem:$0xDC00] =	vst v63  }
0xfd: {  	_ = 	snop  }
0xfe: {  	[spmem:s2] =	stream.indirect.scatter.add.f32 [tilespmem:s7], [sflag:$0x1], $0x10, s15, s6, $0xb8;
	[tilespmem:$0xDC00] =	vst v63  }
0xff: {  	_ = 	snop  }
0x100: {  	[spmem:s2] =	stream.indirect.scatter.add.f32 [tilespmem:s7], [sflag:$0x1], $0x10, s16, s6, $0xb8;
	[tilespmem:$0xDC00] =	vst v63  }
0x101: {  	_ = 	snop  }
0x102: {  	[spmem:s2] =	stream.indirect.scatter.add.f32 [tilespmem:s7], [sflag:$0x1], $0x10, s17, s6, $0xb8;
	[tilespmem:$0xDC00] =	vst v63  }
0x103: {  	_ = 	snop  }
0x104: {  	[spmem:s2] =	stream.indirect.scatter.add.f32 [tilespmem:s7], [sflag:$0x1], $0x10, s18, s6, $0xb8;
	[tilespmem:$0xDC00] =	vst v63  }
0x105: {  	_ = 	snop  }
0x106: {  	[spmem:s2] =	stream.indirect.scatter.add.f32 [tilespmem:s7], [sflag:$0x1], $0x10, s19, s6, $0xb8;
	[tilespmem:$0xDC00] =	vst v63  }
0x107: {  	_ = 	snop  }
0x108: {  	[spmem:s2] =	stream.indirect.scatter.add.f32 [tilespmem:s7], [sflag:$0x1], $0x10, s20, s6, $0xb8;
	[tilespmem:$0xDC00] =	vst v63  }
0x109: {  	_ = 	snop  }
0x10a: {  	[spmem:s2] =	stream.indirect.scatter.add.f32 [tilespmem:s7], [sflag:$0x1], $0x10, s21, s6, $0xb8;
	[tilespmem:$0xDC00] =	vst v63  }
0x10b: {  	_ = 	snop  }
0x10c: {  	[spmem:s2] =	stream.indirect.scatter.add.f32 [tilespmem:s7], [sflag:$0x1], $0x10, s22, s6, $0xb8;
	[tilespmem:$0xDC00] =	vst v63  }
0x10d: {  	_ =	swait.ge [sflag:s23], $0x800  }
0x10e: {  	[sflag:s23] =	ssyncset.done $0x0  }
0x10f: {  	[sflag:s23] =	ssyncadd.s32 $0xFFFFF800  }
0x110: {  	_ =	swait.ge [sflag:s23], $0x800  }
0x111: {  	[sflag:s23] =	ssyncset.done $0x0  }
0x112: {  	[sflag:s23] =	ssyncadd.s32 $0xFFFFF800  }
0x113: {  	_ =	swait.ge [sflag:s23], $0x800  }
0x114: {  	[sflag:s23] =	ssyncset.done $0x0  }
0x115: {  	[sflag:s23] =	ssyncadd.s32 $0xFFFFF800  }
0x116: {  	_ =	swait.ge [sflag:s23], $0x800  }
0x117: {  	[sflag:s23] =	ssyncset.done $0x0  }
0x118: {  	[sflag:s23] =	ssyncadd.s32 $0xFFFFF800  }
0x119: {  	_ =	swait.ge [sflag:s23], $0x800  }
0x11a: {  	[sflag:s23] =	ssyncset.done $0x0  }
0x11b: {  	[sflag:s23] =	ssyncadd.s32 $0xFFFFF800  }
0x11c: {  	_ =	swait.ge [sflag:s23], $0x800  }
0x11d: {  	[sflag:s23] =	ssyncset.done $0x0  }
0x11e: {  	[sflag:s23] =	ssyncadd.s32 $0xFFFFF800  }
0x11f: {  	_ =	swait.ge [sflag:s23], $0x800  }
0x120: {  	[sflag:s23] =	ssyncset.done $0x0  }
0x121: {  	[sflag:s23] =	ssyncadd.s32 $0xFFFFF800  }
0x122: {  	_ =	swait.ge [sflag:s23], $0x800  }
0x123: {  	[sflag:s23] =	ssyncset.done $0x0  }
0x124: {  	[sflag:s23] =	ssyncadd.s32 $0xFFFFF800  }
0x125: {  	_ =	swait.ge [sflag:s23], $0x800  }
0x126: {  	[sflag:s23] =	ssyncset.done $0x0  }
0x127: {  	[sflag:s23] =	ssyncadd.s32 $0xFFFFF800  }
0x128: {  	_ =	swait.ge [sflag:s23], $0x800  }
0x129: {  	[sflag:s23] =	ssyncset.done $0x0  }
0x12a: {  	[sflag:s23] =	ssyncadd.s32 $0xFFFFF800  }
0x12b: {  	_ =	swait.ge [sflag:s23], $0x800  }
0x12c: {  	[sflag:s23] =	ssyncset.done $0x0  }
0x12d: {  	[sflag:s23] =	ssyncadd.s32 $0xFFFFF800  }
0x12e: {  	_ =	swait.ge [sflag:s23], $0x800  }
0x12f: {  	[sflag:s23] =	ssyncset.done $0x0  }
0x130: {  	[sflag:s23] =	ssyncadd.s32 $0xFFFFF800  }
0x131: {  	_ =	swait.ge [sflag:s23], $0x800  }
0x132: {  	[sflag:s23] =	ssyncset.done $0x0  }
0x133: {  	[sflag:s23] =	ssyncadd.s32 $0xFFFFF800  }
0x134: {  	_ =	swait.ge [sflag:s23], $0x800  }
0x135: {  	[sflag:s23] =	ssyncset.done $0x0  }
0x136: {  	[sflag:s23] =	ssyncadd.s32 $0xFFFFF800  }
0x137: {  	_ =	swait.ge [sflag:s23], $0x800  }
0x138: {  	[sflag:s23] =	ssyncset.done $0x0  }
0x139: {  	[sflag:s23] =	ssyncadd.s32 $0xFFFFF800  }
.Ltmp1:
0x13a: {  	_ =	swait.ge [sflag:s23], $0x800;
	(pc) =	sbr.rel @p0 .LBB2_4-.Ltmp1, $4  }
0x13b: {  	[sflag:s23] =	ssyncset.done $0x0  }
0x13c: {  	[sflag:s23] =	ssyncadd.s32 $0xFFFFF800  }
0x13d: {  	_ =	swait.ge [sflag:s23], $0x800  }
0x13e: {  	s28 =	smov.u32 s29;
	[sflag:s23] =	ssyncset.done $0x0  }
0x13f: {  	s26 =	sadd.s32 s26, s24;
	[sflag:s23] =	ssyncadd.s32 $0xFFFFF800  }
0x140: {  	[tilespmem:s3], [sflag:$0x2] =	stream.linear.gather [hbm4b:s26+s3], $0x880, $0x38;
	[tilespmem:$0xDC00] =	vst v63  }
0x141: {  	_ =	swait.ge [sflag:s5], $0x880  }
0x142: {  	[sflag:s5] =	ssyncset.done $0x0  }
0x143: {  	[sflag:s5] =	ssyncadd.s32 $0xFFFFF780  }
0x144: {  	[spmem:s2] =	stream.indirect.scatter.add.f32 [tilespmem:s7], [sflag:$0x1], $0x10, s3, s6, $0xb8;
	[tilespmem:$0xDC00] =	vst v63  }
0x145: {  	_ = 	snop  }
0x146: {  	[spmem:s2] =	stream.indirect.scatter.add.f32 [tilespmem:s7], [sflag:$0x1], $0x10, s6, s6, $0xb8;
	[tilespmem:$0xDC00] =	vst v63  }
0x147: {  	_ = 	snop  }
0x148: {  	[spmem:s2] =	stream.indirect.scatter.add.f32 [tilespmem:s7], [sflag:$0x1], $0x10, s8, s6, $0xb8;
	[tilespmem:$0xDC00] =	vst v63  }
0x149: {  	_ = 	snop  }
0x14a: {  	[spmem:s2] =	stream.indirect.scatter.add.f32 [tilespmem:s7], [sflag:$0x1], $0x10, s9, s6, $0xb8;
	[tilespmem:$0xDC00] =	vst v63  }
0x14b: {  	_ = 	snop  }
0x14c: {  	[spmem:s2] =	stream.indirect.scatter.add.f32 [tilespmem:s7], [sflag:$0x1], $0x10, s10, s6, $0xb8;
	[tilespmem:$0xDC00] =	vst v63  }
0x14d: {  	_ = 	snop  }
0x14e: {  	[spmem:s2] =	stream.indirect.scatter.add.f32 [tilespmem:s7], [sflag:$0x1], $0x10, s11, s6, $0xb8;
	[tilespmem:$0xDC00] =	vst v63  }
0x14f: {  	_ = 	snop  }
0x150: {  	[spmem:s2] =	stream.indirect.scatter.add.f32 [tilespmem:s7], [sflag:$0x1], $0x10, s12, s6, $0xb8;
	[tilespmem:$0xDC00] =	vst v63  }
0x151: {  	_ = 	snop  }
0x152: {  	[spmem:s2] =	stream.indirect.scatter.add.f32 [tilespmem:s7], [sflag:$0x1], $0x10, s13, s6, $0xb8;
	[tilespmem:$0xDC00] =	vst v63  }
0x153: {  	_ = 	snop  }
0x154: {  	[spmem:s2] =	stream.indirect.scatter.add.f32 [tilespmem:s7], [sflag:$0x1], $0x10, s14, s6, $0xb8;
	[tilespmem:$0xDC00] =	vst v63  }
0x155: {  	_ = 	snop  }
0x156: {  	[spmem:s2] =	stream.indirect.scatter.add.f32 [tilespmem:s7], [sflag:$0x1], $0x10, s15, s6, $0xb8;
	[tilespmem:$0xDC00] =	vst v63  }
0x157: {  	_ = 	snop  }
0x158: {  	[spmem:s2] =	stream.indirect.scatter.add.f32 [tilespmem:s7], [sflag:$0x1], $0x10, s16, s6, $0xb8;
	[tilespmem:$0xDC00] =	vst v63  }
0x159: {  	_ = 	snop  }
0x15a: {  	[spmem:s2] =	stream.indirect.scatter.add.f32 [tilespmem:s7], [sflag:$0x1], $0x10, s17, s6, $0xb8;
	[tilespmem:$0xDC00] =	vst v63  }
0x15b: {  	_ = 	snop  }
0x15c: {  	[spmem:s2] =	stream.indirect.scatter.add.f32 [tilespmem:s7], [sflag:$0x1], $0x10, s18, s6, $0xb8;
	[tilespmem:$0xDC00] =	vst v63  }
0x15d: {  	_ = 	snop  }
0x15e: {  	[spmem:s2] =	stream.indirect.scatter.add.f32 [tilespmem:s7], [sflag:$0x1], $0x10, s19, s6, $0xb8;
	[tilespmem:$0xDC00] =	vst v63  }
0x15f: {  	_ = 	snop  }
0x160: {  	[spmem:s2] =	stream.indirect.scatter.add.f32 [tilespmem:s7], [sflag:$0x1], $0x10, s20, s6, $0xb8;
	[tilespmem:$0xDC00] =	vst v63  }
0x161: {  	_ = 	snop  }
0x162: {  	[spmem:s2] =	stream.indirect.scatter.add.f32 [tilespmem:s7], [sflag:$0x1], $0x10, s21, s6, $0xb8;
	[tilespmem:$0xDC00] =	vst v63  }
0x163: {  	_ = 	snop  }
0x164: {  	[spmem:s2] =	stream.indirect.scatter.add.f32 [tilespmem:s7], [sflag:$0x1], $0x10, s22, s6, $0xb8;
	[tilespmem:$0xDC00] =	vst v63  }
0x165: {  	_ =	swait.ge [sflag:s23], $0x800  }
0x166: {  	[sflag:s23] =	ssyncset.done $0x0  }
0x167: {  	[sflag:s23] =	ssyncadd.s32 $0xFFFFF800  }
0x168: {  	_ =	swait.ge [sflag:s23], $0x800  }
0x169: {  	[sflag:s23] =	ssyncset.done $0x0  }
0x16a: {  	[sflag:s23] =	ssyncadd.s32 $0xFFFFF800  }
0x16b: {  	_ =	swait.ge [sflag:s23], $0x800  }
0x16c: {  	[sflag:s23] =	ssyncset.done $0x0  }
0x16d: {  	[sflag:s23] =	ssyncadd.s32 $0xFFFFF800  }
0x16e: {  	_ =	swait.ge [sflag:s23], $0x800  }
0x16f: {  	[sflag:s23] =	ssyncset.done $0x0  }
0x170: {  	[sflag:s23] =	ssyncadd.s32 $0xFFFFF800  }
0x171: {  	_ =	swait.ge [sflag:s23], $0x800  }
0x172: {  	[sflag:s23] =	ssyncset.done $0x0  }
0x173: {  	[sflag:s23] =	ssyncadd.s32 $0xFFFFF800  }
0x174: {  	_ =	swait.ge [sflag:s23], $0x800  }
0x175: {  	[sflag:s23] =	ssyncset.done $0x0  }
0x176: {  	[sflag:s23] =	ssyncadd.s32 $0xFFFFF800  }
0x177: {  	_ =	swait.ge [sflag:s23], $0x800  }
0x178: {  	[sflag:s23] =	ssyncset.done $0x0  }
0x179: {  	[sflag:s23] =	ssyncadd.s32 $0xFFFFF800  }
0x17a: {  	_ =	swait.ge [sflag:s23], $0x800  }
0x17b: {  	[sflag:s23] =	ssyncset.done $0x0  }
0x17c: {  	[sflag:s23] =	ssyncadd.s32 $0xFFFFF800  }
0x17d: {  	_ =	swait.ge [sflag:s23], $0x800  }
0x17e: {  	[sflag:s23] =	ssyncset.done $0x0  }
0x17f: {  	[sflag:s23] =	ssyncadd.s32 $0xFFFFF800  }
0x180: {  	_ =	swait.ge [sflag:s23], $0x800  }
0x181: {  	[sflag:s23] =	ssyncset.done $0x0  }
0x182: {  	[sflag:s23] =	ssyncadd.s32 $0xFFFFF800  }
0x183: {  	_ =	swait.ge [sflag:s23], $0x800  }
0x184: {  	[sflag:s23] =	ssyncset.done $0x0  }
0x185: {  	[sflag:s23] =	ssyncadd.s32 $0xFFFFF800  }
0x186: {  	_ =	swait.ge [sflag:s23], $0x800  }
0x187: {  	[sflag:s23] =	ssyncset.done $0x0  }
0x188: {  	[sflag:s23] =	ssyncadd.s32 $0xFFFFF800  }
0x189: {  	_ =	swait.ge [sflag:s23], $0x800  }
0x18a: {  	[sflag:s23] =	ssyncset.done $0x0  }
0x18b: {  	[sflag:s23] =	ssyncadd.s32 $0xFFFFF800  }
0x18c: {  	_ =	swait.ge [sflag:s23], $0x800  }
0x18d: {  	[sflag:s23] =	ssyncset.done $0x0  }
0x18e: {  	[sflag:s23] =	ssyncadd.s32 $0xFFFFF800  }
0x18f: {  	_ =	swait.ge [sflag:s23], $0x800  }
0x190: {  	[sflag:s23] =	ssyncset.done $0x0  }
0x191: {  	[sflag:s23] =	ssyncadd.s32 $0xFFFFF800  }
0x192: {  	_ =	swait.ge [sflag:s23], $0x800  }
0x193: {  	[sflag:s23] =	ssyncset.done $0x0  }
0x194: {  	[sflag:s23] =	ssyncadd.s32 $0xFFFFF800  }
0x195: {  	_ =	swait.ge [sflag:s23], $0x800  }
0x196: {  	[sflag:s23] =	ssyncset.done $0x0  }
0x197: {  	[sflag:s23] =	ssyncadd.s32 $0xFFFFF800  }
0x198: {  	s29 =	stileid.u32;
	[bflag:$0x0] =	sbarrier.arrive $0xFFFF  }
0x199: {  	s26 =	sshll.u32 s29, $0x6;
	s28 =	rddreg [dreg:$0x14]  }
0x19a: {  	s26 =	sor.u32 $0x1C02, s26;
	s29 =	rddreg [dreg:$0x16]  }
0x19b: {  	[hbm:s28], [sflag:s26] =	dma.local [spmem:s29], $0x1870  }
0x19c: {  	_ =	swait.ge [sflag:s5], $0x1870  }
0x19d: {  	s25 =	sadd.s32 $0x1, s25;
	s30 =	rddreg [dreg:$0x3]  }
0x19e: {  	p0 =	sne.s32 s25, s30  }
.Ltmp2:
0x19f: {  	_ = 	snop;
	(pc) =	sbr.rel @p0 .LBB2_1-.Ltmp2, $3  }
0x1a0: {  	_ =	sdelay $0x1  }
0x1a1: {  	[sflag:s5] =	ssyncset.done $0x0  }
0x1a2: {  	[sflag:s5] =	ssyncadd.s32 $0xFFFFE790  }
0x1a3: {  	_ =	sfence.sel $0x180000  }
0x1a4: {  	[bflag:$0x0] =	sbarrier.arrive $0xFFFF  }
0x1a5: {  	_ =	strace $0x9000004A  }
0x1a6: {  	s0 =	stileid.u32;
	[bflag:$0x2] =	sbarrier.arrive $0xFFFF  }
0x1a7: {  	p0 =	sne.s32 s0, $0x0;
	s0 =	rddreg [dreg:$0x2]  }
0x1a8: {  	s0 =	sadd.s32 @!p0 $0x100000, s0  }
0x1a9: {  	[sflag:s0] =	ssyncadd.tile.s32 @!p0 $0x1;
	_ =	shalt  }
.Lfunc_end2:
_tile_overlayer_lowered:
.L_overlay_start_2:
0x1aa: {  	(tag) =	ssettag $0x2  }
0x1ab: {  	s0 =	rddreg [dreg:$0x0];
	s2 =	stileid.u32  }
0x1ac: {  	s1 =	rddreg [dreg:$0x1];
	p0 =	sne.s32 s2, $0x0  }
0x1ad: {  	s3 =	rddreg [dreg:$0x2];
	[bflag:$0x3] =	sbarrier.arrive $0xFFFF;
	s2 =	simm.s32 @!p0 $0x1C02  }
0x1ae: {  	[timem:s3], [sflag:s2] =	dma.local @!p0 [hbm:s0], s1  }
0x1af: {  	s0 =	simm.s32 @!p0 $0x2  }
0x1b0: {  	_ =	swait.ge @!p0 [sflag:s0], s1  }
0x1b1: {  	s1 =	ssub.s32 @!p0 $0x0, s1;
	[sflag:s0] =	ssyncset.done @!p0 $0x0  }
0x1b2: {  	[sflag:s0] =	ssyncadd.s32 @!p0 s1  }
0x1b3: {  	[bflag:$0x3] =	sbarrier.arrive $0xFFFF  }
0x1b4: {  	_ =	shalt  }

// kernel: kernel.13.cloned.1.call-start
scs
__scs_entry_jumppad:
0x0: {  	(pc) =	sbr.rel $0x88, $3  }
0x1: {  	(tag) =	ssettag $0x0;
	lr =	simm.s32 $0x1  }
0x2: {  	[smem:$0x3F85] =	sst lr;
	_ =	strace $0xD0000000  }
0x3: {  	_ = 	snop  }
0x4: {  	_ = 	snop  }
0x5: {  	_ = 	snop  }
0x6: {  	_ = 	snop  }
0x7: {  	_ = 	snop  }
__scs_overlays_trampoline_lowered:
0x8: {  	[smem:$0x3F94] =	sst s0  }
0x9: {  	[smem:$0x3F95] =	sst s1  }
0xa: {  	[smem:$0x3F96] =	sst s2  }
0xb: {  	[smem:$0x3F97] =	sst s3  }
0xc: {  	[smem:$0x3F98] =	sst s4  }
0xd: {  	[smem:$0x3F99] =	sst s5  }
0xe: {  	[smem:$0x3F9A] =	sst s6  }
0xf: {  	[smem:$0x3F9B] =	sst s7  }
0x10: {  	[smem:$0x3F9C] =	sst s8  }
0x11: {  	[smem:$0x3F9D] =	sst s9;
	s0 =	simm.s32 @!p0 $0x0  }
0x12: {  	s1 =	sld [smem:$0x3F83];
	s0 =	simm.s32 @p0 $0x1  }
0x13: {  	[smem:$0x3F9E] =	sst s0;
	s0 =	simm.s32 @!p1 $0x0  }
0x14: {  	s2 =	sld [smem:$0x3F82];
	s0 =	simm.s32 @p1 $0x1  }
0x15: {  	[smem:$0x3F9F] =	sst s0;
	s0 =	simm.s32 @!p2 $0x0  }
0x16: {  	s3 =	sld [smem:$0x3FDB];
	s0 =	simm.s32 @p2 $0x1  }
0x17: {  	s4 =	simm.s32 $0x1BF5;
	[smem:$0x3FA1] =	sst s0  }
0x18: {  	s0 =	sld [smem:$0x3F84];
	_ =	swait.ge [sflag:s4], $0x0  }
0x19: {  	s7 =	sld [smem:$0x3F85]  }
0x1a: {  	s8 =	sadd.s32 $0xFFFFE003, lr  }
0x1b: {  	s9 =	sadd.s32 $0xFFFFFEF7, lr;
	s5 =	simm.s32 $0xFFFFFFFF;
	p2 =	slt.u32 s8, $0xFFFFF086  }
0x1c: {  	p1 =	slt.u32 s9, $0xF7A;
	s5 =	simm.s32 @!p2 $0x0  }
0x1d: {  	s5 =	simm.s32 @p1 $0x1;
	p0 =	seq.s32 s7, s2  }
0x1e: {  	s7 =	smul.u32 @!p0 $0xF7A, s2;
	p2 =	seq.s32 @!p0 s5, $0x0  }
0x1f: {  	s9 =	smul.u32 $0xF7A, s1;
	s8 =	simm.s32 @!p0 $0x1BF5;
	p2 =	por !p2, p0  }
0x20: {  	[sflag:s8] =	ssyncset.s32 @!p0 $0xFFFFF086;
	s6 =	sadd.s32 @!p0 s3, s7;
	s7 =	simm.s32 @!p0 $0x108  }
0x21: {  	s3 =	sadd.s32 s3, s9;
	s6 =	sadd.s32 @!p0 $0x88, s6;
	s7 =	simm.s32 @p2 $0x1082  }
0x22: {  	[simem:s7], [sflag:s8] =	dma.local @!p0 [hbm:s6], $0xF7A  }
0x23: {  	s9 =	sor.u32 $0xD0000000, s2;
	s6 =	simm.s32 $0x108;
	_ =	swait.ge @!p0 [sflag:s8], $0x0  }
0x24: {  	s3 =	sadd.s32 $0x88, s3;
	s6 =	simm.s32 @!p1 $0x1082;
	[sflag:s4] =	ssyncset.s32 $0xFFFFF086  }
0x25: {  	[simem:s6], [sflag:s4] =	dma.local [hbm:s3], $0xF7A  }
0x26: {  	[smem:$0x3F85] =	sst s1;
	(tag) =	ssettag s2;
	_ =	strace s9  }
0x27: {  	s1 =	sld [smem:$0x3F95]  }
0x28: {  	s2 =	sld [smem:$0x3F96]  }
0x29: {  	s4 =	sld [smem:$0x3F98]  }
0x2a: {  	p0 =	seq.s32 s5, $0x0;
	s5 =	sld [smem:$0x3F99]  }
0x2b: {  	s6 =	sld [smem:$0x3F9A]  }
0x2c: {  	s7 =	sld [smem:$0x3F9B]  }
0x2d: {  	s3 =	simm.s32 $0x108;
	s8 =	sld [smem:$0x3F9C]  }
0x2e: {  	s3 =	simm.s32 @!p0 $0x1082;
	s9 =	sld [smem:$0x3F9D]  }
0x2f: {  	lr =	sadd.s32 s0, s3;
	s0 =	sld [smem:$0x3F94]  }
0x30: {  	s3 =	sld [smem:$0x3F97]  }
0x31: {  	[smem:$0x3FA0] =	sst s10  }
0x32: {  	s10 =	sld [smem:$0x3F9E];
	_ =	sdelay $0x3  }
0x33: {  	p0 =	seq.s32 s10, $0x1;
	s10 =	sld [smem:$0x3FA0];
	_ =	sdelay $0x3  }
0x34: {  	[smem:$0x3FA0] =	sst s10  }
0x35: {  	s10 =	sld [smem:$0x3F9F];
	_ =	sdelay $0x3  }
0x36: {  	p1 =	seq.s32 s10, $0x1;
	s10 =	sld [smem:$0x3FA0];
	_ =	sdelay $0x3  }
0x37: {  	[smem:$0x3FA0] =	sst s10  }
0x38: {  	s10 =	sld [smem:$0x3FA1]  }
0x39: {  	_ = 	snop;
	(pc) =	sbr.ind lr, $3  }
0x3a: {  	_ = 	snop  }
0x3b: {  	_ = 	snop  }
0x3c: {  	p2 =	seq.s32 s10, $0x1;
	s10 =	sld [smem:$0x3FA0]  }
0x3d: {  	_ =	shalt  }
0x3e: {  	_ =	shalt  }
0x3f: {  	_ =	shalt  }
0x40: {  	_ =	shalt  }
0x41: {  	_ =	shalt  }
0x42: {  	_ =	shalt  }
0x43: {  	_ =	shalt  }
0x44: {  	_ =	shalt  }
0x45: {  	_ =	shalt  }
0x46: {  	_ =	shalt  }
0x47: {  	_ =	shalt  }
0x48: {  	_ =	shalt  }
0x49: {  	_ =	shalt  }
0x4a: {  	_ =	shalt  }
0x4b: {  	_ =	shalt  }
0x4c: {  	_ =	shalt  }
0x4d: {  	_ =	shalt  }
0x4e: {  	_ =	shalt  }
0x4f: {  	_ =	shalt  }
0x50: {  	_ =	shalt  }
0x51: {  	_ =	shalt  }
0x52: {  	_ =	shalt  }
0x53: {  	_ =	shalt  }
0x54: {  	_ =	shalt  }
0x55: {  	_ =	shalt  }
0x56: {  	_ =	shalt  }
0x57: {  	_ =	shalt  }
0x58: {  	_ =	shalt  }
0x59: {  	_ =	shalt  }
0x5a: {  	_ =	shalt  }
0x5b: {  	_ =	shalt  }
0x5c: {  	_ =	shalt  }
0x5d: {  	_ =	shalt  }
0x5e: {  	_ =	shalt  }
0x5f: {  	_ =	shalt  }
0x60: {  	_ =	shalt  }
0x61: {  	_ =	shalt  }
0x62: {  	_ =	shalt  }
0x63: {  	_ =	shalt  }
0x64: {  	_ =	shalt  }
0x65: {  	_ =	shalt  }
0x66: {  	_ =	shalt  }
0x67: {  	_ =	shalt  }
0x68: {  	_ =	shalt  }
0x69: {  	_ =	shalt  }
0x6a: {  	_ =	shalt  }
0x6b: {  	_ =	shalt  }
0x6c: {  	_ =	shalt  }
0x6d: {  	_ =	shalt  }
0x6e: {  	_ =	shalt  }
0x6f: {  	_ =	shalt  }
0x70: {  	_ =	shalt  }
0x71: {  	_ =	shalt  }
0x72: {  	_ =	shalt  }
0x73: {  	_ =	shalt  }
0x74: {  	_ =	shalt  }
0x75: {  	_ =	shalt  }
0x76: {  	_ =	shalt  }
0x77: {  	_ =	shalt  }
0x78: {  	_ =	shalt  }
0x79: {  	_ =	shalt  }
0x7a: {  	_ =	shalt  }
0x7b: {  	_ =	shalt  }
0x7c: {  	_ =	shalt  }
0x7d: {  	_ =	shalt  }
0x7e: {  	_ =	shalt  }
0x7f: {  	_ =	shalt  }
0x80: {  	_ =	shalt  }
0x81: {  	_ =	shalt  }
0x82: {  	_ =	shalt  }
0x83: {  	_ =	shalt  }
0x84: {  	_ =	shalt  }
0x85: {  	_ =	shalt  }
0x86: {  	_ =	shalt  }
0x87: {  	_ =	shalt  }
.Lfunc_end0:
.L_simem_size_0:
called_computation.1_lowered:
.L_overlay_start_0:
0x88: {  	s2 =	sld [smem:$0x3FD9]  }
0x89: {  	s3 =	sld [smem:$0x3FFE];
	_ =	sdelay $0x1  }
0x8a: {  	s1 =	srdreg.scid  }
0x8b: {  	s0 =	sand.u32 $0x1, s1  }
0x8c: {  	s16 =	sshll.u32 s0, $0xA;
	s2 =	sadd.s32 s3, s2  }
0x8d: {  	s2 =	sadd.s32 s2, s16  }
0x8e: {  	[smem:$0x3FAC] =	sst s2  }
0x8f: {  	_ = 	snop  }
0x90: {  	(tm) =	ssettm $0x1  }
0x91: {  	s17 =	sld [smem:$0x3FFB];
	_ =	sdelay $0x3  }
0x92: {  	_ =	strace s17  }
0x93: {  	s2 =	sld [smem:$0x3FFC];
	_ =	sdelay $0x3  }
0x94: {  	_ =	strace s2  }
0x95: {  	s2 =	sld [smem:$0x3FFD];
	_ =	sdelay $0x3  }
0x96: {  	_ =	strace s2  }
0x97: {  	_ =	strace $0x8FFFFFFF  }
0x98: {  	s18 =	sld [smem:$0x3FDB];
	_ =	sdelay $0x1  }
0x99: {  	s19 =	simm.s32 $_scs_section_size  }
0x9a: {  	s4 =	simm.s32 $_size__tile_overlayer_lowered;
	s5 =	simm.s32 $_tile_overlayer_lowered  }
0x9b: {  	s22 =	simm.s32 $0x1BFF;
	s21 =	sshll.u32 s5, $0x1;
	s2 =	sadd.s32 s19, s18  }
0x9c: {  	s6 =	simm.s32 $0x0;
	s20 =	sshll.u32 s4, $0x1;
	s4 =	sadd.s32 s21, s2  }
0x9d: {  	[timem:s6], [sflag:s22] =	dma.local [hbm:s4], s20  }
0x9e: {  	_ =	swait.ge [sflag:s22], s20  }
0x9f: {  	s3 =	ssub.s32 $0x0, s20;
	[sflag:s22] =	ssyncset.done $0x0  }
0xa0: {  	[sflag:s22] =	ssyncadd.s32 s3;
	_ =	sdelay $0x1  }
0xa1: {  	s23 =	simm.s32 $0x1B8B  }
0xa2: {  	_ =	swait.ge [sflag:s23], $0x1  }
0xa3: {  	[sflag:s23] =	ssyncset.done $0x0  }
0xa4: {  	s25 =	simm.s32 $0x1B8E;
	s24 =	sld [smem:$0x3FFE];
	[sflag:s23] =	ssyncadd.s32 $0xFFFFFFFF  }
0xa5: {  	s26 =	simm.s32 $execute0_lowered;
	[smem:$0x3FD2] =	sst s25  }
0xa6: {  	s4 =	sshll.u32 s26, $0x1;
	_ =	strace $0x80000046;
	[dreg:$0x1] =	wrdreg $0xFFFFFFFF  }
0xa7: {  	s28 =	simm.s32 $_size_execute0_lowered;
	s2 =	sadd.s32 s2, s4;
	[dreg:$0x0] =	wrdreg $0x0  }
0xa8: {  	s4 =	sshll.u32 s28, $0x1;
	[dreg:$0x2] =	wrdreg s2  }
0xa9: {  	[dreg:$0x3] =	wrdreg s4  }
0xaa: {  	[dreg:$0x4] =	wrdreg $0xC0  }
0xab: {  	_ =	task [dreg:s6], $0x5FFFF  }
0xac: {  	[dreg:$0x1] =	wrdreg $0xFFFFFFFF  }
0xad: {  	[dreg:$0x0] =	wrdreg $0x60  }
0xae: {  	[dreg:$0x2] =	wrdreg s24  }
0xaf: {  	[dreg:$0x3] =	wrdreg $0x62000  }
0xb0: {  	[dreg:$0x4] =	wrdreg $0xA  }
0xb1: {  	_ =	task.clear_ibuf [dreg:s6], $0x5FFFF;
	_ =	strace $0x90000046  }
0xb2: {  	s29 =	simm.s32 $0xA;
	_ =	strace $0x80000048  }
0xb3: {  	_ =	swait.ge [sflag:s29], $0x1  }
0xb4: {  	[sflag:s29] =	ssyncadd.s32 $0xFFFFFFFF  }
0xb5: {  	_ =	strace $0x90000048  }
0xb6: {  	_ =	sfence  }
0xb7: {  	s30 =	sld [smem:$0x0];
	_ =	sdelay $0x2  }
0xb8: {  	s31 =	sshll.u32 s1, $0xD;
	s1 =	sshrl.u32 s1, $0x2  }
0xb9: {  	s3 =	sand.u32 $0x4000, s31;
	s1 =	sadd.s32 s1, s30  }
0xba: {  	s0 =	sor.u32 s3, s0;
	s1 =	sshll.u32 s1, $0x11  }
0xbb: {  	s0 =	sor.u32 s1, s0  }
0xbc: {  	s0 =	sadd.s32 $0x8F2B, s0  }
0xbd: {  	[sflag:s0] =	ssyncadd.remote.s32 $0x1  }
0xbe: {  	_ =	sfence.sel $0xFFFF  }
0xbf: {  	[dreg:$0x0] =	wrdreg $0xFFFFFFFF;
	(pc) =	sbr.abs _section_cstart, $3  }
0xc0: {  	[dreg:$0x1] =	wrdreg $0xFFFFFFFF  }
0xc1: {  	_ =	task.clear_ibuf [dreg:s6], $0x2FFFF;
	_ =	strace $0x9FFFFFFF  }
0xc2: {  	(tm) =	ssettm $0x7FFFFFFF  }
0xc3: {  	_ =	shalt  }
tec
execute0_lowered:
.L_overlay_start_1:
0x0: {  	(tag) =	ssettag $0x1  }
0x1: {  	s0 =	rddreg [dreg:$0x0];
	s14 =	stileid.u32  }
0x2: {  	s8 =	srdreg.scid;
	s10 =	smul.u32 $0x61C00, s14  }
0x3: {  	s1 =	rddreg [dreg:$0x1];
	s2 =	simm.s32 $0x0;
	s11 =	sand.u32 $0x1, s8  }
0x4: {  	[smem:$0x7FF] =	sst s2;
	s12 =	ssub.s32 $0x2, s11;
	s10 =	sshrl.u32 s10, $0x2  }
0x5: {  	_ =	strace $0x80000047;
	s13 =	sshrl.u32 s12, $0x1;
	s15 =	sadd.s32 s10, s1  }
0x6: {  	s13 =	ssub.s32 s12, s13;
	s19 =	sadd.s32 $0x18000, s15;
	[dreg:$0x3] =	wrdreg s15  }
0x7: {  	s13 =	smax.u32 s13, $0x1;
	[dreg:$0x4] =	wrdreg s19  }
0x8: {  	s28 =	simm.s32 $0x0;
	s21 =	sadd.s32 $0x1000, s15;
	[dreg:$0x5] =	wrdreg s13  }
0x9: {  	s29 =	simm.s32 $0x0;
	s22 =	sadd.s32 $0x2000, s15;
	[dreg:$0x6] =	wrdreg s21  }
0xa: {  	s3 =	sadd.s32 $0x6AC00, s0;
	s23 =	sadd.s32 $0x3000, s15;
	[dreg:$0x7] =	wrdreg s22  }
0xb: {  	s4 =	sadd.s32 $0x2B4E00, s0;
	s24 =	sadd.s32 $0x4000, s15;
	[dreg:$0x8] =	wrdreg s23  }
0xc: {  	s9 =	sadd.s32 $0x2E5C00, s0;
	s25 =	sadd.s32 $0x5000, s15;
	[dreg:$0x9] =	wrdreg s24  }
0xd: {  	s5 =	sadd.s32 $0x5F3200, s0;
	s26 =	sadd.s32 $0x6000, s15;
	[dreg:$0xa] =	wrdreg s25  }
0xe: {  	s6 =	sadd.s32 $0x39E00, s0;
	s30 =	sadd.s32 $0x7000, s15;
	[dreg:$0xb] =	wrdreg s26  }
0xf: {  	p0 =	seq.s32 s11, $0x0;
	s31 =	sadd.s32 $0x8000, s15;
	[dreg:$0xc] =	wrdreg s30  }
0x10: {  	s5 =	smov.u32 @p0 s9;
	s9 =	sadd.s32 $0x9000, s15;
	[dreg:$0xd] =	wrdreg s31  }
0x11: {  	s7 =	sadd.s32 $0x9000, s0;
	s16 =	sadd.s32 $0xB000, s15;
	[dreg:$0xe] =	wrdreg s9  }
0x12: {  	s18 =	sand.u32 $0x7, s14;
	s17 =	sadd.s32 $0xC000, s15;
	[dreg:$0x12] =	wrdreg s16  }
0x13: {  	s8 =	smul.u32 $0x61A8, s18;
	s18 =	sadd.s32 $0xD000, s15;
	[dreg:$0x13] =	wrdreg s17  }
0x14: {  	p1 =	seq.s32 s11, $0x1;
	[dreg:$0x14] =	wrdreg s18;
	s19 =	sadd.s32 $0xE000, s15  }
0x15: {  	s4 =	smov.u32 @p0 s3;
	s21 =	sadd.s32 $0x10000, s15;
	[dreg:$0x15] =	wrdreg s19  }
0x16: {  	s10 =	smul.u32 $0x18700, s14;
	s22 =	sadd.s32 $0x11000, s15;
	[dreg:$0x17] =	wrdreg s21  }
0x17: {  	s12 =	sadd.s32 $0x40, s8;
	s23 =	sadd.s32 $0x12000, s15;
	[dreg:$0x18] =	wrdreg s22  }
0x18: {  	s20 =	sshrl.u32 s10, $0x3;
	s24 =	sadd.s32 $0x13000, s15;
	[dreg:$0x19] =	wrdreg s23  }
0x19: {  	s14 =	sadd.s32 s10, s1;
	s25 =	sadd.s32 $0x14000, s15;
	[dreg:$0x1a] =	wrdreg s24  }
0x1a: {  	s13 =	simm.s32 $0x9BA00;
	s26 =	sadd.s32 $0x15000, s15;
	[dreg:$0x1b] =	wrdreg s25  }
0x1b: {  	s30 =	sadd.s32 $0x16000, s15;
	s31 =	sadd.s32 $0x17000, s15;
	[dreg:$0x1c] =	wrdreg s26  }
0x1c: {  	s18 =	simm.s32 $0x2200;
	s13 =	simm.s32 @!p1 $0xCC800;
	[dreg:$0x1d] =	wrdreg s30  }
0x1d: {  	s14 =	sshrl.u32 s14, $0x3;
	[dreg:$0x1e] =	wrdreg s31;
	s19 =	simm.s32 $0x3  }
0x1e: {  	s21 =	simm.s32 $0x80;
	s22 =	simm.s32 $0x3200;
	s23 =	simm.s32 $0x4200  }
0x1f: {  	s0 =	sadd.s32 s13, s0;
	s13 =	sadd.s32 $0xA000, s15;
	[dreg:$0x11] =	wrdreg s14  }
0x20: {  	s24 =	simm.s32 $0x5200;
	s0 =	sadd.s32 s0, s20;
	[dreg:$0x10] =	wrdreg s13  }
0x21: {  	s25 =	simm.s32 $0x1;
	s20 =	sadd.s32 $0xF000, s15;
	[dreg:$0xf] =	wrdreg s0  }
0x22: {  	v0 =	vimm.f32 $0.0e+00;
	s26 =	simm.s32 $0x2;
	[dreg:$0x16] =	wrdreg s20;
	s20 =	simm.s32 $0x1100  }
.LBB2_1:
0x23: {  	s0 =	simm.s32 $0x80;
	s3 =	simm.s32 $0x0  }
.LBB2_2:
0x24: {  	p0 =	sne.s32 s0, $0x3F80;
	[tilespmem:s3+$0x2200] =	vst v0;
	s9 =	smov.u32 s0;
	s0 =	sadd.s32 $0x80, s0  }
.Ltmp0:
0x25: {  	[tilespmem:s3+$0x2210] =	vst v0;
	(pc) =	sbr.rel @p0 .LBB2_2-.Ltmp0, $2  }
0x26: {  	_ =	sdelay $0x2  }
0x27: {  	s3 =	sshra.s32 s9, $0x2  }
0x28: {  	[tilespmem:s3+$0x2200] =	vst v0  }
0x29: {  	[tilespmem:s3+$0x2210] =	vst v0;
	s0 =	rddreg [dreg:$0x3]  }
0x2a: {  	[spmem:s0] =	stream.linear.scatter [tilespmem:s18], [sflag:$0x3], $0x1000, $0x38;
	[tilespmem:$0x1E900] =	vst v63  }
0x2b: {  	_ =	swait.ge [sflag:s19], $0x1000  }
0x2c: {  	[sflag:s19] =	ssyncset.done $0x0  }
0x2d: {  	s13 =	rddreg [dreg:$0x6];
	[sflag:s19] =	ssyncadd.s32 $0xFFFFF000  }
0x2e: {  	[spmem:s13] =	stream.linear.scatter [tilespmem:s18], [sflag:$0x3], $0x1000, $0x38;
	[tilespmem:$0x1E900] =	vst v63  }
0x2f: {  	_ =	swait.ge [sflag:s19], $0x1000  }
0x30: {  	[sflag:s19] =	ssyncset.done $0x0  }
0x31: {  	s14 =	rddreg [dreg:$0x7];
	[sflag:s19] =	ssyncadd.s32 $0xFFFFF000  }
0x32: {  	[spmem:s14] =	stream.linear.scatter [tilespmem:s18], [sflag:$0x3], $0x1000, $0x38;
	[tilespmem:$0x1E900] =	vst v63  }
0x33: {  	_ =	swait.ge [sflag:s19], $0x1000  }
0x34: {  	[sflag:s19] =	ssyncset.done $0x0  }
0x35: {  	s15 =	rddreg [dreg:$0x8];
	[sflag:s19] =	ssyncadd.s32 $0xFFFFF000  }
0x36: {  	[spmem:s15] =	stream.linear.scatter [tilespmem:s18], [sflag:$0x3], $0x1000, $0x38;
	[tilespmem:$0x1E900] =	vst v63  }
0x37: {  	_ =	swait.ge [sflag:s19], $0x1000  }
0x38: {  	[sflag:s19] =	ssyncset.done $0x0  }
0x39: {  	s16 =	rddreg [dreg:$0x9];
	[sflag:s19] =	ssyncadd.s32 $0xFFFFF000  }
0x3a: {  	[spmem:s16] =	stream.linear.scatter [tilespmem:s18], [sflag:$0x3], $0x1000, $0x38;
	[tilespmem:$0x1E900] =	vst v63  }
0x3b: {  	_ =	swait.ge [sflag:s19], $0x1000  }
0x3c: {  	[sflag:s19] =	ssyncset.done $0x0  }
0x3d: {  	s17 =	rddreg [dreg:$0xa];
	[sflag:s19] =	ssyncadd.s32 $0xFFFFF000  }
0x3e: {  	[spmem:s17] =	stream.linear.scatter [tilespmem:s18], [sflag:$0x3], $0x1000, $0x38;
	[tilespmem:$0x1E900] =	vst v63  }
0x3f: {  	_ =	swait.ge [sflag:s19], $0x1000  }
0x40: {  	[sflag:s19] =	ssyncset.done $0x0  }
0x41: {  	s31 =	rddreg [dreg:$0xb];
	[sflag:s19] =	ssyncadd.s32 $0xFFFFF000  }
0x42: {  	[spmem:s31] =	stream.linear.scatter [tilespmem:s18], [sflag:$0x3], $0x1000, $0x38;
	[tilespmem:$0x1E900] =	vst v63  }
0x43: {  	_ =	swait.ge [sflag:s19], $0x1000  }
0x44: {  	[sflag:s19] =	ssyncset.done $0x0  }
0x45: {  	s3 =	rddreg [dreg:$0xc];
	[sflag:s19] =	ssyncadd.s32 $0xFFFFF000  }
0x46: {  	[spmem:s3] =	stream.linear.scatter [tilespmem:s18], [sflag:$0x3], $0x1000, $0x38;
	[tilespmem:$0x1E900] =	vst v63  }
0x47: {  	_ =	swait.ge [sflag:s19], $0x1000  }
0x48: {  	[sflag:s19] =	ssyncset.done $0x0  }
0x49: {  	s9 =	rddreg [dreg:$0xd];
	[sflag:s19] =	ssyncadd.s32 $0xFFFFF000  }
0x4a: {  	[spmem:s9] =	stream.linear.scatter [tilespmem:s18], [sflag:$0x3], $0x1000, $0x38;
	[tilespmem:$0x1E900] =	vst v63  }
0x4b: {  	_ =	swait.ge [sflag:s19], $0x1000  }
0x4c: {  	[sflag:s19] =	ssyncset.done $0x0  }
0x4d: {  	s11 =	rddreg [dreg:$0xe];
	[sflag:s19] =	ssyncadd.s32 $0xFFFFF000  }
0x4e: {  	[spmem:s11] =	stream.linear.scatter [tilespmem:s18], [sflag:$0x3], $0x1000, $0x38;
	[tilespmem:$0x1E900] =	vst v63  }
0x4f: {  	_ =	swait.ge [sflag:s19], $0x1000  }
0x50: {  	[sflag:s19] =	ssyncset.done $0x0  }
0x51: {  	s13 =	rddreg [dreg:$0x10];
	[sflag:s19] =	ssyncadd.s32 $0xFFFFF000  }
0x52: {  	[spmem:s13] =	stream.linear.scatter [tilespmem:s18], [sflag:$0x3], $0x1000, $0x38;
	[tilespmem:$0x1E900] =	vst v63  }
0x53: {  	_ =	swait.ge [sflag:s19], $0x1000  }
0x54: {  	[sflag:s19] =	ssyncset.done $0x0  }
0x55: {  	s14 =	rddreg [dreg:$0x12];
	[sflag:s19] =	ssyncadd.s32 $0xFFFFF000  }
0x56: {  	[spmem:s14] =	stream.linear.scatter [tilespmem:s18], [sflag:$0x3], $0x1000, $0x38;
	[tilespmem:$0x1E900] =	vst v63  }
0x57: {  	_ =	swait.ge [sflag:s19], $0x1000  }
0x58: {  	[sflag:s19] =	ssyncset.done $0x0  }
0x59: {  	s15 =	rddreg [dreg:$0x13];
	[sflag:s19] =	ssyncadd.s32 $0xFFFFF000  }
0x5a: {  	[spmem:s15] =	stream.linear.scatter [tilespmem:s18], [sflag:$0x3], $0x1000, $0x38;
	[tilespmem:$0x1E900] =	vst v63  }
0x5b: {  	_ =	swait.ge [sflag:s19], $0x1000  }
0x5c: {  	[sflag:s19] =	ssyncset.done $0x0  }
0x5d: {  	s16 =	rddreg [dreg:$0x14];
	[sflag:s19] =	ssyncadd.s32 $0xFFFFF000  }
0x5e: {  	[spmem:s16] =	stream.linear.scatter [tilespmem:s18], [sflag:$0x3], $0x1000, $0x38;
	[tilespmem:$0x1E900] =	vst v63  }
0x5f: {  	_ =	swait.ge [sflag:s19], $0x1000  }
0x60: {  	[sflag:s19] =	ssyncset.done $0x0  }
0x61: {  	s17 =	rddreg [dreg:$0x15];
	[sflag:s19] =	ssyncadd.s32 $0xFFFFF000  }
0x62: {  	[spmem:s17] =	stream.linear.scatter [tilespmem:s18], [sflag:$0x3], $0x1000, $0x38;
	[tilespmem:$0x1E900] =	vst v63  }
0x63: {  	_ =	swait.ge [sflag:s19], $0x1000  }
0x64: {  	[sflag:s19] =	ssyncset.done $0x0  }
0x65: {  	s31 =	rddreg [dreg:$0x16];
	[sflag:s19] =	ssyncadd.s32 $0xFFFFF000  }
0x66: {  	[spmem:s31] =	stream.linear.scatter [tilespmem:s18], [sflag:$0x3], $0x1000, $0x38;
	[tilespmem:$0x1E900] =	vst v63  }
0x67: {  	_ =	swait.ge [sflag:s19], $0x1000  }
0x68: {  	[sflag:s19] =	ssyncset.done $0x0  }
0x69: {  	s3 =	rddreg [dreg:$0x17];
	[sflag:s19] =	ssyncadd.s32 $0xFFFFF000  }
0x6a: {  	[spmem:s3] =	stream.linear.scatter [tilespmem:s18], [sflag:$0x3], $0x1000, $0x38;
	[tilespmem:$0x1E900] =	vst v63  }
0x6b: {  	_ =	swait.ge [sflag:s19], $0x1000  }
0x6c: {  	[sflag:s19] =	ssyncset.done $0x0  }
0x6d: {  	s9 =	rddreg [dreg:$0x18];
	[sflag:s19] =	ssyncadd.s32 $0xFFFFF000  }
0x6e: {  	[spmem:s9] =	stream.linear.scatter [tilespmem:s18], [sflag:$0x3], $0x1000, $0x38;
	[tilespmem:$0x1E900] =	vst v63  }
0x6f: {  	_ =	swait.ge [sflag:s19], $0x1000  }
0x70: {  	[sflag:s19] =	ssyncset.done $0x0  }
0x71: {  	s11 =	rddreg [dreg:$0x19];
	[sflag:s19] =	ssyncadd.s32 $0xFFFFF000  }
0x72: {  	[spmem:s11] =	stream.linear.scatter [tilespmem:s18], [sflag:$0x3], $0x1000, $0x38;
	[tilespmem:$0x1E900] =	vst v63  }
0x73: {  	_ =	swait.ge [sflag:s19], $0x1000  }
0x74: {  	[sflag:s19] =	ssyncset.done $0x0  }
0x75: {  	s13 =	rddreg [dreg:$0x1a];
	[sflag:s19] =	ssyncadd.s32 $0xFFFFF000  }
0x76: {  	[spmem:s13] =	stream.linear.scatter [tilespmem:s18], [sflag:$0x3], $0x1000, $0x38;
	[tilespmem:$0x1E900] =	vst v63  }
0x77: {  	_ =	swait.ge [sflag:s19], $0x1000  }
0x78: {  	[sflag:s19] =	ssyncset.done $0x0  }
0x79: {  	s14 =	rddreg [dreg:$0x1b];
	[sflag:s19] =	ssyncadd.s32 $0xFFFFF000  }
0x7a: {  	[spmem:s14] =	stream.linear.scatter [tilespmem:s18], [sflag:$0x3], $0x1000, $0x38;
	[tilespmem:$0x1E900] =	vst v63  }
0x7b: {  	_ =	swait.ge [sflag:s19], $0x1000  }
0x7c: {  	[sflag:s19] =	ssyncset.done $0x0  }
0x7d: {  	s15 =	rddreg [dreg:$0x1c];
	[sflag:s19] =	ssyncadd.s32 $0xFFFFF000  }
0x7e: {  	[spmem:s15] =	stream.linear.scatter [tilespmem:s18], [sflag:$0x3], $0x1000, $0x38;
	[tilespmem:$0x1E900] =	vst v63  }
0x7f: {  	_ =	swait.ge [sflag:s19], $0x1000  }
0x80: {  	[sflag:s19] =	ssyncset.done $0x0  }
0x81: {  	s16 =	rddreg [dreg:$0x1d];
	[sflag:s19] =	ssyncadd.s32 $0xFFFFF000  }
0x82: {  	[spmem:s16] =	stream.linear.scatter [tilespmem:s18], [sflag:$0x3], $0x1000, $0x38;
	[tilespmem:$0x1E900] =	vst v63  }
0x83: {  	_ =	swait.ge [sflag:s19], $0x1000  }
0x84: {  	[sflag:s19] =	ssyncset.done $0x0  }
0x85: {  	s17 =	rddreg [dreg:$0x1e];
	[sflag:s19] =	ssyncadd.s32 $0xFFFFF000  }
0x86: {  	[spmem:s17] =	stream.linear.scatter [tilespmem:s18], [sflag:$0x3], $0x1000, $0x38;
	[tilespmem:$0x1E900] =	vst v63  }
0x87: {  	_ =	swait.ge [sflag:s19], $0x1000  }
0x88: {  	[sflag:s19] =	ssyncset.done $0x0  }
0x89: {  	s31 =	rddreg [dreg:$0x4];
	[sflag:s19] =	ssyncadd.s32 $0xFFFFF000  }
0x8a: {  	[spmem:s31] =	stream.linear.scatter [tilespmem:s18], [sflag:$0x3], $0x700, $0x38;
	[tilespmem:$0x1E900] =	vst v63  }
0x8b: {  	_ =	swait.ge [sflag:s19], $0x700  }
0x8c: {  	[sflag:s19] =	ssyncset.done $0x0  }
0x8d: {  	[sflag:s19] =	ssyncadd.s32 $0xFFFFF900  }
0x8e: {  	s30 =	simm.s32 $0x0;
	[bflag:$0x0] =	sbarrier.arrive $0xFFFF  }
.LBB2_4:
0x8f: {  	s0 =	smul.u32 $0x1100, s30;
	_ =	sdelay $0x1  }
0x90: {  	s0 =	sadd.s32 s10, s0  }
0x91: {  	s0 =	sshrl.u32 s0, $0x3  }
0x92: {  	s3 =	sadd.s32 s6, s0  }
0x93: {  	[tilespmem:s29], [sflag:$0x3] =	stream.linear.gather [hbm4b:s3+s29], $0x1100, $0x38;
	[tilespmem:$0x1E900] =	vst v63  }
0x94: {  	_ =	swait.ge [sflag:s19], $0x1100  }
0x95: {  	[sflag:s19] =	ssyncset.done $0x0  }
0x96: {  	s17 =	smul.u32 $0x440, s30;
	s0 =	sadd.s32 s7, s0;
	[sflag:s19] =	ssyncadd.s32 $0xFFFFEF00  }
0x97: {  	[tilespmem:s20], [sflag:$0x3] =	stream.linear.gather [hbm4b:s0+s29], $0x1100, $0x38;
	[tilespmem:$0x1E900] =	vst v63  }
0x98: {  	_ =	swait.ge [sflag:s19], $0x1100  }
0x99: {  	s0 =	sadd.s32 s8, s17;
	[sflag:s19] =	ssyncset.done $0x0  }
0x9a: {  	s0 =	sshll.u32 s0, $0x4;
	[sflag:s19] =	ssyncadd.s32 $0xFFFFEF00  }
0x9b: {  	[tilespmem:s18], [sflag:$0x1] =	stream.indirect.gather [hbm4b:s4+s21], $0x20, s29, s21, $0xb8;
	[tilespmem:$0x1E900] =	vst v63  }
0x9c: {  	s0 =	sadd.s32 s5, s0  }
0x9d: {  	[tilespmem:s22], [sflag:$0x1] =	stream.linear.gather [hbm4b:s0+s29], $0x1000, $0x38;
	[tilespmem:$0x1E900] =	vst v63  }
0x9e: {  	s31 =	smul.u32 $0x22, s30;
	s0 =	simm.s32 $0x0  }
.LBB2_5:
0x9f: {  	s3 =	sshll.u32 s0, $0x1  }
0xa0: {  	s3 =	sadd.s32 s31, s3  }
0xa1: {  	s11 =	sshll.u32 s3, $0x5  }
0xa2: {  	s13 =	sshll.u32 s0, $0xA;
	s3 =	sadd.s32 s11, s8  }
0xa3: {  	s17 =	sor.u32 $0x200, s13;
	s9 =	sshll.u32 s3, $0x4  }
0xa4: {  	s3 =	sshra.s32 s17, $0x2;
	s9 =	sadd.s32 s5, s9  }
0xa5: {  	[tilespmem:s23], [sflag:$0x2] =	stream.indirect.gather [hbm4b:s4+s21], $0x20, s3, s21, $0xb8;
	[tilespmem:$0x1E900] =	vst v63  }
0xa6: {  	s9 =	sadd.s32 $0x200, s9  }
0xa7: {  	[tilespmem:s24], [sflag:$0x2] =	stream.linear.gather [hbm4b:s9+s2], $0x1000, $0x38;
	[tilespmem:$0x1E900] =	vst v63  }
0xa8: {  	_ =	swait.ge [sflag:s25], $0x1000  }
0xa9: {  	[sflag:s25] =	ssyncset.done $0x0  }
0xaa: {  	[sflag:s25] =	ssyncadd.s32 $0xFFFFF000  }
0xab: {  	_ =	swait.ge [sflag:s25], $0x1000  }
0xac: {  	[sflag:s25] =	ssyncset.done $0x0  }
0xad: {  	s14 =	simm.s32 $0x2300;
	[sflag:s25] =	ssyncadd.s32 $0xFFFFF000  }
0xae: {  	s15 =	simm.s32 $0x3300;
	v1 =	vld [tilespmem:s14+$0x80]  }
0xaf: {  	v2 =	vld [tilespmem:s15+$0x80]  }
0xb0: {  	v3 =	vld [tilespmem:s15+$0xFFFFFF00]  }
0xb1: {  	v4 =	vld [tilespmem:s14+$0xFFFFFF80]  }
0xb2: {  	v5 =	vld [tilespmem:s15+$0xFFFFFF80]  }
0xb3: {  	v6 =	vld [tilespmem:s15+$0x0]  }
0xb4: {  	v1 =	vadd.f32 v2, v1;
	v2 =	vld [tilespmem:s14+$0x0]  }
0xb5: {  	v7 =	vld [tilespmem:s14+$0xFFFFFF00]  }
0xb6: {  	v1 =	vmax.f32 v1, $0.0e+00  }
0xb7: {  	v4 =	vadd.f32 v5, v4;
	[tilespmem:s14+$0x80] =	vst v1;
	v1 =	vld [tilespmem:s14+$0x90]  }
0xb8: {  	v8 =	vld [tilespmem:s15+$0x90]  }
0xb9: {  	v9 =	vld [tilespmem:s14+$0xFFFFFF90];
	v4 =	vmax.f32 v4, $0.0e+00;
	v2 =	vadd.f32 v6, v2  }
0xba: {  	v5 =	vld [tilespmem:s14+$0xFFFFFF10];
	v3 =	vadd.f32 v3, v7;
	[tilespmem:s14+$0xFFFFFF80] =	vst v4  }
0xbb: {  	v6 =	vld [tilespmem:s15+$0xFFFFFF90];
	v2 =	vmax.f32 v2, $0.0e+00  }
0xbc: {  	v3 =	vmax.f32 v3, $0.0e+00;
	v4 =	vld [tilespmem:s14+$0x10];
	[tilespmem:s14+$0x0] =	vst v2  }
0xbd: {  	[tilespmem:s14+$0xFFFFFF00] =	vst v3;
	v1 =	vadd.f32 v8, v1;
	v2 =	vld [tilespmem:s15+$0x10]  }
0xbe: {  	v3 =	vld [tilespmem:s15+$0xFFFFFF10]  }
0xbf: {  	v1 =	vmax.f32 v1, $0.0e+00  }
0xc0: {  	v6 =	vadd.f32 v6, v9;
	[tilespmem:s14+$0x90] =	vst v1;
	v1 =	vld [tilespmem:s14+$0xA0]  }
0xc1: {  	v8 =	vld [tilespmem:s15+$0xA0]  }
0xc2: {  	v7 =	vld [tilespmem:s14+$0xFFFFFF20];
	v6 =	vmax.f32 v6, $0.0e+00;
	v2 =	vadd.f32 v2, v4  }
0xc3: {  	v3 =	vadd.f32 v3, v5;
	v9 =	vld [tilespmem:s14+$0xFFFFFFA0];
	[tilespmem:s14+$0xFFFFFF90] =	vst v6  }
0xc4: {  	v5 =	vld [tilespmem:s15+$0xFFFFFFA0];
	v2 =	vmax.f32 v2, $0.0e+00  }
0xc5: {  	v3 =	vmax.f32 v3, $0.0e+00;
	v4 =	vld [tilespmem:s14+$0x20];
	[tilespmem:s14+$0x10] =	vst v2  }
0xc6: {  	[tilespmem:s14+$0xFFFFFF10] =	vst v3;
	v1 =	vadd.f32 v8, v1;
	v2 =	vld [tilespmem:s15+$0x20]  }
0xc7: {  	v3 =	vld [tilespmem:s15+$0xFFFFFF20]  }
0xc8: {  	v1 =	vmax.f32 v1, $0.0e+00  }
0xc9: {  	v5 =	vadd.f32 v5, v9;
	[tilespmem:s14+$0xA0] =	vst v1;
	v1 =	vld [tilespmem:s14+$0xB0]  }
0xca: {  	v8 =	vld [tilespmem:s15+$0xB0]  }
0xcb: {  	v10 =	vld [tilespmem:s14+$0x30];
	v5 =	vmax.f32 v5, $0.0e+00;
	v2 =	vadd.f32 v2, v4  }
0xcc: {  	v3 =	vadd.f32 v3, v7;
	v9 =	vld [tilespmem:s14+$0xFFFFFFB0];
	[tilespmem:s14+$0xFFFFFFA0] =	vst v5  }
0xcd: {  	v4 =	vld [tilespmem:s15+$0xFFFFFFB0];
	v2 =	vmax.f32 v2, $0.0e+00  }
0xce: {  	v6 =	vld [tilespmem:s14+$0xFFFFFF30];
	[tilespmem:s14+$0x20] =	vst v2;
	v2 =	vmax.f32 v3, $0.0e+00  }
0xcf: {  	v1 =	vadd.f32 v8, v1;
	[tilespmem:s14+$0xFFFFFF20] =	vst v2;
	v2 =	vld [tilespmem:s15+$0x30]  }
0xd0: {  	v7 =	vld [tilespmem:s15+$0xFFFFFF30]  }
0xd1: {  	v11 =	vld [tilespmem:s14+$0xFFFFFF40];
	v1 =	vmax.f32 v1, $0.0e+00  }
0xd2: {  	v4 =	vadd.f32 v4, v9;
	[tilespmem:s14+$0xB0] =	vst v1;
	v1 =	vld [tilespmem:s14+$0xC0]  }
0xd3: {  	v8 =	vld [tilespmem:s15+$0xC0]  }
0xd4: {  	v12 =	vld [tilespmem:s14+$0xFFFFFFD0];
	v4 =	vmax.f32 v4, $0.0e+00;
	v2 =	vadd.f32 v2, v10  }
0xd5: {  	v5 =	vld [tilespmem:s14+$0xFFFFFFC0];
	[tilespmem:s14+$0xFFFFFFB0] =	vst v4;
	v6 =	vadd.f32 v7, v6  }
0xd6: {  	v7 =	vld [tilespmem:s15+$0xFFFFFFC0];
	v2 =	vmax.f32 v2, $0.0e+00  }
0xd7: {  	v3 =	vld [tilespmem:s14+$0x40];
	[tilespmem:s14+$0x30] =	vst v2;
	v2 =	vmax.f32 v6, $0.0e+00  }
0xd8: {  	v1 =	vadd.f32 v8, v1;
	v6 =	vld [tilespmem:s15+$0x40];
	[tilespmem:s14+$0xFFFFFF30] =	vst v2  }
0xd9: {  	v2 =	vld [tilespmem:s15+$0xFFFFFF40]  }
0xda: {  	v9 =	vld [tilespmem:s14+$0xFFFFFF50];
	v1 =	vmax.f32 v1, $0.0e+00  }
0xdb: {  	[tilespmem:s14+$0xC0] =	vst v1;
	v1 =	vadd.f32 v7, v5;
	v7 =	vld [tilespmem:s14+$0xD0]  }
0xdc: {  	v8 =	vld [tilespmem:s15+$0xD0]  }
0xdd: {  	v4 =	vld [tilespmem:s14+$0xFFFFFF60];
	v1 =	vmax.f32 v1, $0.0e+00;
	v3 =	vadd.f32 v6, v3  }
0xde: {  	v10 =	vld [tilespmem:s14+$0x50];
	[tilespmem:s14+$0xFFFFFFC0] =	vst v1;
	v1 =	vadd.f32 v2, v11  }
0xdf: {  	v2 =	vld [tilespmem:s15+$0xFFFFFFD0];
	v3 =	vmax.f32 v3, $0.0e+00  }
0xe0: {  	v5 =	vld [tilespmem:s14+$0xFFFFFFE0];
	[tilespmem:s14+$0x40] =	vst v3;
	v1 =	vmax.f32 v1, $0.0e+00  }
0xe1: {  	v3 =	vld [tilespmem:s15+$0x50];
	v7 =	vadd.f32 v8, v7;
	[tilespmem:s14+$0xFFFFFF40] =	vst v1  }
0xe2: {  	v1 =	vld [tilespmem:s15+$0xFFFFFF50]  }
0xe3: {  	v6 =	vld [tilespmem:s14+$0x60];
	v7 =	vmax.f32 v7, $0.0e+00  }
0xe4: {  	v2 =	vadd.f32 v2, v12;
	[tilespmem:s14+$0xD0] =	vst v7;
	v7 =	vld [tilespmem:s14+$0xE0]  }
0xe5: {  	v11 =	vld [tilespmem:s15+$0xE0]  }
0xe6: {  	v2 =	vmax.f32 v2, $0.0e+00;
	v8 =	vadd.f32 v3, v10;
	v3 =	vld [tilespmem:s14+$0xFFFFFF70]  }
0xe7: {  	[tilespmem:s14+$0xFFFFFFD0] =	vst v2;
	v1 =	vadd.f32 v1, v9;
	v2 =	vld [tilespmem:s14+$0xFFFFFFF0]  }
0xe8: {  	v9 =	vmax.f32 v8, $0.0e+00;
	v8 =	vld [tilespmem:s15+$0xFFFFFFE0]  }
0xe9: {  	[tilespmem:s14+$0x50] =	vst v9;
	v9 =	vmax.f32 v1, $0.0e+00;
	v1 =	vld [tilespmem:s14+$0x70]  }
0xea: {  	[tilespmem:s14+$0xFFFFFF50] =	vst v9;
	v9 =	vld [tilespmem:s15+$0x60];
	v7 =	vadd.f32 v11, v7  }
0xeb: {  	v10 =	vld [tilespmem:s15+$0xFFFFFF60]  }
0xec: {  	s16 =	simm.s32 $0x0;
	s17 =	simm.s32 $0x2500;
	s9 =	simm.s32 $0x3300;
	v11 =	vmax.f32 v7, $0.0e+00;
	v7 =	vld [tilespmem:s14+$0xF0]  }
.LBB2_6:
0xed: {  	v12 =	vld [tilespmem:s17+$0x80];
	v5 =	vadd.f32 v8, v5;
	[tilespmem:s14+$0xE0] =	vst v11  }
0xee: {  	s9 =	sadd.s32 $0x200, s9;
	v8 =	vld [tilespmem:s15+$0xF0]  }
0xef: {  	s16 =	sadd.s32 $0x4, s16;
	v11 =	vld [tilespmem:s9+$0x80];
	v5 =	vmax.f32 v5, $0.0e+00;
	v6 =	vadd.f32 v9, v6  }
0xf0: {  	p0 =	slt.u32 s16, $0x1C;
	v9 =	vld [tilespmem:s9+$0xFFFFFF00];
	v4 =	vadd.f32 v10, v4;
	[tilespmem:s14+$0xFFFFFFE0] =	vst v5  }
0xf1: {  	v5 =	vld [tilespmem:s17+$0xFFFFFF80];
	v6 =	vmax.f32 v6, $0.0e+00  }
0xf2: {  	v10 =	vld [tilespmem:s9+$0xFFFFFF80];
	v4 =	vmax.f32 v4, $0.0e+00;
	[tilespmem:s14+$0x60] =	vst v6  }
0xf3: {  	v6 =	vld [tilespmem:s17+$0x0];
	[tilespmem:s14+$0xFFFFFF60] =	vst v4;
	v4 =	vadd.f32 v8, v7  }
0xf4: {  	v7 =	vld [tilespmem:s9+$0x0];
	v8 =	vadd.f32 v11, v12  }
0xf5: {  	v11 =	vld [tilespmem:s17+$0xFFFFFF00];
	v4 =	vmax.f32 v4, $0.0e+00  }
0xf6: {  	v12 =	vld [tilespmem:s17+$0xFFFFFF10];
	v8 =	vmax.f32 v8, $0.0e+00;
	[tilespmem:s14+$0xF0] =	vst v4  }
0xf7: {  	v4 =	vadd.f32 v10, v5;
	[tilespmem:s17+$0x80] =	vst v8;
	v5 =	vld [tilespmem:s17+$0x90]  }
0xf8: {  	v8 =	vld [tilespmem:s9+$0x90]  }
0xf9: {  	v4 =	vmax.f32 v4, $0.0e+00;
	v10 =	vld [tilespmem:s17+$0xFFFFFF90];
	v6 =	vadd.f32 v7, v6  }
0xfa: {  	v7 =	vadd.f32 v9, v11;
	[tilespmem:s17+$0xFFFFFF80] =	vst v4;
	v4 =	vld [tilespmem:s17+$0x10]  }
0xfb: {  	v9 =	vld [tilespmem:s9+$0xFFFFFF90];
	v6 =	vmax.f32 v6, $0.0e+00  }
0xfc: {  	v7 =	vmax.f32 v7, $0.0e+00;
	v11 =	vld [tilespmem:s17+$0xFFFFFF20];
	[tilespmem:s17+$0x0] =	vst v6  }
0xfd: {  	[tilespmem:s17+$0xFFFFFF00] =	vst v7;
	v6 =	vld [tilespmem:s9+$0x10];
	v5 =	vadd.f32 v8, v5  }
0xfe: {  	v7 =	vld [tilespmem:s9+$0xFFFFFF10]  }
0xff: {  	v8 =	vld [tilespmem:s17+$0xFFFFFFA0];
	v5 =	vmax.f32 v5, $0.0e+00  }
0x100: {  	v9 =	vadd.f32 v9, v10;
	[tilespmem:s17+$0x90] =	vst v5;
	v5 =	vld [tilespmem:s17+$0xA0]  }
0x101: {  	v10 =	vld [tilespmem:s9+$0xA0]  }
0x102: {  	v9 =	vmax.f32 v9, $0.0e+00;
	v4 =	vadd.f32 v6, v4;
	v6 =	vld [tilespmem:s17+$0x20]  }
0x103: {  	v7 =	vadd.f32 v7, v12;
	v12 =	vld [tilespmem:s17+$0xFFFFFF30];
	[tilespmem:s17+$0xFFFFFF90] =	vst v9  }
0x104: {  	v9 =	vld [tilespmem:s9+$0xFFFFFFA0];
	v4 =	vmax.f32 v4, $0.0e+00  }
0x105: {  	v7 =	vmax.f32 v7, $0.0e+00;
	v13 =	vld [tilespmem:s17+$0xFFFFFFB0];
	[tilespmem:s17+$0x10] =	vst v4  }
0x106: {  	[tilespmem:s17+$0xFFFFFF10] =	vst v7;
	v4 =	vld [tilespmem:s9+$0x20];
	v5 =	vadd.f32 v10, v5  }
0x107: {  	v7 =	vld [tilespmem:s9+$0xFFFFFF20]  }
0x108: {  	v10 =	vld [tilespmem:s17+$0x30];
	v5 =	vmax.f32 v5, $0.0e+00  }
0x109: {  	v8 =	vadd.f32 v9, v8;
	[tilespmem:s17+$0xA0] =	vst v5;
	v5 =	vld [tilespmem:s17+$0xB0]  }
0x10a: {  	v9 =	vld [tilespmem:s9+$0xB0]  }
0x10b: {  	v14 =	vld [tilespmem:s17+$0xFFFFFF40];
	v8 =	vmax.f32 v8, $0.0e+00;
	v4 =	vadd.f32 v4, v6  }
0x10c: {  	v6 =	vadd.f32 v7, v11;
	[tilespmem:s17+$0xFFFFFFA0] =	vst v8;
	v7 =	vld [tilespmem:s17+$0xFFFFFFC0]  }
0x10d: {  	v8 =	vld [tilespmem:s9+$0xFFFFFFB0];
	v4 =	vmax.f32 v4, $0.0e+00  }
0x10e: {  	v6 =	vmax.f32 v6, $0.0e+00;
	[tilespmem:s17+$0x20] =	vst v4;
	v11 =	vld [tilespmem:s17+$0x40]  }
0x10f: {  	[tilespmem:s17+$0xFFFFFF20] =	vst v6;
	v4 =	vld [tilespmem:s9+$0x30];
	v5 =	vadd.f32 v9, v5  }
0x110: {  	v6 =	vld [tilespmem:s9+$0xFFFFFF30]  }
0x111: {  	v9 =	vld [tilespmem:s17+$0xFFFFFF50];
	v5 =	vmax.f32 v5, $0.0e+00  }
0x112: {  	v8 =	vadd.f32 v8, v13;
	[tilespmem:s17+$0xB0] =	vst v5;
	v5 =	vld [tilespmem:s17+$0xC0]  }
0x113: {  	v13 =	vld [tilespmem:s9+$0xC0]  }
0x114: {  	v8 =	vmax.f32 v8, $0.0e+00;
	v15 =	vld [tilespmem:s17+$0xFFFFFFD0];
	v4 =	vadd.f32 v4, v10  }
0x115: {  	v6 =	vadd.f32 v6, v12;
	[tilespmem:s17+$0xFFFFFFB0] =	vst v8;
	v8 =	vld [tilespmem:s17+$0x50]  }
0x116: {  	v10 =	vld [tilespmem:s9+$0xFFFFFFC0];
	v12 =	vmax.f32 v4, $0.0e+00  }
0x117: {  	v6 =	vmax.f32 v6, $0.0e+00;
	v4 =	vld [tilespmem:s17+$0xFFFFFF60];
	[tilespmem:s17+$0x30] =	vst v12  }
0x118: {  	[tilespmem:s17+$0xFFFFFF30] =	vst v6;
	v6 =	vld [tilespmem:s9+$0x40];
	v12 =	vadd.f32 v13, v5  }
0x119: {  	v13 =	vld [tilespmem:s9+$0xFFFFFF40]  }
0x11a: {  	v5 =	vld [tilespmem:s17+$0xFFFFFFE0];
	v12 =	vmax.f32 v12, $0.0e+00  }
0x11b: {  	v7 =	vadd.f32 v10, v7;
	[tilespmem:s17+$0xC0] =	vst v12;
	v10 =	vld [tilespmem:s17+$0xD0]  }
0x11c: {  	v12 =	vld [tilespmem:s9+$0xD0]  }
0x11d: {  	v7 =	vmax.f32 v7, $0.0e+00;
	v11 =	vadd.f32 v6, v11;
	v6 =	vld [tilespmem:s17+$0x60]  }
0x11e: {  	v13 =	vadd.f32 v13, v14;
	[tilespmem:s17+$0xFFFFFFC0] =	vst v7;
	v7 =	vld [tilespmem:s15+$0xFFFFFF70]  }
0x11f: {  	v14 =	vld [tilespmem:s9+$0xFFFFFFD0];
	v11 =	vmax.f32 v11, $0.0e+00  }
0x120: {  	v13 =	vmax.f32 v13, $0.0e+00;
	[tilespmem:s17+$0x40] =	vst v11;
	v11 =	vld [tilespmem:s15+$0xFFFFFFF0]  }
0x121: {  	[tilespmem:s17+$0xFFFFFF40] =	vst v13;
	v13 =	vld [tilespmem:s9+$0x50];
	v10 =	vadd.f32 v12, v10  }
0x122: {  	v12 =	vld [tilespmem:s9+$0xFFFFFF50]  }
0x123: {  	v10 =	vmax.f32 v10, $0.0e+00;
	v3 =	vadd.f32 v7, v3;
	v7 =	vld [tilespmem:s15+$0x70];
	s15 =	smov.u32 s9  }
0x124: {  	v14 =	vadd.f32 v14, v15;
	[tilespmem:s17+$0xD0] =	vst v10;
	v10 =	vld [tilespmem:s17+$0xE0]  }
0x125: {  	v15 =	vld [tilespmem:s9+$0xE0];
	v16 =	vmax.f32 v3, $0.0e+00;
	v11 =	vadd.f32 v11, v2  }
0x126: {  	v3 =	vld [tilespmem:s17+$0xFFFFFF70];
	v2 =	vmax.f32 v14, $0.0e+00;
	v13 =	vadd.f32 v13, v8;
	[tilespmem:s14+$0xFFFFFF70] =	vst v16  }
0x127: {  	v9 =	vadd.f32 v12, v9;
	[tilespmem:s17+$0xFFFFFFD0] =	vst v2;
	v2 =	vld [tilespmem:s17+$0xFFFFFFF0];
	v11 =	vmax.f32 v11, $0.0e+00  }
.Ltmp1:
0x128: {  	v8 =	vld [tilespmem:s9+$0xFFFFFFE0];
	v12 =	vmax.f32 v13, $0.0e+00;
	[tilespmem:s14+$0xFFFFFFF0] =	vst v11;
	v7 =	vadd.f32 v7, v1;
	(pc) =	sbr.rel @p0 .LBB2_6-.Ltmp1, $4  }
0x129: {  	v9 =	vmax.f32 v9, $0.0e+00;
	[tilespmem:s17+$0x50] =	vst v12;
	v1 =	vld [tilespmem:s17+$0x70]  }
0x12a: {  	[tilespmem:s17+$0xFFFFFF50] =	vst v9;
	v9 =	vld [tilespmem:s9+$0x60];
	v11 =	vadd.f32 v15, v10;
	v7 =	vmax.f32 v7, $0.0e+00  }
0x12b: {  	v10 =	vld [tilespmem:s9+$0xFFFFFF60];
	[tilespmem:s14+$0x70] =	vst v7;
	s14 =	smov.u32 s17  }
0x12c: {  	s17 =	sadd.s32 $0x200, s17;
	v11 =	vmax.f32 v11, $0.0e+00;
	v7 =	vld [tilespmem:s14+$0xF0]  }
0x12d: {  	_ =	sdelay $0x2  }
0x12e: {  	v4 =	vadd.f32 v10, v4  }
0x12f: {  	v5 =	vadd.f32 v8, v5  }
0x130: {  	[tilespmem:s14+$0xE0] =	vst v11;
	v6 =	vadd.f32 v9, v6;
	v4 =	vmax.f32 v4, $0.0e+00  }
0x131: {  	v8 =	vld [tilespmem:s15+$0xF0];
	v5 =	vmax.f32 v5, $0.0e+00;
	[tilespmem:s14+$0xFFFFFF60] =	vst v4  }
0x132: {  	[tilespmem:s14+$0xFFFFFFE0] =	vst v5;
	v4 =	vmax.f32 v6, $0.0e+00;
	v5 =	vld [tilespmem:s15+$0xFFFFFF70]  }
0x133: {  	[tilespmem:s14+$0x60] =	vst v4;
	v4 =	vld [tilespmem:s15+$0xFFFFFFF0]  }
0x134: {  	v6 =	vld [tilespmem:s15+$0x70];
	_ =	sdelay $0x1  }
0x135: {  	v7 =	vadd.f32 v8, v7  }
0x136: {  	v3 =	vadd.f32 v5, v3  }
0x137: {  	v5 =	vmax.f32 v7, $0.0e+00;
	v2 =	vadd.f32 v4, v2  }
0x138: {  	[tilespmem:s14+$0xF0] =	vst v5;
	v1 =	vadd.f32 v6, v1;
	v3 =	vmax.f32 v3, $0.0e+00  }
0x139: {  	v2 =	vmax.f32 v2, $0.0e+00;
	[tilespmem:s14+$0xFFFFFF70] =	vst v3  }
0x13a: {  	s9 =	sshra.s32 s13, $0x2;
	p0 =	seq.s32 s0, $0x10;
	[tilespmem:s14+$0xFFFFFFF0] =	vst v2;
	v1 =	vmax.f32 v1, $0.0e+00  }
0x13b: {  	s9 =	sadd.s32 $0x1100, s9;
	s11 =	sadd.s32 @!p0 s11, s12;
	[tilespmem:s14+$0x70] =	vst v1  }
0x13c: {  	[spmem:s1] =	stream.indirect.scatter.add.f32 [tilespmem:s18], [sflag:$0x3], $0x20, s9, s21, $0xb8;
	[tilespmem:$0x1E900] =	vst v63  }
0x13d: {  	s11 =	sshll.u32 @!p0 s11, $0x4;
	_ =	swait.ge [sflag:s19], $0x1000  }
0x13e: {  	s14 =	simm.s32 @!p0 $0x2200;
	s9 =	sshra.s32 @!p0 s13, $0x2;
	[sflag:s19] =	ssyncset.done $0x0  }
0x13f: {  	s13 =	simm.s32 @!p0 $0x80;
	s9 =	sadd.s32 @!p0 $0x100, s9;
	[sflag:s19] =	ssyncadd.s32 $0xFFFFF000  }
0x140: {  	[tilespmem:s14], [sflag:$0x1] =	stream.indirect.gather @!p0 [hbm4b:s4+s13], $0x20, s9, s13, $0xb8;
	[tilespmem:$0x1E900] =	vst v63  }
0x141: {  	s9 =	sadd.s32 @!p0 s5, s11;
	s11 =	simm.s32 @!p0 $0x0;
	s13 =	simm.s32 @!p0 $0x3200  }
0x142: {  	[tilespmem:s13], [sflag:$0x1] =	stream.linear.gather @!p0 [hbm4b:s9+s11], $0x1000, $0x38;
	[tilespmem:$0x1E900] =	vst v63  }
0x143: {  	_ =	swait.ge [sflag:s26], $0x1000  }
0x144: {  	[sflag:s26] =	ssyncset.done $0x0  }
0x145: {  	[sflag:s26] =	ssyncadd.s32 $0xFFFFF000  }
0x146: {  	_ =	swait.ge [sflag:s26], $0x1000  }
0x147: {  	[sflag:s26] =	ssyncset.done $0x0  }
0x148: {  	s11 =	simm.s32 $0x4300;
	[sflag:s26] =	ssyncadd.s32 $0xFFFFF000  }
0x149: {  	s13 =	simm.s32 $0x5300;
	v1 =	vld [tilespmem:s11+$0x80]  }
0x14a: {  	v2 =	vld [tilespmem:s13+$0x80]  }
0x14b: {  	v3 =	vld [tilespmem:s13+$0xFFFFFF00]  }
0x14c: {  	v4 =	vld [tilespmem:s11+$0xFFFFFF80]  }
0x14d: {  	v5 =	vld [tilespmem:s13+$0xFFFFFF80]  }
0x14e: {  	v6 =	vld [tilespmem:s13+$0x0]  }
0x14f: {  	v1 =	vadd.f32 v2, v1;
	v2 =	vld [tilespmem:s11+$0x0]  }
0x150: {  	v7 =	vld [tilespmem:s11+$0xFFFFFF00]  }
0x151: {  	v1 =	vmax.f32 v1, $0.0e+00  }
0x152: {  	v4 =	vadd.f32 v5, v4;
	[tilespmem:s11+$0x80] =	vst v1;
	v1 =	vld [tilespmem:s11+$0x90]  }
0x153: {  	v8 =	vld [tilespmem:s13+$0x90]  }
0x154: {  	v9 =	vld [tilespmem:s11+$0xFFFFFF90];
	v4 =	vmax.f32 v4, $0.0e+00;
	v2 =	vadd.f32 v6, v2  }
0x155: {  	v5 =	vld [tilespmem:s11+$0xFFFFFF10];
	v3 =	vadd.f32 v3, v7;
	[tilespmem:s11+$0xFFFFFF80] =	vst v4  }
0x156: {  	v6 =	vld [tilespmem:s13+$0xFFFFFF90];
	v2 =	vmax.f32 v2, $0.0e+00  }
0x157: {  	v3 =	vmax.f32 v3, $0.0e+00;
	v4 =	vld [tilespmem:s11+$0x10];
	[tilespmem:s11+$0x0] =	vst v2  }
0x158: {  	[tilespmem:s11+$0xFFFFFF00] =	vst v3;
	v1 =	vadd.f32 v8, v1;
	v2 =	vld [tilespmem:s13+$0x10]  }
0x159: {  	v3 =	vld [tilespmem:s13+$0xFFFFFF10]  }
0x15a: {  	v1 =	vmax.f32 v1, $0.0e+00  }
0x15b: {  	v6 =	vadd.f32 v6, v9;
	[tilespmem:s11+$0x90] =	vst v1;
	v1 =	vld [tilespmem:s11+$0xA0]  }
0x15c: {  	v8 =	vld [tilespmem:s13+$0xA0]  }
0x15d: {  	v7 =	vld [tilespmem:s11+$0xFFFFFF20];
	v6 =	vmax.f32 v6, $0.0e+00;
	v2 =	vadd.f32 v2, v4  }
0x15e: {  	v3 =	vadd.f32 v3, v5;
	v9 =	vld [tilespmem:s11+$0xFFFFFFA0];
	[tilespmem:s11+$0xFFFFFF90] =	vst v6  }
0x15f: {  	v5 =	vld [tilespmem:s13+$0xFFFFFFA0];
	v2 =	vmax.f32 v2, $0.0e+00  }
0x160: {  	v3 =	vmax.f32 v3, $0.0e+00;
	v4 =	vld [tilespmem:s11+$0x20];
	[tilespmem:s11+$0x10] =	vst v2  }
0x161: {  	[tilespmem:s11+$0xFFFFFF10] =	vst v3;
	v1 =	vadd.f32 v8, v1;
	v2 =	vld [tilespmem:s13+$0x20]  }
0x162: {  	v3 =	vld [tilespmem:s13+$0xFFFFFF20]  }
0x163: {  	v1 =	vmax.f32 v1, $0.0e+00  }
0x164: {  	v5 =	vadd.f32 v5, v9;
	[tilespmem:s11+$0xA0] =	vst v1;
	v1 =	vld [tilespmem:s11+$0xB0]  }
0x165: {  	v8 =	vld [tilespmem:s13+$0xB0]  }
0x166: {  	v10 =	vld [tilespmem:s11+$0x30];
	v5 =	vmax.f32 v5, $0.0e+00;
	v2 =	vadd.f32 v2, v4  }
0x167: {  	v3 =	vadd.f32 v3, v7;
	v9 =	vld [tilespmem:s11+$0xFFFFFFB0];
	[tilespmem:s11+$0xFFFFFFA0] =	vst v5  }
0x168: {  	v4 =	vld [tilespmem:s13+$0xFFFFFFB0];
	v2 =	vmax.f32 v2, $0.0e+00  }
0x169: {  	v6 =	vld [tilespmem:s11+$0xFFFFFF30];
	[tilespmem:s11+$0x20] =	vst v2;
	v2 =	vmax.f32 v3, $0.0e+00  }
0x16a: {  	v1 =	vadd.f32 v8, v1;
	[tilespmem:s11+$0xFFFFFF20] =	vst v2;
	v2 =	vld [tilespmem:s13+$0x30]  }
0x16b: {  	v7 =	vld [tilespmem:s13+$0xFFFFFF30]  }
0x16c: {  	v11 =	vld [tilespmem:s11+$0xFFFFFF40];
	v1 =	vmax.f32 v1, $0.0e+00  }
0x16d: {  	v4 =	vadd.f32 v4, v9;
	[tilespmem:s11+$0xB0] =	vst v1;
	v1 =	vld [tilespmem:s11+$0xC0]  }
0x16e: {  	v8 =	vld [tilespmem:s13+$0xC0]  }
0x16f: {  	v12 =	vld [tilespmem:s11+$0xFFFFFFD0];
	v4 =	vmax.f32 v4, $0.0e+00;
	v2 =	vadd.f32 v2, v10  }
0x170: {  	v5 =	vld [tilespmem:s11+$0xFFFFFFC0];
	[tilespmem:s11+$0xFFFFFFB0] =	vst v4;
	v6 =	vadd.f32 v7, v6  }
0x171: {  	v7 =	vld [tilespmem:s13+$0xFFFFFFC0];
	v2 =	vmax.f32 v2, $0.0e+00  }
0x172: {  	v3 =	vld [tilespmem:s11+$0x40];
	[tilespmem:s11+$0x30] =	vst v2;
	v2 =	vmax.f32 v6, $0.0e+00  }
0x173: {  	v1 =	vadd.f32 v8, v1;
	v6 =	vld [tilespmem:s13+$0x40];
	[tilespmem:s11+$0xFFFFFF30] =	vst v2  }
0x174: {  	v2 =	vld [tilespmem:s13+$0xFFFFFF40]  }
0x175: {  	v9 =	vld [tilespmem:s11+$0xFFFFFF50];
	v1 =	vmax.f32 v1, $0.0e+00  }
0x176: {  	[tilespmem:s11+$0xC0] =	vst v1;
	v1 =	vadd.f32 v7, v5;
	v7 =	vld [tilespmem:s11+$0xD0]  }
0x177: {  	v8 =	vld [tilespmem:s13+$0xD0]  }
0x178: {  	v4 =	vld [tilespmem:s11+$0xFFFFFF60];
	v1 =	vmax.f32 v1, $0.0e+00;
	v3 =	vadd.f32 v6, v3  }
0x179: {  	v10 =	vld [tilespmem:s11+$0x50];
	[tilespmem:s11+$0xFFFFFFC0] =	vst v1;
	v1 =	vadd.f32 v2, v11  }
0x17a: {  	v2 =	vld [tilespmem:s13+$0xFFFFFFD0];
	v3 =	vmax.f32 v3, $0.0e+00  }
0x17b: {  	v5 =	vld [tilespmem:s11+$0xFFFFFFE0];
	[tilespmem:s11+$0x40] =	vst v3;
	v1 =	vmax.f32 v1, $0.0e+00  }
0x17c: {  	v3 =	vld [tilespmem:s13+$0x50];
	v7 =	vadd.f32 v8, v7;
	[tilespmem:s11+$0xFFFFFF40] =	vst v1  }
0x17d: {  	v1 =	vld [tilespmem:s13+$0xFFFFFF50]  }
0x17e: {  	v6 =	vld [tilespmem:s11+$0x60];
	v7 =	vmax.f32 v7, $0.0e+00  }
0x17f: {  	v2 =	vadd.f32 v2, v12;
	[tilespmem:s11+$0xD0] =	vst v7;
	v7 =	vld [tilespmem:s11+$0xE0]  }
0x180: {  	v11 =	vld [tilespmem:s13+$0xE0]  }
0x181: {  	v2 =	vmax.f32 v2, $0.0e+00;
	v8 =	vadd.f32 v3, v10;
	v3 =	vld [tilespmem:s11+$0xFFFFFF70]  }
0x182: {  	[tilespmem:s11+$0xFFFFFFD0] =	vst v2;
	v1 =	vadd.f32 v1, v9;
	v2 =	vld [tilespmem:s11+$0xFFFFFFF0]  }
0x183: {  	v9 =	vmax.f32 v8, $0.0e+00;
	v8 =	vld [tilespmem:s13+$0xFFFFFFE0]  }
0x184: {  	[tilespmem:s11+$0x50] =	vst v9;
	v9 =	vmax.f32 v1, $0.0e+00;
	v1 =	vld [tilespmem:s11+$0x70]  }
0x185: {  	[tilespmem:s11+$0xFFFFFF50] =	vst v9;
	v9 =	vld [tilespmem:s13+$0x60];
	v7 =	vadd.f32 v11, v7  }
0x186: {  	v10 =	vld [tilespmem:s13+$0xFFFFFF60]  }
0x187: {  	s15 =	simm.s32 $0x4500;
	s14 =	simm.s32 $0x0;
	s9 =	simm.s32 $0x5300;
	v11 =	vmax.f32 v7, $0.0e+00;
	v7 =	vld [tilespmem:s11+$0xF0]  }
.LBB2_8:
0x188: {  	v12 =	vld [tilespmem:s15+$0x80];
	v5 =	vadd.f32 v8, v5;
	[tilespmem:s11+$0xE0] =	vst v11  }
0x189: {  	s9 =	sadd.s32 $0x200, s9;
	v8 =	vld [tilespmem:s13+$0xF0]  }
0x18a: {  	s14 =	sadd.s32 $0x4, s14;
	v11 =	vld [tilespmem:s9+$0x80];
	v5 =	vmax.f32 v5, $0.0e+00;
	v6 =	vadd.f32 v9, v6  }
0x18b: {  	p0 =	slt.u32 s14, $0x1C;
	v9 =	vld [tilespmem:s9+$0xFFFFFF00];
	v4 =	vadd.f32 v10, v4;
	[tilespmem:s11+$0xFFFFFFE0] =	vst v5  }
0x18c: {  	v5 =	vld [tilespmem:s15+$0xFFFFFF80];
	v6 =	vmax.f32 v6, $0.0e+00  }
0x18d: {  	v10 =	vld [tilespmem:s9+$0xFFFFFF80];
	v4 =	vmax.f32 v4, $0.0e+00;
	[tilespmem:s11+$0x60] =	vst v6  }
0x18e: {  	v6 =	vld [tilespmem:s15+$0x0];
	[tilespmem:s11+$0xFFFFFF60] =	vst v4;
	v4 =	vadd.f32 v8, v7  }
0x18f: {  	v7 =	vld [tilespmem:s9+$0x0];
	v8 =	vadd.f32 v11, v12  }
0x190: {  	v11 =	vld [tilespmem:s15+$0xFFFFFF00];
	v4 =	vmax.f32 v4, $0.0e+00  }
0x191: {  	v12 =	vld [tilespmem:s15+$0xFFFFFF10];
	v8 =	vmax.f32 v8, $0.0e+00;
	[tilespmem:s11+$0xF0] =	vst v4  }
0x192: {  	v4 =	vadd.f32 v10, v5;
	[tilespmem:s15+$0x80] =	vst v8;
	v5 =	vld [tilespmem:s15+$0x90]  }
0x193: {  	v8 =	vld [tilespmem:s9+$0x90]  }
0x194: {  	v4 =	vmax.f32 v4, $0.0e+00;
	v10 =	vld [tilespmem:s15+$0xFFFFFF90];
	v6 =	vadd.f32 v7, v6  }
0x195: {  	v7 =	vadd.f32 v9, v11;
	[tilespmem:s15+$0xFFFFFF80] =	vst v4;
	v4 =	vld [tilespmem:s15+$0x10]  }
0x196: {  	v9 =	vld [tilespmem:s9+$0xFFFFFF90];
	v6 =	vmax.f32 v6, $0.0e+00  }
0x197: {  	v7 =	vmax.f32 v7, $0.0e+00;
	v11 =	vld [tilespmem:s15+$0xFFFFFF20];
	[tilespmem:s15+$0x0] =	vst v6  }
0x198: {  	[tilespmem:s15+$0xFFFFFF00] =	vst v7;
	v6 =	vld [tilespmem:s9+$0x10];
	v5 =	vadd.f32 v8, v5  }
0x199: {  	v7 =	vld [tilespmem:s9+$0xFFFFFF10]  }
0x19a: {  	v8 =	vld [tilespmem:s15+$0xFFFFFFA0];
	v5 =	vmax.f32 v5, $0.0e+00  }
0x19b: {  	v9 =	vadd.f32 v9, v10;
	[tilespmem:s15+$0x90] =	vst v5;
	v5 =	vld [tilespmem:s15+$0xA0]  }
0x19c: {  	v10 =	vld [tilespmem:s9+$0xA0]  }
0x19d: {  	v9 =	vmax.f32 v9, $0.0e+00;
	v4 =	vadd.f32 v6, v4;
	v6 =	vld [tilespmem:s15+$0x20]  }
0x19e: {  	v7 =	vadd.f32 v7, v12;
	v12 =	vld [tilespmem:s15+$0xFFFFFF30];
	[tilespmem:s15+$0xFFFFFF90] =	vst v9  }
0x19f: {  	v9 =	vld [tilespmem:s9+$0xFFFFFFA0];
	v4 =	vmax.f32 v4, $0.0e+00  }
0x1a0: {  	v7 =	vmax.f32 v7, $0.0e+00;
	v13 =	vld [tilespmem:s15+$0xFFFFFFB0];
	[tilespmem:s15+$0x10] =	vst v4  }
0x1a1: {  	[tilespmem:s15+$0xFFFFFF10] =	vst v7;
	v4 =	vld [tilespmem:s9+$0x20];
	v5 =	vadd.f32 v10, v5  }
0x1a2: {  	v7 =	vld [tilespmem:s9+$0xFFFFFF20]  }
0x1a3: {  	v10 =	vld [tilespmem:s15+$0x30];
	v5 =	vmax.f32 v5, $0.0e+00  }
0x1a4: {  	v8 =	vadd.f32 v9, v8;
	[tilespmem:s15+$0xA0] =	vst v5;
	v5 =	vld [tilespmem:s15+$0xB0]  }
0x1a5: {  	v9 =	vld [tilespmem:s9+$0xB0]  }
0x1a6: {  	v14 =	vld [tilespmem:s15+$0xFFFFFF40];
	v8 =	vmax.f32 v8, $0.0e+00;
	v4 =	vadd.f32 v4, v6  }
0x1a7: {  	v6 =	vadd.f32 v7, v11;
	[tilespmem:s15+$0xFFFFFFA0] =	vst v8;
	v7 =	vld [tilespmem:s15+$0xFFFFFFC0]  }
0x1a8: {  	v8 =	vld [tilespmem:s9+$0xFFFFFFB0];
	v4 =	vmax.f32 v4, $0.0e+00  }
0x1a9: {  	v6 =	vmax.f32 v6, $0.0e+00;
	[tilespmem:s15+$0x20] =	vst v4;
	v11 =	vld [tilespmem:s15+$0x40]  }
0x1aa: {  	[tilespmem:s15+$0xFFFFFF20] =	vst v6;
	v4 =	vld [tilespmem:s9+$0x30];
	v5 =	vadd.f32 v9, v5  }
0x1ab: {  	v6 =	vld [tilespmem:s9+$0xFFFFFF30]  }
0x1ac: {  	v9 =	vld [tilespmem:s15+$0xFFFFFF50];
	v5 =	vmax.f32 v5, $0.0e+00  }
0x1ad: {  	v8 =	vadd.f32 v8, v13;
	[tilespmem:s15+$0xB0] =	vst v5;
	v5 =	vld [tilespmem:s15+$0xC0]  }
0x1ae: {  	v13 =	vld [tilespmem:s9+$0xC0]  }
0x1af: {  	v8 =	vmax.f32 v8, $0.0e+00;
	v15 =	vld [tilespmem:s15+$0xFFFFFFD0];
	v4 =	vadd.f32 v4, v10  }
0x1b0: {  	v6 =	vadd.f32 v6, v12;
	[tilespmem:s15+$0xFFFFFFB0] =	vst v8;
	v8 =	vld [tilespmem:s15+$0x50]  }
0x1b1: {  	v10 =	vld [tilespmem:s9+$0xFFFFFFC0];
	v12 =	vmax.f32 v4, $0.0e+00  }
0x1b2: {  	v6 =	vmax.f32 v6, $0.0e+00;
	v4 =	vld [tilespmem:s15+$0xFFFFFF60];
	[tilespmem:s15+$0x30] =	vst v12  }
0x1b3: {  	[tilespmem:s15+$0xFFFFFF30] =	vst v6;
	v6 =	vld [tilespmem:s9+$0x40];
	v12 =	vadd.f32 v13, v5  }
0x1b4: {  	v13 =	vld [tilespmem:s9+$0xFFFFFF40]  }
0x1b5: {  	v5 =	vld [tilespmem:s15+$0xFFFFFFE0];
	v12 =	vmax.f32 v12, $0.0e+00  }
0x1b6: {  	v7 =	vadd.f32 v10, v7;
	[tilespmem:s15+$0xC0] =	vst v12;
	v10 =	vld [tilespmem:s15+$0xD0]  }
0x1b7: {  	v12 =	vld [tilespmem:s9+$0xD0]  }
0x1b8: {  	v7 =	vmax.f32 v7, $0.0e+00;
	v11 =	vadd.f32 v6, v11;
	v6 =	vld [tilespmem:s15+$0x60]  }
0x1b9: {  	v13 =	vadd.f32 v13, v14;
	[tilespmem:s15+$0xFFFFFFC0] =	vst v7;
	v7 =	vld [tilespmem:s13+$0xFFFFFF70]  }
0x1ba: {  	v14 =	vld [tilespmem:s9+$0xFFFFFFD0];
	v11 =	vmax.f32 v11, $0.0e+00  }
0x1bb: {  	v13 =	vmax.f32 v13, $0.0e+00;
	[tilespmem:s15+$0x40] =	vst v11;
	v11 =	vld [tilespmem:s13+$0xFFFFFFF0]  }
0x1bc: {  	[tilespmem:s15+$0xFFFFFF40] =	vst v13;
	v13 =	vld [tilespmem:s9+$0x50];
	v10 =	vadd.f32 v12, v10  }
0x1bd: {  	v12 =	vld [tilespmem:s9+$0xFFFFFF50]  }
0x1be: {  	v10 =	vmax.f32 v10, $0.0e+00;
	v3 =	vadd.f32 v7, v3;
	v7 =	vld [tilespmem:s13+$0x70];
	s13 =	smov.u32 s9  }
0x1bf: {  	v14 =	vadd.f32 v14, v15;
	[tilespmem:s15+$0xD0] =	vst v10;
	v10 =	vld [tilespmem:s15+$0xE0]  }
0x1c0: {  	v15 =	vld [tilespmem:s9+$0xE0];
	v16 =	vmax.f32 v3, $0.0e+00;
	v11 =	vadd.f32 v11, v2  }
0x1c1: {  	v3 =	vld [tilespmem:s15+$0xFFFFFF70];
	v2 =	vmax.f32 v14, $0.0e+00;
	v13 =	vadd.f32 v13, v8;
	[tilespmem:s11+$0xFFFFFF70] =	vst v16  }
0x1c2: {  	v9 =	vadd.f32 v12, v9;
	[tilespmem:s15+$0xFFFFFFD0] =	vst v2;
	v2 =	vld [tilespmem:s15+$0xFFFFFFF0];
	v11 =	vmax.f32 v11, $0.0e+00  }
.Ltmp2:
0x1c3: {  	v8 =	vld [tilespmem:s9+$0xFFFFFFE0];
	v12 =	vmax.f32 v13, $0.0e+00;
	[tilespmem:s11+$0xFFFFFFF0] =	vst v11;
	v7 =	vadd.f32 v7, v1;
	(pc) =	sbr.rel @p0 .LBB2_8-.Ltmp2, $4  }
0x1c4: {  	v9 =	vmax.f32 v9, $0.0e+00;
	[tilespmem:s15+$0x50] =	vst v12;
	v1 =	vld [tilespmem:s15+$0x70]  }
0x1c5: {  	[tilespmem:s15+$0xFFFFFF50] =	vst v9;
	v9 =	vld [tilespmem:s9+$0x60];
	v11 =	vadd.f32 v15, v10;
	v7 =	vmax.f32 v7, $0.0e+00  }
0x1c6: {  	v10 =	vld [tilespmem:s9+$0xFFFFFF60];
	[tilespmem:s11+$0x70] =	vst v7;
	s11 =	smov.u32 s15  }
0x1c7: {  	s15 =	sadd.s32 $0x200, s15;
	v11 =	vmax.f32 v11, $0.0e+00;
	v7 =	vld [tilespmem:s11+$0xF0]  }
0x1c8: {  	_ = 	snop  }
0x1c9: {  	v5 =	vadd.f32 v8, v5  }
0x1ca: {  	v6 =	vadd.f32 v9, v6  }
0x1cb: {  	[tilespmem:s11+$0xE0] =	vst v11;
	v5 =	vmax.f32 v5, $0.0e+00;
	v4 =	vadd.f32 v10, v4  }
0x1cc: {  	v58 =	vld [tilespmem:s13+$0xF0];
	[tilespmem:s11+$0xFFFFFFE0] =	vst v5;
	v59 =	vmax.f32 v6, $0.0e+00  }
0x1cd: {  	v61 =	vld [tilespmem:s13+$0xFFFFFFF0];
	v4 =	vmax.f32 v4, $0.0e+00;
	[tilespmem:s11+$0x60] =	vst v59  }
0x1ce: {  	[tilespmem:s11+$0xFFFFFF60] =	vst v4;
	v62 =	vld [tilespmem:s13+$0x70]  }
0x1cf: {  	v60 =	vld [tilespmem:s13+$0xFFFFFF70];
	_ =	sdelay $0x1  }
0x1d0: {  	v7 =	vadd.f32 v58, v7  }
0x1d1: {  	v2 =	vadd.f32 v61, v2  }
0x1d2: {  	v63 =	vmax.f32 v7, $0.0e+00;
	v1 =	vadd.f32 v62, v1  }
0x1d3: {  	[tilespmem:s11+$0xF0] =	vst v63;
	v2 =	vmax.f32 v2, $0.0e+00;
	v3 =	vadd.f32 v60, v3  }
0x1d4: {  	s0 =	sadd.s32 $0x1, s0;
	[tilespmem:s11+$0xFFFFFFF0] =	vst v2;
	v1 =	vmax.f32 v1, $0.0e+00  }
0x1d5: {  	p0 =	sne.s32 s0, $0x11;
	v3 =	vmax.f32 v3, $0.0e+00;
	[tilespmem:s11+$0x70] =	vst v1  }
.Ltmp3:
0x1d6: {  	s3 =	sadd.s32 $0x1100, s3;
	[tilespmem:s11+$0xFFFFFF70] =	vst v3;
	(pc) =	sbr.rel @p0 .LBB2_5-.Ltmp3, $4  }
0x1d7: {  	[spmem:s1] =	stream.indirect.scatter.add.f32 [tilespmem:s23], [sflag:$0x3], $0x20, s3, s21, $0xb8;
	[tilespmem:$0x1E900] =	vst v63  }
0x1d8: {  	_ =	swait.ge [sflag:s19], $0x1000  }
0x1d9: {  	[sflag:s19] =	ssyncset.done $0x0  }
0x1da: {  	[sflag:s19] =	ssyncadd.s32 $0xFFFFF000  }
0x1db: {  	s30 =	sadd.s32 $0x1, s30  }
0x1dc: {  	p0 =	sne.s32 s30, $0x17  }
.Ltmp4:
0x1dd: {  	_ = 	snop;
	(pc) =	sbr.rel @p0 .LBB2_4-.Ltmp4, $1  }
0x1de: {  	_ =	sdelay $0x3  }
0x1df: {  	s0 =	stileid.u32;
	[bflag:$0x0] =	sbarrier.arrive $0xFFFF  }
0x1e0: {  	s0 =	sshll.u32 s0, $0x6;
	s3 =	rddreg [dreg:$0xf]  }
0x1e1: {  	s9 =	rddreg [dreg:$0x11];
	s0 =	sor.u32 $0x1C03, s0  }
0x1e2: {  	[hbm:s3], [sflag:s0] =	dma.local [spmem:s9], $0x30E0  }
0x1e3: {  	_ =	swait.ge [sflag:s19], $0x30E0  }
0x1e4: {  	s28 =	sadd.s32 $0x1, s28;
	s31 =	rddreg [dreg:$0x5]  }
0x1e5: {  	p0 =	sne.s32 s28, s31  }
.Ltmp5:
0x1e6: {  	_ = 	snop;
	(pc) =	sbr.rel @p0 .LBB2_1-.Ltmp5, $3  }
0x1e7: {  	_ =	sdelay $0x1  }
0x1e8: {  	[sflag:s19] =	ssyncset.done $0x0  }
0x1e9: {  	[sflag:s19] =	ssyncadd.s32 $0xFFFFCF20  }
0x1ea: {  	_ =	sfence.sel $0x180000  }
0x1eb: {  	[bflag:$0x0] =	sbarrier.arrive $0xFFFF  }
0x1ec: {  	_ =	strace $0x90000047  }
0x1ed: {  	s0 =	stileid.u32;
	[bflag:$0x2] =	sbarrier.arrive $0xFFFF  }
0x1ee: {  	p0 =	sne.s32 s0, $0x0;
	s0 =	rddreg [dreg:$0x2]  }
0x1ef: {  	s0 =	sadd.s32 @!p0 $0x100000, s0  }
0x1f0: {  	[sflag:s0] =	ssyncadd.tile.s32 @!p0 $0x1;
	_ =	shalt  }
.Lfunc_end2:
_tile_overlayer_lowered:
.L_overlay_start_2:
0x1f1: {  	(tag) =	ssettag $0x2  }
0x1f2: {  	s0 =	rddreg [dreg:$0x0];
	s2 =	stileid.u32  }
0x1f3: {  	s1 =	rddreg [dreg:$0x1];
	p0 =	sne.s32 s2, $0x0  }
0x1f4: {  	s3 =	rddreg [dreg:$0x2];
	[bflag:$0x3] =	sbarrier.arrive $0xFFFF;
	s2 =	simm.s32 @!p0 $0x1C03  }
0x1f5: {  	[timem:s3], [sflag:s2] =	dma.local @!p0 [hbm:s0], s1  }
0x1f6: {  	s0 =	simm.s32 @!p0 $0x3  }
0x1f7: {  	_ =	swait.ge @!p0 [sflag:s0], s1  }
0x1f8: {  	s1 =	ssub.s32 @!p0 $0x0, s1;
	[sflag:s0] =	ssyncset.done @!p0 $0x0  }
0x1f9: {  	[sflag:s0] =	ssyncadd.s32 @!p0 s1  }
0x1fa: {  	[bflag:$0x3] =	sbarrier.arrive $0xFFFF  }
0x1fb: {  	_ =	shalt  }

// kernel: kernel.16.cloned.1.call-start
scs
__scs_entry_jumppad:
0x0: {  	(pc) =	sbr.rel $0x88, $3  }
0x1: {  	(tag) =	ssettag $0x0;
	lr =	simm.s32 $0x1  }
0x2: {  	[smem:$0x3F85] =	sst lr;
	_ =	strace $0xD0000000  }
0x3: {  	_ = 	snop  }
0x4: {  	_ = 	snop  }
0x5: {  	_ = 	snop  }
0x6: {  	_ = 	snop  }
0x7: {  	_ = 	snop  }
__scs_overlays_trampoline_lowered:
0x8: {  	[smem:$0x3F94] =	sst s0  }
0x9: {  	[smem:$0x3F95] =	sst s1  }
0xa: {  	[smem:$0x3F96] =	sst s2  }
0xb: {  	[smem:$0x3F97] =	sst s3  }
0xc: {  	[smem:$0x3F98] =	sst s4  }
0xd: {  	[smem:$0x3F99] =	sst s5  }
0xe: {  	[smem:$0x3F9A] =	sst s6  }
0xf: {  	[smem:$0x3F9B] =	sst s7  }
0x10: {  	[smem:$0x3F9C] =	sst s8  }
0x11: {  	[smem:$0x3F9D] =	sst s9;
	s0 =	simm.s32 @!p0 $0x0  }
0x12: {  	s1 =	sld [smem:$0x3F83];
	s0 =	simm.s32 @p0 $0x1  }
0x13: {  	[smem:$0x3F9E] =	sst s0;
	s0 =	simm.s32 @!p1 $0x0  }
0x14: {  	s2 =	sld [smem:$0x3F82];
	s0 =	simm.s32 @p1 $0x1  }
0x15: {  	[smem:$0x3F9F] =	sst s0;
	s0 =	simm.s32 @!p2 $0x0  }
0x16: {  	s3 =	sld [smem:$0x3FDB];
	s0 =	simm.s32 @p2 $0x1  }
0x17: {  	s4 =	simm.s32 $0x1BF5;
	[smem:$0x3FA1] =	sst s0  }
0x18: {  	s0 =	sld [smem:$0x3F84];
	_ =	swait.ge [sflag:s4], $0x0  }
0x19: {  	s7 =	sld [smem:$0x3F85]  }
0x1a: {  	s8 =	sadd.s32 $0xFFFFE003, lr  }
0x1b: {  	s9 =	sadd.s32 $0xFFFFFEF7, lr;
	s5 =	simm.s32 $0xFFFFFFFF;
	p2 =	slt.u32 s8, $0xFFFFF086  }
0x1c: {  	p1 =	slt.u32 s9, $0xF7A;
	s5 =	simm.s32 @!p2 $0x0  }
0x1d: {  	s5 =	simm.s32 @p1 $0x1;
	p0 =	seq.s32 s7, s2  }
0x1e: {  	s7 =	smul.u32 @!p0 $0xF7A, s2;
	p2 =	seq.s32 @!p0 s5, $0x0  }
0x1f: {  	s9 =	smul.u32 $0xF7A, s1;
	s8 =	simm.s32 @!p0 $0x1BF5;
	p2 =	por !p2, p0  }
0x20: {  	[sflag:s8] =	ssyncset.s32 @!p0 $0xFFFFF086;
	s6 =	sadd.s32 @!p0 s3, s7;
	s7 =	simm.s32 @!p0 $0x108  }
0x21: {  	s3 =	sadd.s32 s3, s9;
	s6 =	sadd.s32 @!p0 $0x88, s6;
	s7 =	simm.s32 @p2 $0x1082  }
0x22: {  	[simem:s7], [sflag:s8] =	dma.local @!p0 [hbm:s6], $0xF7A  }
0x23: {  	s9 =	sor.u32 $0xD0000000, s2;
	s6 =	simm.s32 $0x108;
	_ =	swait.ge @!p0 [sflag:s8], $0x0  }
0x24: {  	s3 =	sadd.s32 $0x88, s3;
	s6 =	simm.s32 @!p1 $0x1082;
	[sflag:s4] =	ssyncset.s32 $0xFFFFF086  }
0x25: {  	[simem:s6], [sflag:s4] =	dma.local [hbm:s3], $0xF7A  }
0x26: {  	[smem:$0x3F85] =	sst s1;
	(tag) =	ssettag s2;
	_ =	strace s9  }
0x27: {  	s1 =	sld [smem:$0x3F95]  }
0x28: {  	s2 =	sld [smem:$0x3F96]  }
0x29: {  	s4 =	sld [smem:$0x3F98]  }
0x2a: {  	p0 =	seq.s32 s5, $0x0;
	s5 =	sld [smem:$0x3F99]  }
0x2b: {  	s6 =	sld [smem:$0x3F9A]  }
0x2c: {  	s7 =	sld [smem:$0x3F9B]  }
0x2d: {  	s3 =	simm.s32 $0x108;
	s8 =	sld [smem:$0x3F9C]  }
0x2e: {  	s3 =	simm.s32 @!p0 $0x1082;
	s9 =	sld [smem:$0x3F9D]  }
0x2f: {  	lr =	sadd.s32 s0, s3;
	s0 =	sld [smem:$0x3F94]  }
0x30: {  	s3 =	sld [smem:$0x3F97]  }
0x31: {  	[smem:$0x3FA0] =	sst s10  }
0x32: {  	s10 =	sld [smem:$0x3F9E];
	_ =	sdelay $0x3  }
0x33: {  	p0 =	seq.s32 s10, $0x1;
	s10 =	sld [smem:$0x3FA0];
	_ =	sdelay $0x3  }
0x34: {  	[smem:$0x3FA0] =	sst s10  }
0x35: {  	s10 =	sld [smem:$0x3F9F];
	_ =	sdelay $0x3  }
0x36: {  	p1 =	seq.s32 s10, $0x1;
	s10 =	sld [smem:$0x3FA0];
	_ =	sdelay $0x3  }
0x37: {  	[smem:$0x3FA0] =	sst s10  }
0x38: {  	s10 =	sld [smem:$0x3FA1]  }
0x39: {  	_ = 	snop;
	(pc) =	sbr.ind lr, $3  }
0x3a: {  	_ = 	snop  }
0x3b: {  	_ = 	snop  }
0x3c: {  	p2 =	seq.s32 s10, $0x1;
	s10 =	sld [smem:$0x3FA0]  }
0x3d: {  	_ =	shalt  }
0x3e: {  	_ =	shalt  }
0x3f: {  	_ =	shalt  }
0x40: {  	_ =	shalt  }
0x41: {  	_ =	shalt  }
0x42: {  	_ =	shalt  }
0x43: {  	_ =	shalt  }
0x44: {  	_ =	shalt  }
0x45: {  	_ =	shalt  }
0x46: {  	_ =	shalt  }
0x47: {  	_ =	shalt  }
0x48: {  	_ =	shalt  }
0x49: {  	_ =	shalt  }
0x4a: {  	_ =	shalt  }
0x4b: {  	_ =	shalt  }
0x4c: {  	_ =	shalt  }
0x4d: {  	_ =	shalt  }
0x4e: {  	_ =	shalt  }
0x4f: {  	_ =	shalt  }
0x50: {  	_ =	shalt  }
0x51: {  	_ =	shalt  }
0x52: {  	_ =	shalt  }
0x53: {  	_ =	shalt  }
0x54: {  	_ =	shalt  }
0x55: {  	_ =	shalt  }
0x56: {  	_ =	shalt  }
0x57: {  	_ =	shalt  }
0x58: {  	_ =	shalt  }
0x59: {  	_ =	shalt  }
0x5a: {  	_ =	shalt  }
0x5b: {  	_ =	shalt  }
0x5c: {  	_ =	shalt  }
0x5d: {  	_ =	shalt  }
0x5e: {  	_ =	shalt  }
0x5f: {  	_ =	shalt  }
0x60: {  	_ =	shalt  }
0x61: {  	_ =	shalt  }
0x62: {  	_ =	shalt  }
0x63: {  	_ =	shalt  }
0x64: {  	_ =	shalt  }
0x65: {  	_ =	shalt  }
0x66: {  	_ =	shalt  }
0x67: {  	_ =	shalt  }
0x68: {  	_ =	shalt  }
0x69: {  	_ =	shalt  }
0x6a: {  	_ =	shalt  }
0x6b: {  	_ =	shalt  }
0x6c: {  	_ =	shalt  }
0x6d: {  	_ =	shalt  }
0x6e: {  	_ =	shalt  }
0x6f: {  	_ =	shalt  }
0x70: {  	_ =	shalt  }
0x71: {  	_ =	shalt  }
0x72: {  	_ =	shalt  }
0x73: {  	_ =	shalt  }
0x74: {  	_ =	shalt  }
0x75: {  	_ =	shalt  }
0x76: {  	_ =	shalt  }
0x77: {  	_ =	shalt  }
0x78: {  	_ =	shalt  }
0x79: {  	_ =	shalt  }
0x7a: {  	_ =	shalt  }
0x7b: {  	_ =	shalt  }
0x7c: {  	_ =	shalt  }
0x7d: {  	_ =	shalt  }
0x7e: {  	_ =	shalt  }
0x7f: {  	_ =	shalt  }
0x80: {  	_ =	shalt  }
0x81: {  	_ =	shalt  }
0x82: {  	_ =	shalt  }
0x83: {  	_ =	shalt  }
0x84: {  	_ =	shalt  }
0x85: {  	_ =	shalt  }
0x86: {  	_ =	shalt  }
0x87: {  	_ =	shalt  }
.Lfunc_end0:
.L_simem_size_0:
called_computation.2_lowered:
.L_overlay_start_0:
0x88: {  	s2 =	sld [smem:$0x3FD9]  }
0x89: {  	s3 =	sld [smem:$0x3FFE];
	_ =	sdelay $0x1  }
0x8a: {  	s1 =	srdreg.scid  }
0x8b: {  	s0 =	sand.u32 $0x1, s1  }
0x8c: {  	s16 =	sshll.u32 s0, $0xA;
	s2 =	sadd.s32 s3, s2  }
0x8d: {  	s2 =	sadd.s32 s2, s16  }
0x8e: {  	[smem:$0x3FAC] =	sst s2  }
0x8f: {  	_ = 	snop  }
0x90: {  	(tm) =	ssettm $0x1  }
0x91: {  	s17 =	sld [smem:$0x3FFB];
	_ =	sdelay $0x3  }
0x92: {  	_ =	strace s17  }
0x93: {  	s2 =	sld [smem:$0x3FFC];
	_ =	sdelay $0x3  }
0x94: {  	_ =	strace s2  }
0x95: {  	s2 =	sld [smem:$0x3FFD];
	_ =	sdelay $0x3  }
0x96: {  	_ =	strace s2  }
0x97: {  	_ =	strace $0x8FFFFFFF  }
0x98: {  	s18 =	sld [smem:$0x3FDB];
	_ =	sdelay $0x1  }
0x99: {  	s19 =	simm.s32 $_scs_section_size  }
0x9a: {  	s4 =	simm.s32 $_size__tile_overlayer_lowered;
	s5 =	simm.s32 $_tile_overlayer_lowered  }
0x9b: {  	s22 =	simm.s32 $0x1BFF;
	s21 =	sshll.u32 s5, $0x1;
	s2 =	sadd.s32 s19, s18  }
0x9c: {  	s6 =	simm.s32 $0x0;
	s20 =	sshll.u32 s4, $0x1;
	s4 =	sadd.s32 s21, s2  }
0x9d: {  	[timem:s6], [sflag:s22] =	dma.local [hbm:s4], s20  }
0x9e: {  	_ =	swait.ge [sflag:s22], s20  }
0x9f: {  	s3 =	ssub.s32 $0x0, s20;
	[sflag:s22] =	ssyncset.done $0x0  }
0xa0: {  	[sflag:s22] =	ssyncadd.s32 s3;
	_ =	sdelay $0x1  }
0xa1: {  	s23 =	simm.s32 $0x1B8B  }
0xa2: {  	_ =	swait.ge [sflag:s23], $0x1  }
0xa3: {  	[sflag:s23] =	ssyncset.done $0x0  }
0xa4: {  	s25 =	simm.s32 $0x1B8E;
	s24 =	sld [smem:$0x3FFE];
	[sflag:s23] =	ssyncadd.s32 $0xFFFFFFFF  }
0xa5: {  	s26 =	simm.s32 $execute0_lowered;
	[smem:$0x3FD2] =	sst s25  }
0xa6: {  	s4 =	sshll.u32 s26, $0x1;
	_ =	strace $0x8000004C;
	[dreg:$0x1] =	wrdreg $0xFFFFFFFF  }
0xa7: {  	s28 =	simm.s32 $_size_execute0_lowered;
	s2 =	sadd.s32 s2, s4;
	[dreg:$0x0] =	wrdreg $0x0  }
0xa8: {  	s4 =	sshll.u32 s28, $0x1;
	[dreg:$0x2] =	wrdreg s2  }
0xa9: {  	[dreg:$0x3] =	wrdreg s4  }
0xaa: {  	[dreg:$0x4] =	wrdreg $0xC0  }
0xab: {  	_ =	task [dreg:s6], $0x5FFFF  }
0xac: {  	[dreg:$0x1] =	wrdreg $0xFFFFFFFF  }
0xad: {  	[dreg:$0x0] =	wrdreg $0x60  }
0xae: {  	[dreg:$0x2] =	wrdreg s24  }
0xaf: {  	[dreg:$0x3] =	wrdreg $0x62000  }
0xb0: {  	[dreg:$0x4] =	wrdreg $0x9  }
0xb1: {  	_ =	task.clear_ibuf [dreg:s6], $0x5FFFF;
	_ =	strace $0x9000004C  }
0xb2: {  	s29 =	simm.s32 $0x9;
	_ =	strace $0x8000004E  }
0xb3: {  	_ =	swait.ge [sflag:s29], $0x1  }
0xb4: {  	[sflag:s29] =	ssyncadd.s32 $0xFFFFFFFF  }
0xb5: {  	_ =	strace $0x9000004E  }
0xb6: {  	_ =	sfence  }
0xb7: {  	s30 =	sld [smem:$0x0];
	_ =	sdelay $0x2  }
0xb8: {  	s31 =	sshll.u32 s1, $0xD;
	s1 =	sshrl.u32 s1, $0x2  }
0xb9: {  	s3 =	sand.u32 $0x4000, s31;
	s1 =	sadd.s32 s1, s30  }
0xba: {  	s0 =	sor.u32 s3, s0;
	s1 =	sshll.u32 s1, $0x11  }
0xbb: {  	s0 =	sor.u32 s1, s0  }
0xbc: {  	s0 =	sadd.s32 $0x8F2B, s0  }
0xbd: {  	[sflag:s0] =	ssyncadd.remote.s32 $0x1  }
0xbe: {  	_ =	sfence.sel $0xFFFF  }
0xbf: {  	[dreg:$0x0] =	wrdreg $0xFFFFFFFF;
	(pc) =	sbr.abs _section_cstart, $3  }
0xc0: {  	[dreg:$0x1] =	wrdreg $0xFFFFFFFF  }
0xc1: {  	_ =	task.clear_ibuf [dreg:s6], $0x2FFFF;
	_ =	strace $0x9FFFFFFF  }
0xc2: {  	(tm) =	ssettm $0x7FFFFFFF  }
0xc3: {  	_ =	shalt  }
tec
execute0_lowered:
.L_overlay_start_1:
0x0: {  	(tag) =	ssettag $0x1  }
0x1: {  	s0 =	rddreg [dreg:$0x0];
	s14 =	stileid.u32  }
0x2: {  	s8 =	srdreg.scid;
	s10 =	smul.u32 $0x61C00, s14  }
0x3: {  	s1 =	rddreg [dreg:$0x1];
	s2 =	simm.s32 $0x0;
	s11 =	sand.u32 $0x1, s8  }
0x4: {  	[smem:$0x7FF] =	sst s2;
	s12 =	ssub.s32 $0x2, s11;
	s10 =	sshrl.u32 s10, $0x2  }
0x5: {  	_ =	strace $0x8000004D;
	s13 =	sshrl.u32 s12, $0x1;
	s15 =	sadd.s32 s10, s1  }
0x6: {  	s13 =	ssub.s32 s12, s13;
	s19 =	sadd.s32 $0x18000, s15;
	[dreg:$0x3] =	wrdreg s15  }
0x7: {  	s13 =	smax.u32 s13, $0x1;
	[dreg:$0x4] =	wrdreg s19  }
0x8: {  	s28 =	simm.s32 $0x0;
	s21 =	sadd.s32 $0x1000, s15;
	[dreg:$0x5] =	wrdreg s13  }
0x9: {  	s29 =	simm.s32 $0x0;
	s22 =	sadd.s32 $0x2000, s15;
	[dreg:$0x6] =	wrdreg s21  }
0xa: {  	s3 =	sadd.s32 $0x222600, s0;
	s23 =	sadd.s32 $0x3000, s15;
	[dreg:$0x7] =	wrdreg s22  }
0xb: {  	s4 =	sadd.s32 $0x1F1800, s0;
	s24 =	sadd.s32 $0x4000, s15;
	[dreg:$0x8] =	wrdreg s23  }
0xc: {  	s9 =	sadd.s32 $0x900800, s0;
	s25 =	sadd.s32 $0x5000, s15;
	[dreg:$0x9] =	wrdreg s24  }
0xd: {  	s5 =	sadd.s32 $0xF4B400, s0;
	s26 =	sadd.s32 $0x6000, s15;
	[dreg:$0xa] =	wrdreg s25  }
0xe: {  	s6 =	sadd.s32 $0x39E00, s0;
	s30 =	sadd.s32 $0x7000, s15;
	[dreg:$0xb] =	wrdreg s26  }
0xf: {  	p0 =	seq.s32 s11, $0x0;
	s31 =	sadd.s32 $0x8000, s15;
	[dreg:$0xc] =	wrdreg s30  }
0x10: {  	s5 =	smov.u32 @p0 s9;
	s9 =	sadd.s32 $0x9000, s15;
	[dreg:$0xd] =	wrdreg s31  }
0x11: {  	s7 =	sadd.s32 $0x9000, s0;
	s16 =	sadd.s32 $0xB000, s15;
	[dreg:$0xe] =	wrdreg s9  }
0x12: {  	s18 =	sand.u32 $0x7, s14;
	s17 =	sadd.s32 $0xC000, s15;
	[dreg:$0x12] =	wrdreg s16  }
0x13: {  	s8 =	smul.u32 $0x61A8, s18;
	s18 =	sadd.s32 $0xD000, s15;
	[dreg:$0x13] =	wrdreg s17  }
0x14: {  	p1 =	seq.s32 s11, $0x1;
	[dreg:$0x14] =	wrdreg s18;
	s19 =	sadd.s32 $0xE000, s15  }
0x15: {  	s4 =	smov.u32 @p0 s3;
	s21 =	sadd.s32 $0x10000, s15;
	[dreg:$0x15] =	wrdreg s19  }
0x16: {  	s10 =	smul.u32 $0x18700, s14;
	s22 =	sadd.s32 $0x11000, s15;
	[dreg:$0x17] =	wrdreg s21  }
0x17: {  	s12 =	sadd.s32 $0x40, s8;
	s23 =	sadd.s32 $0x12000, s15;
	[dreg:$0x18] =	wrdreg s22  }
0x18: {  	s20 =	sshrl.u32 s10, $0x3;
	s24 =	sadd.s32 $0x13000, s15;
	[dreg:$0x19] =	wrdreg s23  }
0x19: {  	s14 =	sadd.s32 s10, s1;
	s25 =	sadd.s32 $0x14000, s15;
	[dreg:$0x1a] =	wrdreg s24  }
0x1a: {  	s13 =	simm.s32 $0x253400;
	s26 =	sadd.s32 $0x15000, s15;
	[dreg:$0x1b] =	wrdreg s25  }
0x1b: {  	s30 =	sadd.s32 $0x16000, s15;
	s31 =	sadd.s32 $0x17000, s15;
	[dreg:$0x1c] =	wrdreg s26  }
0x1c: {  	s18 =	simm.s32 $0x2200;
	s13 =	simm.s32 @!p1 $0x6AC00;
	[dreg:$0x1d] =	wrdreg s30  }
0x1d: {  	s14 =	sshrl.u32 s14, $0x3;
	[dreg:$0x1e] =	wrdreg s31;
	s19 =	simm.s32 $0x3  }
0x1e: {  	s21 =	simm.s32 $0x80;
	s22 =	simm.s32 $0x3200;
	s23 =	simm.s32 $0x4200  }
0x1f: {  	s0 =	sadd.s32 s13, s0;
	s13 =	sadd.s32 $0xA000, s15;
	[dreg:$0x11] =	wrdreg s14  }
0x20: {  	s24 =	simm.s32 $0x5200;
	s0 =	sadd.s32 s0, s20;
	[dreg:$0x10] =	wrdreg s13  }
0x21: {  	s25 =	simm.s32 $0x1;
	s20 =	sadd.s32 $0xF000, s15;
	[dreg:$0xf] =	wrdreg s0  }
0x22: {  	v0 =	vimm.f32 $0.0e+00;
	s26 =	simm.s32 $0x2;
	[dreg:$0x16] =	wrdreg s20;
	s20 =	simm.s32 $0x1100  }
.LBB2_1:
0x23: {  	s0 =	simm.s32 $0x80;
	s3 =	simm.s32 $0x0  }
.LBB2_2:
0x24: {  	p0 =	sne.s32 s0, $0x3F80;
	[tilespmem:s3+$0x2200] =	vst v0;
	s9 =	smov.u32 s0;
	s0 =	sadd.s32 $0x80, s0  }
.Ltmp0:
0x25: {  	[tilespmem:s3+$0x2210] =	vst v0;
	(pc) =	sbr.rel @p0 .LBB2_2-.Ltmp0, $2  }
0x26: {  	_ =	sdelay $0x2  }
0x27: {  	s3 =	sshra.s32 s9, $0x2  }
0x28: {  	[tilespmem:s3+$0x2200] =	vst v0  }
0x29: {  	[tilespmem:s3+$0x2210] =	vst v0;
	s0 =	rddreg [dreg:$0x3]  }
0x2a: {  	[spmem:s0] =	stream.linear.scatter [tilespmem:s18], [sflag:$0x3], $0x1000, $0x38;
	[tilespmem:$0x1E900] =	vst v63  }
0x2b: {  	_ =	swait.ge [sflag:s19], $0x1000  }
0x2c: {  	[sflag:s19] =	ssyncset.done $0x0  }
0x2d: {  	s13 =	rddreg [dreg:$0x6];
	[sflag:s19] =	ssyncadd.s32 $0xFFFFF000  }
0x2e: {  	[spmem:s13] =	stream.linear.scatter [tilespmem:s18], [sflag:$0x3], $0x1000, $0x38;
	[tilespmem:$0x1E900] =	vst v63  }
0x2f: {  	_ =	swait.ge [sflag:s19], $0x1000  }
0x30: {  	[sflag:s19] =	ssyncset.done $0x0  }
0x31: {  	s14 =	rddreg [dreg:$0x7];
	[sflag:s19] =	ssyncadd.s32 $0xFFFFF000  }
0x32: {  	[spmem:s14] =	stream.linear.scatter [tilespmem:s18], [sflag:$0x3], $0x1000, $0x38;
	[tilespmem:$0x1E900] =	vst v63  }
0x33: {  	_ =	swait.ge [sflag:s19], $0x1000  }
0x34: {  	[sflag:s19] =	ssyncset.done $0x0  }
0x35: {  	s15 =	rddreg [dreg:$0x8];
	[sflag:s19] =	ssyncadd.s32 $0xFFFFF000  }
0x36: {  	[spmem:s15] =	stream.linear.scatter [tilespmem:s18], [sflag:$0x3], $0x1000, $0x38;
	[tilespmem:$0x1E900] =	vst v63  }
0x37: {  	_ =	swait.ge [sflag:s19], $0x1000  }
0x38: {  	[sflag:s19] =	ssyncset.done $0x0  }
0x39: {  	s16 =	rddreg [dreg:$0x9];
	[sflag:s19] =	ssyncadd.s32 $0xFFFFF000  }
0x3a: {  	[spmem:s16] =	stream.linear.scatter [tilespmem:s18], [sflag:$0x3], $0x1000, $0x38;
	[tilespmem:$0x1E900] =	vst v63  }
0x3b: {  	_ =	swait.ge [sflag:s19], $0x1000  }
0x3c: {  	[sflag:s19] =	ssyncset.done $0x0  }
0x3d: {  	s17 =	rddreg [dreg:$0xa];
	[sflag:s19] =	ssyncadd.s32 $0xFFFFF000  }
0x3e: {  	[spmem:s17] =	stream.linear.scatter [tilespmem:s18], [sflag:$0x3], $0x1000, $0x38;
	[tilespmem:$0x1E900] =	vst v63  }
0x3f: {  	_ =	swait.ge [sflag:s19], $0x1000  }
0x40: {  	[sflag:s19] =	ssyncset.done $0x0  }
0x41: {  	s31 =	rddreg [dreg:$0xb];
	[sflag:s19] =	ssyncadd.s32 $0xFFFFF000  }
0x42: {  	[spmem:s31] =	stream.linear.scatter [tilespmem:s18], [sflag:$0x3], $0x1000, $0x38;
	[tilespmem:$0x1E900] =	vst v63  }
0x43: {  	_ =	swait.ge [sflag:s19], $0x1000  }
0x44: {  	[sflag:s19] =	ssyncset.done $0x0  }
0x45: {  	s3 =	rddreg [dreg:$0xc];
	[sflag:s19] =	ssyncadd.s32 $0xFFFFF000  }
0x46: {  	[spmem:s3] =	stream.linear.scatter [tilespmem:s18], [sflag:$0x3], $0x1000, $0x38;
	[tilespmem:$0x1E900] =	vst v63  }
0x47: {  	_ =	swait.ge [sflag:s19], $0x1000  }
0x48: {  	[sflag:s19] =	ssyncset.done $0x0  }
0x49: {  	s9 =	rddreg [dreg:$0xd];
	[sflag:s19] =	ssyncadd.s32 $0xFFFFF000  }
0x4a: {  	[spmem:s9] =	stream.linear.scatter [tilespmem:s18], [sflag:$0x3], $0x1000, $0x38;
	[tilespmem:$0x1E900] =	vst v63  }
0x4b: {  	_ =	swait.ge [sflag:s19], $0x1000  }
0x4c: {  	[sflag:s19] =	ssyncset.done $0x0  }
0x4d: {  	s11 =	rddreg [dreg:$0xe];
	[sflag:s19] =	ssyncadd.s32 $0xFFFFF000  }
0x4e: {  	[spmem:s11] =	stream.linear.scatter [tilespmem:s18], [sflag:$0x3], $0x1000, $0x38;
	[tilespmem:$0x1E900] =	vst v63  }
0x4f: {  	_ =	swait.ge [sflag:s19], $0x1000  }
0x50: {  	[sflag:s19] =	ssyncset.done $0x0  }
0x51: {  	s13 =	rddreg [dreg:$0x10];
	[sflag:s19] =	ssyncadd.s32 $0xFFFFF000  }
0x52: {  	[spmem:s13] =	stream.linear.scatter [tilespmem:s18], [sflag:$0x3], $0x1000, $0x38;
	[tilespmem:$0x1E900] =	vst v63  }
0x53: {  	_ =	swait.ge [sflag:s19], $0x1000  }
0x54: {  	[sflag:s19] =	ssyncset.done $0x0  }
0x55: {  	s14 =	rddreg [dreg:$0x12];
	[sflag:s19] =	ssyncadd.s32 $0xFFFFF000  }
0x56: {  	[spmem:s14] =	stream.linear.scatter [tilespmem:s18], [sflag:$0x3], $0x1000, $0x38;
	[tilespmem:$0x1E900] =	vst v63  }
0x57: {  	_ =	swait.ge [sflag:s19], $0x1000  }
0x58: {  	[sflag:s19] =	ssyncset.done $0x0  }
0x59: {  	s15 =	rddreg [dreg:$0x13];
	[sflag:s19] =	ssyncadd.s32 $0xFFFFF000  }
0x5a: {  	[spmem:s15] =	stream.linear.scatter [tilespmem:s18], [sflag:$0x3], $0x1000, $0x38;
	[tilespmem:$0x1E900] =	vst v63  }
0x5b: {  	_ =	swait.ge [sflag:s19], $0x1000  }
0x5c: {  	[sflag:s19] =	ssyncset.done $0x0  }
0x5d: {  	s16 =	rddreg [dreg:$0x14];
	[sflag:s19] =	ssyncadd.s32 $0xFFFFF000  }
0x5e: {  	[spmem:s16] =	stream.linear.scatter [tilespmem:s18], [sflag:$0x3], $0x1000, $0x38;
	[tilespmem:$0x1E900] =	vst v63  }
0x5f: {  	_ =	swait.ge [sflag:s19], $0x1000  }
0x60: {  	[sflag:s19] =	ssyncset.done $0x0  }
0x61: {  	s17 =	rddreg [dreg:$0x15];
	[sflag:s19] =	ssyncadd.s32 $0xFFFFF000  }
0x62: {  	[spmem:s17] =	stream.linear.scatter [tilespmem:s18], [sflag:$0x3], $0x1000, $0x38;
	[tilespmem:$0x1E900] =	vst v63  }
0x63: {  	_ =	swait.ge [sflag:s19], $0x1000  }
0x64: {  	[sflag:s19] =	ssyncset.done $0x0  }
0x65: {  	s31 =	rddreg [dreg:$0x16];
	[sflag:s19] =	ssyncadd.s32 $0xFFFFF000  }
0x66: {  	[spmem:s31] =	stream.linear.scatter [tilespmem:s18], [sflag:$0x3], $0x1000, $0x38;
	[tilespmem:$0x1E900] =	vst v63  }
0x67: {  	_ =	swait.ge [sflag:s19], $0x1000  }
0x68: {  	[sflag:s19] =	ssyncset.done $0x0  }
0x69: {  	s3 =	rddreg [dreg:$0x17];
	[sflag:s19] =	ssyncadd.s32 $0xFFFFF000  }
0x6a: {  	[spmem:s3] =	stream.linear.scatter [tilespmem:s18], [sflag:$0x3], $0x1000, $0x38;
	[tilespmem:$0x1E900] =	vst v63  }
0x6b: {  	_ =	swait.ge [sflag:s19], $0x1000  }
0x6c: {  	[sflag:s19] =	ssyncset.done $0x0  }
0x6d: {  	s9 =	rddreg [dreg:$0x18];
	[sflag:s19] =	ssyncadd.s32 $0xFFFFF000  }
0x6e: {  	[spmem:s9] =	stream.linear.scatter [tilespmem:s18], [sflag:$0x3], $0x1000, $0x38;
	[tilespmem:$0x1E900] =	vst v63  }
0x6f: {  	_ =	swait.ge [sflag:s19], $0x1000  }
0x70: {  	[sflag:s19] =	ssyncset.done $0x0  }
0x71: {  	s11 =	rddreg [dreg:$0x19];
	[sflag:s19] =	ssyncadd.s32 $0xFFFFF000  }
0x72: {  	[spmem:s11] =	stream.linear.scatter [tilespmem:s18], [sflag:$0x3], $0x1000, $0x38;
	[tilespmem:$0x1E900] =	vst v63  }
0x73: {  	_ =	swait.ge [sflag:s19], $0x1000  }
0x74: {  	[sflag:s19] =	ssyncset.done $0x0  }
0x75: {  	s13 =	rddreg [dreg:$0x1a];
	[sflag:s19] =	ssyncadd.s32 $0xFFFFF000  }
0x76: {  	[spmem:s13] =	stream.linear.scatter [tilespmem:s18], [sflag:$0x3], $0x1000, $0x38;
	[tilespmem:$0x1E900] =	vst v63  }
0x77: {  	_ =	swait.ge [sflag:s19], $0x1000  }
0x78: {  	[sflag:s19] =	ssyncset.done $0x0  }
0x79: {  	s14 =	rddreg [dreg:$0x1b];
	[sflag:s19] =	ssyncadd.s32 $0xFFFFF000  }
0x7a: {  	[spmem:s14] =	stream.linear.scatter [tilespmem:s18], [sflag:$0x3], $0x1000, $0x38;
	[tilespmem:$0x1E900] =	vst v63  }
0x7b: {  	_ =	swait.ge [sflag:s19], $0x1000  }
0x7c: {  	[sflag:s19] =	ssyncset.done $0x0  }
0x7d: {  	s15 =	rddreg [dreg:$0x1c];
	[sflag:s19] =	ssyncadd.s32 $0xFFFFF000  }
0x7e: {  	[spmem:s15] =	stream.linear.scatter [tilespmem:s18], [sflag:$0x3], $0x1000, $0x38;
	[tilespmem:$0x1E900] =	vst v63  }
0x7f: {  	_ =	swait.ge [sflag:s19], $0x1000  }
0x80: {  	[sflag:s19] =	ssyncset.done $0x0  }
0x81: {  	s16 =	rddreg [dreg:$0x1d];
	[sflag:s19] =	ssyncadd.s32 $0xFFFFF000  }
0x82: {  	[spmem:s16] =	stream.linear.scatter [tilespmem:s18], [sflag:$0x3], $0x1000, $0x38;
	[tilespmem:$0x1E900] =	vst v63  }
0x83: {  	_ =	swait.ge [sflag:s19], $0x1000  }
0x84: {  	[sflag:s19] =	ssyncset.done $0x0  }
0x85: {  	s17 =	rddreg [dreg:$0x1e];
	[sflag:s19] =	ssyncadd.s32 $0xFFFFF000  }
0x86: {  	[spmem:s17] =	stream.linear.scatter [tilespmem:s18], [sflag:$0x3], $0x1000, $0x38;
	[tilespmem:$0x1E900] =	vst v63  }
0x87: {  	_ =	swait.ge [sflag:s19], $0x1000  }
0x88: {  	[sflag:s19] =	ssyncset.done $0x0  }
0x89: {  	s31 =	rddreg [dreg:$0x4];
	[sflag:s19] =	ssyncadd.s32 $0xFFFFF000  }
0x8a: {  	[spmem:s31] =	stream.linear.scatter [tilespmem:s18], [sflag:$0x3], $0x700, $0x38;
	[tilespmem:$0x1E900] =	vst v63  }
0x8b: {  	_ =	swait.ge [sflag:s19], $0x700  }
0x8c: {  	[sflag:s19] =	ssyncset.done $0x0  }
0x8d: {  	[sflag:s19] =	ssyncadd.s32 $0xFFFFF900  }
0x8e: {  	s30 =	simm.s32 $0x0;
	[bflag:$0x0] =	sbarrier.arrive $0xFFFF  }
.LBB2_4:
0x8f: {  	s0 =	smul.u32 $0x1100, s30;
	_ =	sdelay $0x1  }
0x90: {  	s0 =	sadd.s32 s10, s0  }
0x91: {  	s0 =	sshrl.u32 s0, $0x3  }
0x92: {  	s3 =	sadd.s32 s6, s0  }
0x93: {  	[tilespmem:s29], [sflag:$0x3] =	stream.linear.gather [hbm4b:s3+s29], $0x1100, $0x38;
	[tilespmem:$0x1E900] =	vst v63  }
0x94: {  	_ =	swait.ge [sflag:s19], $0x1100  }
0x95: {  	[sflag:s19] =	ssyncset.done $0x0  }
0x96: {  	s17 =	smul.u32 $0x440, s30;
	s0 =	sadd.s32 s7, s0;
	[sflag:s19] =	ssyncadd.s32 $0xFFFFEF00  }
0x97: {  	[tilespmem:s20], [sflag:$0x3] =	stream.linear.gather [hbm4b:s0+s29], $0x1100, $0x38;
	[tilespmem:$0x1E900] =	vst v63  }
0x98: {  	_ =	swait.ge [sflag:s19], $0x1100  }
0x99: {  	s0 =	sadd.s32 s8, s17;
	[sflag:s19] =	ssyncset.done $0x0  }
0x9a: {  	s0 =	sshll.u32 s0, $0x4;
	[sflag:s19] =	ssyncadd.s32 $0xFFFFEF00  }
0x9b: {  	[tilespmem:s18], [sflag:$0x1] =	stream.indirect.gather [hbm4b:s4+s21], $0x20, s29, s21, $0xb8;
	[tilespmem:$0x1E900] =	vst v63  }
0x9c: {  	s0 =	sadd.s32 s5, s0  }
0x9d: {  	[tilespmem:s22], [sflag:$0x1] =	stream.linear.gather [hbm4b:s0+s29], $0x1000, $0x38;
	[tilespmem:$0x1E900] =	vst v63  }
0x9e: {  	s31 =	smul.u32 $0x22, s30;
	s0 =	simm.s32 $0x0  }
.LBB2_5:
0x9f: {  	s3 =	sshll.u32 s0, $0x1  }
0xa0: {  	s3 =	sadd.s32 s31, s3  }
0xa1: {  	s11 =	sshll.u32 s3, $0x5  }
0xa2: {  	s13 =	sshll.u32 s0, $0xA;
	s3 =	sadd.s32 s11, s8  }
0xa3: {  	s17 =	sor.u32 $0x200, s13;
	s9 =	sshll.u32 s3, $0x4  }
0xa4: {  	s3 =	sshra.s32 s17, $0x2;
	s9 =	sadd.s32 s5, s9  }
0xa5: {  	[tilespmem:s23], [sflag:$0x2] =	stream.indirect.gather [hbm4b:s4+s21], $0x20, s3, s21, $0xb8;
	[tilespmem:$0x1E900] =	vst v63  }
0xa6: {  	s9 =	sadd.s32 $0x200, s9  }
0xa7: {  	[tilespmem:s24], [sflag:$0x2] =	stream.linear.gather [hbm4b:s9+s2], $0x1000, $0x38;
	[tilespmem:$0x1E900] =	vst v63  }
0xa8: {  	_ =	swait.ge [sflag:s25], $0x1000  }
0xa9: {  	[sflag:s25] =	ssyncset.done $0x0  }
0xaa: {  	[sflag:s25] =	ssyncadd.s32 $0xFFFFF000  }
0xab: {  	_ =	swait.ge [sflag:s25], $0x1000  }
0xac: {  	[sflag:s25] =	ssyncset.done $0x0  }
0xad: {  	s14 =	simm.s32 $0x2300;
	[sflag:s25] =	ssyncadd.s32 $0xFFFFF000  }
0xae: {  	s15 =	simm.s32 $0x3300;
	v1 =	vld [tilespmem:s14+$0x80]  }
0xaf: {  	v2 =	vld [tilespmem:s15+$0x80]  }
0xb0: {  	v3 =	vld [tilespmem:s15+$0xFFFFFF00]  }
0xb1: {  	v4 =	vld [tilespmem:s14+$0xFFFFFF80]  }
0xb2: {  	v5 =	vld [tilespmem:s15+$0xFFFFFF80]  }
0xb3: {  	v6 =	vld [tilespmem:s15+$0x0]  }
0xb4: {  	v1 =	vadd.f32 v2, v1;
	v2 =	vld [tilespmem:s14+$0x0]  }
0xb5: {  	v7 =	vld [tilespmem:s14+$0xFFFFFF00]  }
0xb6: {  	v1 =	vmax.f32 v1, $0.0e+00  }
0xb7: {  	v4 =	vadd.f32 v5, v4;
	[tilespmem:s14+$0x80] =	vst v1;
	v1 =	vld [tilespmem:s14+$0x90]  }
0xb8: {  	v8 =	vld [tilespmem:s15+$0x90]  }
0xb9: {  	v9 =	vld [tilespmem:s14+$0xFFFFFF90];
	v4 =	vmax.f32 v4, $0.0e+00;
	v2 =	vadd.f32 v6, v2  }
0xba: {  	v5 =	vld [tilespmem:s14+$0xFFFFFF10];
	v3 =	vadd.f32 v3, v7;
	[tilespmem:s14+$0xFFFFFF80] =	vst v4  }
0xbb: {  	v6 =	vld [tilespmem:s15+$0xFFFFFF90];
	v2 =	vmax.f32 v2, $0.0e+00  }
0xbc: {  	v3 =	vmax.f32 v3, $0.0e+00;
	v4 =	vld [tilespmem:s14+$0x10];
	[tilespmem:s14+$0x0] =	vst v2  }
0xbd: {  	[tilespmem:s14+$0xFFFFFF00] =	vst v3;
	v1 =	vadd.f32 v8, v1;
	v2 =	vld [tilespmem:s15+$0x10]  }
0xbe: {  	v3 =	vld [tilespmem:s15+$0xFFFFFF10]  }
0xbf: {  	v1 =	vmax.f32 v1, $0.0e+00  }
0xc0: {  	v6 =	vadd.f32 v6, v9;
	[tilespmem:s14+$0x90] =	vst v1;
	v1 =	vld [tilespmem:s14+$0xA0]  }
0xc1: {  	v8 =	vld [tilespmem:s15+$0xA0]  }
0xc2: {  	v7 =	vld [tilespmem:s14+$0xFFFFFF20];
	v6 =	vmax.f32 v6, $0.0e+00;
	v2 =	vadd.f32 v2, v4  }
0xc3: {  	v3 =	vadd.f32 v3, v5;
	v9 =	vld [tilespmem:s14+$0xFFFFFFA0];
	[tilespmem:s14+$0xFFFFFF90] =	vst v6  }
0xc4: {  	v5 =	vld [tilespmem:s15+$0xFFFFFFA0];
	v2 =	vmax.f32 v2, $0.0e+00  }
0xc5: {  	v3 =	vmax.f32 v3, $0.0e+00;
	v4 =	vld [tilespmem:s14+$0x20];
	[tilespmem:s14+$0x10] =	vst v2  }
0xc6: {  	[tilespmem:s14+$0xFFFFFF10] =	vst v3;
	v1 =	vadd.f32 v8, v1;
	v2 =	vld [tilespmem:s15+$0x20]  }
0xc7: {  	v3 =	vld [tilespmem:s15+$0xFFFFFF20]  }
0xc8: {  	v1 =	vmax.f32 v1, $0.0e+00  }
0xc9: {  	v5 =	vadd.f32 v5, v9;
	[tilespmem:s14+$0xA0] =	vst v1;
	v1 =	vld [tilespmem:s14+$0xB0]  }
0xca: {  	v8 =	vld [tilespmem:s15+$0xB0]  }
0xcb: {  	v10 =	vld [tilespmem:s14+$0x30];
	v5 =	vmax.f32 v5, $0.0e+00;
	v2 =	vadd.f32 v2, v4  }
0xcc: {  	v3 =	vadd.f32 v3, v7;
	v9 =	vld [tilespmem:s14+$0xFFFFFFB0];
	[tilespmem:s14+$0xFFFFFFA0] =	vst v5  }
0xcd: {  	v4 =	vld [tilespmem:s15+$0xFFFFFFB0];
	v2 =	vmax.f32 v2, $0.0e+00  }
0xce: {  	v6 =	vld [tilespmem:s14+$0xFFFFFF30];
	[tilespmem:s14+$0x20] =	vst v2;
	v2 =	vmax.f32 v3, $0.0e+00  }
0xcf: {  	v1 =	vadd.f32 v8, v1;
	[tilespmem:s14+$0xFFFFFF20] =	vst v2;
	v2 =	vld [tilespmem:s15+$0x30]  }
0xd0: {  	v7 =	vld [tilespmem:s15+$0xFFFFFF30]  }
0xd1: {  	v11 =	vld [tilespmem:s14+$0xFFFFFF40];
	v1 =	vmax.f32 v1, $0.0e+00  }
0xd2: {  	v4 =	vadd.f32 v4, v9;
	[tilespmem:s14+$0xB0] =	vst v1;
	v1 =	vld [tilespmem:s14+$0xC0]  }
0xd3: {  	v8 =	vld [tilespmem:s15+$0xC0]  }
0xd4: {  	v12 =	vld [tilespmem:s14+$0xFFFFFFD0];
	v4 =	vmax.f32 v4, $0.0e+00;
	v2 =	vadd.f32 v2, v10  }
0xd5: {  	v5 =	vld [tilespmem:s14+$0xFFFFFFC0];
	[tilespmem:s14+$0xFFFFFFB0] =	vst v4;
	v6 =	vadd.f32 v7, v6  }
0xd6: {  	v7 =	vld [tilespmem:s15+$0xFFFFFFC0];
	v2 =	vmax.f32 v2, $0.0e+00  }
0xd7: {  	v3 =	vld [tilespmem:s14+$0x40];
	[tilespmem:s14+$0x30] =	vst v2;
	v2 =	vmax.f32 v6, $0.0e+00  }
0xd8: {  	v1 =	vadd.f32 v8, v1;
	v6 =	vld [tilespmem:s15+$0x40];
	[tilespmem:s14+$0xFFFFFF30] =	vst v2  }
0xd9: {  	v2 =	vld [tilespmem:s15+$0xFFFFFF40]  }
0xda: {  	v9 =	vld [tilespmem:s14+$0xFFFFFF50];
	v1 =	vmax.f32 v1, $0.0e+00  }
0xdb: {  	[tilespmem:s14+$0xC0] =	vst v1;
	v1 =	vadd.f32 v7, v5;
	v7 =	vld [tilespmem:s14+$0xD0]  }
0xdc: {  	v8 =	vld [tilespmem:s15+$0xD0]  }
0xdd: {  	v4 =	vld [tilespmem:s14+$0xFFFFFF60];
	v1 =	vmax.f32 v1, $0.0e+00;
	v3 =	vadd.f32 v6, v3  }
0xde: {  	v10 =	vld [tilespmem:s14+$0x50];
	[tilespmem:s14+$0xFFFFFFC0] =	vst v1;
	v1 =	vadd.f32 v2, v11  }
0xdf: {  	v2 =	vld [tilespmem:s15+$0xFFFFFFD0];
	v3 =	vmax.f32 v3, $0.0e+00  }
0xe0: {  	v5 =	vld [tilespmem:s14+$0xFFFFFFE0];
	[tilespmem:s14+$0x40] =	vst v3;
	v1 =	vmax.f32 v1, $0.0e+00  }
0xe1: {  	v3 =	vld [tilespmem:s15+$0x50];
	v7 =	vadd.f32 v8, v7;
	[tilespmem:s14+$0xFFFFFF40] =	vst v1  }
0xe2: {  	v1 =	vld [tilespmem:s15+$0xFFFFFF50]  }
0xe3: {  	v6 =	vld [tilespmem:s14+$0x60];
	v7 =	vmax.f32 v7, $0.0e+00  }
0xe4: {  	v2 =	vadd.f32 v2, v12;
	[tilespmem:s14+$0xD0] =	vst v7;
	v7 =	vld [tilespmem:s14+$0xE0]  }
0xe5: {  	v11 =	vld [tilespmem:s15+$0xE0]  }
0xe6: {  	v2 =	vmax.f32 v2, $0.0e+00;
	v8 =	vadd.f32 v3, v10;
	v3 =	vld [tilespmem:s14+$0xFFFFFF70]  }
0xe7: {  	[tilespmem:s14+$0xFFFFFFD0] =	vst v2;
	v1 =	vadd.f32 v1, v9;
	v2 =	vld [tilespmem:s14+$0xFFFFFFF0]  }
0xe8: {  	v9 =	vmax.f32 v8, $0.0e+00;
	v8 =	vld [tilespmem:s15+$0xFFFFFFE0]  }
0xe9: {  	[tilespmem:s14+$0x50] =	vst v9;
	v9 =	vmax.f32 v1, $0.0e+00;
	v1 =	vld [tilespmem:s14+$0x70]  }
0xea: {  	[tilespmem:s14+$0xFFFFFF50] =	vst v9;
	v9 =	vld [tilespmem:s15+$0x60];
	v7 =	vadd.f32 v11, v7  }
0xeb: {  	v10 =	vld [tilespmem:s15+$0xFFFFFF60]  }
0xec: {  	s16 =	simm.s32 $0x0;
	s17 =	simm.s32 $0x2500;
	s9 =	simm.s32 $0x3300;
	v11 =	vmax.f32 v7, $0.0e+00;
	v7 =	vld [tilespmem:s14+$0xF0]  }
.LBB2_6:
0xed: {  	v12 =	vld [tilespmem:s17+$0x80];
	v5 =	vadd.f32 v8, v5;
	[tilespmem:s14+$0xE0] =	vst v11  }
0xee: {  	s9 =	sadd.s32 $0x200, s9;
	v8 =	vld [tilespmem:s15+$0xF0]  }
0xef: {  	s16 =	sadd.s32 $0x4, s16;
	v11 =	vld [tilespmem:s9+$0x80];
	v5 =	vmax.f32 v5, $0.0e+00;
	v6 =	vadd.f32 v9, v6  }
0xf0: {  	p0 =	slt.u32 s16, $0x1C;
	v9 =	vld [tilespmem:s9+$0xFFFFFF00];
	v4 =	vadd.f32 v10, v4;
	[tilespmem:s14+$0xFFFFFFE0] =	vst v5  }
0xf1: {  	v5 =	vld [tilespmem:s17+$0xFFFFFF80];
	v6 =	vmax.f32 v6, $0.0e+00  }
0xf2: {  	v10 =	vld [tilespmem:s9+$0xFFFFFF80];
	v4 =	vmax.f32 v4, $0.0e+00;
	[tilespmem:s14+$0x60] =	vst v6  }
0xf3: {  	v6 =	vld [tilespmem:s17+$0x0];
	[tilespmem:s14+$0xFFFFFF60] =	vst v4;
	v4 =	vadd.f32 v8, v7  }
0xf4: {  	v7 =	vld [tilespmem:s9+$0x0];
	v8 =	vadd.f32 v11, v12  }
0xf5: {  	v11 =	vld [tilespmem:s17+$0xFFFFFF00];
	v4 =	vmax.f32 v4, $0.0e+00  }
0xf6: {  	v12 =	vld [tilespmem:s17+$0xFFFFFF10];
	v8 =	vmax.f32 v8, $0.0e+00;
	[tilespmem:s14+$0xF0] =	vst v4  }
0xf7: {  	v4 =	vadd.f32 v10, v5;
	[tilespmem:s17+$0x80] =	vst v8;
	v5 =	vld [tilespmem:s17+$0x90]  }
0xf8: {  	v8 =	vld [tilespmem:s9+$0x90]  }
0xf9: {  	v4 =	vmax.f32 v4, $0.0e+00;
	v10 =	vld [tilespmem:s17+$0xFFFFFF90];
	v6 =	vadd.f32 v7, v6  }
0xfa: {  	v7 =	vadd.f32 v9, v11;
	[tilespmem:s17+$0xFFFFFF80] =	vst v4;
	v4 =	vld [tilespmem:s17+$0x10]  }
0xfb: {  	v9 =	vld [tilespmem:s9+$0xFFFFFF90];
	v6 =	vmax.f32 v6, $0.0e+00  }
0xfc: {  	v7 =	vmax.f32 v7, $0.0e+00;
	v11 =	vld [tilespmem:s17+$0xFFFFFF20];
	[tilespmem:s17+$0x0] =	vst v6  }
0xfd: {  	[tilespmem:s17+$0xFFFFFF00] =	vst v7;
	v6 =	vld [tilespmem:s9+$0x10];
	v5 =	vadd.f32 v8, v5  }
0xfe: {  	v7 =	vld [tilespmem:s9+$0xFFFFFF10]  }
0xff: {  	v8 =	vld [tilespmem:s17+$0xFFFFFFA0];
	v5 =	vmax.f32 v5, $0.0e+00  }
0x100: {  	v9 =	vadd.f32 v9, v10;
	[tilespmem:s17+$0x90] =	vst v5;
	v5 =	vld [tilespmem:s17+$0xA0]  }
0x101: {  	v10 =	vld [tilespmem:s9+$0xA0]  }
0x102: {  	v9 =	vmax.f32 v9, $0.0e+00;
	v4 =	vadd.f32 v6, v4;
	v6 =	vld [tilespmem:s17+$0x20]  }
0x103: {  	v7 =	vadd.f32 v7, v12;
	v12 =	vld [tilespmem:s17+$0xFFFFFF30];
	[tilespmem:s17+$0xFFFFFF90] =	vst v9  }
0x104: {  	v9 =	vld [tilespmem:s9+$0xFFFFFFA0];
	v4 =	vmax.f32 v4, $0.0e+00  }
0x105: {  	v7 =	vmax.f32 v7, $0.0e+00;
	v13 =	vld [tilespmem:s17+$0xFFFFFFB0];
	[tilespmem:s17+$0x10] =	vst v4  }
0x106: {  	[tilespmem:s17+$0xFFFFFF10] =	vst v7;
	v4 =	vld [tilespmem:s9+$0x20];
	v5 =	vadd.f32 v10, v5  }
0x107: {  	v7 =	vld [tilespmem:s9+$0xFFFFFF20]  }
0x108: {  	v10 =	vld [tilespmem:s17+$0x30];
	v5 =	vmax.f32 v5, $0.0e+00  }
0x109: {  	v8 =	vadd.f32 v9, v8;
	[tilespmem:s17+$0xA0] =	vst v5;
	v5 =	vld [tilespmem:s17+$0xB0]  }
0x10a: {  	v9 =	vld [tilespmem:s9+$0xB0]  }
0x10b: {  	v14 =	vld [tilespmem:s17+$0xFFFFFF40];
	v8 =	vmax.f32 v8, $0.0e+00;
	v4 =	vadd.f32 v4, v6  }
0x10c: {  	v6 =	vadd.f32 v7, v11;
	[tilespmem:s17+$0xFFFFFFA0] =	vst v8;
	v7 =	vld [tilespmem:s17+$0xFFFFFFC0]  }
0x10d: {  	v8 =	vld [tilespmem:s9+$0xFFFFFFB0];
	v4 =	vmax.f32 v4, $0.0e+00  }
0x10e: {  	v6 =	vmax.f32 v6, $0.0e+00;
	[tilespmem:s17+$0x20] =	vst v4;
	v11 =	vld [tilespmem:s17+$0x40]  }
0x10f: {  	[tilespmem:s17+$0xFFFFFF20] =	vst v6;
	v4 =	vld [tilespmem:s9+$0x30];
	v5 =	vadd.f32 v9, v5  }
0x110: {  	v6 =	vld [tilespmem:s9+$0xFFFFFF30]  }
0x111: {  	v9 =	vld [tilespmem:s17+$0xFFFFFF50];
	v5 =	vmax.f32 v5, $0.0e+00  }
0x112: {  	v8 =	vadd.f32 v8, v13;
	[tilespmem:s17+$0xB0] =	vst v5;
	v5 =	vld [tilespmem:s17+$0xC0]  }
0x113: {  	v13 =	vld [tilespmem:s9+$0xC0]  }
0x114: {  	v8 =	vmax.f32 v8, $0.0e+00;
	v15 =	vld [tilespmem:s17+$0xFFFFFFD0];
	v4 =	vadd.f32 v4, v10  }
0x115: {  	v6 =	vadd.f32 v6, v12;
	[tilespmem:s17+$0xFFFFFFB0] =	vst v8;
	v8 =	vld [tilespmem:s17+$0x50]  }
0x116: {  	v10 =	vld [tilespmem:s9+$0xFFFFFFC0];
	v12 =	vmax.f32 v4, $0.0e+00  }
0x117: {  	v6 =	vmax.f32 v6, $0.0e+00;
	v4 =	vld [tilespmem:s17+$0xFFFFFF60];
	[tilespmem:s17+$0x30] =	vst v12  }
0x118: {  	[tilespmem:s17+$0xFFFFFF30] =	vst v6;
	v6 =	vld [tilespmem:s9+$0x40];
	v12 =	vadd.f32 v13, v5  }
0x119: {  	v13 =	vld [tilespmem:s9+$0xFFFFFF40]  }
0x11a: {  	v5 =	vld [tilespmem:s17+$0xFFFFFFE0];
	v12 =	vmax.f32 v12, $0.0e+00  }
0x11b: {  	v7 =	vadd.f32 v10, v7;
	[tilespmem:s17+$0xC0] =	vst v12;
	v10 =	vld [tilespmem:s17+$0xD0]  }
0x11c: {  	v12 =	vld [tilespmem:s9+$0xD0]  }
0x11d: {  	v7 =	vmax.f32 v7, $0.0e+00;
	v11 =	vadd.f32 v6, v11;
	v6 =	vld [tilespmem:s17+$0x60]  }
0x11e: {  	v13 =	vadd.f32 v13, v14;
	[tilespmem:s17+$0xFFFFFFC0] =	vst v7;
	v7 =	vld [tilespmem:s15+$0xFFFFFF70]  }
0x11f: {  	v14 =	vld [tilespmem:s9+$0xFFFFFFD0];
	v11 =	vmax.f32 v11, $0.0e+00  }
0x120: {  	v13 =	vmax.f32 v13, $0.0e+00;
	[tilespmem:s17+$0x40] =	vst v11;
	v11 =	vld [tilespmem:s15+$0xFFFFFFF0]  }
0x121: {  	[tilespmem:s17+$0xFFFFFF40] =	vst v13;
	v13 =	vld [tilespmem:s9+$0x50];
	v10 =	vadd.f32 v12, v10  }
0x122: {  	v12 =	vld [tilespmem:s9+$0xFFFFFF50]  }
0x123: {  	v10 =	vmax.f32 v10, $0.0e+00;
	v3 =	vadd.f32 v7, v3;
	v7 =	vld [tilespmem:s15+$0x70];
	s15 =	smov.u32 s9  }
0x124: {  	v14 =	vadd.f32 v14, v15;
	[tilespmem:s17+$0xD0] =	vst v10;
	v10 =	vld [tilespmem:s17+$0xE0]  }
0x125: {  	v15 =	vld [tilespmem:s9+$0xE0];
	v16 =	vmax.f32 v3, $0.0e+00;
	v11 =	vadd.f32 v11, v2  }
0x126: {  	v3 =	vld [tilespmem:s17+$0xFFFFFF70];
	v2 =	vmax.f32 v14, $0.0e+00;
	v13 =	vadd.f32 v13, v8;
	[tilespmem:s14+$0xFFFFFF70] =	vst v16  }
0x127: {  	v9 =	vadd.f32 v12, v9;
	[tilespmem:s17+$0xFFFFFFD0] =	vst v2;
	v2 =	vld [tilespmem:s17+$0xFFFFFFF0];
	v11 =	vmax.f32 v11, $0.0e+00  }
.Ltmp1:
0x128: {  	v8 =	vld [tilespmem:s9+$0xFFFFFFE0];
	v12 =	vmax.f32 v13, $0.0e+00;
	[tilespmem:s14+$0xFFFFFFF0] =	vst v11;
	v7 =	vadd.f32 v7, v1;
	(pc) =	sbr.rel @p0 .LBB2_6-.Ltmp1, $4  }
0x129: {  	v9 =	vmax.f32 v9, $0.0e+00;
	[tilespmem:s17+$0x50] =	vst v12;
	v1 =	vld [tilespmem:s17+$0x70]  }
0x12a: {  	[tilespmem:s17+$0xFFFFFF50] =	vst v9;
	v9 =	vld [tilespmem:s9+$0x60];
	v11 =	vadd.f32 v15, v10;
	v7 =	vmax.f32 v7, $0.0e+00  }
0x12b: {  	v10 =	vld [tilespmem:s9+$0xFFFFFF60];
	[tilespmem:s14+$0x70] =	vst v7;
	s14 =	smov.u32 s17  }
0x12c: {  	s17 =	sadd.s32 $0x200, s17;
	v11 =	vmax.f32 v11, $0.0e+00;
	v7 =	vld [tilespmem:s14+$0xF0]  }
0x12d: {  	_ =	sdelay $0x2  }
0x12e: {  	v4 =	vadd.f32 v10, v4  }
0x12f: {  	v5 =	vadd.f32 v8, v5  }
0x130: {  	[tilespmem:s14+$0xE0] =	vst v11;
	v6 =	vadd.f32 v9, v6;
	v4 =	vmax.f32 v4, $0.0e+00  }
0x131: {  	v8 =	vld [tilespmem:s15+$0xF0];
	v5 =	vmax.f32 v5, $0.0e+00;
	[tilespmem:s14+$0xFFFFFF60] =	vst v4  }
0x132: {  	[tilespmem:s14+$0xFFFFFFE0] =	vst v5;
	v4 =	vmax.f32 v6, $0.0e+00;
	v5 =	vld [tilespmem:s15+$0xFFFFFF70]  }
0x133: {  	[tilespmem:s14+$0x60] =	vst v4;
	v4 =	vld [tilespmem:s15+$0xFFFFFFF0]  }
0x134: {  	v6 =	vld [tilespmem:s15+$0x70];
	_ =	sdelay $0x1  }
0x135: {  	v7 =	vadd.f32 v8, v7  }
0x136: {  	v3 =	vadd.f32 v5, v3  }
0x137: {  	v5 =	vmax.f32 v7, $0.0e+00;
	v2 =	vadd.f32 v4, v2  }
0x138: {  	[tilespmem:s14+$0xF0] =	vst v5;
	v1 =	vadd.f32 v6, v1;
	v3 =	vmax.f32 v3, $0.0e+00  }
0x139: {  	v2 =	vmax.f32 v2, $0.0e+00;
	[tilespmem:s14+$0xFFFFFF70] =	vst v3  }
0x13a: {  	s9 =	sshra.s32 s13, $0x2;
	p0 =	seq.s32 s0, $0x10;
	[tilespmem:s14+$0xFFFFFFF0] =	vst v2;
	v1 =	vmax.f32 v1, $0.0e+00  }
0x13b: {  	s9 =	sadd.s32 $0x1100, s9;
	s11 =	sadd.s32 @!p0 s11, s12;
	[tilespmem:s14+$0x70] =	vst v1  }
0x13c: {  	[spmem:s1] =	stream.indirect.scatter.add.f32 [tilespmem:s18], [sflag:$0x3], $0x20, s9, s21, $0xb8;
	[tilespmem:$0x1E900] =	vst v63  }
0x13d: {  	s11 =	sshll.u32 @!p0 s11, $0x4;
	_ =	swait.ge [sflag:s19], $0x1000  }
0x13e: {  	s14 =	simm.s32 @!p0 $0x2200;
	s9 =	sshra.s32 @!p0 s13, $0x2;
	[sflag:s19] =	ssyncset.done $0x0  }
0x13f: {  	s13 =	simm.s32 @!p0 $0x80;
	s9 =	sadd.s32 @!p0 $0x100, s9;
	[sflag:s19] =	ssyncadd.s32 $0xFFFFF000  }
0x140: {  	[tilespmem:s14], [sflag:$0x1] =	stream.indirect.gather @!p0 [hbm4b:s4+s13], $0x20, s9, s13, $0xb8;
	[tilespmem:$0x1E900] =	vst v63  }
0x141: {  	s9 =	sadd.s32 @!p0 s5, s11;
	s11 =	simm.s32 @!p0 $0x0;
	s13 =	simm.s32 @!p0 $0x3200  }
0x142: {  	[tilespmem:s13], [sflag:$0x1] =	stream.linear.gather @!p0 [hbm4b:s9+s11], $0x1000, $0x38;
	[tilespmem:$0x1E900] =	vst v63  }
0x143: {  	_ =	swait.ge [sflag:s26], $0x1000  }
0x144: {  	[sflag:s26] =	ssyncset.done $0x0  }
0x145: {  	[sflag:s26] =	ssyncadd.s32 $0xFFFFF000  }
0x146: {  	_ =	swait.ge [sflag:s26], $0x1000  }
0x147: {  	[sflag:s26] =	ssyncset.done $0x0  }
0x148: {  	s11 =	simm.s32 $0x4300;
	[sflag:s26] =	ssyncadd.s32 $0xFFFFF000  }
0x149: {  	s13 =	simm.s32 $0x5300;
	v1 =	vld [tilespmem:s11+$0x80]  }
0x14a: {  	v2 =	vld [tilespmem:s13+$0x80]  }
0x14b: {  	v3 =	vld [tilespmem:s13+$0xFFFFFF00]  }
0x14c: {  	v4 =	vld [tilespmem:s11+$0xFFFFFF80]  }
0x14d: {  	v5 =	vld [tilespmem:s13+$0xFFFFFF80]  }
0x14e: {  	v6 =	vld [tilespmem:s13+$0x0]  }
0x14f: {  	v1 =	vadd.f32 v2, v1;
	v2 =	vld [tilespmem:s11+$0x0]  }
0x150: {  	v7 =	vld [tilespmem:s11+$0xFFFFFF00]  }
0x151: {  	v1 =	vmax.f32 v1, $0.0e+00  }
0x152: {  	v4 =	vadd.f32 v5, v4;
	[tilespmem:s11+$0x80] =	vst v1;
	v1 =	vld [tilespmem:s11+$0x90]  }
0x153: {  	v8 =	vld [tilespmem:s13+$0x90]  }
0x154: {  	v9 =	vld [tilespmem:s11+$0xFFFFFF90];
	v4 =	vmax.f32 v4, $0.0e+00;
	v2 =	vadd.f32 v6, v2  }
0x155: {  	v5 =	vld [tilespmem:s11+$0xFFFFFF10];
	v3 =	vadd.f32 v3, v7;
	[tilespmem:s11+$0xFFFFFF80] =	vst v4  }
0x156: {  	v6 =	vld [tilespmem:s13+$0xFFFFFF90];
	v2 =	vmax.f32 v2, $0.0e+00  }
0x157: {  	v3 =	vmax.f32 v3, $0.0e+00;
	v4 =	vld [tilespmem:s11+$0x10];
	[tilespmem:s11+$0x0] =	vst v2  }
0x158: {  	[tilespmem:s11+$0xFFFFFF00] =	vst v3;
	v1 =	vadd.f32 v8, v1;
	v2 =	vld [tilespmem:s13+$0x10]  }
0x159: {  	v3 =	vld [tilespmem:s13+$0xFFFFFF10]  }
0x15a: {  	v1 =	vmax.f32 v1, $0.0e+00  }
0x15b: {  	v6 =	vadd.f32 v6, v9;
	[tilespmem:s11+$0x90] =	vst v1;
	v1 =	vld [tilespmem:s11+$0xA0]  }
0x15c: {  	v8 =	vld [tilespmem:s13+$0xA0]  }
0x15d: {  	v7 =	vld [tilespmem:s11+$0xFFFFFF20];
	v6 =	vmax.f32 v6, $0.0e+00;
	v2 =	vadd.f32 v2, v4  }
0x15e: {  	v3 =	vadd.f32 v3, v5;
	v9 =	vld [tilespmem:s11+$0xFFFFFFA0];
	[tilespmem:s11+$0xFFFFFF90] =	vst v6  }
0x15f: {  	v5 =	vld [tilespmem:s13+$0xFFFFFFA0];
	v2 =	vmax.f32 v2, $0.0e+00  }
0x160: {  	v3 =	vmax.f32 v3, $0.0e+00;
	v4 =	vld [tilespmem:s11+$0x20];
	[tilespmem:s11+$0x10] =	vst v2  }
0x161: {  	[tilespmem:s11+$0xFFFFFF10] =	vst v3;
	v1 =	vadd.f32 v8, v1;
	v2 =	vld [tilespmem:s13+$0x20]  }
0x162: {  	v3 =	vld [tilespmem:s13+$0xFFFFFF20]  }
0x163: {  	v1 =	vmax.f32 v1, $0.0e+00  }
0x164: {  	v5 =	vadd.f32 v5, v9;
	[tilespmem:s11+$0xA0] =	vst v1;
	v1 =	vld [tilespmem:s11+$0xB0]  }
0x165: {  	v8 =	vld [tilespmem:s13+$0xB0]  }
0x166: {  	v10 =	vld [tilespmem:s11+$0x30];
	v5 =	vmax.f32 v5, $0.0e+00;
	v2 =	vadd.f32 v2, v4  }
0x167: {  	v3 =	vadd.f32 v3, v7;
	v9 =	vld [tilespmem:s11+$0xFFFFFFB0];
	[tilespmem:s11+$0xFFFFFFA0] =	vst v5  }
0x168: {  	v4 =	vld [tilespmem:s13+$0xFFFFFFB0];
	v2 =	vmax.f32 v2, $0.0e+00  }
0x169: {  	v6 =	vld [tilespmem:s11+$0xFFFFFF30];
	[tilespmem:s11+$0x20] =	vst v2;
	v2 =	vmax.f32 v3, $0.0e+00  }
0x16a: {  	v1 =	vadd.f32 v8, v1;
	[tilespmem:s11+$0xFFFFFF20] =	vst v2;
	v2 =	vld [tilespmem:s13+$0x30]  }
0x16b: {  	v7 =	vld [tilespmem:s13+$0xFFFFFF30]  }
0x16c: {  	v11 =	vld [tilespmem:s11+$0xFFFFFF40];
	v1 =	vmax.f32 v1, $0.0e+00  }
0x16d: {  	v4 =	vadd.f32 v4, v9;
	[tilespmem:s11+$0xB0] =	vst v1;
	v1 =	vld [tilespmem:s11+$0xC0]  }
0x16e: {  	v8 =	vld [tilespmem:s13+$0xC0]  }
0x16f: {  	v12 =	vld [tilespmem:s11+$0xFFFFFFD0];
	v4 =	vmax.f32 v4, $0.0e+00;
	v2 =	vadd.f32 v2, v10  }
0x170: {  	v5 =	vld [tilespmem:s11+$0xFFFFFFC0];
	[tilespmem:s11+$0xFFFFFFB0] =	vst v4;
	v6 =	vadd.f32 v7, v6  }
0x171: {  	v7 =	vld [tilespmem:s13+$0xFFFFFFC0];
	v2 =	vmax.f32 v2, $0.0e+00  }
0x172: {  	v3 =	vld [tilespmem:s11+$0x40];
	[tilespmem:s11+$0x30] =	vst v2;
	v2 =	vmax.f32 v6, $0.0e+00  }
0x173: {  	v1 =	vadd.f32 v8, v1;
	v6 =	vld [tilespmem:s13+$0x40];
	[tilespmem:s11+$0xFFFFFF30] =	vst v2  }
0x174: {  	v2 =	vld [tilespmem:s13+$0xFFFFFF40]  }
0x175: {  	v9 =	vld [tilespmem:s11+$0xFFFFFF50];
	v1 =	vmax.f32 v1, $0.0e+00  }
0x176: {  	[tilespmem:s11+$0xC0] =	vst v1;
	v1 =	vadd.f32 v7, v5;
	v7 =	vld [tilespmem:s11+$0xD0]  }
0x177: {  	v8 =	vld [tilespmem:s13+$0xD0]  }
0x178: {  	v4 =	vld [tilespmem:s11+$0xFFFFFF60];
	v1 =	vmax.f32 v1, $0.0e+00;
	v3 =	vadd.f32 v6, v3  }
0x179: {  	v10 =	vld [tilespmem:s11+$0x50];
	[tilespmem:s11+$0xFFFFFFC0] =	vst v1;
	v1 =	vadd.f32 v2, v11  }
0x17a: {  	v2 =	vld [tilespmem:s13+$0xFFFFFFD0];
	v3 =	vmax.f32 v3, $0.0e+00  }
0x17b: {  	v5 =	vld [tilespmem:s11+$0xFFFFFFE0];
	[tilespmem:s11+$0x40] =	vst v3;
	v1 =	vmax.f32 v1, $0.0e+00  }
0x17c: {  	v3 =	vld [tilespmem:s13+$0x50];
	v7 =	vadd.f32 v8, v7;
	[tilespmem:s11+$0xFFFFFF40] =	vst v1  }
0x17d: {  	v1 =	vld [tilespmem:s13+$0xFFFFFF50]  }
0x17e: {  	v6 =	vld [tilespmem:s11+$0x60];
	v7 =	vmax.f32 v7, $0.0e+00  }
0x17f: {  	v2 =	vadd.f32 v2, v12;
	[tilespmem:s11+$0xD0] =	vst v7;
	v7 =	vld [tilespmem:s11+$0xE0]  }
0x180: {  	v11 =	vld [tilespmem:s13+$0xE0]  }
0x181: {  	v2 =	vmax.f32 v2, $0.0e+00;
	v8 =	vadd.f32 v3, v10;
	v3 =	vld [tilespmem:s11+$0xFFFFFF70]  }
0x182: {  	[tilespmem:s11+$0xFFFFFFD0] =	vst v2;
	v1 =	vadd.f32 v1, v9;
	v2 =	vld [tilespmem:s11+$0xFFFFFFF0]  }
0x183: {  	v9 =	vmax.f32 v8, $0.0e+00;
	v8 =	vld [tilespmem:s13+$0xFFFFFFE0]  }
0x184: {  	[tilespmem:s11+$0x50] =	vst v9;
	v9 =	vmax.f32 v1, $0.0e+00;
	v1 =	vld [tilespmem:s11+$0x70]  }
0x185: {  	[tilespmem:s11+$0xFFFFFF50] =	vst v9;
	v9 =	vld [tilespmem:s13+$0x60];
	v7 =	vadd.f32 v11, v7  }
0x186: {  	v10 =	vld [tilespmem:s13+$0xFFFFFF60]  }
0x187: {  	s15 =	simm.s32 $0x4500;
	s14 =	simm.s32 $0x0;
	s9 =	simm.s32 $0x5300;
	v11 =	vmax.f32 v7, $0.0e+00;
	v7 =	vld [tilespmem:s11+$0xF0]  }
.LBB2_8:
0x188: {  	v12 =	vld [tilespmem:s15+$0x80];
	v5 =	vadd.f32 v8, v5;
	[tilespmem:s11+$0xE0] =	vst v11  }
0x189: {  	s9 =	sadd.s32 $0x200, s9;
	v8 =	vld [tilespmem:s13+$0xF0]  }
0x18a: {  	s14 =	sadd.s32 $0x4, s14;
	v11 =	vld [tilespmem:s9+$0x80];
	v5 =	vmax.f32 v5, $0.0e+00;
	v6 =	vadd.f32 v9, v6  }
0x18b: {  	p0 =	slt.u32 s14, $0x1C;
	v9 =	vld [tilespmem:s9+$0xFFFFFF00];
	v4 =	vadd.f32 v10, v4;
	[tilespmem:s11+$0xFFFFFFE0] =	vst v5  }
0x18c: {  	v5 =	vld [tilespmem:s15+$0xFFFFFF80];
	v6 =	vmax.f32 v6, $0.0e+00  }
0x18d: {  	v10 =	vld [tilespmem:s9+$0xFFFFFF80];
	v4 =	vmax.f32 v4, $0.0e+00;
	[tilespmem:s11+$0x60] =	vst v6  }
0x18e: {  	v6 =	vld [tilespmem:s15+$0x0];
	[tilespmem:s11+$0xFFFFFF60] =	vst v4;
	v4 =	vadd.f32 v8, v7  }
0x18f: {  	v7 =	vld [tilespmem:s9+$0x0];
	v8 =	vadd.f32 v11, v12  }
0x190: {  	v11 =	vld [tilespmem:s15+$0xFFFFFF00];
	v4 =	vmax.f32 v4, $0.0e+00  }
0x191: {  	v12 =	vld [tilespmem:s15+$0xFFFFFF10];
	v8 =	vmax.f32 v8, $0.0e+00;
	[tilespmem:s11+$0xF0] =	vst v4  }
0x192: {  	v4 =	vadd.f32 v10, v5;
	[tilespmem:s15+$0x80] =	vst v8;
	v5 =	vld [tilespmem:s15+$0x90]  }
0x193: {  	v8 =	vld [tilespmem:s9+$0x90]  }
0x194: {  	v4 =	vmax.f32 v4, $0.0e+00;
	v10 =	vld [tilespmem:s15+$0xFFFFFF90];
	v6 =	vadd.f32 v7, v6  }
0x195: {  	v7 =	vadd.f32 v9, v11;
	[tilespmem:s15+$0xFFFFFF80] =	vst v4;
	v4 =	vld [tilespmem:s15+$0x10]  }
0x196: {  	v9 =	vld [tilespmem:s9+$0xFFFFFF90];
	v6 =	vmax.f32 v6, $0.0e+00  }
0x197: {  	v7 =	vmax.f32 v7, $0.0e+00;
	v11 =	vld [tilespmem:s15+$0xFFFFFF20];
	[tilespmem:s15+$0x0] =	vst v6  }
0x198: {  	[tilespmem:s15+$0xFFFFFF00] =	vst v7;
	v6 =	vld [tilespmem:s9+$0x10];
	v5 =	vadd.f32 v8, v5  }
0x199: {  	v7 =	vld [tilespmem:s9+$0xFFFFFF10]  }
0x19a: {  	v8 =	vld [tilespmem:s15+$0xFFFFFFA0];
	v5 =	vmax.f32 v5, $0.0e+00  }
0x19b: {  	v9 =	vadd.f32 v9, v10;
	[tilespmem:s15+$0x90] =	vst v5;
	v5 =	vld [tilespmem:s15+$0xA0]  }
0x19c: {  	v10 =	vld [tilespmem:s9+$0xA0]  }
0x19d: {  	v9 =	vmax.f32 v9, $0.0e+00;
	v4 =	vadd.f32 v6, v4;
	v6 =	vld [tilespmem:s15+$0x20]  }
0x19e: {  	v7 =	vadd.f32 v7, v12;
	v12 =	vld [tilespmem:s15+$0xFFFFFF30];
	[tilespmem:s15+$0xFFFFFF90] =	vst v9  }
0x19f: {  	v9 =	vld [tilespmem:s9+$0xFFFFFFA0];
	v4 =	vmax.f32 v4, $0.0e+00  }
0x1a0: {  	v7 =	vmax.f32 v7, $0.0e+00;
	v13 =	vld [tilespmem:s15+$0xFFFFFFB0];
	[tilespmem:s15+$0x10] =	vst v4  }
0x1a1: {  	[tilespmem:s15+$0xFFFFFF10] =	vst v7;
	v4 =	vld [tilespmem:s9+$0x20];
	v5 =	vadd.f32 v10, v5  }
0x1a2: {  	v7 =	vld [tilespmem:s9+$0xFFFFFF20]  }
0x1a3: {  	v10 =	vld [tilespmem:s15+$0x30];
	v5 =	vmax.f32 v5, $0.0e+00  }
0x1a4: {  	v8 =	vadd.f32 v9, v8;
	[tilespmem:s15+$0xA0] =	vst v5;
	v5 =	vld [tilespmem:s15+$0xB0]  }
0x1a5: {  	v9 =	vld [tilespmem:s9+$0xB0]  }
0x1a6: {  	v14 =	vld [tilespmem:s15+$0xFFFFFF40];
	v8 =	vmax.f32 v8, $0.0e+00;
	v4 =	vadd.f32 v4, v6  }
0x1a7: {  	v6 =	vadd.f32 v7, v11;
	[tilespmem:s15+$0xFFFFFFA0] =	vst v8;
	v7 =	vld [tilespmem:s15+$0xFFFFFFC0]  }
0x1a8: {  	v8 =	vld [tilespmem:s9+$0xFFFFFFB0];
	v4 =	vmax.f32 v4, $0.0e+00  }
0x1a9: {  	v6 =	vmax.f32 v6, $0.0e+00;
	[tilespmem:s15+$0x20] =	vst v4;
	v11 =	vld [tilespmem:s15+$0x40]  }
0x1aa: {  	[tilespmem:s15+$0xFFFFFF20] =	vst v6;
	v4 =	vld [tilespmem:s9+$0x30];
	v5 =	vadd.f32 v9, v5  }
0x1ab: {  	v6 =	vld [tilespmem:s9+$0xFFFFFF30]  }
0x1ac: {  	v9 =	vld [tilespmem:s15+$0xFFFFFF50];
	v5 =	vmax.f32 v5, $0.0e+00  }
0x1ad: {  	v8 =	vadd.f32 v8, v13;
	[tilespmem:s15+$0xB0] =	vst v5;
	v5 =	vld [tilespmem:s15+$0xC0]  }
0x1ae: {  	v13 =	vld [tilespmem:s9+$0xC0]  }
0x1af: {  	v8 =	vmax.f32 v8, $0.0e+00;
	v15 =	vld [tilespmem:s15+$0xFFFFFFD0];
	v4 =	vadd.f32 v4, v10  }
0x1b0: {  	v6 =	vadd.f32 v6, v12;
	[tilespmem:s15+$0xFFFFFFB0] =	vst v8;
	v8 =	vld [tilespmem:s15+$0x50]  }
0x1b1: {  	v10 =	vld [tilespmem:s9+$0xFFFFFFC0];
	v12 =	vmax.f32 v4, $0.0e+00  }
0x1b2: {  	v6 =	vmax.f32 v6, $0.0e+00;
	v4 =	vld [tilespmem:s15+$0xFFFFFF60];
	[tilespmem:s15+$0x30] =	vst v12  }
0x1b3: {  	[tilespmem:s15+$0xFFFFFF30] =	vst v6;
	v6 =	vld [tilespmem:s9+$0x40];
	v12 =	vadd.f32 v13, v5  }
0x1b4: {  	v13 =	vld [tilespmem:s9+$0xFFFFFF40]  }
0x1b5: {  	v5 =	vld [tilespmem:s15+$0xFFFFFFE0];
	v12 =	vmax.f32 v12, $0.0e+00  }
0x1b6: {  	v7 =	vadd.f32 v10, v7;
	[tilespmem:s15+$0xC0] =	vst v12;
	v10 =	vld [tilespmem:s15+$0xD0]  }
0x1b7: {  	v12 =	vld [tilespmem:s9+$0xD0]  }
0x1b8: {  	v7 =	vmax.f32 v7, $0.0e+00;
	v11 =	vadd.f32 v6, v11;
	v6 =	vld [tilespmem:s15+$0x60]  }
0x1b9: {  	v13 =	vadd.f32 v13, v14;
	[tilespmem:s15+$0xFFFFFFC0] =	vst v7;
	v7 =	vld [tilespmem:s13+$0xFFFFFF70]  }
0x1ba: {  	v14 =	vld [tilespmem:s9+$0xFFFFFFD0];
	v11 =	vmax.f32 v11, $0.0e+00  }
0x1bb: {  	v13 =	vmax.f32 v13, $0.0e+00;
	[tilespmem:s15+$0x40] =	vst v11;
	v11 =	vld [tilespmem:s13+$0xFFFFFFF0]  }
0x1bc: {  	[tilespmem:s15+$0xFFFFFF40] =	vst v13;
	v13 =	vld [tilespmem:s9+$0x50];
	v10 =	vadd.f32 v12, v10  }
0x1bd: {  	v12 =	vld [tilespmem:s9+$0xFFFFFF50]  }
0x1be: {  	v10 =	vmax.f32 v10, $0.0e+00;
	v3 =	vadd.f32 v7, v3;
	v7 =	vld [tilespmem:s13+$0x70];
	s13 =	smov.u32 s9  }
0x1bf: {  	v14 =	vadd.f32 v14, v15;
	[tilespmem:s15+$0xD0] =	vst v10;
	v10 =	vld [tilespmem:s15+$0xE0]  }
0x1c0: {  	v15 =	vld [tilespmem:s9+$0xE0];
	v16 =	vmax.f32 v3, $0.0e+00;
	v11 =	vadd.f32 v11, v2  }
0x1c1: {  	v3 =	vld [tilespmem:s15+$0xFFFFFF70];
	v2 =	vmax.f32 v14, $0.0e+00;
	v13 =	vadd.f32 v13, v8;
	[tilespmem:s11+$0xFFFFFF70] =	vst v16  }
0x1c2: {  	v9 =	vadd.f32 v12, v9;
	[tilespmem:s15+$0xFFFFFFD0] =	vst v2;
	v2 =	vld [tilespmem:s15+$0xFFFFFFF0];
	v11 =	vmax.f32 v11, $0.0e+00  }
.Ltmp2:
0x1c3: {  	v8 =	vld [tilespmem:s9+$0xFFFFFFE0];
	v12 =	vmax.f32 v13, $0.0e+00;
	[tilespmem:s11+$0xFFFFFFF0] =	vst v11;
	v7 =	vadd.f32 v7, v1;
	(pc) =	sbr.rel @p0 .LBB2_8-.Ltmp2, $4  }
0x1c4: {  	v9 =	vmax.f32 v9, $0.0e+00;
	[tilespmem:s15+$0x50] =	vst v12;
	v1 =	vld [tilespmem:s15+$0x70]  }
0x1c5: {  	[tilespmem:s15+$0xFFFFFF50] =	vst v9;
	v9 =	vld [tilespmem:s9+$0x60];
	v11 =	vadd.f32 v15, v10;
	v7 =	vmax.f32 v7, $0.0e+00  }
0x1c6: {  	v10 =	vld [tilespmem:s9+$0xFFFFFF60];
	[tilespmem:s11+$0x70] =	vst v7;
	s11 =	smov.u32 s15  }
0x1c7: {  	s15 =	sadd.s32 $0x200, s15;
	v11 =	vmax.f32 v11, $0.0e+00;
	v7 =	vld [tilespmem:s11+$0xF0]  }
0x1c8: {  	_ = 	snop  }
0x1c9: {  	v5 =	vadd.f32 v8, v5  }
0x1ca: {  	v6 =	vadd.f32 v9, v6  }
0x1cb: {  	[tilespmem:s11+$0xE0] =	vst v11;
	v5 =	vmax.f32 v5, $0.0e+00;
	v4 =	vadd.f32 v10, v4  }
0x1cc: {  	v58 =	vld [tilespmem:s13+$0xF0];
	[tilespmem:s11+$0xFFFFFFE0] =	vst v5;
	v59 =	vmax.f32 v6, $0.0e+00  }
0x1cd: {  	v61 =	vld [tilespmem:s13+$0xFFFFFFF0];
	v4 =	vmax.f32 v4, $0.0e+00;
	[tilespmem:s11+$0x60] =	vst v59  }
0x1ce: {  	[tilespmem:s11+$0xFFFFFF60] =	vst v4;
	v62 =	vld [tilespmem:s13+$0x70]  }
0x1cf: {  	v60 =	vld [tilespmem:s13+$0xFFFFFF70];
	_ =	sdelay $0x1  }
0x1d0: {  	v7 =	vadd.f32 v58, v7  }
0x1d1: {  	v2 =	vadd.f32 v61, v2  }
0x1d2: {  	v63 =	vmax.f32 v7, $0.0e+00;
	v1 =	vadd.f32 v62, v1  }
0x1d3: {  	[tilespmem:s11+$0xF0] =	vst v63;
	v2 =	vmax.f32 v2, $0.0e+00;
	v3 =	vadd.f32 v60, v3  }
0x1d4: {  	s0 =	sadd.s32 $0x1, s0;
	[tilespmem:s11+$0xFFFFFFF0] =	vst v2;
	v1 =	vmax.f32 v1, $0.0e+00  }
0x1d5: {  	p0 =	sne.s32 s0, $0x11;
	v3 =	vmax.f32 v3, $0.0e+00;
	[tilespmem:s11+$0x70] =	vst v1  }
.Ltmp3:
0x1d6: {  	s3 =	sadd.s32 $0x1100, s3;
	[tilespmem:s11+$0xFFFFFF70] =	vst v3;
	(pc) =	sbr.rel @p0 .LBB2_5-.Ltmp3, $4  }
0x1d7: {  	[spmem:s1] =	stream.indirect.scatter.add.f32 [tilespmem:s23], [sflag:$0x3], $0x20, s3, s21, $0xb8;
	[tilespmem:$0x1E900] =	vst v63  }
0x1d8: {  	_ =	swait.ge [sflag:s19], $0x1000  }
0x1d9: {  	[sflag:s19] =	ssyncset.done $0x0  }
0x1da: {  	[sflag:s19] =	ssyncadd.s32 $0xFFFFF000  }
0x1db: {  	s30 =	sadd.s32 $0x1, s30  }
0x1dc: {  	p0 =	sne.s32 s30, $0x17  }
.Ltmp4:
0x1dd: {  	_ = 	snop;
	(pc) =	sbr.rel @p0 .LBB2_4-.Ltmp4, $1  }
0x1de: {  	_ =	sdelay $0x3  }
0x1df: {  	s0 =	stileid.u32;
	[bflag:$0x0] =	sbarrier.arrive $0xFFFF  }
0x1e0: {  	s0 =	sshll.u32 s0, $0x6;
	s3 =	rddreg [dreg:$0xf]  }
0x1e1: {  	s9 =	rddreg [dreg:$0x11];
	s0 =	sor.u32 $0x1C03, s0  }
0x1e2: {  	[hbm:s3], [sflag:s0] =	dma.local [spmem:s9], $0x30E0  }
0x1e3: {  	_ =	swait.ge [sflag:s19], $0x30E0  }
0x1e4: {  	s28 =	sadd.s32 $0x1, s28;
	s31 =	rddreg [dreg:$0x5]  }
0x1e5: {  	p0 =	sne.s32 s28, s31  }
.Ltmp5:
0x1e6: {  	_ = 	snop;
	(pc) =	sbr.rel @p0 .LBB2_1-.Ltmp5, $3  }
0x1e7: {  	_ =	sdelay $0x1  }
0x1e8: {  	[sflag:s19] =	ssyncset.done $0x0  }
0x1e9: {  	[sflag:s19] =	ssyncadd.s32 $0xFFFFCF20  }
0x1ea: {  	_ =	sfence.sel $0x180000  }
0x1eb: {  	[bflag:$0x0] =	sbarrier.arrive $0xFFFF  }
0x1ec: {  	_ =	strace $0x9000004D  }
0x1ed: {  	s0 =	stileid.u32;
	[bflag:$0x2] =	sbarrier.arrive $0xFFFF  }
0x1ee: {  	p0 =	sne.s32 s0, $0x0;
	s0 =	rddreg [dreg:$0x2]  }
0x1ef: {  	s0 =	sadd.s32 @!p0 $0x100000, s0  }
0x1f0: {  	[sflag:s0] =	ssyncadd.tile.s32 @!p0 $0x1;
	_ =	shalt  }
.Lfunc_end2:
_tile_overlayer_lowered:
.L_overlay_start_2:
0x1f1: {  	(tag) =	ssettag $0x2  }
0x1f2: {  	s0 =	rddreg [dreg:$0x0];
	s2 =	stileid.u32  }
0x1f3: {  	s1 =	rddreg [dreg:$0x1];
	p0 =	sne.s32 s2, $0x0  }
0x1f4: {  	s3 =	rddreg [dreg:$0x2];
	[bflag:$0x3] =	sbarrier.arrive $0xFFFF;
	s2 =	simm.s32 @!p0 $0x1C03  }
0x1f5: {  	[timem:s3], [sflag:s2] =	dma.local @!p0 [hbm:s0], s1  }
0x1f6: {  	s0 =	simm.s32 @!p0 $0x3  }
0x1f7: {  	_ =	swait.ge @!p0 [sflag:s0], s1  }
0x1f8: {  	s1 =	ssub.s32 @!p0 $0x0, s1;
	[sflag:s0] =	ssyncset.done @!p0 $0x0  }
0x1f9: {  	[sflag:s0] =	ssyncadd.s32 @!p0 s1  }
0x1fa: {  	[bflag:$0x3] =	sbarrier.arrive $0xFFFF  }
0x1fb: {  	_ =	shalt  }

</sc_bundles>
